<compile_context>
chip_gen: v7x
topology: tpu7x:2x2x1
jax: 0.10.2.dev20260603
libtpu: 0.0.44.dev20260713+nightly
codegen_flags: <defaults>
</compile_context>

<pallas_src>
import functools
import math

import jax
import jax.numpy as jnp
from jax import lax
from jax.experimental import pallas as pl
from jax.experimental.pallas import tpu as pltpu
from jax.experimental.pallas import tpu_sc as plsc

_KNN = 10


def _oems_pairs(n):
    res = []
    def merge(lo, hi, r):
        step = r * 2
        if step < hi - lo:
            merge(lo, hi, step)
            merge(lo + r, hi, step)
            for i in range(lo + r, hi - r, step):
                res.append((i, i + r))
        else:
            res.append((lo, lo + r))
    def sort(lo, hi):
        if hi - lo >= 1:
            mid = lo + (hi - lo) // 2
            sort(lo, mid)
            sort(mid + 1, hi)
            merge(lo, hi, 1)
    sort(0, n - 1)
    return res


def _bitonic_merge_pairs(n):
    res = []
    d = n // 2
    while d >= 1:
        for i in range(n):
            if i % (2 * d) < d:
                res.append((i, i + d))
        d //= 2
    return res


_P16 = _oems_pairs(16)
_BM16 = _bitonic_merge_pairs(16)


def _ce(ws, pairs):
    for a, b in pairs:
        lo = jnp.minimum(ws[a], ws[b])
        hi = jnp.maximum(ws[a], ws[b])
        ws[a], ws[b] = lo, hi


def _body_a(x_blk, xr_blk, out_ref, *, nblocks, qb, nb):
    c = pl.program_id(1)
    xb = x_blk[...]
    xrb = xr_blk[...]
    dot = jax.lax.dot_general(
        xrb, xb * jnp.bfloat16(-2.0), (((1,), (1,)), ((), ())),
        preferred_element_type=jnp.float32)
    xrf = xrb.astype(jnp.float32)
    r2 = jnp.sum(xrf * xrf, axis=1)
    s = dot.astype(jnp.bfloat16) + r2[:, None].astype(jnp.bfloat16)

    m0 = nb // 16
    ws = [s[i * m0:(i + 1) * m0, :] for i in range(16)]
    _ce(ws, _P16)
    h = m0
    while h > 1:
        hh = h // 2
        lo = [w[:hh, :] for w in ws]
        hi = [w[hh:, :] for w in ws]
        ws = [jnp.minimum(lo[i], hi[15 - i]) for i in range(16)]
        _ce(ws, _BM16)
        h = hh
    xf = xb.astype(jnp.float32)
    x2 = jnp.sum(xf * xf, axis=1)[None, :]
    lists = jnp.concatenate(ws, axis=0).astype(jnp.float32)
    dists = jnp.sqrt(jnp.maximum(lists + x2, 0.0))
    out_ref[0, pl.ds(c * 16, 16), :] = dists


def _stage_a(X, x_ref, qb, nb):
    q, d = X.shape
    n = x_ref.shape[0]
    nblocks = math.ceil(n / nb)
    npad = nblocks * nb
    pad = jnp.zeros((npad - n, d), x_ref.dtype).at[:, 0].set(1e19)
    xr = jnp.concatenate([x_ref, pad], axis=0).astype(jnp.bfloat16)
    xc = X.astype(jnp.bfloat16)
    r = q // qb
    c16 = nblocks * 16
    out = pl.pallas_call(
        functools.partial(_body_a, nblocks=nblocks, qb=qb, nb=nb),
        grid=(r, nblocks),
        in_specs=[
            pl.BlockSpec((qb, d), lambda i, j: (i, 0)),
            pl.BlockSpec((nb, d), lambda i, j: (j, 0)),
        ],
        out_specs=pl.BlockSpec((1, c16, qb), lambda i, j: (i, 0, 0)),
        out_shape=jax.ShapeDtypeStruct((r, c16, qb), jnp.float32),
        compiler_params=pltpu.CompilerParams(
            dimension_semantics=("parallel", "arbitrary")),
    )(xc, xr)
    return out


def _stage_b(cand):
    r, c16, qb = cand.shape
    q = r * qb
    nlists = c16 // 16
    nc = 2
    nw = 32
    qpw = q // nw
    sub_per_rb = qb // qpw
    ngroups = qpw // 16
    mesh = plsc.VectorSubcoreMesh(core_axis_name="c", subcore_axis_name="s")

    @functools.partial(
        pl.kernel, mesh=mesh,
        out_type=jax.ShapeDtypeStruct((q,), jnp.float32),
        scratch_types=[
            pltpu.VMEM((c16, qpw), jnp.float32),
            pltpu.VMEM((qpw,), jnp.float32),
        ],
    )
    def k(cand_hbm, out_hbm, cv, res_v):
        wid = lax.axis_index("s") * nc + lax.axis_index("c")
        rb = wid // sub_per_rb
        qoff = (wid % sub_per_rb) * qpw
        pltpu.sync_copy(cand_hbm.at[rb, :, pl.ds(qoff, qpw)], cv)

        def per_group(g, carry):
            col = g * 16
            run = [cv[i, pl.ds(col, 16)] for i in range(16)]
            for c in range(1, nlists):
                blk = [cv[c * 16 + i, pl.ds(col, 16)] for i in range(16)]
                run = [jnp.minimum(run[i], blk[15 - i]) for i in range(16)]
                _ce(run, _BM16)
            res_v[pl.ds(col, 16)] = run[_KNN - 1]
            return carry

        lax.fori_loop(0, ngroups, per_group, 0)
        pltpu.sync_copy(res_v, out_hbm.at[pl.ds(wid * qpw, qpw)])

    return k(cand)


def kernel(X, x_ref):
    cand = _stage_a(X, x_ref, qb=1024, nb=8192)
    return _stage_b(cand)

# --- scband reference (transcript-rebuilt; emitter-appended) ---
"""Pipeline reference for scband-knntorch-76699525972413 (READ-ONLY COPY).

The authoritative reference and input builder live on the scoring server;
editing this copy changes nothing except your own understanding.
"""

import jax, jax.numpy as jnp
import numpy as np

K_NN = 10

def setup_inputs(seed: int = 0) -> dict:
    key = jax.random.key(seed)
    k1, k2 = jax.random.split(key)
    X = jax.random.normal(k1, (4096, 128), dtype=jnp.float32)
    x_ref = jax.random.normal(k2, (100000, 128), dtype=jnp.float32)
    return {"X": X, "x_ref": x_ref}

def reference(X, x_ref):
    # torch.cdist(X, x_ref): Euclidean pairwise distances [Q, N]
    x2 = jnp.sum(X * X, axis=1, keepdims=True)
    r2 = jnp.sum(x_ref * x_ref, axis=1)[None, :]
    d2 = x2 + r2 - 2.0 * (X @ x_ref.T)
    dist = jnp.sqrt(jnp.clip(d2, 0.0, None))
    # torch.topk(K, k, dim=1, largest=False) -> k smallest, ascending
    neg_vals, _ = jax.lax.top_k(-dist, K_NN)
    bot_vals = -neg_vals  # ascending smallest distances
    # ks = [10]; all_knn_dists = values[:, ks-1]; non-ensemble -> [:, 0]
    return bot_vals[:, K_NN - 1]

if __name__ == "__main__":
    import jax
    _d = setup_inputs()
    print(jax.jit(kernel)(*tuple(_d.values())))

</pallas_src>

<mosaic_0001>
#map = affine_map<(d0, d1) -> (0, 0, 0)>
#map1 = affine_map<(d0, d1) -> (0)>
module attributes {stable_mosaic.version = 14 : i64} {
  func.func @k(%arg0: i32, %arg1: i32, %arg2: memref<4x208x1024xf32, #tpu.memory_space<hbm>>, %arg3: memref<4096xf32, #tpu.memory_space<hbm>>, %arg4: memref<208x128xf32, #tpu.memory_space<vmem>>, %arg5: memref<128xf32, #tpu.memory_space<vmem>>) attributes {dimension_semantics = [#tpu.dimension_semantics<core_parallel>, #tpu.dimension_semantics<subcore_parallel>], iteration_bounds = array<i64: 2, 16>, scalar_prefetch = 0 : i64, scratch_operands = 2 : i64, tpu.core_type = #tpu.core_type<sc_vector_subcore>, window_params = [{transform_indices = #map}, {transform_indices = #map1}]} {
    %mul3A = arith.constant 2 : i32
    %mul3A_0 = arith.muli %arg1, %mul3A : i32
    %add3A = arith.addi %mul3A_0, %arg0 : i32
    %jit3A = arith.constant 8 : i32
    %div3A = arith.divsi %add3A, %jit3A : i32
    %sign3A = arith.constant 0 : i32
    %sign3A_1 = arith.cmpi sgt, %add3A, %sign3A : i32
    %sign3A_2 = arith.extui %sign3A_1 : i1 to i32
    %sign3A_3 = arith.constant 0 : i32
    %sign3A_4 = arith.cmpi slt, %add3A, %sign3A_3 : i32
    %sign3A_5 = arith.extui %sign3A_4 : i1 to i32
    %sign3A_6 = arith.subi %sign3A_2, %sign3A_5 : i32
    %sign3A_7 = arith.constant 0 : i32
    %sign3A_8 = arith.cmpi sgt, %jit3A, %sign3A_7 : i32
    %sign3A_9 = arith.extui %sign3A_8 : i1 to i32
    %sign3A_10 = arith.constant 0 : i32
    %sign3A_11 = arith.cmpi slt, %jit3A, %sign3A_10 : i32
    %sign3A_12 = arith.extui %sign3A_11 : i1 to i32
    %sign3A_13 = arith.subi %sign3A_9, %sign3A_12 : i32
    %ne3A = arith.cmpi ne, %sign3A_6, %sign3A_13 : i32
    %rem3A = arith.remsi %add3A, %jit3A : i32
    %ne3A_14 = arith.constant 0 : i32
    %ne3A_15 = arith.cmpi ne, %rem3A, %ne3A_14 : i32
    %and3A = arith.andi %ne3A, %ne3A_15 : i1
    %sub3A = arith.constant 1 : i32
    %sub3A_16 = arith.subi %div3A, %sub3A : i32
    %select_n3A = arith.select %and3A, %sub3A_16, %div3A : i32
    %jit3A_17 = arith.constant 8 : i32
    %eq3A = arith.constant 0 : i32
    %eq3A_18 = arith.cmpi eq, %jit3A_17, %eq3A : i32
    %jit3A_19 = arith.constant 1 : i32
    %select_n3A_20 = arith.select %eq3A_18, %jit3A_19, %jit3A_17 : i32
    %rem3A_21 = arith.remsi %add3A, %select_n3A_20 : i32
    %ne3A_22 = arith.constant 0 : i32
    %ne3A_23 = arith.cmpi ne, %rem3A_21, %ne3A_22 : i32
    %lt3A = arith.constant 0 : i32
    %lt3A_24 = arith.cmpi slt, %rem3A_21, %lt3A : i32
    %lt3A_25 = arith.constant 0 : i32
    %lt3A_26 = arith.cmpi slt, %select_n3A_20, %lt3A_25 : i32
    %ne3A_27 = arith.xori %lt3A_24, %lt3A_26 : i1
    %and3A_28 = arith.andi %ne3A_27, %ne3A_23 : i1
    %add3A_29 = arith.addi %rem3A_21, %select_n3A_20 : i32
    %select_n3A_30 = arith.select %and3A_28, %add3A_29, %rem3A_21 : i32
    %mul3A_31 = arith.constant 128 : i32
    %mul3A_32 = arith.muli %select_n3A_30, %mul3A_31 : i32
    "tpu.region"() ({
      %run_scoped3A = tpu.sem_alloc : memref<!tpu.dma_semaphore, #tpu.memory_space<semaphore_mem>>
      %dma_start3A = arith.constant 0 : i32
      %dma_start3A_40 = tpu.memref_slice %arg2[%select_n3A, %dma_start3A, %mul3A_32] : memref<4x208x1024xf32, #tpu.memory_space<hbm>> -> memref<1x208x128xf32, #tpu.memory_space<hbm>>
      %dma_start3A_41 = tpu.memref_squeeze %dma_start3A_40 : memref<1x208x128xf32, #tpu.memory_space<hbm>> -> memref<208x128xf32, #tpu.memory_space<hbm>>
      %dma_start3A_42 = arith.constant 0 : i32
      %dma_start3A_43 = tpu.memref_slice %arg2[%select_n3A, %dma_start3A_42, %mul3A_32] : memref<4x208x1024xf32, #tpu.memory_space<hbm>> -> memref<1x208x128xf32, #tpu.memory_space<hbm>>
      %dma_start3A_44 = tpu.memref_squeeze %dma_start3A_43 : memref<1x208x128xf32, #tpu.memory_space<hbm>> -> memref<208x128xf32, #tpu.memory_space<hbm>>
      tpu.enqueue_dma source(%dma_start3A_44 : memref<208x128xf32, #tpu.memory_space<hbm>>) target(%arg4 : memref<208x128xf32, #tpu.memory_space<vmem>>) target_semaphore(%run_scoped3A : memref<!tpu.dma_semaphore, #tpu.memory_space<semaphore_mem>>)
      %dma_wait3A = arith.constant 0 : i32
      %dma_wait3A_45 = tpu.memref_slice %arg2[%select_n3A, %dma_wait3A, %mul3A_32] : memref<4x208x1024xf32, #tpu.memory_space<hbm>> -> memref<1x208x128xf32, #tpu.memory_space<hbm>>
      %dma_wait3A_46 = tpu.memref_squeeze %dma_wait3A_45 : memref<1x208x128xf32, #tpu.memory_space<hbm>> -> memref<208x128xf32, #tpu.memory_space<hbm>>
      %dma_wait3A_47 = arith.constant 0 : i32
      %dma_wait3A_48 = tpu.memref_slice %arg2[%select_n3A, %dma_wait3A_47, %mul3A_32] : memref<4x208x1024xf32, #tpu.memory_space<hbm>> -> memref<1x208x128xf32, #tpu.memory_space<hbm>>
      %dma_wait3A_49 = tpu.memref_squeeze %dma_wait3A_48 : memref<1x208x128xf32, #tpu.memory_space<hbm>> -> memref<208x128xf32, #tpu.memory_space<hbm>>
      tpu.wait_dma2 semaphore(%run_scoped3A : memref<!tpu.dma_semaphore, #tpu.memory_space<semaphore_mem>>) src(%dma_wait3A_49 : memref<208x128xf32, #tpu.memory_space<hbm>>) dst(%arg4 : memref<208x128xf32, #tpu.memory_space<vmem>>)
      tpu.yield
    }) : () -> ()
    %scan3A = arith.constant 0 : i32
    %scan3A_33 = arith.constant 0 : i32
    %scan3A_34 = arith.constant 8 : i32
    %scan3A_35 = arith.addi %scan3A_33, %scan3A_34 : i32
    %scan3A_36 = arith.constant 1 : i32
    scf.for %scan3A_40 = %scan3A_33 to %scan3A_35 step %scan3A_36  : i32 {
      %mul3A_41 = arith.constant 16 : i32
      %mul3A_42 = arith.muli %scan3A_40, %mul3A_41 : i32
      %get3A = arith.constant 0 : i32
      %get3A_43 = arith.index_cast %get3A : i32 to index
      %get3A_44 = arith.index_cast %mul3A_42 : i32 to index
      %get3A_45 = tpu.vector_load %arg4[%get3A_43, %get3A_44] {strides = array<i32>} : memref<208x128xf32, #tpu.memory_space<vmem>>, vector<1x16xf32>,
      %get3A_46 = vector.shape_cast %get3A_45 : vector<1x16xf32> to vector<16xf32>
      %get3A_47 = arith.constant 1 : i32
      %get3A_48 = arith.index_cast %get3A_47 : i32 to index
      %get3A_49 = arith.index_cast %mul3A_42 : i32 to index
      %get3A_50 = tpu.vector_load %arg4[%get3A_48, %get3A_49] {strides = array<i32>} : memref<208x128xf32, #tpu.memory_space<vmem>>, vector<1x16xf32>,
      %get3A_51 = vector.shape_cast %get3A_50 : vector<1x16xf32> to vector<16xf32>
      %get3A_52 = arith.constant 2 : i32
      %get3A_53 = arith.index_cast %get3A_52 : i32 to index
      %get3A_54 = arith.index_cast %mul3A_42 : i32 to index
      %get3A_55 = tpu.vector_load %arg4[%get3A_53, %get3A_54] {strides = array<i32>} : memref<208x128xf32, #tpu.memory_space<vmem>>, vector<1x16xf32>,
      %get3A_56 = vector.shape_cast %get3A_55 : vector<1x16xf32> to vector<16xf32>
      %get3A_57 = arith.constant 3 : i32
      %get3A_58 = arith.index_cast %get3A_57 : i32 to index
      %get3A_59 = arith.index_cast %mul3A_42 : i32 to index
      %get3A_60 = tpu.vector_load %arg4[%get3A_58, %get3A_59] {strides = array<i32>} : memref<208x128xf32, #tpu.memory_space<vmem>>, vector<1x16xf32>,
      %get3A_61 = vector.shape_cast %get3A_60 : vector<1x16xf32> to vector<16xf32>
      %get3A_62 = arith.constant 4 : i32
      %get3A_63 = arith.index_cast %get3A_62 : i32 to index
      %get3A_64 = arith.index_cast %mul3A_42 : i32 to index
      %get3A_65 = tpu.vector_load %arg4[%get3A_63, %get3A_64] {strides = array<i32>} : memref<208x128xf32, #tpu.memory_space<vmem>>, vector<1x16xf32>,
      %get3A_66 = vector.shape_cast %get3A_65 : vector<1x16xf32> to vector<16xf32>
      %get3A_67 = arith.constant 5 : i32
      %get3A_68 = arith.index_cast %get3A_67 : i32 to index
      %get3A_69 = arith.index_cast %mul3A_42 : i32 to index
      %get3A_70 = tpu.vector_load %arg4[%get3A_68, %get3A_69] {strides = array<i32>} : memref<208x128xf32, #tpu.memory_space<vmem>>, vector<1x16xf32>,
      %get3A_71 = vector.shape_cast %get3A_70 : vector<1x16xf32> to vector<16xf32>
      %get3A_72 = arith.constant 6 : i32
      %get3A_73 = arith.index_cast %get3A_72 : i32 to index
      %get3A_74 = arith.index_cast %mul3A_42 : i32 to index
      %get3A_75 = tpu.vector_load %arg4[%get3A_73, %get3A_74] {strides = array<i32>} : memref<208x128xf32, #tpu.memory_space<vmem>>, vector<1x16xf32>,
      %get3A_76 = vector.shape_cast %get3A_75 : vector<1x16xf32> to vector<16xf32>
      %get3A_77 = arith.constant 7 : i32
      %get3A_78 = arith.index_cast %get3A_77 : i32 to index
      %get3A_79 = arith.index_cast %mul3A_42 : i32 to index
      %get3A_80 = tpu.vector_load %arg4[%get3A_78, %get3A_79] {strides = array<i32>} : memref<208x128xf32, #tpu.memory_space<vmem>>, vector<1x16xf32>,
      %get3A_81 = vector.shape_cast %get3A_80 : vector<1x16xf32> to vector<16xf32>
      %get3A_82 = arith.constant 8 : i32
      %get3A_83 = arith.index_cast %get3A_82 : i32 to index
      %get3A_84 = arith.index_cast %mul3A_42 : i32 to index
      %get3A_85 = tpu.vector_load %arg4[%get3A_83, %get3A_84] {strides = array<i32>} : memref<208x128xf32, #tpu.memory_space<vmem>>, vector<1x16xf32>,
      %get3A_86 = vector.shape_cast %get3A_85 : vector<1x16xf32> to vector<16xf32>
      %get3A_87 = arith.constant 9 : i32
      %get3A_88 = arith.index_cast %get3A_87 : i32 to index
      %get3A_89 = arith.index_cast %mul3A_42 : i32 to index
      %get3A_90 = tpu.vector_load %arg4[%get3A_88, %get3A_89] {strides = array<i32>} : memref<208x128xf32, #tpu.memory_space<vmem>>, vector<1x16xf32>,
      %get3A_91 = vector.shape_cast %get3A_90 : vector<1x16xf32> to vector<16xf32>
      %get3A_92 = arith.constant 10 : i32
      %get3A_93 = arith.index_cast %get3A_92 : i32 to index
      %get3A_94 = arith.index_cast %mul3A_42 : i32 to index
      %get3A_95 = tpu.vector_load %arg4[%get3A_93, %get3A_94] {strides = array<i32>} : memref<208x128xf32, #tpu.memory_space<vmem>>, vector<1x16xf32>,
      %get3A_96 = vector.shape_cast %get3A_95 : vector<1x16xf32> to vector<16xf32>
      %get3A_97 = arith.constant 11 : i32
      %get3A_98 = arith.index_cast %get3A_97 : i32 to index
      %get3A_99 = arith.index_cast %mul3A_42 : i32 to index
      %get3A_100 = tpu.vector_load %arg4[%get3A_98, %get3A_99] {strides = array<i32>} : memref<208x128xf32, #tpu.memory_space<vmem>>, vector<1x16xf32>,
      %get3A_101 = vector.shape_cast %get3A_100 : vector<1x16xf32> to vector<16xf32>
      %get3A_102 = arith.constant 12 : i32
      %get3A_103 = arith.index_cast %get3A_102 : i32 to index
      %get3A_104 = arith.index_cast %mul3A_42 : i32 to index
      %get3A_105 = tpu.vector_load %arg4[%get3A_103, %get3A_104] {strides = array<i32>} : memref<208x128xf32, #tpu.memory_space<vmem>>, vector<1x16xf32>,
      %get3A_106 = vector.shape_cast %get3A_105 : vector<1x16xf32> to vector<16xf32>
      %get3A_107 = arith.constant 13 : i32
      %get3A_108 = arith.index_cast %get3A_107 : i32 to index
      %get3A_109 = arith.index_cast %mul3A_42 : i32 to index
      %get3A_110 = tpu.vector_load %arg4[%get3A_108, %get3A_109] {strides = array<i32>} : memref<208x128xf32, #tpu.memory_space<vmem>>, vector<1x16xf32>,
      %get3A_111 = vector.shape_cast %get3A_110 : vector<1x16xf32> to vector<16xf32>
      %get3A_112 = arith.constant 14 : i32
      %get3A_113 = arith.index_cast %get3A_112 : i32 to index
      %get3A_114 = arith.index_cast %mul3A_42 : i32 to index
      %get3A_115 = tpu.vector_load %arg4[%get3A_113, %get3A_114] {strides = array<i32>} : memref<208x128xf32, #tpu.memory_space<vmem>>, vector<1x16xf32>,
      %get3A_116 = vector.shape_cast %get3A_115 : vector<1x16xf32> to vector<16xf32>
      %get3A_117 = arith.constant 15 : i32
      %get3A_118 = arith.index_cast %get3A_117 : i32 to index
      %get3A_119 = arith.index_cast %mul3A_42 : i32 to index
      %get3A_120 = tpu.vector_load %arg4[%get3A_118, %get3A_119] {strides = array<i32>} : memref<208x128xf32, #tpu.memory_space<vmem>>, vector<1x16xf32>,
      %get3A_121 = vector.shape_cast %get3A_120 : vector<1x16xf32> to vector<16xf32>
      %get3A_122 = arith.constant 16 : i32
      %get3A_123 = arith.index_cast %get3A_122 : i32 to index
      %get3A_124 = arith.index_cast %mul3A_42 : i32 to index
      %get3A_125 = tpu.vector_load %arg4[%get3A_123, %get3A_124] {strides = array<i32>} : memref<208x128xf32, #tpu.memory_space<vmem>>, vector<1x16xf32>,
      %get3A_126 = vector.shape_cast %get3A_125 : vector<1x16xf32> to vector<16xf32>
      %get3A_127 = arith.constant 17 : i32
      %get3A_128 = arith.index_cast %get3A_127 : i32 to index
      %get3A_129 = arith.index_cast %mul3A_42 : i32 to index
      %get3A_130 = tpu.vector_load %arg4[%get3A_128, %get3A_129] {strides = array<i32>} : memref<208x128xf32, #tpu.memory_space<vmem>>, vector<1x16xf32>,
      %get3A_131 = vector.shape_cast %get3A_130 : vector<1x16xf32> to vector<16xf32>
      %get3A_132 = arith.constant 18 : i32
      %get3A_133 = arith.index_cast %get3A_132 : i32 to index
      %get3A_134 = arith.index_cast %mul3A_42 : i32 to index
      %get3A_135 = tpu.vector_load %arg4[%get3A_133, %get3A_134] {strides = array<i32>} : memref<208x128xf32, #tpu.memory_space<vmem>>, vector<1x16xf32>,
      %get3A_136 = vector.shape_cast %get3A_135 : vector<1x16xf32> to vector<16xf32>
      %get3A_137 = arith.constant 19 : i32
      %get3A_138 = arith.index_cast %get3A_137 : i32 to index
      %get3A_139 = arith.index_cast %mul3A_42 : i32 to index
      %get3A_140 = tpu.vector_load %arg4[%get3A_138, %get3A_139] {strides = array<i32>} : memref<208x128xf32, #tpu.memory_space<vmem>>, vector<1x16xf32>,
      %get3A_141 = vector.shape_cast %get3A_140 : vector<1x16xf32> to vector<16xf32>
      %get3A_142 = arith.constant 20 : i32
      %get3A_143 = arith.index_cast %get3A_142 : i32 to index
      %get3A_144 = arith.index_cast %mul3A_42 : i32 to index
      %get3A_145 = tpu.vector_load %arg4[%get3A_143, %get3A_144] {strides = array<i32>} : memref<208x128xf32, #tpu.memory_space<vmem>>, vector<1x16xf32>,
      %get3A_146 = vector.shape_cast %get3A_145 : vector<1x16xf32> to vector<16xf32>
      %get3A_147 = arith.constant 21 : i32
      %get3A_148 = arith.index_cast %get3A_147 : i32 to index
      %get3A_149 = arith.index_cast %mul3A_42 : i32 to index
      %get3A_150 = tpu.vector_load %arg4[%get3A_148, %get3A_149] {strides = array<i32>} : memref<208x128xf32, #tpu.memory_space<vmem>>, vector<1x16xf32>,
      %get3A_151 = vector.shape_cast %get3A_150 : vector<1x16xf32> to vector<16xf32>
      %get3A_152 = arith.constant 22 : i32
      %get3A_153 = arith.index_cast %get3A_152 : i32 to index
      %get3A_154 = arith.index_cast %mul3A_42 : i32 to index
      %get3A_155 = tpu.vector_load %arg4[%get3A_153, %get3A_154] {strides = array<i32>} : memref<208x128xf32, #tpu.memory_space<vmem>>, vector<1x16xf32>,
      %get3A_156 = vector.shape_cast %get3A_155 : vector<1x16xf32> to vector<16xf32>
      %get3A_157 = arith.constant 23 : i32
      %get3A_158 = arith.index_cast %get3A_157 : i32 to index
      %get3A_159 = arith.index_cast %mul3A_42 : i32 to index
      %get3A_160 = tpu.vector_load %arg4[%get3A_158, %get3A_159] {strides = array<i32>} : memref<208x128xf32, #tpu.memory_space<vmem>>, vector<1x16xf32>,
      %get3A_161 = vector.shape_cast %get3A_160 : vector<1x16xf32> to vector<16xf32>
      %get3A_162 = arith.constant 24 : i32
      %get3A_163 = arith.index_cast %get3A_162 : i32 to index
      %get3A_164 = arith.index_cast %mul3A_42 : i32 to index
      %get3A_165 = tpu.vector_load %arg4[%get3A_163, %get3A_164] {strides = array<i32>} : memref<208x128xf32, #tpu.memory_space<vmem>>, vector<1x16xf32>,
      %get3A_166 = vector.shape_cast %get3A_165 : vector<1x16xf32> to vector<16xf32>
      %get3A_167 = arith.constant 25 : i32
      %get3A_168 = arith.index_cast %get3A_167 : i32 to index
      %get3A_169 = arith.index_cast %mul3A_42 : i32 to index
      %get3A_170 = tpu.vector_load %arg4[%get3A_168, %get3A_169] {strides = array<i32>} : memref<208x128xf32, #tpu.memory_space<vmem>>, vector<1x16xf32>,
      %get3A_171 = vector.shape_cast %get3A_170 : vector<1x16xf32> to vector<16xf32>
      %get3A_172 = arith.constant 26 : i32
      %get3A_173 = arith.index_cast %get3A_172 : i32 to index
      %get3A_174 = arith.index_cast %mul3A_42 : i32 to index
      %get3A_175 = tpu.vector_load %arg4[%get3A_173, %get3A_174] {strides = array<i32>} : memref<208x128xf32, #tpu.memory_space<vmem>>, vector<1x16xf32>,
      %get3A_176 = vector.shape_cast %get3A_175 : vector<1x16xf32> to vector<16xf32>
      %get3A_177 = arith.constant 27 : i32
      %get3A_178 = arith.index_cast %get3A_177 : i32 to index
      %get3A_179 = arith.index_cast %mul3A_42 : i32 to index
      %get3A_180 = tpu.vector_load %arg4[%get3A_178, %get3A_179] {strides = array<i32>} : memref<208x128xf32, #tpu.memory_space<vmem>>, vector<1x16xf32>,
      %get3A_181 = vector.shape_cast %get3A_180 : vector<1x16xf32> to vector<16xf32>
      %get3A_182 = arith.constant 28 : i32
      %get3A_183 = arith.index_cast %get3A_182 : i32 to index
      %get3A_184 = arith.index_cast %mul3A_42 : i32 to index
      %get3A_185 = tpu.vector_load %arg4[%get3A_183, %get3A_184] {strides = array<i32>} : memref<208x128xf32, #tpu.memory_space<vmem>>, vector<1x16xf32>,
      %get3A_186 = vector.shape_cast %get3A_185 : vector<1x16xf32> to vector<16xf32>
      %get3A_187 = arith.constant 29 : i32
      %get3A_188 = arith.index_cast %get3A_187 : i32 to index
      %get3A_189 = arith.index_cast %mul3A_42 : i32 to index
      %get3A_190 = tpu.vector_load %arg4[%get3A_188, %get3A_189] {strides = array<i32>} : memref<208x128xf32, #tpu.memory_space<vmem>>, vector<1x16xf32>,
      %get3A_191 = vector.shape_cast %get3A_190 : vector<1x16xf32> to vector<16xf32>
      %get3A_192 = arith.constant 30 : i32
      %get3A_193 = arith.index_cast %get3A_192 : i32 to index
      %get3A_194 = arith.index_cast %mul3A_42 : i32 to index
      %get3A_195 = tpu.vector_load %arg4[%get3A_193, %get3A_194] {strides = array<i32>} : memref<208x128xf32, #tpu.memory_space<vmem>>, vector<1x16xf32>,
      %get3A_196 = vector.shape_cast %get3A_195 : vector<1x16xf32> to vector<16xf32>
      %get3A_197 = arith.constant 31 : i32
      %get3A_198 = arith.index_cast %get3A_197 : i32 to index
      %get3A_199 = arith.index_cast %mul3A_42 : i32 to index
      %get3A_200 = tpu.vector_load %arg4[%get3A_198, %get3A_199] {strides = array<i32>} : memref<208x128xf32, #tpu.memory_space<vmem>>, vector<1x16xf32>,
      %get3A_201 = vector.shape_cast %get3A_200 : vector<1x16xf32> to vector<16xf32>
      %min3A = arith.minimumf %get3A_46, %get3A_201 : vector<16xf32>
      %min3A_202 = arith.minimumf %get3A_51, %get3A_196 : vector<16xf32>
      %min3A_203 = arith.minimumf %get3A_56, %get3A_191 : vector<16xf32>
      %min3A_204 = arith.minimumf %get3A_61, %get3A_186 : vector<16xf32>
      %min3A_205 = arith.minimumf %get3A_66, %get3A_181 : vector<16xf32>
      %min3A_206 = arith.minimumf %get3A_71, %get3A_176 : vector<16xf32>
      %min3A_207 = arith.minimumf %get3A_76, %get3A_171 : vector<16xf32>
      %min3A_208 = arith.minimumf %get3A_81, %get3A_166 : vector<16xf32>
      %min3A_209 = arith.minimumf %get3A_86, %get3A_161 : vector<16xf32>
      %min3A_210 = arith.minimumf %get3A_91, %get3A_156 : vector<16xf32>
      %min3A_211 = arith.minimumf %get3A_96, %get3A_151 : vector<16xf32>
      %min3A_212 = arith.minimumf %get3A_101, %get3A_146 : vector<16xf32>
      %min3A_213 = arith.minimumf %get3A_106, %get3A_141 : vector<16xf32>
      %min3A_214 = arith.minimumf %get3A_111, %get3A_136 : vector<16xf32>
      %min3A_215 = arith.minimumf %get3A_116, %get3A_131 : vector<16xf32>
      %min3A_216 = arith.minimumf %get3A_121, %get3A_126 : vector<16xf32>
      %min3A_217 = arith.minimumf %min3A, %min3A_209 : vector<16xf32>
      %max3A = arith.maximumf %min3A, %min3A_209 : vector<16xf32>
      %min3A_218 = arith.minimumf %min3A_202, %min3A_210 : vector<16xf32>
      %max3A_219 = arith.maximumf %min3A_202, %min3A_210 : vector<16xf32>
      %min3A_220 = arith.minimumf %min3A_203, %min3A_211 : vector<16xf32>
      %max3A_221 = arith.maximumf %min3A_203, %min3A_211 : vector<16xf32>
      %min3A_222 = arith.minimumf %min3A_204, %min3A_212 : vector<16xf32>
      %max3A_223 = arith.maximumf %min3A_204, %min3A_212 : vector<16xf32>
      %min3A_224 = arith.minimumf %min3A_205, %min3A_213 : vector<16xf32>
      %max3A_225 = arith.maximumf %min3A_205, %min3A_213 : vector<16xf32>
      %min3A_226 = arith.minimumf %min3A_206, %min3A_214 : vector<16xf32>
      %max3A_227 = arith.maximumf %min3A_206, %min3A_214 : vector<16xf32>
      %min3A_228 = arith.minimumf %min3A_207, %min3A_215 : vector<16xf32>
      %max3A_229 = arith.maximumf %min3A_207, %min3A_215 : vector<16xf32>
      %min3A_230 = arith.minimumf %min3A_208, %min3A_216 : vector<16xf32>
      %max3A_231 = arith.maximumf %min3A_208, %min3A_216 : vector<16xf32>
      %min3A_232 = arith.minimumf %min3A_217, %min3A_224 : vector<16xf32>
      %max3A_233 = arith.maximumf %min3A_217, %min3A_224 : vector<16xf32>
      %min3A_234 = arith.minimumf %min3A_218, %min3A_226 : vector<16xf32>
      %max3A_235 = arith.maximumf %min3A_218, %min3A_226 : vector<16xf32>
      %min3A_236 = arith.minimumf %min3A_220, %min3A_228 : vector<16xf32>
      %max3A_237 = arith.maximumf %min3A_220, %min3A_228 : vector<16xf32>
      %min3A_238 = arith.minimumf %min3A_222, %min3A_230 : vector<16xf32>
      %max3A_239 = arith.maximumf %min3A_222, %min3A_230 : vector<16xf32>
      %min3A_240 = arith.minimumf %max3A, %max3A_225 : vector<16xf32>
      %max3A_241 = arith.maximumf %max3A, %max3A_225 : vector<16xf32>
      %min3A_242 = arith.minimumf %max3A_219, %max3A_227 : vector<16xf32>
      %max3A_243 = arith.maximumf %max3A_219, %max3A_227 : vector<16xf32>
      %min3A_244 = arith.minimumf %max3A_221, %max3A_229 : vector<16xf32>
      %max3A_245 = arith.maximumf %max3A_221, %max3A_229 : vector<16xf32>
      %min3A_246 = arith.minimumf %max3A_223, %max3A_231 : vector<16xf32>
      %max3A_247 = arith.maximumf %max3A_223, %max3A_231 : vector<16xf32>
      %min3A_248 = arith.minimumf %min3A_232, %min3A_236 : vector<16xf32>
      %max3A_249 = arith.maximumf %min3A_232, %min3A_236 : vector<16xf32>
      %min3A_250 = arith.minimumf %min3A_234, %min3A_238 : vector<16xf32>
      %max3A_251 = arith.maximumf %min3A_234, %min3A_238 : vector<16xf32>
      %min3A_252 = arith.minimumf %max3A_233, %max3A_237 : vector<16xf32>
      %max3A_253 = arith.maximumf %max3A_233, %max3A_237 : vector<16xf32>
      %min3A_254 = arith.minimumf %max3A_235, %max3A_239 : vector<16xf32>
      %max3A_255 = arith.maximumf %max3A_235, %max3A_239 : vector<16xf32>
      %min3A_256 = arith.minimumf %min3A_240, %min3A_244 : vector<16xf32>
      %max3A_257 = arith.maximumf %min3A_240, %min3A_244 : vector<16xf32>
      %min3A_258 = arith.minimumf %min3A_242, %min3A_246 : vector<16xf32>
      %max3A_259 = arith.maximumf %min3A_242, %min3A_246 : vector<16xf32>
      %min3A_260 = arith.minimumf %max3A_241, %max3A_245 : vector<16xf32>
      %max3A_261 = arith.maximumf %max3A_241, %max3A_245 : vector<16xf32>
      %min3A_262 = arith.minimumf %max3A_243, %max3A_247 : vector<16xf32>
      %max3A_263 = arith.maximumf %max3A_243, %max3A_247 : vector<16xf32>
      %min3A_264 = arith.minimumf %min3A_248, %min3A_250 : vector<16xf32>
      %max3A_265 = arith.maximumf %min3A_248, %min3A_250 : vector<16xf32>
      %min3A_266 = arith.minimumf %max3A_249, %max3A_251 : vector<16xf32>
      %max3A_267 = arith.maximumf %max3A_249, %max3A_251 : vector<16xf32>
      %min3A_268 = arith.minimumf %min3A_252, %min3A_254 : vector<16xf32>
      %max3A_269 = arith.maximumf %min3A_252, %min3A_254 : vector<16xf32>
      %min3A_270 = arith.minimumf %max3A_253, %max3A_255 : vector<16xf32>
      %max3A_271 = arith.maximumf %max3A_253, %max3A_255 : vector<16xf32>
      %min3A_272 = arith.minimumf %min3A_256, %min3A_258 : vector<16xf32>
      %max3A_273 = arith.maximumf %min3A_256, %min3A_258 : vector<16xf32>
      %min3A_274 = arith.minimumf %max3A_257, %max3A_259 : vector<16xf32>
      %max3A_275 = arith.maximumf %max3A_257, %max3A_259 : vector<16xf32>
      %min3A_276 = arith.minimumf %min3A_260, %min3A_262 : vector<16xf32>
      %max3A_277 = arith.maximumf %min3A_260, %min3A_262 : vector<16xf32>
      %min3A_278 = arith.minimumf %max3A_261, %max3A_263 : vector<16xf32>
      %max3A_279 = arith.maximumf %max3A_261, %max3A_263 : vector<16xf32>
      %get3A_280 = arith.constant 32 : i32
      %get3A_281 = arith.index_cast %get3A_280 : i32 to index
      %get3A_282 = arith.index_cast %mul3A_42 : i32 to index
      %get3A_283 = tpu.vector_load %arg4[%get3A_281, %get3A_282] {strides = array<i32>} : memref<208x128xf32, #tpu.memory_space<vmem>>, vector<1x16xf32>,
      %get3A_284 = vector.shape_cast %get3A_283 : vector<1x16xf32> to vector<16xf32>
      %get3A_285 = arith.constant 33 : i32
      %get3A_286 = arith.index_cast %get3A_285 : i32 to index
      %get3A_287 = arith.index_cast %mul3A_42 : i32 to index
      %get3A_288 = tpu.vector_load %arg4[%get3A_286, %get3A_287] {strides = array<i32>} : memref<208x128xf32, #tpu.memory_space<vmem>>, vector<1x16xf32>,
      %get3A_289 = vector.shape_cast %get3A_288 : vector<1x16xf32> to vector<16xf32>
      %get3A_290 = arith.constant 34 : i32
      %get3A_291 = arith.index_cast %get3A_290 : i32 to index
      %get3A_292 = arith.index_cast %mul3A_42 : i32 to index
      %get3A_293 = tpu.vector_load %arg4[%get3A_291, %get3A_292] {strides = array<i32>} : memref<208x128xf32, #tpu.memory_space<vmem>>, vector<1x16xf32>,
      %get3A_294 = vector.shape_cast %get3A_293 : vector<1x16xf32> to vector<16xf32>
      %get3A_295 = arith.constant 35 : i32
      %get3A_296 = arith.index_cast %get3A_295 : i32 to index
      %get3A_297 = arith.index_cast %mul3A_42 : i32 to index
      %get3A_298 = tpu.vector_load %arg4[%get3A_296, %get3A_297] {strides = array<i32>} : memref<208x128xf32, #tpu.memory_space<vmem>>, vector<1x16xf32>,
      %get3A_299 = vector.shape_cast %get3A_298 : vector<1x16xf32> to vector<16xf32>
      %get3A_300 = arith.constant 36 : i32
      %get3A_301 = arith.index_cast %get3A_300 : i32 to index
      %get3A_302 = arith.index_cast %mul3A_42 : i32 to index
      %get3A_303 = tpu.vector_load %arg4[%get3A_301, %get3A_302] {strides = array<i32>} : memref<208x128xf32, #tpu.memory_space<vmem>>, vector<1x16xf32>,
      %get3A_304 = vector.shape_cast %get3A_303 : vector<1x16xf32> to vector<16xf32>
      %get3A_305 = arith.constant 37 : i32
      %get3A_306 = arith.index_cast %get3A_305 : i32 to index
      %get3A_307 = arith.index_cast %mul3A_42 : i32 to index
      %get3A_308 = tpu.vector_load %arg4[%get3A_306, %get3A_307] {strides = array<i32>} : memref<208x128xf32, #tpu.memory_space<vmem>>, vector<1x16xf32>,
      %get3A_309 = vector.shape_cast %get3A_308 : vector<1x16xf32> to vector<16xf32>
      %get3A_310 = arith.constant 38 : i32
      %get3A_311 = arith.index_cast %get3A_310 : i32 to index
      %get3A_312 = arith.index_cast %mul3A_42 : i32 to index
      %get3A_313 = tpu.vector_load %arg4[%get3A_311, %get3A_312] {strides = array<i32>} : memref<208x128xf32, #tpu.memory_space<vmem>>, vector<1x16xf32>,
      %get3A_314 = vector.shape_cast %get3A_313 : vector<1x16xf32> to vector<16xf32>
      %get3A_315 = arith.constant 39 : i32
      %get3A_316 = arith.index_cast %get3A_315 : i32 to index
      %get3A_317 = arith.index_cast %mul3A_42 : i32 to index
      %get3A_318 = tpu.vector_load %arg4[%get3A_316, %get3A_317] {strides = array<i32>} : memref<208x128xf32, #tpu.memory_space<vmem>>, vector<1x16xf32>,
      %get3A_319 = vector.shape_cast %get3A_318 : vector<1x16xf32> to vector<16xf32>
      %get3A_320 = arith.constant 40 : i32
      %get3A_321 = arith.index_cast %get3A_320 : i32 to index
      %get3A_322 = arith.index_cast %mul3A_42 : i32 to index
      %get3A_323 = tpu.vector_load %arg4[%get3A_321, %get3A_322] {strides = array<i32>} : memref<208x128xf32, #tpu.memory_space<vmem>>, vector<1x16xf32>,
      %get3A_324 = vector.shape_cast %get3A_323 : vector<1x16xf32> to vector<16xf32>
      %get3A_325 = arith.constant 41 : i32
      %get3A_326 = arith.index_cast %get3A_325 : i32 to index
      %get3A_327 = arith.index_cast %mul3A_42 : i32 to index
      %get3A_328 = tpu.vector_load %arg4[%get3A_326, %get3A_327] {strides = array<i32>} : memref<208x128xf32, #tpu.memory_space<vmem>>, vector<1x16xf32>,
      %get3A_329 = vector.shape_cast %get3A_328 : vector<1x16xf32> to vector<16xf32>
      %get3A_330 = arith.constant 42 : i32
      %get3A_331 = arith.index_cast %get3A_330 : i32 to index
      %get3A_332 = arith.index_cast %mul3A_42 : i32 to index
      %get3A_333 = tpu.vector_load %arg4[%get3A_331, %get3A_332] {strides = array<i32>} : memref<208x128xf32, #tpu.memory_space<vmem>>, vector<1x16xf32>,
      %get3A_334 = vector.shape_cast %get3A_333 : vector<1x16xf32> to vector<16xf32>
      %get3A_335 = arith.constant 43 : i32
      %get3A_336 = arith.index_cast %get3A_335 : i32 to index
      %get3A_337 = arith.index_cast %mul3A_42 : i32 to index
      %get3A_338 = tpu.vector_load %arg4[%get3A_336, %get3A_337] {strides = array<i32>} : memref<208x128xf32, #tpu.memory_space<vmem>>, vector<1x16xf32>,
      %get3A_339 = vector.shape_cast %get3A_338 : vector<1x16xf32> to vector<16xf32>
      %get3A_340 = arith.constant 44 : i32
      %get3A_341 = arith.index_cast %get3A_340 : i32 to index
      %get3A_342 = arith.index_cast %mul3A_42 : i32 to index
      %get3A_343 = tpu.vector_load %arg4[%get3A_341, %get3A_342] {strides = array<i32>} : memref<208x128xf32, #tpu.memory_space<vmem>>, vector<1x16xf32>,
      %get3A_344 = vector.shape_cast %get3A_343 : vector<1x16xf32> to vector<16xf32>
      %get3A_345 = arith.constant 45 : i32
      %get3A_346 = arith.index_cast %get3A_345 : i32 to index
      %get3A_347 = arith.index_cast %mul3A_42 : i32 to index
      %get3A_348 = tpu.vector_load %arg4[%get3A_346, %get3A_347] {strides = array<i32>} : memref<208x128xf32, #tpu.memory_space<vmem>>, vector<1x16xf32>,
      %get3A_349 = vector.shape_cast %get3A_348 : vector<1x16xf32> to vector<16xf32>
      %get3A_350 = arith.constant 46 : i32
      %get3A_351 = arith.index_cast %get3A_350 : i32 to index
      %get3A_352 = arith.index_cast %mul3A_42 : i32 to index
      %get3A_353 = tpu.vector_load %arg4[%get3A_351, %get3A_352] {strides = array<i32>} : memref<208x128xf32, #tpu.memory_space<vmem>>, vector<1x16xf32>,
      %get3A_354 = vector.shape_cast %get3A_353 : vector<1x16xf32> to vector<16xf32>
      %get3A_355 = arith.constant 47 : i32
      %get3A_356 = arith.index_cast %get3A_355 : i32 to index
      %get3A_357 = arith.index_cast %mul3A_42 : i32 to index
      %get3A_358 = tpu.vector_load %arg4[%get3A_356, %get3A_357] {strides = array<i32>} : memref<208x128xf32, #tpu.memory_space<vmem>>, vector<1x16xf32>,
      %get3A_359 = vector.shape_cast %get3A_358 : vector<1x16xf32> to vector<16xf32>
      %min3A_360 = arith.minimumf %min3A_264, %get3A_359 : vector<16xf32>
      %min3A_361 = arith.minimumf %max3A_265, %get3A_354 : vector<16xf32>
      %min3A_362 = arith.minimumf %min3A_266, %get3A_349 : vector<16xf32>
      %min3A_363 = arith.minimumf %max3A_267, %get3A_344 : vector<16xf32>
      %min3A_364 = arith.minimumf %min3A_268, %get3A_339 : vector<16xf32>
      %min3A_365 = arith.minimumf %max3A_269, %get3A_334 : vector<16xf32>
      %min3A_366 = arith.minimumf %min3A_270, %get3A_329 : vector<16xf32>
      %min3A_367 = arith.minimumf %max3A_271, %get3A_324 : vector<16xf32>
      %min3A_368 = arith.minimumf %min3A_272, %get3A_319 : vector<16xf32>
      %min3A_369 = arith.minimumf %max3A_273, %get3A_314 : vector<16xf32>
      %min3A_370 = arith.minimumf %min3A_274, %get3A_309 : vector<16xf32>
      %min3A_371 = arith.minimumf %max3A_275, %get3A_304 : vector<16xf32>
      %min3A_372 = arith.minimumf %min3A_276, %get3A_299 : vector<16xf32>
      %min3A_373 = arith.minimumf %max3A_277, %get3A_294 : vector<16xf32>
      %min3A_374 = arith.minimumf %min3A_278, %get3A_289 : vector<16xf32>
      %min3A_375 = arith.minimumf %max3A_279, %get3A_284 : vector<16xf32>
      %min3A_376 = arith.minimumf %min3A_360, %min3A_368 : vector<16xf32>
      %max3A_377 = arith.maximumf %min3A_360, %min3A_368 : vector<16xf32>
      %min3A_378 = arith.minimumf %min3A_361, %min3A_369 : vector<16xf32>
      %max3A_379 = arith.maximumf %min3A_361, %min3A_369 : vector<16xf32>
      %min3A_380 = arith.minimumf %min3A_362, %min3A_370 : vector<16xf32>
      %max3A_381 = arith.maximumf %min3A_362, %min3A_370 : vector<16xf32>
      %min3A_382 = arith.minimumf %min3A_363, %min3A_371 : vector<16xf32>
      %max3A_383 = arith.maximumf %min3A_363, %min3A_371 : vector<16xf32>
      %min3A_384 = arith.minimumf %min3A_364, %min3A_372 : vector<16xf32>
      %max3A_385 = arith.maximumf %min3A_364, %min3A_372 : vector<16xf32>
      %min3A_386 = arith.minimumf %min3A_365, %min3A_373 : vector<16xf32>
      %max3A_387 = arith.maximumf %min3A_365, %min3A_373 : vector<16xf32>
      %min3A_388 = arith.minimumf %min3A_366, %min3A_374 : vector<16xf32>
      %max3A_389 = arith.maximumf %min3A_366, %min3A_374 : vector<16xf32>
      %min3A_390 = arith.minimumf %min3A_367, %min3A_375 : vector<16xf32>
      %max3A_391 = arith.maximumf %min3A_367, %min3A_375 : vector<16xf32>
      %min3A_392 = arith.minimumf %min3A_376, %min3A_384 : vector<16xf32>
      %max3A_393 = arith.maximumf %min3A_376, %min3A_384 : vector<16xf32>
      %min3A_394 = arith.minimumf %min3A_378, %min3A_386 : vector<16xf32>
      %max3A_395 = arith.maximumf %min3A_378, %min3A_386 : vector<16xf32>
      %min3A_396 = arith.minimumf %min3A_380, %min3A_388 : vector<16xf32>
      %max3A_397 = arith.maximumf %min3A_380, %min3A_388 : vector<16xf32>
      %min3A_398 = arith.minimumf %min3A_382, %min3A_390 : vector<16xf32>
      %max3A_399 = arith.maximumf %min3A_382, %min3A_390 : vector<16xf32>
      %min3A_400 = arith.minimumf %max3A_377, %max3A_385 : vector<16xf32>
      %max3A_401 = arith.maximumf %max3A_377, %max3A_385 : vector<16xf32>
      %min3A_402 = arith.minimumf %max3A_379, %max3A_387 : vector<16xf32>
      %max3A_403 = arith.maximumf %max3A_379, %max3A_387 : vector<16xf32>
      %min3A_404 = arith.minimumf %max3A_381, %max3A_389 : vector<16xf32>
      %max3A_405 = arith.maximumf %max3A_381, %max3A_389 : vector<16xf32>
      %min3A_406 = arith.minimumf %max3A_383, %max3A_391 : vector<16xf32>
      %max3A_407 = arith.maximumf %max3A_383, %max3A_391 : vector<16xf32>
      %min3A_408 = arith.minimumf %min3A_392, %min3A_396 : vector<16xf32>
      %max3A_409 = arith.maximumf %min3A_392, %min3A_396 : vector<16xf32>
      %min3A_410 = arith.minimumf %min3A_394, %min3A_398 : vector<16xf32>
      %max3A_411 = arith.maximumf %min3A_394, %min3A_398 : vector<16xf32>
      %min3A_412 = arith.minimumf %max3A_393, %max3A_397 : vector<16xf32>
      %max3A_413 = arith.maximumf %max3A_393, %max3A_397 : vector<16xf32>
      %min3A_414 = arith.minimumf %max3A_395, %max3A_399 : vector<16xf32>
      %max3A_415 = arith.maximumf %max3A_395, %max3A_399 : vector<16xf32>
      %min3A_416 = arith.minimumf %min3A_400, %min3A_404 : vector<16xf32>
      %max3A_417 = arith.maximumf %min3A_400, %min3A_404 : vector<16xf32>
      %min3A_418 = arith.minimumf %min3A_402, %min3A_406 : vector<16xf32>
      %max3A_419 = arith.maximumf %min3A_402, %min3A_406 : vector<16xf32>
      %min3A_420 = arith.minimumf %max3A_401, %max3A_405 : vector<16xf32>
      %max3A_421 = arith.maximumf %max3A_401, %max3A_405 : vector<16xf32>
      %min3A_422 = arith.minimumf %max3A_403, %max3A_407 : vector<16xf32>
      %max3A_423 = arith.maximumf %max3A_403, %max3A_407 : vector<16xf32>
      %min3A_424 = arith.minimumf %min3A_408, %min3A_410 : vector<16xf32>
      %max3A_425 = arith.maximumf %min3A_408, %min3A_410 : vector<16xf32>
      %min3A_426 = arith.minimumf %max3A_409, %max3A_411 : vector<16xf32>
      %max3A_427 = arith.maximumf %max3A_409, %max3A_411 : vector<16xf32>
      %min3A_428 = arith.minimumf %min3A_412, %min3A_414 : vector<16xf32>
      %max3A_429 = arith.maximumf %min3A_412, %min3A_414 : vector<16xf32>
      %min3A_430 = arith.minimumf %max3A_413, %max3A_415 : vector<16xf32>
      %max3A_431 = arith.maximumf %max3A_413, %max3A_415 : vector<16xf32>
      %min3A_432 = arith.minimumf %min3A_416, %min3A_418 : vector<16xf32>
      %max3A_433 = arith.maximumf %min3A_416, %min3A_418 : vector<16xf32>
      %min3A_434 = arith.minimumf %max3A_417, %max3A_419 : vector<16xf32>
      %max3A_435 = arith.maximumf %max3A_417, %max3A_419 : vector<16xf32>
      %min3A_436 = arith.minimumf %min3A_420, %min3A_422 : vector<16xf32>
      %max3A_437 = arith.maximumf %min3A_420, %min3A_422 : vector<16xf32>
      %min3A_438 = arith.minimumf %max3A_421, %max3A_423 : vector<16xf32>
      %max3A_439 = arith.maximumf %max3A_421, %max3A_423 : vector<16xf32>
      %get3A_440 = arith.constant 48 : i32
      %get3A_441 = arith.index_cast %get3A_440 : i32 to index
      %get3A_442 = arith.index_cast %mul3A_42 : i32 to index
      %get3A_443 = tpu.vector_load %arg4[%get3A_441, %get3A_442] {strides = array<i32>} : memref<208x128xf32, #tpu.memory_space<vmem>>, vector<1x16xf32>,
      %get3A_444 = vector.shape_cast %get3A_443 : vector<1x16xf32> to vector<16xf32>
      %get3A_445 = arith.constant 49 : i32
      %get3A_446 = arith.index_cast %get3A_445 : i32 to index
      %get3A_447 = arith.index_cast %mul3A_42 : i32 to index
      %get3A_448 = tpu.vector_load %arg4[%get3A_446, %get3A_447] {strides = array<i32>} : memref<208x128xf32, #tpu.memory_space<vmem>>, vector<1x16xf32>,
      %get3A_449 = vector.shape_cast %get3A_448 : vector<1x16xf32> to vector<16xf32>
      %get3A_450 = arith.constant 50 : i32
      %get3A_451 = arith.index_cast %get3A_450 : i32 to index
      %get3A_452 = arith.index_cast %mul3A_42 : i32 to index
      %get3A_453 = tpu.vector_load %arg4[%get3A_451, %get3A_452] {strides = array<i32>} : memref<208x128xf32, #tpu.memory_space<vmem>>, vector<1x16xf32>,
      %get3A_454 = vector.shape_cast %get3A_453 : vector<1x16xf32> to vector<16xf32>
      %get3A_455 = arith.constant 51 : i32
      %get3A_456 = arith.index_cast %get3A_455 : i32 to index
      %get3A_457 = arith.index_cast %mul3A_42 : i32 to index
      %get3A_458 = tpu.vector_load %arg4[%get3A_456, %get3A_457] {strides = array<i32>} : memref<208x128xf32, #tpu.memory_space<vmem>>, vector<1x16xf32>,
      %get3A_459 = vector.shape_cast %get3A_458 : vector<1x16xf32> to vector<16xf32>
      %get3A_460 = arith.constant 52 : i32
      %get3A_461 = arith.index_cast %get3A_460 : i32 to index
      %get3A_462 = arith.index_cast %mul3A_42 : i32 to index
      %get3A_463 = tpu.vector_load %arg4[%get3A_461, %get3A_462] {strides = array<i32>} : memref<208x128xf32, #tpu.memory_space<vmem>>, vector<1x16xf32>,
      %get3A_464 = vector.shape_cast %get3A_463 : vector<1x16xf32> to vector<16xf32>
      %get3A_465 = arith.constant 53 : i32
      %get3A_466 = arith.index_cast %get3A_465 : i32 to index
      %get3A_467 = arith.index_cast %mul3A_42 : i32 to index
      %get3A_468 = tpu.vector_load %arg4[%get3A_466, %get3A_467] {strides = array<i32>} : memref<208x128xf32, #tpu.memory_space<vmem>>, vector<1x16xf32>,
      %get3A_469 = vector.shape_cast %get3A_468 : vector<1x16xf32> to vector<16xf32>
      %get3A_470 = arith.constant 54 : i32
      %get3A_471 = arith.index_cast %get3A_470 : i32 to index
      %get3A_472 = arith.index_cast %mul3A_42 : i32 to index
      %get3A_473 = tpu.vector_load %arg4[%get3A_471, %get3A_472] {strides = array<i32>} : memref<208x128xf32, #tpu.memory_space<vmem>>, vector<1x16xf32>,
      %get3A_474 = vector.shape_cast %get3A_473 : vector<1x16xf32> to vector<16xf32>
      %get3A_475 = arith.constant 55 : i32
      %get3A_476 = arith.index_cast %get3A_475 : i32 to index
      %get3A_477 = arith.index_cast %mul3A_42 : i32 to index
      %get3A_478 = tpu.vector_load %arg4[%get3A_476, %get3A_477] {strides = array<i32>} : memref<208x128xf32, #tpu.memory_space<vmem>>, vector<1x16xf32>,
      %get3A_479 = vector.shape_cast %get3A_478 : vector<1x16xf32> to vector<16xf32>
      %get3A_480 = arith.constant 56 : i32
      %get3A_481 = arith.index_cast %get3A_480 : i32 to index
      %get3A_482 = arith.index_cast %mul3A_42 : i32 to index
      %get3A_483 = tpu.vector_load %arg4[%get3A_481, %get3A_482] {strides = array<i32>} : memref<208x128xf32, #tpu.memory_space<vmem>>, vector<1x16xf32>,
      %get3A_484 = vector.shape_cast %get3A_483 : vector<1x16xf32> to vector<16xf32>
      %get3A_485 = arith.constant 57 : i32
      %get3A_486 = arith.index_cast %get3A_485 : i32 to index
      %get3A_487 = arith.index_cast %mul3A_42 : i32 to index
      %get3A_488 = tpu.vector_load %arg4[%get3A_486, %get3A_487] {strides = array<i32>} : memref<208x128xf32, #tpu.memory_space<vmem>>, vector<1x16xf32>,
      %get3A_489 = vector.shape_cast %get3A_488 : vector<1x16xf32> to vector<16xf32>
      %get3A_490 = arith.constant 58 : i32
      %get3A_491 = arith.index_cast %get3A_490 : i32 to index
      %get3A_492 = arith.index_cast %mul3A_42 : i32 to index
      %get3A_493 = tpu.vector_load %arg4[%get3A_491, %get3A_492] {strides = array<i32>} : memref<208x128xf32, #tpu.memory_space<vmem>>, vector<1x16xf32>,
      %get3A_494 = vector.shape_cast %get3A_493 : vector<1x16xf32> to vector<16xf32>
      %get3A_495 = arith.constant 59 : i32
      %get3A_496 = arith.index_cast %get3A_495 : i32 to index
      %get3A_497 = arith.index_cast %mul3A_42 : i32 to index
      %get3A_498 = tpu.vector_load %arg4[%get3A_496, %get3A_497] {strides = array<i32>} : memref<208x128xf32, #tpu.memory_space<vmem>>, vector<1x16xf32>,
      %get3A_499 = vector.shape_cast %get3A_498 : vector<1x16xf32> to vector<16xf32>
      %get3A_500 = arith.constant 60 : i32
      %get3A_501 = arith.index_cast %get3A_500 : i32 to index
      %get3A_502 = arith.index_cast %mul3A_42 : i32 to index
      %get3A_503 = tpu.vector_load %arg4[%get3A_501, %get3A_502] {strides = array<i32>} : memref<208x128xf32, #tpu.memory_space<vmem>>, vector<1x16xf32>,
      %get3A_504 = vector.shape_cast %get3A_503 : vector<1x16xf32> to vector<16xf32>
      %get3A_505 = arith.constant 61 : i32
      %get3A_506 = arith.index_cast %get3A_505 : i32 to index
      %get3A_507 = arith.index_cast %mul3A_42 : i32 to index
      %get3A_508 = tpu.vector_load %arg4[%get3A_506, %get3A_507] {strides = array<i32>} : memref<208x128xf32, #tpu.memory_space<vmem>>, vector<1x16xf32>,
      %get3A_509 = vector.shape_cast %get3A_508 : vector<1x16xf32> to vector<16xf32>
      %get3A_510 = arith.constant 62 : i32
      %get3A_511 = arith.index_cast %get3A_510 : i32 to index
      %get3A_512 = arith.index_cast %mul3A_42 : i32 to index
      %get3A_513 = tpu.vector_load %arg4[%get3A_511, %get3A_512] {strides = array<i32>} : memref<208x128xf32, #tpu.memory_space<vmem>>, vector<1x16xf32>,
      %get3A_514 = vector.shape_cast %get3A_513 : vector<1x16xf32> to vector<16xf32>
      %get3A_515 = arith.constant 63 : i32
      %get3A_516 = arith.index_cast %get3A_515 : i32 to index
      %get3A_517 = arith.index_cast %mul3A_42 : i32 to index
      %get3A_518 = tpu.vector_load %arg4[%get3A_516, %get3A_517] {strides = array<i32>} : memref<208x128xf32, #tpu.memory_space<vmem>>, vector<1x16xf32>,
      %get3A_519 = vector.shape_cast %get3A_518 : vector<1x16xf32> to vector<16xf32>
      %min3A_520 = arith.minimumf %min3A_424, %get3A_519 : vector<16xf32>
      %min3A_521 = arith.minimumf %max3A_425, %get3A_514 : vector<16xf32>
      %min3A_522 = arith.minimumf %min3A_426, %get3A_509 : vector<16xf32>
      %min3A_523 = arith.minimumf %max3A_427, %get3A_504 : vector<16xf32>
      %min3A_524 = arith.minimumf %min3A_428, %get3A_499 : vector<16xf32>
      %min3A_525 = arith.minimumf %max3A_429, %get3A_494 : vector<16xf32>
      %min3A_526 = arith.minimumf %min3A_430, %get3A_489 : vector<16xf32>
      %min3A_527 = arith.minimumf %max3A_431, %get3A_484 : vector<16xf32>
      %min3A_528 = arith.minimumf %min3A_432, %get3A_479 : vector<16xf32>
      %min3A_529 = arith.minimumf %max3A_433, %get3A_474 : vector<16xf32>
      %min3A_530 = arith.minimumf %min3A_434, %get3A_469 : vector<16xf32>
      %min3A_531 = arith.minimumf %max3A_435, %get3A_464 : vector<16xf32>
      %min3A_532 = arith.minimumf %min3A_436, %get3A_459 : vector<16xf32>
      %min3A_533 = arith.minimumf %max3A_437, %get3A_454 : vector<16xf32>
      %min3A_534 = arith.minimumf %min3A_438, %get3A_449 : vector<16xf32>
      %min3A_535 = arith.minimumf %max3A_439, %get3A_444 : vector<16xf32>
      %min3A_536 = arith.minimumf %min3A_520, %min3A_528 : vector<16xf32>
      %max3A_537 = arith.maximumf %min3A_520, %min3A_528 : vector<16xf32>
      %min3A_538 = arith.minimumf %min3A_521, %min3A_529 : vector<16xf32>
      %max3A_539 = arith.maximumf %min3A_521, %min3A_529 : vector<16xf32>
      %min3A_540 = arith.minimumf %min3A_522, %min3A_530 : vector<16xf32>
      %max3A_541 = arith.maximumf %min3A_522, %min3A_530 : vector<16xf32>
      %min3A_542 = arith.minimumf %min3A_523, %min3A_531 : vector<16xf32>
      %max3A_543 = arith.maximumf %min3A_523, %min3A_531 : vector<16xf32>
      %min3A_544 = arith.minimumf %min3A_524, %min3A_532 : vector<16xf32>
      %max3A_545 = arith.maximumf %min3A_524, %min3A_532 : vector<16xf32>
      %min3A_546 = arith.minimumf %min3A_525, %min3A_533 : vector<16xf32>
      %max3A_547 = arith.maximumf %min3A_525, %min3A_533 : vector<16xf32>
      %min3A_548 = arith.minimumf %min3A_526, %min3A_534 : vector<16xf32>
      %max3A_549 = arith.maximumf %min3A_526, %min3A_534 : vector<16xf32>
      %min3A_550 = arith.minimumf %min3A_527, %min3A_535 : vector<16xf32>
      %max3A_551 = arith.maximumf %min3A_527, %min3A_535 : vector<16xf32>
      %min3A_552 = arith.minimumf %min3A_536, %min3A_544 : vector<16xf32>
      %max3A_553 = arith.maximumf %min3A_536, %min3A_544 : vector<16xf32>
      %min3A_554 = arith.minimumf %min3A_538, %min3A_546 : vector<16xf32>
      %max3A_555 = arith.maximumf %min3A_538, %min3A_546 : vector<16xf32>
      %min3A_556 = arith.minimumf %min3A_540, %min3A_548 : vector<16xf32>
      %max3A_557 = arith.maximumf %min3A_540, %min3A_548 : vector<16xf32>
      %min3A_558 = arith.minimumf %min3A_542, %min3A_550 : vector<16xf32>
      %max3A_559 = arith.maximumf %min3A_542, %min3A_550 : vector<16xf32>
      %min3A_560 = arith.minimumf %max3A_537, %max3A_545 : vector<16xf32>
      %max3A_561 = arith.maximumf %max3A_537, %max3A_545 : vector<16xf32>
      %min3A_562 = arith.minimumf %max3A_539, %max3A_547 : vector<16xf32>
      %max3A_563 = arith.maximumf %max3A_539, %max3A_547 : vector<16xf32>
      %min3A_564 = arith.minimumf %max3A_541, %max3A_549 : vector<16xf32>
      %max3A_565 = arith.maximumf %max3A_541, %max3A_549 : vector<16xf32>
      %min3A_566 = arith.minimumf %max3A_543, %max3A_551 : vector<16xf32>
      %max3A_567 = arith.maximumf %max3A_543, %max3A_551 : vector<16xf32>
      %min3A_568 = arith.minimumf %min3A_552, %min3A_556 : vector<16xf32>
      %max3A_569 = arith.maximumf %min3A_552, %min3A_556 : vector<16xf32>
      %min3A_570 = arith.minimumf %min3A_554, %min3A_558 : vector<16xf32>
      %max3A_571 = arith.maximumf %min3A_554, %min3A_558 : vector<16xf32>
      %min3A_572 = arith.minimumf %max3A_553, %max3A_557 : vector<16xf32>
      %max3A_573 = arith.maximumf %max3A_553, %max3A_557 : vector<16xf32>
      %min3A_574 = arith.minimumf %max3A_555, %max3A_559 : vector<16xf32>
      %max3A_575 = arith.maximumf %max3A_555, %max3A_559 : vector<16xf32>
      %min3A_576 = arith.minimumf %min3A_560, %min3A_564 : vector<16xf32>
      %max3A_577 = arith.maximumf %min3A_560, %min3A_564 : vector<16xf32>
      %min3A_578 = arith.minimumf %min3A_562, %min3A_566 : vector<16xf32>
      %max3A_579 = arith.maximumf %min3A_562, %min3A_566 : vector<16xf32>
      %min3A_580 = arith.minimumf %max3A_561, %max3A_565 : vector<16xf32>
      %max3A_581 = arith.maximumf %max3A_561, %max3A_565 : vector<16xf32>
      %min3A_582 = arith.minimumf %max3A_563, %max3A_567 : vector<16xf32>
      %max3A_583 = arith.maximumf %max3A_563, %max3A_567 : vector<16xf32>
      %min3A_584 = arith.minimumf %min3A_568, %min3A_570 : vector<16xf32>
      %max3A_585 = arith.maximumf %min3A_568, %min3A_570 : vector<16xf32>
      %min3A_586 = arith.minimumf %max3A_569, %max3A_571 : vector<16xf32>
      %max3A_587 = arith.maximumf %max3A_569, %max3A_571 : vector<16xf32>
      %min3A_588 = arith.minimumf %min3A_572, %min3A_574 : vector<16xf32>
      %max3A_589 = arith.maximumf %min3A_572, %min3A_574 : vector<16xf32>
      %min3A_590 = arith.minimumf %max3A_573, %max3A_575 : vector<16xf32>
      %max3A_591 = arith.maximumf %max3A_573, %max3A_575 : vector<16xf32>
      %min3A_592 = arith.minimumf %min3A_576, %min3A_578 : vector<16xf32>
      %max3A_593 = arith.maximumf %min3A_576, %min3A_578 : vector<16xf32>
      %min3A_594 = arith.minimumf %max3A_577, %max3A_579 : vector<16xf32>
      %max3A_595 = arith.maximumf %max3A_577, %max3A_579 : vector<16xf32>
      %min3A_596 = arith.minimumf %min3A_580, %min3A_582 : vector<16xf32>
      %max3A_597 = arith.maximumf %min3A_580, %min3A_582 : vector<16xf32>
      %min3A_598 = arith.minimumf %max3A_581, %max3A_583 : vector<16xf32>
      %max3A_599 = arith.maximumf %max3A_581, %max3A_583 : vector<16xf32>
      %get3A_600 = arith.constant 64 : i32
      %get3A_601 = arith.index_cast %get3A_600 : i32 to index
      %get3A_602 = arith.index_cast %mul3A_42 : i32 to index
      %get3A_603 = tpu.vector_load %arg4[%get3A_601, %get3A_602] {strides = array<i32>} : memref<208x128xf32, #tpu.memory_space<vmem>>, vector<1x16xf32>,
      %get3A_604 = vector.shape_cast %get3A_603 : vector<1x16xf32> to vector<16xf32>
      %get3A_605 = arith.constant 65 : i32
      %get3A_606 = arith.index_cast %get3A_605 : i32 to index
      %get3A_607 = arith.index_cast %mul3A_42 : i32 to index
      %get3A_608 = tpu.vector_load %arg4[%get3A_606, %get3A_607] {strides = array<i32>} : memref<208x128xf32, #tpu.memory_space<vmem>>, vector<1x16xf32>,
      %get3A_609 = vector.shape_cast %get3A_608 : vector<1x16xf32> to vector<16xf32>
      %get3A_610 = arith.constant 66 : i32
      %get3A_611 = arith.index_cast %get3A_610 : i32 to index
      %get3A_612 = arith.index_cast %mul3A_42 : i32 to index
      %get3A_613 = tpu.vector_load %arg4[%get3A_611, %get3A_612] {strides = array<i32>} : memref<208x128xf32, #tpu.memory_space<vmem>>, vector<1x16xf32>,
      %get3A_614 = vector.shape_cast %get3A_613 : vector<1x16xf32> to vector<16xf32>
      %get3A_615 = arith.constant 67 : i32
      %get3A_616 = arith.index_cast %get3A_615 : i32 to index
      %get3A_617 = arith.index_cast %mul3A_42 : i32 to index
      %get3A_618 = tpu.vector_load %arg4[%get3A_616, %get3A_617] {strides = array<i32>} : memref<208x128xf32, #tpu.memory_space<vmem>>, vector<1x16xf32>,
      %get3A_619 = vector.shape_cast %get3A_618 : vector<1x16xf32> to vector<16xf32>
      %get3A_620 = arith.constant 68 : i32
      %get3A_621 = arith.index_cast %get3A_620 : i32 to index
      %get3A_622 = arith.index_cast %mul3A_42 : i32 to index
      %get3A_623 = tpu.vector_load %arg4[%get3A_621, %get3A_622] {strides = array<i32>} : memref<208x128xf32, #tpu.memory_space<vmem>>, vector<1x16xf32>,
      %get3A_624 = vector.shape_cast %get3A_623 : vector<1x16xf32> to vector<16xf32>
      %get3A_625 = arith.constant 69 : i32
      %get3A_626 = arith.index_cast %get3A_625 : i32 to index
      %get3A_627 = arith.index_cast %mul3A_42 : i32 to index
      %get3A_628 = tpu.vector_load %arg4[%get3A_626, %get3A_627] {strides = array<i32>} : memref<208x128xf32, #tpu.memory_space<vmem>>, vector<1x16xf32>,
      %get3A_629 = vector.shape_cast %get3A_628 : vector<1x16xf32> to vector<16xf32>
      %get3A_630 = arith.constant 70 : i32
      %get3A_631 = arith.index_cast %get3A_630 : i32 to index
      %get3A_632 = arith.index_cast %mul3A_42 : i32 to index
      %get3A_633 = tpu.vector_load %arg4[%get3A_631, %get3A_632] {strides = array<i32>} : memref<208x128xf32, #tpu.memory_space<vmem>>, vector<1x16xf32>,
      %get3A_634 = vector.shape_cast %get3A_633 : vector<1x16xf32> to vector<16xf32>
      %get3A_635 = arith.constant 71 : i32
      %get3A_636 = arith.index_cast %get3A_635 : i32 to index
      %get3A_637 = arith.index_cast %mul3A_42 : i32 to index
      %get3A_638 = tpu.vector_load %arg4[%get3A_636, %get3A_637] {strides = array<i32>} : memref<208x128xf32, #tpu.memory_space<vmem>>, vector<1x16xf32>,
      %get3A_639 = vector.shape_cast %get3A_638 : vector<1x16xf32> to vector<16xf32>
      %get3A_640 = arith.constant 72 : i32
      %get3A_641 = arith.index_cast %get3A_640 : i32 to index
      %get3A_642 = arith.index_cast %mul3A_42 : i32 to index
      %get3A_643 = tpu.vector_load %arg4[%get3A_641, %get3A_642] {strides = array<i32>} : memref<208x128xf32, #tpu.memory_space<vmem>>, vector<1x16xf32>,
      %get3A_644 = vector.shape_cast %get3A_643 : vector<1x16xf32> to vector<16xf32>
      %get3A_645 = arith.constant 73 : i32
      %get3A_646 = arith.index_cast %get3A_645 : i32 to index
      %get3A_647 = arith.index_cast %mul3A_42 : i32 to index
      %get3A_648 = tpu.vector_load %arg4[%get3A_646, %get3A_647] {strides = array<i32>} : memref<208x128xf32, #tpu.memory_space<vmem>>, vector<1x16xf32>,
      %get3A_649 = vector.shape_cast %get3A_648 : vector<1x16xf32> to vector<16xf32>
      %get3A_650 = arith.constant 74 : i32
      %get3A_651 = arith.index_cast %get3A_650 : i32 to index
      %get3A_652 = arith.index_cast %mul3A_42 : i32 to index
      %get3A_653 = tpu.vector_load %arg4[%get3A_651, %get3A_652] {strides = array<i32>} : memref<208x128xf32, #tpu.memory_space<vmem>>, vector<1x16xf32>,
      %get3A_654 = vector.shape_cast %get3A_653 : vector<1x16xf32> to vector<16xf32>
      %get3A_655 = arith.constant 75 : i32
      %get3A_656 = arith.index_cast %get3A_655 : i32 to index
      %get3A_657 = arith.index_cast %mul3A_42 : i32 to index
      %get3A_658 = tpu.vector_load %arg4[%get3A_656, %get3A_657] {strides = array<i32>} : memref<208x128xf32, #tpu.memory_space<vmem>>, vector<1x16xf32>,
      %get3A_659 = vector.shape_cast %get3A_658 : vector<1x16xf32> to vector<16xf32>
      %get3A_660 = arith.constant 76 : i32
      %get3A_661 = arith.index_cast %get3A_660 : i32 to index
      %get3A_662 = arith.index_cast %mul3A_42 : i32 to index
      %get3A_663 = tpu.vector_load %arg4[%get3A_661, %get3A_662] {strides = array<i32>} : memref<208x128xf32, #tpu.memory_space<vmem>>, vector<1x16xf32>,
      %get3A_664 = vector.shape_cast %get3A_663 : vector<1x16xf32> to vector<16xf32>
      %get3A_665 = arith.constant 77 : i32
      %get3A_666 = arith.index_cast %get3A_665 : i32 to index
      %get3A_667 = arith.index_cast %mul3A_42 : i32 to index
      %get3A_668 = tpu.vector_load %arg4[%get3A_666, %get3A_667] {strides = array<i32>} : memref<208x128xf32, #tpu.memory_space<vmem>>, vector<1x16xf32>,
      %get3A_669 = vector.shape_cast %get3A_668 : vector<1x16xf32> to vector<16xf32>
      %get3A_670 = arith.constant 78 : i32
      %get3A_671 = arith.index_cast %get3A_670 : i32 to index
      %get3A_672 = arith.index_cast %mul3A_42 : i32 to index
      %get3A_673 = tpu.vector_load %arg4[%get3A_671, %get3A_672] {strides = array<i32>} : memref<208x128xf32, #tpu.memory_space<vmem>>, vector<1x16xf32>,
      %get3A_674 = vector.shape_cast %get3A_673 : vector<1x16xf32> to vector<16xf32>
      %get3A_675 = arith.constant 79 : i32
      %get3A_676 = arith.index_cast %get3A_675 : i32 to index
      %get3A_677 = arith.index_cast %mul3A_42 : i32 to index
      %get3A_678 = tpu.vector_load %arg4[%get3A_676, %get3A_677] {strides = array<i32>} : memref<208x128xf32, #tpu.memory_space<vmem>>, vector<1x16xf32>,
      %get3A_679 = vector.shape_cast %get3A_678 : vector<1x16xf32> to vector<16xf32>
      %min3A_680 = arith.minimumf %min3A_584, %get3A_679 : vector<16xf32>
      %min3A_681 = arith.minimumf %max3A_585, %get3A_674 : vector<16xf32>
      %min3A_682 = arith.minimumf %min3A_586, %get3A_669 : vector<16xf32>
      %min3A_683 = arith.minimumf %max3A_587, %get3A_664 : vector<16xf32>
      %min3A_684 = arith.minimumf %min3A_588, %get3A_659 : vector<16xf32>
      %min3A_685 = arith.minimumf %max3A_589, %get3A_654 : vector<16xf32>
      %min3A_686 = arith.minimumf %min3A_590, %get3A_649 : vector<16xf32>
      %min3A_687 = arith.minimumf %max3A_591, %get3A_644 : vector<16xf32>
      %min3A_688 = arith.minimumf %min3A_592, %get3A_639 : vector<16xf32>
      %min3A_689 = arith.minimumf %max3A_593, %get3A_634 : vector<16xf32>
      %min3A_690 = arith.minimumf %min3A_594, %get3A_629 : vector<16xf32>
      %min3A_691 = arith.minimumf %max3A_595, %get3A_624 : vector<16xf32>
      %min3A_692 = arith.minimumf %min3A_596, %get3A_619 : vector<16xf32>
      %min3A_693 = arith.minimumf %max3A_597, %get3A_614 : vector<16xf32>
      %min3A_694 = arith.minimumf %min3A_598, %get3A_609 : vector<16xf32>
      %min3A_695 = arith.minimumf %max3A_599, %get3A_604 : vector<16xf32>
      %min3A_696 = arith.minimumf %min3A_680, %min3A_688 : vector<16xf32>
      %max3A_697 = arith.maximumf %min3A_680, %min3A_688 : vector<16xf32>
      %min3A_698 = arith.minimumf %min3A_681, %min3A_689 : vector<16xf32>
      %max3A_699 = arith.maximumf %min3A_681, %min3A_689 : vector<16xf32>
      %min3A_700 = arith.minimumf %min3A_682, %min3A_690 : vector<16xf32>
      %max3A_701 = arith.maximumf %min3A_682, %min3A_690 : vector<16xf32>
      %min3A_702 = arith.minimumf %min3A_683, %min3A_691 : vector<16xf32>
      %max3A_703 = arith.maximumf %min3A_683, %min3A_691 : vector<16xf32>
      %min3A_704 = arith.minimumf %min3A_684, %min3A_692 : vector<16xf32>
      %max3A_705 = arith.maximumf %min3A_684, %min3A_692 : vector<16xf32>
      %min3A_706 = arith.minimumf %min3A_685, %min3A_693 : vector<16xf32>
      %max3A_707 = arith.maximumf %min3A_685, %min3A_693 : vector<16xf32>
      %min3A_708 = arith.minimumf %min3A_686, %min3A_694 : vector<16xf32>
      %max3A_709 = arith.maximumf %min3A_686, %min3A_694 : vector<16xf32>
      %min3A_710 = arith.minimumf %min3A_687, %min3A_695 : vector<16xf32>
      %max3A_711 = arith.maximumf %min3A_687, %min3A_695 : vector<16xf32>
      %min3A_712 = arith.minimumf %min3A_696, %min3A_704 : vector<16xf32>
      %max3A_713 = arith.maximumf %min3A_696, %min3A_704 : vector<16xf32>
      %min3A_714 = arith.minimumf %min3A_698, %min3A_706 : vector<16xf32>
      %max3A_715 = arith.maximumf %min3A_698, %min3A_706 : vector<16xf32>
      %min3A_716 = arith.minimumf %min3A_700, %min3A_708 : vector<16xf32>
      %max3A_717 = arith.maximumf %min3A_700, %min3A_708 : vector<16xf32>
      %min3A_718 = arith.minimumf %min3A_702, %min3A_710 : vector<16xf32>
      %max3A_719 = arith.maximumf %min3A_702, %min3A_710 : vector<16xf32>
      %min3A_720 = arith.minimumf %max3A_697, %max3A_705 : vector<16xf32>
      %max3A_721 = arith.maximumf %max3A_697, %max3A_705 : vector<16xf32>
      %min3A_722 = arith.minimumf %max3A_699, %max3A_707 : vector<16xf32>
      %max3A_723 = arith.maximumf %max3A_699, %max3A_707 : vector<16xf32>
      %min3A_724 = arith.minimumf %max3A_701, %max3A_709 : vector<16xf32>
      %max3A_725 = arith.maximumf %max3A_701, %max3A_709 : vector<16xf32>
      %min3A_726 = arith.minimumf %max3A_703, %max3A_711 : vector<16xf32>
      %max3A_727 = arith.maximumf %max3A_703, %max3A_711 : vector<16xf32>
      %min3A_728 = arith.minimumf %min3A_712, %min3A_716 : vector<16xf32>
      %max3A_729 = arith.maximumf %min3A_712, %min3A_716 : vector<16xf32>
      %min3A_730 = arith.minimumf %min3A_714, %min3A_718 : vector<16xf32>
      %max3A_731 = arith.maximumf %min3A_714, %min3A_718 : vector<16xf32>
      %min3A_732 = arith.minimumf %max3A_713, %max3A_717 : vector<16xf32>
      %max3A_733 = arith.maximumf %max3A_713, %max3A_717 : vector<16xf32>
      %min3A_734 = arith.minimumf %max3A_715, %max3A_719 : vector<16xf32>
      %max3A_735 = arith.maximumf %max3A_715, %max3A_719 : vector<16xf32>
      %min3A_736 = arith.minimumf %min3A_720, %min3A_724 : vector<16xf32>
      %max3A_737 = arith.maximumf %min3A_720, %min3A_724 : vector<16xf32>
      %min3A_738 = arith.minimumf %min3A_722, %min3A_726 : vector<16xf32>
      %max3A_739 = arith.maximumf %min3A_722, %min3A_726 : vector<16xf32>
      %min3A_740 = arith.minimumf %max3A_721, %max3A_725 : vector<16xf32>
      %max3A_741 = arith.maximumf %max3A_721, %max3A_725 : vector<16xf32>
      %min3A_742 = arith.minimumf %max3A_723, %max3A_727 : vector<16xf32>
      %max3A_743 = arith.maximumf %max3A_723, %max3A_727 : vector<16xf32>
      %min3A_744 = arith.minimumf %min3A_728, %min3A_730 : vector<16xf32>
      %max3A_745 = arith.maximumf %min3A_728, %min3A_730 : vector<16xf32>
      %min3A_746 = arith.minimumf %max3A_729, %max3A_731 : vector<16xf32>
      %max3A_747 = arith.maximumf %max3A_729, %max3A_731 : vector<16xf32>
      %min3A_748 = arith.minimumf %min3A_732, %min3A_734 : vector<16xf32>
      %max3A_749 = arith.maximumf %min3A_732, %min3A_734 : vector<16xf32>
      %min3A_750 = arith.minimumf %max3A_733, %max3A_735 : vector<16xf32>
      %max3A_751 = arith.maximumf %max3A_733, %max3A_735 : vector<16xf32>
      %min3A_752 = arith.minimumf %min3A_736, %min3A_738 : vector<16xf32>
      %max3A_753 = arith.maximumf %min3A_736, %min3A_738 : vector<16xf32>
      %min3A_754 = arith.minimumf %max3A_737, %max3A_739 : vector<16xf32>
      %max3A_755 = arith.maximumf %max3A_737, %max3A_739 : vector<16xf32>
      %min3A_756 = arith.minimumf %min3A_740, %min3A_742 : vector<16xf32>
      %max3A_757 = arith.maximumf %min3A_740, %min3A_742 : vector<16xf32>
      %min3A_758 = arith.minimumf %max3A_741, %max3A_743 : vector<16xf32>
      %max3A_759 = arith.maximumf %max3A_741, %max3A_743 : vector<16xf32>
      %get3A_760 = arith.constant 80 : i32
      %get3A_761 = arith.index_cast %get3A_760 : i32 to index
      %get3A_762 = arith.index_cast %mul3A_42 : i32 to index
      %get3A_763 = tpu.vector_load %arg4[%get3A_761, %get3A_762] {strides = array<i32>} : memref<208x128xf32, #tpu.memory_space<vmem>>, vector<1x16xf32>,
      %get3A_764 = vector.shape_cast %get3A_763 : vector<1x16xf32> to vector<16xf32>
      %get3A_765 = arith.constant 81 : i32
      %get3A_766 = arith.index_cast %get3A_765 : i32 to index
      %get3A_767 = arith.index_cast %mul3A_42 : i32 to index
      %get3A_768 = tpu.vector_load %arg4[%get3A_766, %get3A_767] {strides = array<i32>} : memref<208x128xf32, #tpu.memory_space<vmem>>, vector<1x16xf32>,
      %get3A_769 = vector.shape_cast %get3A_768 : vector<1x16xf32> to vector<16xf32>
      %get3A_770 = arith.constant 82 : i32
      %get3A_771 = arith.index_cast %get3A_770 : i32 to index
      %get3A_772 = arith.index_cast %mul3A_42 : i32 to index
      %get3A_773 = tpu.vector_load %arg4[%get3A_771, %get3A_772] {strides = array<i32>} : memref<208x128xf32, #tpu.memory_space<vmem>>, vector<1x16xf32>,
      %get3A_774 = vector.shape_cast %get3A_773 : vector<1x16xf32> to vector<16xf32>
      %get3A_775 = arith.constant 83 : i32
      %get3A_776 = arith.index_cast %get3A_775 : i32 to index
      %get3A_777 = arith.index_cast %mul3A_42 : i32 to index
      %get3A_778 = tpu.vector_load %arg4[%get3A_776, %get3A_777] {strides = array<i32>} : memref<208x128xf32, #tpu.memory_space<vmem>>, vector<1x16xf32>,
      %get3A_779 = vector.shape_cast %get3A_778 : vector<1x16xf32> to vector<16xf32>
      %get3A_780 = arith.constant 84 : i32
      %get3A_781 = arith.index_cast %get3A_780 : i32 to index
      %get3A_782 = arith.index_cast %mul3A_42 : i32 to index
      %get3A_783 = tpu.vector_load %arg4[%get3A_781, %get3A_782] {strides = array<i32>} : memref<208x128xf32, #tpu.memory_space<vmem>>, vector<1x16xf32>,
      %get3A_784 = vector.shape_cast %get3A_783 : vector<1x16xf32> to vector<16xf32>
      %get3A_785 = arith.constant 85 : i32
      %get3A_786 = arith.index_cast %get3A_785 : i32 to index
      %get3A_787 = arith.index_cast %mul3A_42 : i32 to index
      %get3A_788 = tpu.vector_load %arg4[%get3A_786, %get3A_787] {strides = array<i32>} : memref<208x128xf32, #tpu.memory_space<vmem>>, vector<1x16xf32>,
      %get3A_789 = vector.shape_cast %get3A_788 : vector<1x16xf32> to vector<16xf32>
      %get3A_790 = arith.constant 86 : i32
      %get3A_791 = arith.index_cast %get3A_790 : i32 to index
      %get3A_792 = arith.index_cast %mul3A_42 : i32 to index
      %get3A_793 = tpu.vector_load %arg4[%get3A_791, %get3A_792] {strides = array<i32>} : memref<208x128xf32, #tpu.memory_space<vmem>>, vector<1x16xf32>,
      %get3A_794 = vector.shape_cast %get3A_793 : vector<1x16xf32> to vector<16xf32>
      %get3A_795 = arith.constant 87 : i32
      %get3A_796 = arith.index_cast %get3A_795 : i32 to index
      %get3A_797 = arith.index_cast %mul3A_42 : i32 to index
      %get3A_798 = tpu.vector_load %arg4[%get3A_796, %get3A_797] {strides = array<i32>} : memref<208x128xf32, #tpu.memory_space<vmem>>, vector<1x16xf32>,
      %get3A_799 = vector.shape_cast %get3A_798 : vector<1x16xf32> to vector<16xf32>
      %get3A_800 = arith.constant 88 : i32
      %get3A_801 = arith.index_cast %get3A_800 : i32 to index
      %get3A_802 = arith.index_cast %mul3A_42 : i32 to index
      %get3A_803 = tpu.vector_load %arg4[%get3A_801, %get3A_802] {strides = array<i32>} : memref<208x128xf32, #tpu.memory_space<vmem>>, vector<1x16xf32>,
      %get3A_804 = vector.shape_cast %get3A_803 : vector<1x16xf32> to vector<16xf32>
      %get3A_805 = arith.constant 89 : i32
      %get3A_806 = arith.index_cast %get3A_805 : i32 to index
      %get3A_807 = arith.index_cast %mul3A_42 : i32 to index
      %get3A_808 = tpu.vector_load %arg4[%get3A_806, %get3A_807] {strides = array<i32>} : memref<208x128xf32, #tpu.memory_space<vmem>>, vector<1x16xf32>,
      %get3A_809 = vector.shape_cast %get3A_808 : vector<1x16xf32> to vector<16xf32>
      %get3A_810 = arith.constant 90 : i32
      %get3A_811 = arith.index_cast %get3A_810 : i32 to index
      %get3A_812 = arith.index_cast %mul3A_42 : i32 to index
      %get3A_813 = tpu.vector_load %arg4[%get3A_811, %get3A_812] {strides = array<i32>} : memref<208x128xf32, #tpu.memory_space<vmem>>, vector<1x16xf32>,
      %get3A_814 = vector.shape_cast %get3A_813 : vector<1x16xf32> to vector<16xf32>
      %get3A_815 = arith.constant 91 : i32
      %get3A_816 = arith.index_cast %get3A_815 : i32 to index
      %get3A_817 = arith.index_cast %mul3A_42 : i32 to index
      %get3A_818 = tpu.vector_load %arg4[%get3A_816, %get3A_817] {strides = array<i32>} : memref<208x128xf32, #tpu.memory_space<vmem>>, vector<1x16xf32>,
      %get3A_819 = vector.shape_cast %get3A_818 : vector<1x16xf32> to vector<16xf32>
      %get3A_820 = arith.constant 92 : i32
      %get3A_821 = arith.index_cast %get3A_820 : i32 to index
      %get3A_822 = arith.index_cast %mul3A_42 : i32 to index
      %get3A_823 = tpu.vector_load %arg4[%get3A_821, %get3A_822] {strides = array<i32>} : memref<208x128xf32, #tpu.memory_space<vmem>>, vector<1x16xf32>,
      %get3A_824 = vector.shape_cast %get3A_823 : vector<1x16xf32> to vector<16xf32>
      %get3A_825 = arith.constant 93 : i32
      %get3A_826 = arith.index_cast %get3A_825 : i32 to index
      %get3A_827 = arith.index_cast %mul3A_42 : i32 to index
      %get3A_828 = tpu.vector_load %arg4[%get3A_826, %get3A_827] {strides = array<i32>} : memref<208x128xf32, #tpu.memory_space<vmem>>, vector<1x16xf32>,
      %get3A_829 = vector.shape_cast %get3A_828 : vector<1x16xf32> to vector<16xf32>
      %get3A_830 = arith.constant 94 : i32
      %get3A_831 = arith.index_cast %get3A_830 : i32 to index
      %get3A_832 = arith.index_cast %mul3A_42 : i32 to index
      %get3A_833 = tpu.vector_load %arg4[%get3A_831, %get3A_832] {strides = array<i32>} : memref<208x128xf32, #tpu.memory_space<vmem>>, vector<1x16xf32>,
      %get3A_834 = vector.shape_cast %get3A_833 : vector<1x16xf32> to vector<16xf32>
      %get3A_835 = arith.constant 95 : i32
      %get3A_836 = arith.index_cast %get3A_835 : i32 to index
      %get3A_837 = arith.index_cast %mul3A_42 : i32 to index
      %get3A_838 = tpu.vector_load %arg4[%get3A_836, %get3A_837] {strides = array<i32>} : memref<208x128xf32, #tpu.memory_space<vmem>>, vector<1x16xf32>,
      %get3A_839 = vector.shape_cast %get3A_838 : vector<1x16xf32> to vector<16xf32>
      %min3A_840 = arith.minimumf %min3A_744, %get3A_839 : vector<16xf32>
      %min3A_841 = arith.minimumf %max3A_745, %get3A_834 : vector<16xf32>
      %min3A_842 = arith.minimumf %min3A_746, %get3A_829 : vector<16xf32>
      %min3A_843 = arith.minimumf %max3A_747, %get3A_824 : vector<16xf32>
      %min3A_844 = arith.minimumf %min3A_748, %get3A_819 : vector<16xf32>
      %min3A_845 = arith.minimumf %max3A_749, %get3A_814 : vector<16xf32>
      %min3A_846 = arith.minimumf %min3A_750, %get3A_809 : vector<16xf32>
      %min3A_847 = arith.minimumf %max3A_751, %get3A_804 : vector<16xf32>
      %min3A_848 = arith.minimumf %min3A_752, %get3A_799 : vector<16xf32>
      %min3A_849 = arith.minimumf %max3A_753, %get3A_794 : vector<16xf32>
      %min3A_850 = arith.minimumf %min3A_754, %get3A_789 : vector<16xf32>
      %min3A_851 = arith.minimumf %max3A_755, %get3A_784 : vector<16xf32>
      %min3A_852 = arith.minimumf %min3A_756, %get3A_779 : vector<16xf32>
      %min3A_853 = arith.minimumf %max3A_757, %get3A_774 : vector<16xf32>
      %min3A_854 = arith.minimumf %min3A_758, %get3A_769 : vector<16xf32>
      %min3A_855 = arith.minimumf %max3A_759, %get3A_764 : vector<16xf32>
      %min3A_856 = arith.minimumf %min3A_840, %min3A_848 : vector<16xf32>
      %max3A_857 = arith.maximumf %min3A_840, %min3A_848 : vector<16xf32>
      %min3A_858 = arith.minimumf %min3A_841, %min3A_849 : vector<16xf32>
      %max3A_859 = arith.maximumf %min3A_841, %min3A_849 : vector<16xf32>
      %min3A_860 = arith.minimumf %min3A_842, %min3A_850 : vector<16xf32>
      %max3A_861 = arith.maximumf %min3A_842, %min3A_850 : vector<16xf32>
      %min3A_862 = arith.minimumf %min3A_843, %min3A_851 : vector<16xf32>
      %max3A_863 = arith.maximumf %min3A_843, %min3A_851 : vector<16xf32>
      %min3A_864 = arith.minimumf %min3A_844, %min3A_852 : vector<16xf32>
      %max3A_865 = arith.maximumf %min3A_844, %min3A_852 : vector<16xf32>
      %min3A_866 = arith.minimumf %min3A_845, %min3A_853 : vector<16xf32>
      %max3A_867 = arith.maximumf %min3A_845, %min3A_853 : vector<16xf32>
      %min3A_868 = arith.minimumf %min3A_846, %min3A_854 : vector<16xf32>
      %max3A_869 = arith.maximumf %min3A_846, %min3A_854 : vector<16xf32>
      %min3A_870 = arith.minimumf %min3A_847, %min3A_855 : vector<16xf32>
      %max3A_871 = arith.maximumf %min3A_847, %min3A_855 : vector<16xf32>
      %min3A_872 = arith.minimumf %min3A_856, %min3A_864 : vector<16xf32>
      %max3A_873 = arith.maximumf %min3A_856, %min3A_864 : vector<16xf32>
      %min3A_874 = arith.minimumf %min3A_858, %min3A_866 : vector<16xf32>
      %max3A_875 = arith.maximumf %min3A_858, %min3A_866 : vector<16xf32>
      %min3A_876 = arith.minimumf %min3A_860, %min3A_868 : vector<16xf32>
      %max3A_877 = arith.maximumf %min3A_860, %min3A_868 : vector<16xf32>
      %min3A_878 = arith.minimumf %min3A_862, %min3A_870 : vector<16xf32>
      %max3A_879 = arith.maximumf %min3A_862, %min3A_870 : vector<16xf32>
      %min3A_880 = arith.minimumf %max3A_857, %max3A_865 : vector<16xf32>
      %max3A_881 = arith.maximumf %max3A_857, %max3A_865 : vector<16xf32>
      %min3A_882 = arith.minimumf %max3A_859, %max3A_867 : vector<16xf32>
      %max3A_883 = arith.maximumf %max3A_859, %max3A_867 : vector<16xf32>
      %min3A_884 = arith.minimumf %max3A_861, %max3A_869 : vector<16xf32>
      %max3A_885 = arith.maximumf %max3A_861, %max3A_869 : vector<16xf32>
      %min3A_886 = arith.minimumf %max3A_863, %max3A_871 : vector<16xf32>
      %max3A_887 = arith.maximumf %max3A_863, %max3A_871 : vector<16xf32>
      %min3A_888 = arith.minimumf %min3A_872, %min3A_876 : vector<16xf32>
      %max3A_889 = arith.maximumf %min3A_872, %min3A_876 : vector<16xf32>
      %min3A_890 = arith.minimumf %min3A_874, %min3A_878 : vector<16xf32>
      %max3A_891 = arith.maximumf %min3A_874, %min3A_878 : vector<16xf32>
      %min3A_892 = arith.minimumf %max3A_873, %max3A_877 : vector<16xf32>
      %max3A_893 = arith.maximumf %max3A_873, %max3A_877 : vector<16xf32>
      %min3A_894 = arith.minimumf %max3A_875, %max3A_879 : vector<16xf32>
      %max3A_895 = arith.maximumf %max3A_875, %max3A_879 : vector<16xf32>
      %min3A_896 = arith.minimumf %min3A_880, %min3A_884 : vector<16xf32>
      %max3A_897 = arith.maximumf %min3A_880, %min3A_884 : vector<16xf32>
      %min3A_898 = arith.minimumf %min3A_882, %min3A_886 : vector<16xf32>
      %max3A_899 = arith.maximumf %min3A_882, %min3A_886 : vector<16xf32>
      %min3A_900 = arith.minimumf %max3A_881, %max3A_885 : vector<16xf32>
      %max3A_901 = arith.maximumf %max3A_881, %max3A_885 : vector<16xf32>
      %min3A_902 = arith.minimumf %max3A_883, %max3A_887 : vector<16xf32>
      %max3A_903 = arith.maximumf %max3A_883, %max3A_887 : vector<16xf32>
      %min3A_904 = arith.minimumf %min3A_888, %min3A_890 : vector<16xf32>
      %max3A_905 = arith.maximumf %min3A_888, %min3A_890 : vector<16xf32>
      %min3A_906 = arith.minimumf %max3A_889, %max3A_891 : vector<16xf32>
      %max3A_907 = arith.maximumf %max3A_889, %max3A_891 : vector<16xf32>
      %min3A_908 = arith.minimumf %min3A_892, %min3A_894 : vector<16xf32>
      %max3A_909 = arith.maximumf %min3A_892, %min3A_894 : vector<16xf32>
      %min3A_910 = arith.minimumf %max3A_893, %max3A_895 : vector<16xf32>
      %max3A_911 = arith.maximumf %max3A_893, %max3A_895 : vector<16xf32>
      %min3A_912 = arith.minimumf %min3A_896, %min3A_898 : vector<16xf32>
      %max3A_913 = arith.maximumf %min3A_896, %min3A_898 : vector<16xf32>
      %min3A_914 = arith.minimumf %max3A_897, %max3A_899 : vector<16xf32>
      %max3A_915 = arith.maximumf %max3A_897, %max3A_899 : vector<16xf32>
      %min3A_916 = arith.minimumf %min3A_900, %min3A_902 : vector<16xf32>
      %max3A_917 = arith.maximumf %min3A_900, %min3A_902 : vector<16xf32>
      %min3A_918 = arith.minimumf %max3A_901, %max3A_903 : vector<16xf32>
      %max3A_919 = arith.maximumf %max3A_901, %max3A_903 : vector<16xf32>
      %get3A_920 = arith.constant 96 : i32
      %get3A_921 = arith.index_cast %get3A_920 : i32 to index
      %get3A_922 = arith.index_cast %mul3A_42 : i32 to index
      %get3A_923 = tpu.vector_load %arg4[%get3A_921, %get3A_922] {strides = array<i32>} : memref<208x128xf32, #tpu.memory_space<vmem>>, vector<1x16xf32>,
      %get3A_924 = vector.shape_cast %get3A_923 : vector<1x16xf32> to vector<16xf32>
      %get3A_925 = arith.constant 97 : i32
      %get3A_926 = arith.index_cast %get3A_925 : i32 to index
      %get3A_927 = arith.index_cast %mul3A_42 : i32 to index
      %get3A_928 = tpu.vector_load %arg4[%get3A_926, %get3A_927] {strides = array<i32>} : memref<208x128xf32, #tpu.memory_space<vmem>>, vector<1x16xf32>,
      %get3A_929 = vector.shape_cast %get3A_928 : vector<1x16xf32> to vector<16xf32>
      %get3A_930 = arith.constant 98 : i32
      %get3A_931 = arith.index_cast %get3A_930 : i32 to index
      %get3A_932 = arith.index_cast %mul3A_42 : i32 to index
      %get3A_933 = tpu.vector_load %arg4[%get3A_931, %get3A_932] {strides = array<i32>} : memref<208x128xf32, #tpu.memory_space<vmem>>, vector<1x16xf32>,
      %get3A_934 = vector.shape_cast %get3A_933 : vector<1x16xf32> to vector<16xf32>
      %get3A_935 = arith.constant 99 : i32
      %get3A_936 = arith.index_cast %get3A_935 : i32 to index
      %get3A_937 = arith.index_cast %mul3A_42 : i32 to index
      %get3A_938 = tpu.vector_load %arg4[%get3A_936, %get3A_937] {strides = array<i32>} : memref<208x128xf32, #tpu.memory_space<vmem>>, vector<1x16xf32>,
      %get3A_939 = vector.shape_cast %get3A_938 : vector<1x16xf32> to vector<16xf32>
      %get3A_940 = arith.constant 100 : i32
      %get3A_941 = arith.index_cast %get3A_940 : i32 to index
      %get3A_942 = arith.index_cast %mul3A_42 : i32 to index
      %get3A_943 = tpu.vector_load %arg4[%get3A_941, %get3A_942] {strides = array<i32>} : memref<208x128xf32, #tpu.memory_space<vmem>>, vector<1x16xf32>,
      %get3A_944 = vector.shape_cast %get3A_943 : vector<1x16xf32> to vector<16xf32>
      %get3A_945 = arith.constant 101 : i32
      %get3A_946 = arith.index_cast %get3A_945 : i32 to index
      %get3A_947 = arith.index_cast %mul3A_42 : i32 to index
      %get3A_948 = tpu.vector_load %arg4[%get3A_946, %get3A_947] {strides = array<i32>} : memref<208x128xf32, #tpu.memory_space<vmem>>, vector<1x16xf32>,
      %get3A_949 = vector.shape_cast %get3A_948 : vector<1x16xf32> to vector<16xf32>
      %get3A_950 = arith.constant 102 : i32
      %get3A_951 = arith.index_cast %get3A_950 : i32 to index
      %get3A_952 = arith.index_cast %mul3A_42 : i32 to index
      %get3A_953 = tpu.vector_load %arg4[%get3A_951, %get3A_952] {strides = array<i32>} : memref<208x128xf32, #tpu.memory_space<vmem>>, vector<1x16xf32>,
      %get3A_954 = vector.shape_cast %get3A_953 : vector<1x16xf32> to vector<16xf32>
      %get3A_955 = arith.constant 103 : i32
      %get3A_956 = arith.index_cast %get3A_955 : i32 to index
      %get3A_957 = arith.index_cast %mul3A_42 : i32 to index
      %get3A_958 = tpu.vector_load %arg4[%get3A_956, %get3A_957] {strides = array<i32>} : memref<208x128xf32, #tpu.memory_space<vmem>>, vector<1x16xf32>,
      %get3A_959 = vector.shape_cast %get3A_958 : vector<1x16xf32> to vector<16xf32>
      %get3A_960 = arith.constant 104 : i32
      %get3A_961 = arith.index_cast %get3A_960 : i32 to index
      %get3A_962 = arith.index_cast %mul3A_42 : i32 to index
      %get3A_963 = tpu.vector_load %arg4[%get3A_961, %get3A_962] {strides = array<i32>} : memref<208x128xf32, #tpu.memory_space<vmem>>, vector<1x16xf32>,
      %get3A_964 = vector.shape_cast %get3A_963 : vector<1x16xf32> to vector<16xf32>
      %get3A_965 = arith.constant 105 : i32
      %get3A_966 = arith.index_cast %get3A_965 : i32 to index
      %get3A_967 = arith.index_cast %mul3A_42 : i32 to index
      %get3A_968 = tpu.vector_load %arg4[%get3A_966, %get3A_967] {strides = array<i32>} : memref<208x128xf32, #tpu.memory_space<vmem>>, vector<1x16xf32>,
      %get3A_969 = vector.shape_cast %get3A_968 : vector<1x16xf32> to vector<16xf32>
      %get3A_970 = arith.constant 106 : i32
      %get3A_971 = arith.index_cast %get3A_970 : i32 to index
      %get3A_972 = arith.index_cast %mul3A_42 : i32 to index
      %get3A_973 = tpu.vector_load %arg4[%get3A_971, %get3A_972] {strides = array<i32>} : memref<208x128xf32, #tpu.memory_space<vmem>>, vector<1x16xf32>,
      %get3A_974 = vector.shape_cast %get3A_973 : vector<1x16xf32> to vector<16xf32>
      %get3A_975 = arith.constant 107 : i32
      %get3A_976 = arith.index_cast %get3A_975 : i32 to index
      %get3A_977 = arith.index_cast %mul3A_42 : i32 to index
      %get3A_978 = tpu.vector_load %arg4[%get3A_976, %get3A_977] {strides = array<i32>} : memref<208x128xf32, #tpu.memory_space<vmem>>, vector<1x16xf32>,
      %get3A_979 = vector.shape_cast %get3A_978 : vector<1x16xf32> to vector<16xf32>
      %get3A_980 = arith.constant 108 : i32
      %get3A_981 = arith.index_cast %get3A_980 : i32 to index
      %get3A_982 = arith.index_cast %mul3A_42 : i32 to index
      %get3A_983 = tpu.vector_load %arg4[%get3A_981, %get3A_982] {strides = array<i32>} : memref<208x128xf32, #tpu.memory_space<vmem>>, vector<1x16xf32>,
      %get3A_984 = vector.shape_cast %get3A_983 : vector<1x16xf32> to vector<16xf32>
      %get3A_985 = arith.constant 109 : i32
      %get3A_986 = arith.index_cast %get3A_985 : i32 to index
      %get3A_987 = arith.index_cast %mul3A_42 : i32 to index
      %get3A_988 = tpu.vector_load %arg4[%get3A_986, %get3A_987] {strides = array<i32>} : memref<208x128xf32, #tpu.memory_space<vmem>>, vector<1x16xf32>,
      %get3A_989 = vector.shape_cast %get3A_988 : vector<1x16xf32> to vector<16xf32>
      %get3A_990 = arith.constant 110 : i32
      %get3A_991 = arith.index_cast %get3A_990 : i32 to index
      %get3A_992 = arith.index_cast %mul3A_42 : i32 to index
      %get3A_993 = tpu.vector_load %arg4[%get3A_991, %get3A_992] {strides = array<i32>} : memref<208x128xf32, #tpu.memory_space<vmem>>, vector<1x16xf32>,
      %get3A_994 = vector.shape_cast %get3A_993 : vector<1x16xf32> to vector<16xf32>
      %get3A_995 = arith.constant 111 : i32
      %get3A_996 = arith.index_cast %get3A_995 : i32 to index
      %get3A_997 = arith.index_cast %mul3A_42 : i32 to index
      %get3A_998 = tpu.vector_load %arg4[%get3A_996, %get3A_997] {strides = array<i32>} : memref<208x128xf32, #tpu.memory_space<vmem>>, vector<1x16xf32>,
      %get3A_999 = vector.shape_cast %get3A_998 : vector<1x16xf32> to vector<16xf32>
      %min3A_1000 = arith.minimumf %min3A_904, %get3A_999 : vector<16xf32>
      %min3A_1001 = arith.minimumf %max3A_905, %get3A_994 : vector<16xf32>
      %min3A_1002 = arith.minimumf %min3A_906, %get3A_989 : vector<16xf32>
      %min3A_1003 = arith.minimumf %max3A_907, %get3A_984 : vector<16xf32>
      %min3A_1004 = arith.minimumf %min3A_908, %get3A_979 : vector<16xf32>
      %min3A_1005 = arith.minimumf %max3A_909, %get3A_974 : vector<16xf32>
      %min3A_1006 = arith.minimumf %min3A_910, %get3A_969 : vector<16xf32>
      %min3A_1007 = arith.minimumf %max3A_911, %get3A_964 : vector<16xf32>
      %min3A_1008 = arith.minimumf %min3A_912, %get3A_959 : vector<16xf32>
      %min3A_1009 = arith.minimumf %max3A_913, %get3A_954 : vector<16xf32>
      %min3A_1010 = arith.minimumf %min3A_914, %get3A_949 : vector<16xf32>
      %min3A_1011 = arith.minimumf %max3A_915, %get3A_944 : vector<16xf32>
      %min3A_1012 = arith.minimumf %min3A_916, %get3A_939 : vector<16xf32>
      %min3A_1013 = arith.minimumf %max3A_917, %get3A_934 : vector<16xf32>
      %min3A_1014 = arith.minimumf %min3A_918, %get3A_929 : vector<16xf32>
      %min3A_1015 = arith.minimumf %max3A_919, %get3A_924 : vector<16xf32>
      %min3A_1016 = arith.minimumf %min3A_1000, %min3A_1008 : vector<16xf32>
      %max3A_1017 = arith.maximumf %min3A_1000, %min3A_1008 : vector<16xf32>
      %min3A_1018 = arith.minimumf %min3A_1001, %min3A_1009 : vector<16xf32>
      %max3A_1019 = arith.maximumf %min3A_1001, %min3A_1009 : vector<16xf32>
      %min3A_1020 = arith.minimumf %min3A_1002, %min3A_1010 : vector<16xf32>
      %max3A_1021 = arith.maximumf %min3A_1002, %min3A_1010 : vector<16xf32>
      %min3A_1022 = arith.minimumf %min3A_1003, %min3A_1011 : vector<16xf32>
      %max3A_1023 = arith.maximumf %min3A_1003, %min3A_1011 : vector<16xf32>
      %min3A_1024 = arith.minimumf %min3A_1004, %min3A_1012 : vector<16xf32>
      %max3A_1025 = arith.maximumf %min3A_1004, %min3A_1012 : vector<16xf32>
      %min3A_1026 = arith.minimumf %min3A_1005, %min3A_1013 : vector<16xf32>
      %max3A_1027 = arith.maximumf %min3A_1005, %min3A_1013 : vector<16xf32>
      %min3A_1028 = arith.minimumf %min3A_1006, %min3A_1014 : vector<16xf32>
      %max3A_1029 = arith.maximumf %min3A_1006, %min3A_1014 : vector<16xf32>
      %min3A_1030 = arith.minimumf %min3A_1007, %min3A_1015 : vector<16xf32>
      %max3A_1031 = arith.maximumf %min3A_1007, %min3A_1015 : vector<16xf32>
      %min3A_1032 = arith.minimumf %min3A_1016, %min3A_1024 : vector<16xf32>
      %max3A_1033 = arith.maximumf %min3A_1016, %min3A_1024 : vector<16xf32>
      %min3A_1034 = arith.minimumf %min3A_1018, %min3A_1026 : vector<16xf32>
      %max3A_1035 = arith.maximumf %min3A_1018, %min3A_1026 : vector<16xf32>
      %min3A_1036 = arith.minimumf %min3A_1020, %min3A_1028 : vector<16xf32>
      %max3A_1037 = arith.maximumf %min3A_1020, %min3A_1028 : vector<16xf32>
      %min3A_1038 = arith.minimumf %min3A_1022, %min3A_1030 : vector<16xf32>
      %max3A_1039 = arith.maximumf %min3A_1022, %min3A_1030 : vector<16xf32>
      %min3A_1040 = arith.minimumf %max3A_1017, %max3A_1025 : vector<16xf32>
      %max3A_1041 = arith.maximumf %max3A_1017, %max3A_1025 : vector<16xf32>
      %min3A_1042 = arith.minimumf %max3A_1019, %max3A_1027 : vector<16xf32>
      %max3A_1043 = arith.maximumf %max3A_1019, %max3A_1027 : vector<16xf32>
      %min3A_1044 = arith.minimumf %max3A_1021, %max3A_1029 : vector<16xf32>
      %max3A_1045 = arith.maximumf %max3A_1021, %max3A_1029 : vector<16xf32>
      %min3A_1046 = arith.minimumf %max3A_1023, %max3A_1031 : vector<16xf32>
      %max3A_1047 = arith.maximumf %max3A_1023, %max3A_1031 : vector<16xf32>
      %min3A_1048 = arith.minimumf %min3A_1032, %min3A_1036 : vector<16xf32>
      %max3A_1049 = arith.maximumf %min3A_1032, %min3A_1036 : vector<16xf32>
      %min3A_1050 = arith.minimumf %min3A_1034, %min3A_1038 : vector<16xf32>
      %max3A_1051 = arith.maximumf %min3A_1034, %min3A_1038 : vector<16xf32>
      %min3A_1052 = arith.minimumf %max3A_1033, %max3A_1037 : vector<16xf32>
      %max3A_1053 = arith.maximumf %max3A_1033, %max3A_1037 : vector<16xf32>
      %min3A_1054 = arith.minimumf %max3A_1035, %max3A_1039 : vector<16xf32>
      %max3A_1055 = arith.maximumf %max3A_1035, %max3A_1039 : vector<16xf32>
      %min3A_1056 = arith.minimumf %min3A_1040, %min3A_1044 : vector<16xf32>
      %max3A_1057 = arith.maximumf %min3A_1040, %min3A_1044 : vector<16xf32>
      %min3A_1058 = arith.minimumf %min3A_1042, %min3A_1046 : vector<16xf32>
      %max3A_1059 = arith.maximumf %min3A_1042, %min3A_1046 : vector<16xf32>
      %min3A_1060 = arith.minimumf %max3A_1041, %max3A_1045 : vector<16xf32>
      %max3A_1061 = arith.maximumf %max3A_1041, %max3A_1045 : vector<16xf32>
      %min3A_1062 = arith.minimumf %max3A_1043, %max3A_1047 : vector<16xf32>
      %max3A_1063 = arith.maximumf %max3A_1043, %max3A_1047 : vector<16xf32>
      %min3A_1064 = arith.minimumf %min3A_1048, %min3A_1050 : vector<16xf32>
      %max3A_1065 = arith.maximumf %min3A_1048, %min3A_1050 : vector<16xf32>
      %min3A_1066 = arith.minimumf %max3A_1049, %max3A_1051 : vector<16xf32>
      %max3A_1067 = arith.maximumf %max3A_1049, %max3A_1051 : vector<16xf32>
      %min3A_1068 = arith.minimumf %min3A_1052, %min3A_1054 : vector<16xf32>
      %max3A_1069 = arith.maximumf %min3A_1052, %min3A_1054 : vector<16xf32>
      %min3A_1070 = arith.minimumf %max3A_1053, %max3A_1055 : vector<16xf32>
      %max3A_1071 = arith.maximumf %max3A_1053, %max3A_1055 : vector<16xf32>
      %min3A_1072 = arith.minimumf %min3A_1056, %min3A_1058 : vector<16xf32>
      %max3A_1073 = arith.maximumf %min3A_1056, %min3A_1058 : vector<16xf32>
      %min3A_1074 = arith.minimumf %max3A_1057, %max3A_1059 : vector<16xf32>
      %max3A_1075 = arith.maximumf %max3A_1057, %max3A_1059 : vector<16xf32>
      %min3A_1076 = arith.minimumf %min3A_1060, %min3A_1062 : vector<16xf32>
      %max3A_1077 = arith.maximumf %min3A_1060, %min3A_1062 : vector<16xf32>
      %min3A_1078 = arith.minimumf %max3A_1061, %max3A_1063 : vector<16xf32>
      %max3A_1079 = arith.maximumf %max3A_1061, %max3A_1063 : vector<16xf32>
      %get3A_1080 = arith.constant 112 : i32
      %get3A_1081 = arith.index_cast %get3A_1080 : i32 to index
      %get3A_1082 = arith.index_cast %mul3A_42 : i32 to index
      %get3A_1083 = tpu.vector_load %arg4[%get3A_1081, %get3A_1082] {strides = array<i32>} : memref<208x128xf32, #tpu.memory_space<vmem>>, vector<1x16xf32>,
      %get3A_1084 = vector.shape_cast %get3A_1083 : vector<1x16xf32> to vector<16xf32>
      %get3A_1085 = arith.constant 113 : i32
      %get3A_1086 = arith.index_cast %get3A_1085 : i32 to index
      %get3A_1087 = arith.index_cast %mul3A_42 : i32 to index
      %get3A_1088 = tpu.vector_load %arg4[%get3A_1086, %get3A_1087] {strides = array<i32>} : memref<208x128xf32, #tpu.memory_space<vmem>>, vector<1x16xf32>,
      %get3A_1089 = vector.shape_cast %get3A_1088 : vector<1x16xf32> to vector<16xf32>
      %get3A_1090 = arith.constant 114 : i32
      %get3A_1091 = arith.index_cast %get3A_1090 : i32 to index
      %get3A_1092 = arith.index_cast %mul3A_42 : i32 to index
      %get3A_1093 = tpu.vector_load %arg4[%get3A_1091, %get3A_1092] {strides = array<i32>} : memref<208x128xf32, #tpu.memory_space<vmem>>, vector<1x16xf32>,
      %get3A_1094 = vector.shape_cast %get3A_1093 : vector<1x16xf32> to vector<16xf32>
      %get3A_1095 = arith.constant 115 : i32
      %get3A_1096 = arith.index_cast %get3A_1095 : i32 to index
      %get3A_1097 = arith.index_cast %mul3A_42 : i32 to index
      %get3A_1098 = tpu.vector_load %arg4[%get3A_1096, %get3A_1097] {strides = array<i32>} : memref<208x128xf32, #tpu.memory_space<vmem>>, vector<1x16xf32>,
      %get3A_1099 = vector.shape_cast %get3A_1098 : vector<1x16xf32> to vector<16xf32>
      %get3A_1100 = arith.constant 116 : i32
      %get3A_1101 = arith.index_cast %get3A_1100 : i32 to index
      %get3A_1102 = arith.index_cast %mul3A_42 : i32 to index
      %get3A_1103 = tpu.vector_load %arg4[%get3A_1101, %get3A_1102] {strides = array<i32>} : memref<208x128xf32, #tpu.memory_space<vmem>>, vector<1x16xf32>,
      %get3A_1104 = vector.shape_cast %get3A_1103 : vector<1x16xf32> to vector<16xf32>
      %get3A_1105 = arith.constant 117 : i32
      %get3A_1106 = arith.index_cast %get3A_1105 : i32 to index
      %get3A_1107 = arith.index_cast %mul3A_42 : i32 to index
      %get3A_1108 = tpu.vector_load %arg4[%get3A_1106, %get3A_1107] {strides = array<i32>} : memref<208x128xf32, #tpu.memory_space<vmem>>, vector<1x16xf32>,
      %get3A_1109 = vector.shape_cast %get3A_1108 : vector<1x16xf32> to vector<16xf32>
      %get3A_1110 = arith.constant 118 : i32
      %get3A_1111 = arith.index_cast %get3A_1110 : i32 to index
      %get3A_1112 = arith.index_cast %mul3A_42 : i32 to index
      %get3A_1113 = tpu.vector_load %arg4[%get3A_1111, %get3A_1112] {strides = array<i32>} : memref<208x128xf32, #tpu.memory_space<vmem>>, vector<1x16xf32>,
      %get3A_1114 = vector.shape_cast %get3A_1113 : vector<1x16xf32> to vector<16xf32>
      %get3A_1115 = arith.constant 119 : i32
      %get3A_1116 = arith.index_cast %get3A_1115 : i32 to index
      %get3A_1117 = arith.index_cast %mul3A_42 : i32 to index
      %get3A_1118 = tpu.vector_load %arg4[%get3A_1116, %get3A_1117] {strides = array<i32>} : memref<208x128xf32, #tpu.memory_space<vmem>>, vector<1x16xf32>,
      %get3A_1119 = vector.shape_cast %get3A_1118 : vector<1x16xf32> to vector<16xf32>
      %get3A_1120 = arith.constant 120 : i32
      %get3A_1121 = arith.index_cast %get3A_1120 : i32 to index
      %get3A_1122 = arith.index_cast %mul3A_42 : i32 to index
      %get3A_1123 = tpu.vector_load %arg4[%get3A_1121, %get3A_1122] {strides = array<i32>} : memref<208x128xf32, #tpu.memory_space<vmem>>, vector<1x16xf32>,
      %get3A_1124 = vector.shape_cast %get3A_1123 : vector<1x16xf32> to vector<16xf32>
      %get3A_1125 = arith.constant 121 : i32
      %get3A_1126 = arith.index_cast %get3A_1125 : i32 to index
      %get3A_1127 = arith.index_cast %mul3A_42 : i32 to index
      %get3A_1128 = tpu.vector_load %arg4[%get3A_1126, %get3A_1127] {strides = array<i32>} : memref<208x128xf32, #tpu.memory_space<vmem>>, vector<1x16xf32>,
      %get3A_1129 = vector.shape_cast %get3A_1128 : vector<1x16xf32> to vector<16xf32>
      %get3A_1130 = arith.constant 122 : i32
      %get3A_1131 = arith.index_cast %get3A_1130 : i32 to index
      %get3A_1132 = arith.index_cast %mul3A_42 : i32 to index
      %get3A_1133 = tpu.vector_load %arg4[%get3A_1131, %get3A_1132] {strides = array<i32>} : memref<208x128xf32, #tpu.memory_space<vmem>>, vector<1x16xf32>,
      %get3A_1134 = vector.shape_cast %get3A_1133 : vector<1x16xf32> to vector<16xf32>
      %get3A_1135 = arith.constant 123 : i32
      %get3A_1136 = arith.index_cast %get3A_1135 : i32 to index
      %get3A_1137 = arith.index_cast %mul3A_42 : i32 to index
      %get3A_1138 = tpu.vector_load %arg4[%get3A_1136, %get3A_1137] {strides = array<i32>} : memref<208x128xf32, #tpu.memory_space<vmem>>, vector<1x16xf32>,
      %get3A_1139 = vector.shape_cast %get3A_1138 : vector<1x16xf32> to vector<16xf32>
      %get3A_1140 = arith.constant 124 : i32
      %get3A_1141 = arith.index_cast %get3A_1140 : i32 to index
      %get3A_1142 = arith.index_cast %mul3A_42 : i32 to index
      %get3A_1143 = tpu.vector_load %arg4[%get3A_1141, %get3A_1142] {strides = array<i32>} : memref<208x128xf32, #tpu.memory_space<vmem>>, vector<1x16xf32>,
      %get3A_1144 = vector.shape_cast %get3A_1143 : vector<1x16xf32> to vector<16xf32>
      %get3A_1145 = arith.constant 125 : i32
      %get3A_1146 = arith.index_cast %get3A_1145 : i32 to index
      %get3A_1147 = arith.index_cast %mul3A_42 : i32 to index
      %get3A_1148 = tpu.vector_load %arg4[%get3A_1146, %get3A_1147] {strides = array<i32>} : memref<208x128xf32, #tpu.memory_space<vmem>>, vector<1x16xf32>,
      %get3A_1149 = vector.shape_cast %get3A_1148 : vector<1x16xf32> to vector<16xf32>
      %get3A_1150 = arith.constant 126 : i32
      %get3A_1151 = arith.index_cast %get3A_1150 : i32 to index
      %get3A_1152 = arith.index_cast %mul3A_42 : i32 to index
      %get3A_1153 = tpu.vector_load %arg4[%get3A_1151, %get3A_1152] {strides = array<i32>} : memref<208x128xf32, #tpu.memory_space<vmem>>, vector<1x16xf32>,
      %get3A_1154 = vector.shape_cast %get3A_1153 : vector<1x16xf32> to vector<16xf32>
      %get3A_1155 = arith.constant 127 : i32
      %get3A_1156 = arith.index_cast %get3A_1155 : i32 to index
      %get3A_1157 = arith.index_cast %mul3A_42 : i32 to index
      %get3A_1158 = tpu.vector_load %arg4[%get3A_1156, %get3A_1157] {strides = array<i32>} : memref<208x128xf32, #tpu.memory_space<vmem>>, vector<1x16xf32>,
      %get3A_1159 = vector.shape_cast %get3A_1158 : vector<1x16xf32> to vector<16xf32>
      %min3A_1160 = arith.minimumf %min3A_1064, %get3A_1159 : vector<16xf32>
      %min3A_1161 = arith.minimumf %max3A_1065, %get3A_1154 : vector<16xf32>
      %min3A_1162 = arith.minimumf %min3A_1066, %get3A_1149 : vector<16xf32>
      %min3A_1163 = arith.minimumf %max3A_1067, %get3A_1144 : vector<16xf32>
      %min3A_1164 = arith.minimumf %min3A_1068, %get3A_1139 : vector<16xf32>
      %min3A_1165 = arith.minimumf %max3A_1069, %get3A_1134 : vector<16xf32>
      %min3A_1166 = arith.minimumf %min3A_1070, %get3A_1129 : vector<16xf32>
      %min3A_1167 = arith.minimumf %max3A_1071, %get3A_1124 : vector<16xf32>
      %min3A_1168 = arith.minimumf %min3A_1072, %get3A_1119 : vector<16xf32>
      %min3A_1169 = arith.minimumf %max3A_1073, %get3A_1114 : vector<16xf32>
      %min3A_1170 = arith.minimumf %min3A_1074, %get3A_1109 : vector<16xf32>
      %min3A_1171 = arith.minimumf %max3A_1075, %get3A_1104 : vector<16xf32>
      %min3A_1172 = arith.minimumf %min3A_1076, %get3A_1099 : vector<16xf32>
      %min3A_1173 = arith.minimumf %max3A_1077, %get3A_1094 : vector<16xf32>
      %min3A_1174 = arith.minimumf %min3A_1078, %get3A_1089 : vector<16xf32>
      %min3A_1175 = arith.minimumf %max3A_1079, %get3A_1084 : vector<16xf32>
      %min3A_1176 = arith.minimumf %min3A_1160, %min3A_1168 : vector<16xf32>
      %max3A_1177 = arith.maximumf %min3A_1160, %min3A_1168 : vector<16xf32>
      %min3A_1178 = arith.minimumf %min3A_1161, %min3A_1169 : vector<16xf32>
      %max3A_1179 = arith.maximumf %min3A_1161, %min3A_1169 : vector<16xf32>
      %min3A_1180 = arith.minimumf %min3A_1162, %min3A_1170 : vector<16xf32>
      %max3A_1181 = arith.maximumf %min3A_1162, %min3A_1170 : vector<16xf32>
      %min3A_1182 = arith.minimumf %min3A_1163, %min3A_1171 : vector<16xf32>
      %max3A_1183 = arith.maximumf %min3A_1163, %min3A_1171 : vector<16xf32>
      %min3A_1184 = arith.minimumf %min3A_1164, %min3A_1172 : vector<16xf32>
      %max3A_1185 = arith.maximumf %min3A_1164, %min3A_1172 : vector<16xf32>
      %min3A_1186 = arith.minimumf %min3A_1165, %min3A_1173 : vector<16xf32>
      %max3A_1187 = arith.maximumf %min3A_1165, %min3A_1173 : vector<16xf32>
      %min3A_1188 = arith.minimumf %min3A_1166, %min3A_1174 : vector<16xf32>
      %max3A_1189 = arith.maximumf %min3A_1166, %min3A_1174 : vector<16xf32>
      %min3A_1190 = arith.minimumf %min3A_1167, %min3A_1175 : vector<16xf32>
      %max3A_1191 = arith.maximumf %min3A_1167, %min3A_1175 : vector<16xf32>
      %min3A_1192 = arith.minimumf %min3A_1176, %min3A_1184 : vector<16xf32>
      %max3A_1193 = arith.maximumf %min3A_1176, %min3A_1184 : vector<16xf32>
      %min3A_1194 = arith.minimumf %min3A_1178, %min3A_1186 : vector<16xf32>
      %max3A_1195 = arith.maximumf %min3A_1178, %min3A_1186 : vector<16xf32>
      %min3A_1196 = arith.minimumf %min3A_1180, %min3A_1188 : vector<16xf32>
      %max3A_1197 = arith.maximumf %min3A_1180, %min3A_1188 : vector<16xf32>
      %min3A_1198 = arith.minimumf %min3A_1182, %min3A_1190 : vector<16xf32>
      %max3A_1199 = arith.maximumf %min3A_1182, %min3A_1190 : vector<16xf32>
      %min3A_1200 = arith.minimumf %max3A_1177, %max3A_1185 : vector<16xf32>
      %max3A_1201 = arith.maximumf %max3A_1177, %max3A_1185 : vector<16xf32>
      %min3A_1202 = arith.minimumf %max3A_1179, %max3A_1187 : vector<16xf32>
      %max3A_1203 = arith.maximumf %max3A_1179, %max3A_1187 : vector<16xf32>
      %min3A_1204 = arith.minimumf %max3A_1181, %max3A_1189 : vector<16xf32>
      %max3A_1205 = arith.maximumf %max3A_1181, %max3A_1189 : vector<16xf32>
      %min3A_1206 = arith.minimumf %max3A_1183, %max3A_1191 : vector<16xf32>
      %max3A_1207 = arith.maximumf %max3A_1183, %max3A_1191 : vector<16xf32>
      %min3A_1208 = arith.minimumf %min3A_1192, %min3A_1196 : vector<16xf32>
      %max3A_1209 = arith.maximumf %min3A_1192, %min3A_1196 : vector<16xf32>
      %min3A_1210 = arith.minimumf %min3A_1194, %min3A_1198 : vector<16xf32>
      %max3A_1211 = arith.maximumf %min3A_1194, %min3A_1198 : vector<16xf32>
      %min3A_1212 = arith.minimumf %max3A_1193, %max3A_1197 : vector<16xf32>
      %max3A_1213 = arith.maximumf %max3A_1193, %max3A_1197 : vector<16xf32>
      %min3A_1214 = arith.minimumf %max3A_1195, %max3A_1199 : vector<16xf32>
      %max3A_1215 = arith.maximumf %max3A_1195, %max3A_1199 : vector<16xf32>
      %min3A_1216 = arith.minimumf %min3A_1200, %min3A_1204 : vector<16xf32>
      %max3A_1217 = arith.maximumf %min3A_1200, %min3A_1204 : vector<16xf32>
      %min3A_1218 = arith.minimumf %min3A_1202, %min3A_1206 : vector<16xf32>
      %max3A_1219 = arith.maximumf %min3A_1202, %min3A_1206 : vector<16xf32>
      %min3A_1220 = arith.minimumf %max3A_1201, %max3A_1205 : vector<16xf32>
      %max3A_1221 = arith.maximumf %max3A_1201, %max3A_1205 : vector<16xf32>
      %min3A_1222 = arith.minimumf %max3A_1203, %max3A_1207 : vector<16xf32>
      %max3A_1223 = arith.maximumf %max3A_1203, %max3A_1207 : vector<16xf32>
      %min3A_1224 = arith.minimumf %min3A_1208, %min3A_1210 : vector<16xf32>
      %max3A_1225 = arith.maximumf %min3A_1208, %min3A_1210 : vector<16xf32>
      %min3A_1226 = arith.minimumf %max3A_1209, %max3A_1211 : vector<16xf32>
      %max3A_1227 = arith.maximumf %max3A_1209, %max3A_1211 : vector<16xf32>
      %min3A_1228 = arith.minimumf %min3A_1212, %min3A_1214 : vector<16xf32>
      %max3A_1229 = arith.maximumf %min3A_1212, %min3A_1214 : vector<16xf32>
      %min3A_1230 = arith.minimumf %max3A_1213, %max3A_1215 : vector<16xf32>
      %max3A_1231 = arith.maximumf %max3A_1213, %max3A_1215 : vector<16xf32>
      %min3A_1232 = arith.minimumf %min3A_1216, %min3A_1218 : vector<16xf32>
      %max3A_1233 = arith.maximumf %min3A_1216, %min3A_1218 : vector<16xf32>
      %min3A_1234 = arith.minimumf %max3A_1217, %max3A_1219 : vector<16xf32>
      %max3A_1235 = arith.maximumf %max3A_1217, %max3A_1219 : vector<16xf32>
      %min3A_1236 = arith.minimumf %min3A_1220, %min3A_1222 : vector<16xf32>
      %max3A_1237 = arith.maximumf %min3A_1220, %min3A_1222 : vector<16xf32>
      %min3A_1238 = arith.minimumf %max3A_1221, %max3A_1223 : vector<16xf32>
      %max3A_1239 = arith.maximumf %max3A_1221, %max3A_1223 : vector<16xf32>
      %get3A_1240 = arith.constant 128 : i32
      %get3A_1241 = arith.index_cast %get3A_1240 : i32 to index
      %get3A_1242 = arith.index_cast %mul3A_42 : i32 to index
      %get3A_1243 = tpu.vector_load %arg4[%get3A_1241, %get3A_1242] {strides = array<i32>} : memref<208x128xf32, #tpu.memory_space<vmem>>, vector<1x16xf32>,
      %get3A_1244 = vector.shape_cast %get3A_1243 : vector<1x16xf32> to vector<16xf32>
      %get3A_1245 = arith.constant 129 : i32
      %get3A_1246 = arith.index_cast %get3A_1245 : i32 to index
      %get3A_1247 = arith.index_cast %mul3A_42 : i32 to index
      %get3A_1248 = tpu.vector_load %arg4[%get3A_1246, %get3A_1247] {strides = array<i32>} : memref<208x128xf32, #tpu.memory_space<vmem>>, vector<1x16xf32>,
      %get3A_1249 = vector.shape_cast %get3A_1248 : vector<1x16xf32> to vector<16xf32>
      %get3A_1250 = arith.constant 130 : i32
      %get3A_1251 = arith.index_cast %get3A_1250 : i32 to index
      %get3A_1252 = arith.index_cast %mul3A_42 : i32 to index
      %get3A_1253 = tpu.vector_load %arg4[%get3A_1251, %get3A_1252] {strides = array<i32>} : memref<208x128xf32, #tpu.memory_space<vmem>>, vector<1x16xf32>,
      %get3A_1254 = vector.shape_cast %get3A_1253 : vector<1x16xf32> to vector<16xf32>
      %get3A_1255 = arith.constant 131 : i32
      %get3A_1256 = arith.index_cast %get3A_1255 : i32 to index
      %get3A_1257 = arith.index_cast %mul3A_42 : i32 to index
      %get3A_1258 = tpu.vector_load %arg4[%get3A_1256, %get3A_1257] {strides = array<i32>} : memref<208x128xf32, #tpu.memory_space<vmem>>, vector<1x16xf32>,
      %get3A_1259 = vector.shape_cast %get3A_1258 : vector<1x16xf32> to vector<16xf32>
      %get3A_1260 = arith.constant 132 : i32
      %get3A_1261 = arith.index_cast %get3A_1260 : i32 to index
      %get3A_1262 = arith.index_cast %mul3A_42 : i32 to index
      %get3A_1263 = tpu.vector_load %arg4[%get3A_1261, %get3A_1262] {strides = array<i32>} : memref<208x128xf32, #tpu.memory_space<vmem>>, vector<1x16xf32>,
      %get3A_1264 = vector.shape_cast %get3A_1263 : vector<1x16xf32> to vector<16xf32>
      %get3A_1265 = arith.constant 133 : i32
      %get3A_1266 = arith.index_cast %get3A_1265 : i32 to index
      %get3A_1267 = arith.index_cast %mul3A_42 : i32 to index
      %get3A_1268 = tpu.vector_load %arg4[%get3A_1266, %get3A_1267] {strides = array<i32>} : memref<208x128xf32, #tpu.memory_space<vmem>>, vector<1x16xf32>,
      %get3A_1269 = vector.shape_cast %get3A_1268 : vector<1x16xf32> to vector<16xf32>
      %get3A_1270 = arith.constant 134 : i32
      %get3A_1271 = arith.index_cast %get3A_1270 : i32 to index
      %get3A_1272 = arith.index_cast %mul3A_42 : i32 to index
      %get3A_1273 = tpu.vector_load %arg4[%get3A_1271, %get3A_1272] {strides = array<i32>} : memref<208x128xf32, #tpu.memory_space<vmem>>, vector<1x16xf32>,
      %get3A_1274 = vector.shape_cast %get3A_1273 : vector<1x16xf32> to vector<16xf32>
      %get3A_1275 = arith.constant 135 : i32
      %get3A_1276 = arith.index_cast %get3A_1275 : i32 to index
      %get3A_1277 = arith.index_cast %mul3A_42 : i32 to index
      %get3A_1278 = tpu.vector_load %arg4[%get3A_1276, %get3A_1277] {strides = array<i32>} : memref<208x128xf32, #tpu.memory_space<vmem>>, vector<1x16xf32>,
      %get3A_1279 = vector.shape_cast %get3A_1278 : vector<1x16xf32> to vector<16xf32>
      %get3A_1280 = arith.constant 136 : i32
      %get3A_1281 = arith.index_cast %get3A_1280 : i32 to index
      %get3A_1282 = arith.index_cast %mul3A_42 : i32 to index
      %get3A_1283 = tpu.vector_load %arg4[%get3A_1281, %get3A_1282] {strides = array<i32>} : memref<208x128xf32, #tpu.memory_space<vmem>>, vector<1x16xf32>,
      %get3A_1284 = vector.shape_cast %get3A_1283 : vector<1x16xf32> to vector<16xf32>
      %get3A_1285 = arith.constant 137 : i32
      %get3A_1286 = arith.index_cast %get3A_1285 : i32 to index
      %get3A_1287 = arith.index_cast %mul3A_42 : i32 to index
      %get3A_1288 = tpu.vector_load %arg4[%get3A_1286, %get3A_1287] {strides = array<i32>} : memref<208x128xf32, #tpu.memory_space<vmem>>, vector<1x16xf32>,
      %get3A_1289 = vector.shape_cast %get3A_1288 : vector<1x16xf32> to vector<16xf32>
      %get3A_1290 = arith.constant 138 : i32
      %get3A_1291 = arith.index_cast %get3A_1290 : i32 to index
      %get3A_1292 = arith.index_cast %mul3A_42 : i32 to index
      %get3A_1293 = tpu.vector_load %arg4[%get3A_1291, %get3A_1292] {strides = array<i32>} : memref<208x128xf32, #tpu.memory_space<vmem>>, vector<1x16xf32>,
      %get3A_1294 = vector.shape_cast %get3A_1293 : vector<1x16xf32> to vector<16xf32>
      %get3A_1295 = arith.constant 139 : i32
      %get3A_1296 = arith.index_cast %get3A_1295 : i32 to index
      %get3A_1297 = arith.index_cast %mul3A_42 : i32 to index
      %get3A_1298 = tpu.vector_load %arg4[%get3A_1296, %get3A_1297] {strides = array<i32>} : memref<208x128xf32, #tpu.memory_space<vmem>>, vector<1x16xf32>,
      %get3A_1299 = vector.shape_cast %get3A_1298 : vector<1x16xf32> to vector<16xf32>
      %get3A_1300 = arith.constant 140 : i32
      %get3A_1301 = arith.index_cast %get3A_1300 : i32 to index
      %get3A_1302 = arith.index_cast %mul3A_42 : i32 to index
      %get3A_1303 = tpu.vector_load %arg4[%get3A_1301, %get3A_1302] {strides = array<i32>} : memref<208x128xf32, #tpu.memory_space<vmem>>, vector<1x16xf32>,
      %get3A_1304 = vector.shape_cast %get3A_1303 : vector<1x16xf32> to vector<16xf32>
      %get3A_1305 = arith.constant 141 : i32
      %get3A_1306 = arith.index_cast %get3A_1305 : i32 to index
      %get3A_1307 = arith.index_cast %mul3A_42 : i32 to index
      %get3A_1308 = tpu.vector_load %arg4[%get3A_1306, %get3A_1307] {strides = array<i32>} : memref<208x128xf32, #tpu.memory_space<vmem>>, vector<1x16xf32>,
      %get3A_1309 = vector.shape_cast %get3A_1308 : vector<1x16xf32> to vector<16xf32>
      %get3A_1310 = arith.constant 142 : i32
      %get3A_1311 = arith.index_cast %get3A_1310 : i32 to index
      %get3A_1312 = arith.index_cast %mul3A_42 : i32 to index
      %get3A_1313 = tpu.vector_load %arg4[%get3A_1311, %get3A_1312] {strides = array<i32>} : memref<208x128xf32, #tpu.memory_space<vmem>>, vector<1x16xf32>,
      %get3A_1314 = vector.shape_cast %get3A_1313 : vector<1x16xf32> to vector<16xf32>
      %get3A_1315 = arith.constant 143 : i32
      %get3A_1316 = arith.index_cast %get3A_1315 : i32 to index
      %get3A_1317 = arith.index_cast %mul3A_42 : i32 to index
      %get3A_1318 = tpu.vector_load %arg4[%get3A_1316, %get3A_1317] {strides = array<i32>} : memref<208x128xf32, #tpu.memory_space<vmem>>, vector<1x16xf32>,
      %get3A_1319 = vector.shape_cast %get3A_1318 : vector<1x16xf32> to vector<16xf32>
      %min3A_1320 = arith.minimumf %min3A_1224, %get3A_1319 : vector<16xf32>
      %min3A_1321 = arith.minimumf %max3A_1225, %get3A_1314 : vector<16xf32>
      %min3A_1322 = arith.minimumf %min3A_1226, %get3A_1309 : vector<16xf32>
      %min3A_1323 = arith.minimumf %max3A_1227, %get3A_1304 : vector<16xf32>
      %min3A_1324 = arith.minimumf %min3A_1228, %get3A_1299 : vector<16xf32>
      %min3A_1325 = arith.minimumf %max3A_1229, %get3A_1294 : vector<16xf32>
      %min3A_1326 = arith.minimumf %min3A_1230, %get3A_1289 : vector<16xf32>
      %min3A_1327 = arith.minimumf %max3A_1231, %get3A_1284 : vector<16xf32>
      %min3A_1328 = arith.minimumf %min3A_1232, %get3A_1279 : vector<16xf32>
      %min3A_1329 = arith.minimumf %max3A_1233, %get3A_1274 : vector<16xf32>
      %min3A_1330 = arith.minimumf %min3A_1234, %get3A_1269 : vector<16xf32>
      %min3A_1331 = arith.minimumf %max3A_1235, %get3A_1264 : vector<16xf32>
      %min3A_1332 = arith.minimumf %min3A_1236, %get3A_1259 : vector<16xf32>
      %min3A_1333 = arith.minimumf %max3A_1237, %get3A_1254 : vector<16xf32>
      %min3A_1334 = arith.minimumf %min3A_1238, %get3A_1249 : vector<16xf32>
      %min3A_1335 = arith.minimumf %max3A_1239, %get3A_1244 : vector<16xf32>
      %min3A_1336 = arith.minimumf %min3A_1320, %min3A_1328 : vector<16xf32>
      %max3A_1337 = arith.maximumf %min3A_1320, %min3A_1328 : vector<16xf32>
      %min3A_1338 = arith.minimumf %min3A_1321, %min3A_1329 : vector<16xf32>
      %max3A_1339 = arith.maximumf %min3A_1321, %min3A_1329 : vector<16xf32>
      %min3A_1340 = arith.minimumf %min3A_1322, %min3A_1330 : vector<16xf32>
      %max3A_1341 = arith.maximumf %min3A_1322, %min3A_1330 : vector<16xf32>
      %min3A_1342 = arith.minimumf %min3A_1323, %min3A_1331 : vector<16xf32>
      %max3A_1343 = arith.maximumf %min3A_1323, %min3A_1331 : vector<16xf32>
      %min3A_1344 = arith.minimumf %min3A_1324, %min3A_1332 : vector<16xf32>
      %max3A_1345 = arith.maximumf %min3A_1324, %min3A_1332 : vector<16xf32>
      %min3A_1346 = arith.minimumf %min3A_1325, %min3A_1333 : vector<16xf32>
      %max3A_1347 = arith.maximumf %min3A_1325, %min3A_1333 : vector<16xf32>
      %min3A_1348 = arith.minimumf %min3A_1326, %min3A_1334 : vector<16xf32>
      %max3A_1349 = arith.maximumf %min3A_1326, %min3A_1334 : vector<16xf32>
      %min3A_1350 = arith.minimumf %min3A_1327, %min3A_1335 : vector<16xf32>
      %max3A_1351 = arith.maximumf %min3A_1327, %min3A_1335 : vector<16xf32>
      %min3A_1352 = arith.minimumf %min3A_1336, %min3A_1344 : vector<16xf32>
      %max3A_1353 = arith.maximumf %min3A_1336, %min3A_1344 : vector<16xf32>
      %min3A_1354 = arith.minimumf %min3A_1338, %min3A_1346 : vector<16xf32>
      %max3A_1355 = arith.maximumf %min3A_1338, %min3A_1346 : vector<16xf32>
      %min3A_1356 = arith.minimumf %min3A_1340, %min3A_1348 : vector<16xf32>
      %max3A_1357 = arith.maximumf %min3A_1340, %min3A_1348 : vector<16xf32>
      %min3A_1358 = arith.minimumf %min3A_1342, %min3A_1350 : vector<16xf32>
      %max3A_1359 = arith.maximumf %min3A_1342, %min3A_1350 : vector<16xf32>
      %min3A_1360 = arith.minimumf %max3A_1337, %max3A_1345 : vector<16xf32>
      %max3A_1361 = arith.maximumf %max3A_1337, %max3A_1345 : vector<16xf32>
      %min3A_1362 = arith.minimumf %max3A_1339, %max3A_1347 : vector<16xf32>
      %max3A_1363 = arith.maximumf %max3A_1339, %max3A_1347 : vector<16xf32>
      %min3A_1364 = arith.minimumf %max3A_1341, %max3A_1349 : vector<16xf32>
      %max3A_1365 = arith.maximumf %max3A_1341, %max3A_1349 : vector<16xf32>
      %min3A_1366 = arith.minimumf %max3A_1343, %max3A_1351 : vector<16xf32>
      %max3A_1367 = arith.maximumf %max3A_1343, %max3A_1351 : vector<16xf32>
      %min3A_1368 = arith.minimumf %min3A_1352, %min3A_1356 : vector<16xf32>
      %max3A_1369 = arith.maximumf %min3A_1352, %min3A_1356 : vector<16xf32>
      %min3A_1370 = arith.minimumf %min3A_1354, %min3A_1358 : vector<16xf32>
      %max3A_1371 = arith.maximumf %min3A_1354, %min3A_1358 : vector<16xf32>
      %min3A_1372 = arith.minimumf %max3A_1353, %max3A_1357 : vector<16xf32>
      %max3A_1373 = arith.maximumf %max3A_1353, %max3A_1357 : vector<16xf32>
      %min3A_1374 = arith.minimumf %max3A_1355, %max3A_1359 : vector<16xf32>
      %max3A_1375 = arith.maximumf %max3A_1355, %max3A_1359 : vector<16xf32>
      %min3A_1376 = arith.minimumf %min3A_1360, %min3A_1364 : vector<16xf32>
      %max3A_1377 = arith.maximumf %min3A_1360, %min3A_1364 : vector<16xf32>
      %min3A_1378 = arith.minimumf %min3A_1362, %min3A_1366 : vector<16xf32>
      %max3A_1379 = arith.maximumf %min3A_1362, %min3A_1366 : vector<16xf32>
      %min3A_1380 = arith.minimumf %max3A_1361, %max3A_1365 : vector<16xf32>
      %max3A_1381 = arith.maximumf %max3A_1361, %max3A_1365 : vector<16xf32>
      %min3A_1382 = arith.minimumf %max3A_1363, %max3A_1367 : vector<16xf32>
      %max3A_1383 = arith.maximumf %max3A_1363, %max3A_1367 : vector<16xf32>
      %min3A_1384 = arith.minimumf %min3A_1368, %min3A_1370 : vector<16xf32>
      %max3A_1385 = arith.maximumf %min3A_1368, %min3A_1370 : vector<16xf32>
      %min3A_1386 = arith.minimumf %max3A_1369, %max3A_1371 : vector<16xf32>
      %max3A_1387 = arith.maximumf %max3A_1369, %max3A_1371 : vector<16xf32>
      %min3A_1388 = arith.minimumf %min3A_1372, %min3A_1374 : vector<16xf32>
      %max3A_1389 = arith.maximumf %min3A_1372, %min3A_1374 : vector<16xf32>
      %min3A_1390 = arith.minimumf %max3A_1373, %max3A_1375 : vector<16xf32>
      %max3A_1391 = arith.maximumf %max3A_1373, %max3A_1375 : vector<16xf32>
      %min3A_1392 = arith.minimumf %min3A_1376, %min3A_1378 : vector<16xf32>
      %max3A_1393 = arith.maximumf %min3A_1376, %min3A_1378 : vector<16xf32>
      %min3A_1394 = arith.minimumf %max3A_1377, %max3A_1379 : vector<16xf32>
      %max3A_1395 = arith.maximumf %max3A_1377, %max3A_1379 : vector<16xf32>
      %min3A_1396 = arith.minimumf %min3A_1380, %min3A_1382 : vector<16xf32>
      %max3A_1397 = arith.maximumf %min3A_1380, %min3A_1382 : vector<16xf32>
      %min3A_1398 = arith.minimumf %max3A_1381, %max3A_1383 : vector<16xf32>
      %max3A_1399 = arith.maximumf %max3A_1381, %max3A_1383 : vector<16xf32>
      %get3A_1400 = arith.constant 144 : i32
      %get3A_1401 = arith.index_cast %get3A_1400 : i32 to index
      %get3A_1402 = arith.index_cast %mul3A_42 : i32 to index
      %get3A_1403 = tpu.vector_load %arg4[%get3A_1401, %get3A_1402] {strides = array<i32>} : memref<208x128xf32, #tpu.memory_space<vmem>>, vector<1x16xf32>,
      %get3A_1404 = vector.shape_cast %get3A_1403 : vector<1x16xf32> to vector<16xf32>
      %get3A_1405 = arith.constant 145 : i32
      %get3A_1406 = arith.index_cast %get3A_1405 : i32 to index
      %get3A_1407 = arith.index_cast %mul3A_42 : i32 to index
      %get3A_1408 = tpu.vector_load %arg4[%get3A_1406, %get3A_1407] {strides = array<i32>} : memref<208x128xf32, #tpu.memory_space<vmem>>, vector<1x16xf32>,
      %get3A_1409 = vector.shape_cast %get3A_1408 : vector<1x16xf32> to vector<16xf32>
      %get3A_1410 = arith.constant 146 : i32
      %get3A_1411 = arith.index_cast %get3A_1410 : i32 to index
      %get3A_1412 = arith.index_cast %mul3A_42 : i32 to index
      %get3A_1413 = tpu.vector_load %arg4[%get3A_1411, %get3A_1412] {strides = array<i32>} : memref<208x128xf32, #tpu.memory_space<vmem>>, vector<1x16xf32>,
      %get3A_1414 = vector.shape_cast %get3A_1413 : vector<1x16xf32> to vector<16xf32>
      %get3A_1415 = arith.constant 147 : i32
      %get3A_1416 = arith.index_cast %get3A_1415 : i32 to index
      %get3A_1417 = arith.index_cast %mul3A_42 : i32 to index
      %get3A_1418 = tpu.vector_load %arg4[%get3A_1416, %get3A_1417] {strides = array<i32>} : memref<208x128xf32, #tpu.memory_space<vmem>>, vector<1x16xf32>,
      %get3A_1419 = vector.shape_cast %get3A_1418 : vector<1x16xf32> to vector<16xf32>
      %get3A_1420 = arith.constant 148 : i32
      %get3A_1421 = arith.index_cast %get3A_1420 : i32 to index
      %get3A_1422 = arith.index_cast %mul3A_42 : i32 to index
      %get3A_1423 = tpu.vector_load %arg4[%get3A_1421, %get3A_1422] {strides = array<i32>} : memref<208x128xf32, #tpu.memory_space<vmem>>, vector<1x16xf32>,
      %get3A_1424 = vector.shape_cast %get3A_1423 : vector<1x16xf32> to vector<16xf32>
      %get3A_1425 = arith.constant 149 : i32
      %get3A_1426 = arith.index_cast %get3A_1425 : i32 to index
      %get3A_1427 = arith.index_cast %mul3A_42 : i32 to index
      %get3A_1428 = tpu.vector_load %arg4[%get3A_1426, %get3A_1427] {strides = array<i32>} : memref<208x128xf32, #tpu.memory_space<vmem>>, vector<1x16xf32>,
      %get3A_1429 = vector.shape_cast %get3A_1428 : vector<1x16xf32> to vector<16xf32>
      %get3A_1430 = arith.constant 150 : i32
      %get3A_1431 = arith.index_cast %get3A_1430 : i32 to index
      %get3A_1432 = arith.index_cast %mul3A_42 : i32 to index
      %get3A_1433 = tpu.vector_load %arg4[%get3A_1431, %get3A_1432] {strides = array<i32>} : memref<208x128xf32, #tpu.memory_space<vmem>>, vector<1x16xf32>,
      %get3A_1434 = vector.shape_cast %get3A_1433 : vector<1x16xf32> to vector<16xf32>
      %get3A_1435 = arith.constant 151 : i32
      %get3A_1436 = arith.index_cast %get3A_1435 : i32 to index
      %get3A_1437 = arith.index_cast %mul3A_42 : i32 to index
      %get3A_1438 = tpu.vector_load %arg4[%get3A_1436, %get3A_1437] {strides = array<i32>} : memref<208x128xf32, #tpu.memory_space<vmem>>, vector<1x16xf32>,
      %get3A_1439 = vector.shape_cast %get3A_1438 : vector<1x16xf32> to vector<16xf32>
      %get3A_1440 = arith.constant 152 : i32
      %get3A_1441 = arith.index_cast %get3A_1440 : i32 to index
      %get3A_1442 = arith.index_cast %mul3A_42 : i32 to index
      %get3A_1443 = tpu.vector_load %arg4[%get3A_1441, %get3A_1442] {strides = array<i32>} : memref<208x128xf32, #tpu.memory_space<vmem>>, vector<1x16xf32>,
      %get3A_1444 = vector.shape_cast %get3A_1443 : vector<1x16xf32> to vector<16xf32>
      %get3A_1445 = arith.constant 153 : i32
      %get3A_1446 = arith.index_cast %get3A_1445 : i32 to index
      %get3A_1447 = arith.index_cast %mul3A_42 : i32 to index
      %get3A_1448 = tpu.vector_load %arg4[%get3A_1446, %get3A_1447] {strides = array<i32>} : memref<208x128xf32, #tpu.memory_space<vmem>>, vector<1x16xf32>,
      %get3A_1449 = vector.shape_cast %get3A_1448 : vector<1x16xf32> to vector<16xf32>
      %get3A_1450 = arith.constant 154 : i32
      %get3A_1451 = arith.index_cast %get3A_1450 : i32 to index
      %get3A_1452 = arith.index_cast %mul3A_42 : i32 to index
      %get3A_1453 = tpu.vector_load %arg4[%get3A_1451, %get3A_1452] {strides = array<i32>} : memref<208x128xf32, #tpu.memory_space<vmem>>, vector<1x16xf32>,
      %get3A_1454 = vector.shape_cast %get3A_1453 : vector<1x16xf32> to vector<16xf32>
      %get3A_1455 = arith.constant 155 : i32
      %get3A_1456 = arith.index_cast %get3A_1455 : i32 to index
      %get3A_1457 = arith.index_cast %mul3A_42 : i32 to index
      %get3A_1458 = tpu.vector_load %arg4[%get3A_1456, %get3A_1457] {strides = array<i32>} : memref<208x128xf32, #tpu.memory_space<vmem>>, vector<1x16xf32>,
      %get3A_1459 = vector.shape_cast %get3A_1458 : vector<1x16xf32> to vector<16xf32>
      %get3A_1460 = arith.constant 156 : i32
      %get3A_1461 = arith.index_cast %get3A_1460 : i32 to index
      %get3A_1462 = arith.index_cast %mul3A_42 : i32 to index
      %get3A_1463 = tpu.vector_load %arg4[%get3A_1461, %get3A_1462] {strides = array<i32>} : memref<208x128xf32, #tpu.memory_space<vmem>>, vector<1x16xf32>,
      %get3A_1464 = vector.shape_cast %get3A_1463 : vector<1x16xf32> to vector<16xf32>
      %get3A_1465 = arith.constant 157 : i32
      %get3A_1466 = arith.index_cast %get3A_1465 : i32 to index
      %get3A_1467 = arith.index_cast %mul3A_42 : i32 to index
      %get3A_1468 = tpu.vector_load %arg4[%get3A_1466, %get3A_1467] {strides = array<i32>} : memref<208x128xf32, #tpu.memory_space<vmem>>, vector<1x16xf32>,
      %get3A_1469 = vector.shape_cast %get3A_1468 : vector<1x16xf32> to vector<16xf32>
      %get3A_1470 = arith.constant 158 : i32
      %get3A_1471 = arith.index_cast %get3A_1470 : i32 to index
      %get3A_1472 = arith.index_cast %mul3A_42 : i32 to index
      %get3A_1473 = tpu.vector_load %arg4[%get3A_1471, %get3A_1472] {strides = array<i32>} : memref<208x128xf32, #tpu.memory_space<vmem>>, vector<1x16xf32>,
      %get3A_1474 = vector.shape_cast %get3A_1473 : vector<1x16xf32> to vector<16xf32>
      %get3A_1475 = arith.constant 159 : i32
      %get3A_1476 = arith.index_cast %get3A_1475 : i32 to index
      %get3A_1477 = arith.index_cast %mul3A_42 : i32 to index
      %get3A_1478 = tpu.vector_load %arg4[%get3A_1476, %get3A_1477] {strides = array<i32>} : memref<208x128xf32, #tpu.memory_space<vmem>>, vector<1x16xf32>,
      %get3A_1479 = vector.shape_cast %get3A_1478 : vector<1x16xf32> to vector<16xf32>
      %min3A_1480 = arith.minimumf %min3A_1384, %get3A_1479 : vector<16xf32>
      %min3A_1481 = arith.minimumf %max3A_1385, %get3A_1474 : vector<16xf32>
      %min3A_1482 = arith.minimumf %min3A_1386, %get3A_1469 : vector<16xf32>
      %min3A_1483 = arith.minimumf %max3A_1387, %get3A_1464 : vector<16xf32>
      %min3A_1484 = arith.minimumf %min3A_1388, %get3A_1459 : vector<16xf32>
      %min3A_1485 = arith.minimumf %max3A_1389, %get3A_1454 : vector<16xf32>
      %min3A_1486 = arith.minimumf %min3A_1390, %get3A_1449 : vector<16xf32>
      %min3A_1487 = arith.minimumf %max3A_1391, %get3A_1444 : vector<16xf32>
      %min3A_1488 = arith.minimumf %min3A_1392, %get3A_1439 : vector<16xf32>
      %min3A_1489 = arith.minimumf %max3A_1393, %get3A_1434 : vector<16xf32>
      %min3A_1490 = arith.minimumf %min3A_1394, %get3A_1429 : vector<16xf32>
      %min3A_1491 = arith.minimumf %max3A_1395, %get3A_1424 : vector<16xf32>
      %min3A_1492 = arith.minimumf %min3A_1396, %get3A_1419 : vector<16xf32>
      %min3A_1493 = arith.minimumf %max3A_1397, %get3A_1414 : vector<16xf32>
      %min3A_1494 = arith.minimumf %min3A_1398, %get3A_1409 : vector<16xf32>
      %min3A_1495 = arith.minimumf %max3A_1399, %get3A_1404 : vector<16xf32>
      %min3A_1496 = arith.minimumf %min3A_1480, %min3A_1488 : vector<16xf32>
      %max3A_1497 = arith.maximumf %min3A_1480, %min3A_1488 : vector<16xf32>
      %min3A_1498 = arith.minimumf %min3A_1481, %min3A_1489 : vector<16xf32>
      %max3A_1499 = arith.maximumf %min3A_1481, %min3A_1489 : vector<16xf32>
      %min3A_1500 = arith.minimumf %min3A_1482, %min3A_1490 : vector<16xf32>
      %max3A_1501 = arith.maximumf %min3A_1482, %min3A_1490 : vector<16xf32>
      %min3A_1502 = arith.minimumf %min3A_1483, %min3A_1491 : vector<16xf32>
      %max3A_1503 = arith.maximumf %min3A_1483, %min3A_1491 : vector<16xf32>
      %min3A_1504 = arith.minimumf %min3A_1484, %min3A_1492 : vector<16xf32>
      %max3A_1505 = arith.maximumf %min3A_1484, %min3A_1492 : vector<16xf32>
      %min3A_1506 = arith.minimumf %min3A_1485, %min3A_1493 : vector<16xf32>
      %max3A_1507 = arith.maximumf %min3A_1485, %min3A_1493 : vector<16xf32>
      %min3A_1508 = arith.minimumf %min3A_1486, %min3A_1494 : vector<16xf32>
      %max3A_1509 = arith.maximumf %min3A_1486, %min3A_1494 : vector<16xf32>
      %min3A_1510 = arith.minimumf %min3A_1487, %min3A_1495 : vector<16xf32>
      %max3A_1511 = arith.maximumf %min3A_1487, %min3A_1495 : vector<16xf32>
      %min3A_1512 = arith.minimumf %min3A_1496, %min3A_1504 : vector<16xf32>
      %max3A_1513 = arith.maximumf %min3A_1496, %min3A_1504 : vector<16xf32>
      %min3A_1514 = arith.minimumf %min3A_1498, %min3A_1506 : vector<16xf32>
      %max3A_1515 = arith.maximumf %min3A_1498, %min3A_1506 : vector<16xf32>
      %min3A_1516 = arith.minimumf %min3A_1500, %min3A_1508 : vector<16xf32>
      %max3A_1517 = arith.maximumf %min3A_1500, %min3A_1508 : vector<16xf32>
      %min3A_1518 = arith.minimumf %min3A_1502, %min3A_1510 : vector<16xf32>
      %max3A_1519 = arith.maximumf %min3A_1502, %min3A_1510 : vector<16xf32>
      %min3A_1520 = arith.minimumf %max3A_1497, %max3A_1505 : vector<16xf32>
      %max3A_1521 = arith.maximumf %max3A_1497, %max3A_1505 : vector<16xf32>
      %min3A_1522 = arith.minimumf %max3A_1499, %max3A_1507 : vector<16xf32>
      %max3A_1523 = arith.maximumf %max3A_1499, %max3A_1507 : vector<16xf32>
      %min3A_1524 = arith.minimumf %max3A_1501, %max3A_1509 : vector<16xf32>
      %max3A_1525 = arith.maximumf %max3A_1501, %max3A_1509 : vector<16xf32>
      %min3A_1526 = arith.minimumf %max3A_1503, %max3A_1511 : vector<16xf32>
      %max3A_1527 = arith.maximumf %max3A_1503, %max3A_1511 : vector<16xf32>
      %min3A_1528 = arith.minimumf %min3A_1512, %min3A_1516 : vector<16xf32>
      %max3A_1529 = arith.maximumf %min3A_1512, %min3A_1516 : vector<16xf32>
      %min3A_1530 = arith.minimumf %min3A_1514, %min3A_1518 : vector<16xf32>
      %max3A_1531 = arith.maximumf %min3A_1514, %min3A_1518 : vector<16xf32>
      %min3A_1532 = arith.minimumf %max3A_1513, %max3A_1517 : vector<16xf32>
      %max3A_1533 = arith.maximumf %max3A_1513, %max3A_1517 : vector<16xf32>
      %min3A_1534 = arith.minimumf %max3A_1515, %max3A_1519 : vector<16xf32>
      %max3A_1535 = arith.maximumf %max3A_1515, %max3A_1519 : vector<16xf32>
      %min3A_1536 = arith.minimumf %min3A_1520, %min3A_1524 : vector<16xf32>
      %max3A_1537 = arith.maximumf %min3A_1520, %min3A_1524 : vector<16xf32>
      %min3A_1538 = arith.minimumf %min3A_1522, %min3A_1526 : vector<16xf32>
      %max3A_1539 = arith.maximumf %min3A_1522, %min3A_1526 : vector<16xf32>
      %min3A_1540 = arith.minimumf %max3A_1521, %max3A_1525 : vector<16xf32>
      %max3A_1541 = arith.maximumf %max3A_1521, %max3A_1525 : vector<16xf32>
      %min3A_1542 = arith.minimumf %max3A_1523, %max3A_1527 : vector<16xf32>
      %max3A_1543 = arith.maximumf %max3A_1523, %max3A_1527 : vector<16xf32>
      %min3A_1544 = arith.minimumf %min3A_1528, %min3A_1530 : vector<16xf32>
      %max3A_1545 = arith.maximumf %min3A_1528, %min3A_1530 : vector<16xf32>
      %min3A_1546 = arith.minimumf %max3A_1529, %max3A_1531 : vector<16xf32>
      %max3A_1547 = arith.maximumf %max3A_1529, %max3A_1531 : vector<16xf32>
      %min3A_1548 = arith.minimumf %min3A_1532, %min3A_1534 : vector<16xf32>
      %max3A_1549 = arith.maximumf %min3A_1532, %min3A_1534 : vector<16xf32>
      %min3A_1550 = arith.minimumf %max3A_1533, %max3A_1535 : vector<16xf32>
      %max3A_1551 = arith.maximumf %max3A_1533, %max3A_1535 : vector<16xf32>
      %min3A_1552 = arith.minimumf %min3A_1536, %min3A_1538 : vector<16xf32>
      %max3A_1553 = arith.maximumf %min3A_1536, %min3A_1538 : vector<16xf32>
      %min3A_1554 = arith.minimumf %max3A_1537, %max3A_1539 : vector<16xf32>
      %max3A_1555 = arith.maximumf %max3A_1537, %max3A_1539 : vector<16xf32>
      %min3A_1556 = arith.minimumf %min3A_1540, %min3A_1542 : vector<16xf32>
      %max3A_1557 = arith.maximumf %min3A_1540, %min3A_1542 : vector<16xf32>
      %min3A_1558 = arith.minimumf %max3A_1541, %max3A_1543 : vector<16xf32>
      %max3A_1559 = arith.maximumf %max3A_1541, %max3A_1543 : vector<16xf32>
      %get3A_1560 = arith.constant 160 : i32
      %get3A_1561 = arith.index_cast %get3A_1560 : i32 to index
      %get3A_1562 = arith.index_cast %mul3A_42 : i32 to index
      %get3A_1563 = tpu.vector_load %arg4[%get3A_1561, %get3A_1562] {strides = array<i32>} : memref<208x128xf32, #tpu.memory_space<vmem>>, vector<1x16xf32>,
      %get3A_1564 = vector.shape_cast %get3A_1563 : vector<1x16xf32> to vector<16xf32>
      %get3A_1565 = arith.constant 161 : i32
      %get3A_1566 = arith.index_cast %get3A_1565 : i32 to index
      %get3A_1567 = arith.index_cast %mul3A_42 : i32 to index
      %get3A_1568 = tpu.vector_load %arg4[%get3A_1566, %get3A_1567] {strides = array<i32>} : memref<208x128xf32, #tpu.memory_space<vmem>>, vector<1x16xf32>,
      %get3A_1569 = vector.shape_cast %get3A_1568 : vector<1x16xf32> to vector<16xf32>
      %get3A_1570 = arith.constant 162 : i32
      %get3A_1571 = arith.index_cast %get3A_1570 : i32 to index
      %get3A_1572 = arith.index_cast %mul3A_42 : i32 to index
      %get3A_1573 = tpu.vector_load %arg4[%get3A_1571, %get3A_1572] {strides = array<i32>} : memref<208x128xf32, #tpu.memory_space<vmem>>, vector<1x16xf32>,
      %get3A_1574 = vector.shape_cast %get3A_1573 : vector<1x16xf32> to vector<16xf32>
      %get3A_1575 = arith.constant 163 : i32
      %get3A_1576 = arith.index_cast %get3A_1575 : i32 to index
      %get3A_1577 = arith.index_cast %mul3A_42 : i32 to index
      %get3A_1578 = tpu.vector_load %arg4[%get3A_1576, %get3A_1577] {strides = array<i32>} : memref<208x128xf32, #tpu.memory_space<vmem>>, vector<1x16xf32>,
      %get3A_1579 = vector.shape_cast %get3A_1578 : vector<1x16xf32> to vector<16xf32>
      %get3A_1580 = arith.constant 164 : i32
      %get3A_1581 = arith.index_cast %get3A_1580 : i32 to index
      %get3A_1582 = arith.index_cast %mul3A_42 : i32 to index
      %get3A_1583 = tpu.vector_load %arg4[%get3A_1581, %get3A_1582] {strides = array<i32>} : memref<208x128xf32, #tpu.memory_space<vmem>>, vector<1x16xf32>,
      %get3A_1584 = vector.shape_cast %get3A_1583 : vector<1x16xf32> to vector<16xf32>
      %get3A_1585 = arith.constant 165 : i32
      %get3A_1586 = arith.index_cast %get3A_1585 : i32 to index
      %get3A_1587 = arith.index_cast %mul3A_42 : i32 to index
      %get3A_1588 = tpu.vector_load %arg4[%get3A_1586, %get3A_1587] {strides = array<i32>} : memref<208x128xf32, #tpu.memory_space<vmem>>, vector<1x16xf32>,
      %get3A_1589 = vector.shape_cast %get3A_1588 : vector<1x16xf32> to vector<16xf32>
      %get3A_1590 = arith.constant 166 : i32
      %get3A_1591 = arith.index_cast %get3A_1590 : i32 to index
      %get3A_1592 = arith.index_cast %mul3A_42 : i32 to index
      %get3A_1593 = tpu.vector_load %arg4[%get3A_1591, %get3A_1592] {strides = array<i32>} : memref<208x128xf32, #tpu.memory_space<vmem>>, vector<1x16xf32>,
      %get3A_1594 = vector.shape_cast %get3A_1593 : vector<1x16xf32> to vector<16xf32>
      %get3A_1595 = arith.constant 167 : i32
      %get3A_1596 = arith.index_cast %get3A_1595 : i32 to index
      %get3A_1597 = arith.index_cast %mul3A_42 : i32 to index
      %get3A_1598 = tpu.vector_load %arg4[%get3A_1596, %get3A_1597] {strides = array<i32>} : memref<208x128xf32, #tpu.memory_space<vmem>>, vector<1x16xf32>,
      %get3A_1599 = vector.shape_cast %get3A_1598 : vector<1x16xf32> to vector<16xf32>
      %get3A_1600 = arith.constant 168 : i32
      %get3A_1601 = arith.index_cast %get3A_1600 : i32 to index
      %get3A_1602 = arith.index_cast %mul3A_42 : i32 to index
      %get3A_1603 = tpu.vector_load %arg4[%get3A_1601, %get3A_1602] {strides = array<i32>} : memref<208x128xf32, #tpu.memory_space<vmem>>, vector<1x16xf32>,
      %get3A_1604 = vector.shape_cast %get3A_1603 : vector<1x16xf32> to vector<16xf32>
      %get3A_1605 = arith.constant 169 : i32
      %get3A_1606 = arith.index_cast %get3A_1605 : i32 to index
      %get3A_1607 = arith.index_cast %mul3A_42 : i32 to index
      %get3A_1608 = tpu.vector_load %arg4[%get3A_1606, %get3A_1607] {strides = array<i32>} : memref<208x128xf32, #tpu.memory_space<vmem>>, vector<1x16xf32>,
      %get3A_1609 = vector.shape_cast %get3A_1608 : vector<1x16xf32> to vector<16xf32>
      %get3A_1610 = arith.constant 170 : i32
      %get3A_1611 = arith.index_cast %get3A_1610 : i32 to index
      %get3A_1612 = arith.index_cast %mul3A_42 : i32 to index
      %get3A_1613 = tpu.vector_load %arg4[%get3A_1611, %get3A_1612] {strides = array<i32>} : memref<208x128xf32, #tpu.memory_space<vmem>>, vector<1x16xf32>,
      %get3A_1614 = vector.shape_cast %get3A_1613 : vector<1x16xf32> to vector<16xf32>
      %get3A_1615 = arith.constant 171 : i32
      %get3A_1616 = arith.index_cast %get3A_1615 : i32 to index
      %get3A_1617 = arith.index_cast %mul3A_42 : i32 to index
      %get3A_1618 = tpu.vector_load %arg4[%get3A_1616, %get3A_1617] {strides = array<i32>} : memref<208x128xf32, #tpu.memory_space<vmem>>, vector<1x16xf32>,
      %get3A_1619 = vector.shape_cast %get3A_1618 : vector<1x16xf32> to vector<16xf32>
      %get3A_1620 = arith.constant 172 : i32
      %get3A_1621 = arith.index_cast %get3A_1620 : i32 to index
      %get3A_1622 = arith.index_cast %mul3A_42 : i32 to index
      %get3A_1623 = tpu.vector_load %arg4[%get3A_1621, %get3A_1622] {strides = array<i32>} : memref<208x128xf32, #tpu.memory_space<vmem>>, vector<1x16xf32>,
      %get3A_1624 = vector.shape_cast %get3A_1623 : vector<1x16xf32> to vector<16xf32>
      %get3A_1625 = arith.constant 173 : i32
      %get3A_1626 = arith.index_cast %get3A_1625 : i32 to index
      %get3A_1627 = arith.index_cast %mul3A_42 : i32 to index
      %get3A_1628 = tpu.vector_load %arg4[%get3A_1626, %get3A_1627] {strides = array<i32>} : memref<208x128xf32, #tpu.memory_space<vmem>>, vector<1x16xf32>,
      %get3A_1629 = vector.shape_cast %get3A_1628 : vector<1x16xf32> to vector<16xf32>
      %get3A_1630 = arith.constant 174 : i32
      %get3A_1631 = arith.index_cast %get3A_1630 : i32 to index
      %get3A_1632 = arith.index_cast %mul3A_42 : i32 to index
      %get3A_1633 = tpu.vector_load %arg4[%get3A_1631, %get3A_1632] {strides = array<i32>} : memref<208x128xf32, #tpu.memory_space<vmem>>, vector<1x16xf32>,
      %get3A_1634 = vector.shape_cast %get3A_1633 : vector<1x16xf32> to vector<16xf32>
      %get3A_1635 = arith.constant 175 : i32
      %get3A_1636 = arith.index_cast %get3A_1635 : i32 to index
      %get3A_1637 = arith.index_cast %mul3A_42 : i32 to index
      %get3A_1638 = tpu.vector_load %arg4[%get3A_1636, %get3A_1637] {strides = array<i32>} : memref<208x128xf32, #tpu.memory_space<vmem>>, vector<1x16xf32>,
      %get3A_1639 = vector.shape_cast %get3A_1638 : vector<1x16xf32> to vector<16xf32>
      %min3A_1640 = arith.minimumf %min3A_1544, %get3A_1639 : vector<16xf32>
      %min3A_1641 = arith.minimumf %max3A_1545, %get3A_1634 : vector<16xf32>
      %min3A_1642 = arith.minimumf %min3A_1546, %get3A_1629 : vector<16xf32>
      %min3A_1643 = arith.minimumf %max3A_1547, %get3A_1624 : vector<16xf32>
      %min3A_1644 = arith.minimumf %min3A_1548, %get3A_1619 : vector<16xf32>
      %min3A_1645 = arith.minimumf %max3A_1549, %get3A_1614 : vector<16xf32>
      %min3A_1646 = arith.minimumf %min3A_1550, %get3A_1609 : vector<16xf32>
      %min3A_1647 = arith.minimumf %max3A_1551, %get3A_1604 : vector<16xf32>
      %min3A_1648 = arith.minimumf %min3A_1552, %get3A_1599 : vector<16xf32>
      %min3A_1649 = arith.minimumf %max3A_1553, %get3A_1594 : vector<16xf32>
      %min3A_1650 = arith.minimumf %min3A_1554, %get3A_1589 : vector<16xf32>
      %min3A_1651 = arith.minimumf %max3A_1555, %get3A_1584 : vector<16xf32>
      %min3A_1652 = arith.minimumf %min3A_1556, %get3A_1579 : vector<16xf32>
      %min3A_1653 = arith.minimumf %max3A_1557, %get3A_1574 : vector<16xf32>
      %min3A_1654 = arith.minimumf %min3A_1558, %get3A_1569 : vector<16xf32>
      %min3A_1655 = arith.minimumf %max3A_1559, %get3A_1564 : vector<16xf32>
      %min3A_1656 = arith.minimumf %min3A_1640, %min3A_1648 : vector<16xf32>
      %max3A_1657 = arith.maximumf %min3A_1640, %min3A_1648 : vector<16xf32>
      %min3A_1658 = arith.minimumf %min3A_1641, %min3A_1649 : vector<16xf32>
      %max3A_1659 = arith.maximumf %min3A_1641, %min3A_1649 : vector<16xf32>
      %min3A_1660 = arith.minimumf %min3A_1642, %min3A_1650 : vector<16xf32>
      %max3A_1661 = arith.maximumf %min3A_1642, %min3A_1650 : vector<16xf32>
      %min3A_1662 = arith.minimumf %min3A_1643, %min3A_1651 : vector<16xf32>
      %max3A_1663 = arith.maximumf %min3A_1643, %min3A_1651 : vector<16xf32>
      %min3A_1664 = arith.minimumf %min3A_1644, %min3A_1652 : vector<16xf32>
      %max3A_1665 = arith.maximumf %min3A_1644, %min3A_1652 : vector<16xf32>
      %min3A_1666 = arith.minimumf %min3A_1645, %min3A_1653 : vector<16xf32>
      %max3A_1667 = arith.maximumf %min3A_1645, %min3A_1653 : vector<16xf32>
      %min3A_1668 = arith.minimumf %min3A_1646, %min3A_1654 : vector<16xf32>
      %max3A_1669 = arith.maximumf %min3A_1646, %min3A_1654 : vector<16xf32>
      %min3A_1670 = arith.minimumf %min3A_1647, %min3A_1655 : vector<16xf32>
      %max3A_1671 = arith.maximumf %min3A_1647, %min3A_1655 : vector<16xf32>
      %min3A_1672 = arith.minimumf %min3A_1656, %min3A_1664 : vector<16xf32>
      %max3A_1673 = arith.maximumf %min3A_1656, %min3A_1664 : vector<16xf32>
      %min3A_1674 = arith.minimumf %min3A_1658, %min3A_1666 : vector<16xf32>
      %max3A_1675 = arith.maximumf %min3A_1658, %min3A_1666 : vector<16xf32>
      %min3A_1676 = arith.minimumf %min3A_1660, %min3A_1668 : vector<16xf32>
      %max3A_1677 = arith.maximumf %min3A_1660, %min3A_1668 : vector<16xf32>
      %min3A_1678 = arith.minimumf %min3A_1662, %min3A_1670 : vector<16xf32>
      %max3A_1679 = arith.maximumf %min3A_1662, %min3A_1670 : vector<16xf32>
      %min3A_1680 = arith.minimumf %max3A_1657, %max3A_1665 : vector<16xf32>
      %max3A_1681 = arith.maximumf %max3A_1657, %max3A_1665 : vector<16xf32>
      %min3A_1682 = arith.minimumf %max3A_1659, %max3A_1667 : vector<16xf32>
      %max3A_1683 = arith.maximumf %max3A_1659, %max3A_1667 : vector<16xf32>
      %min3A_1684 = arith.minimumf %max3A_1661, %max3A_1669 : vector<16xf32>
      %max3A_1685 = arith.maximumf %max3A_1661, %max3A_1669 : vector<16xf32>
      %min3A_1686 = arith.minimumf %max3A_1663, %max3A_1671 : vector<16xf32>
      %max3A_1687 = arith.maximumf %max3A_1663, %max3A_1671 : vector<16xf32>
      %min3A_1688 = arith.minimumf %min3A_1672, %min3A_1676 : vector<16xf32>
      %max3A_1689 = arith.maximumf %min3A_1672, %min3A_1676 : vector<16xf32>
      %min3A_1690 = arith.minimumf %min3A_1674, %min3A_1678 : vector<16xf32>
      %max3A_1691 = arith.maximumf %min3A_1674, %min3A_1678 : vector<16xf32>
      %min3A_1692 = arith.minimumf %max3A_1673, %max3A_1677 : vector<16xf32>
      %max3A_1693 = arith.maximumf %max3A_1673, %max3A_1677 : vector<16xf32>
      %min3A_1694 = arith.minimumf %max3A_1675, %max3A_1679 : vector<16xf32>
      %max3A_1695 = arith.maximumf %max3A_1675, %max3A_1679 : vector<16xf32>
      %min3A_1696 = arith.minimumf %min3A_1680, %min3A_1684 : vector<16xf32>
      %max3A_1697 = arith.maximumf %min3A_1680, %min3A_1684 : vector<16xf32>
      %min3A_1698 = arith.minimumf %min3A_1682, %min3A_1686 : vector<16xf32>
      %max3A_1699 = arith.maximumf %min3A_1682, %min3A_1686 : vector<16xf32>
      %min3A_1700 = arith.minimumf %max3A_1681, %max3A_1685 : vector<16xf32>
      %max3A_1701 = arith.maximumf %max3A_1681, %max3A_1685 : vector<16xf32>
      %min3A_1702 = arith.minimumf %max3A_1683, %max3A_1687 : vector<16xf32>
      %max3A_1703 = arith.maximumf %max3A_1683, %max3A_1687 : vector<16xf32>
      %min3A_1704 = arith.minimumf %min3A_1688, %min3A_1690 : vector<16xf32>
      %max3A_1705 = arith.maximumf %min3A_1688, %min3A_1690 : vector<16xf32>
      %min3A_1706 = arith.minimumf %max3A_1689, %max3A_1691 : vector<16xf32>
      %max3A_1707 = arith.maximumf %max3A_1689, %max3A_1691 : vector<16xf32>
      %min3A_1708 = arith.minimumf %min3A_1692, %min3A_1694 : vector<16xf32>
      %max3A_1709 = arith.maximumf %min3A_1692, %min3A_1694 : vector<16xf32>
      %min3A_1710 = arith.minimumf %max3A_1693, %max3A_1695 : vector<16xf32>
      %max3A_1711 = arith.maximumf %max3A_1693, %max3A_1695 : vector<16xf32>
      %min3A_1712 = arith.minimumf %min3A_1696, %min3A_1698 : vector<16xf32>
      %max3A_1713 = arith.maximumf %min3A_1696, %min3A_1698 : vector<16xf32>
      %min3A_1714 = arith.minimumf %max3A_1697, %max3A_1699 : vector<16xf32>
      %max3A_1715 = arith.maximumf %max3A_1697, %max3A_1699 : vector<16xf32>
      %min3A_1716 = arith.minimumf %min3A_1700, %min3A_1702 : vector<16xf32>
      %max3A_1717 = arith.maximumf %min3A_1700, %min3A_1702 : vector<16xf32>
      %min3A_1718 = arith.minimumf %max3A_1701, %max3A_1703 : vector<16xf32>
      %max3A_1719 = arith.maximumf %max3A_1701, %max3A_1703 : vector<16xf32>
      %get3A_1720 = arith.constant 176 : i32
      %get3A_1721 = arith.index_cast %get3A_1720 : i32 to index
      %get3A_1722 = arith.index_cast %mul3A_42 : i32 to index
      %get3A_1723 = tpu.vector_load %arg4[%get3A_1721, %get3A_1722] {strides = array<i32>} : memref<208x128xf32, #tpu.memory_space<vmem>>, vector<1x16xf32>,
      %get3A_1724 = vector.shape_cast %get3A_1723 : vector<1x16xf32> to vector<16xf32>
      %get3A_1725 = arith.constant 177 : i32
      %get3A_1726 = arith.index_cast %get3A_1725 : i32 to index
      %get3A_1727 = arith.index_cast %mul3A_42 : i32 to index
      %get3A_1728 = tpu.vector_load %arg4[%get3A_1726, %get3A_1727] {strides = array<i32>} : memref<208x128xf32, #tpu.memory_space<vmem>>, vector<1x16xf32>,
      %get3A_1729 = vector.shape_cast %get3A_1728 : vector<1x16xf32> to vector<16xf32>
      %get3A_1730 = arith.constant 178 : i32
      %get3A_1731 = arith.index_cast %get3A_1730 : i32 to index
      %get3A_1732 = arith.index_cast %mul3A_42 : i32 to index
      %get3A_1733 = tpu.vector_load %arg4[%get3A_1731, %get3A_1732] {strides = array<i32>} : memref<208x128xf32, #tpu.memory_space<vmem>>, vector<1x16xf32>,
      %get3A_1734 = vector.shape_cast %get3A_1733 : vector<1x16xf32> to vector<16xf32>
      %get3A_1735 = arith.constant 179 : i32
      %get3A_1736 = arith.index_cast %get3A_1735 : i32 to index
      %get3A_1737 = arith.index_cast %mul3A_42 : i32 to index
      %get3A_1738 = tpu.vector_load %arg4[%get3A_1736, %get3A_1737] {strides = array<i32>} : memref<208x128xf32, #tpu.memory_space<vmem>>, vector<1x16xf32>,
      %get3A_1739 = vector.shape_cast %get3A_1738 : vector<1x16xf32> to vector<16xf32>
      %get3A_1740 = arith.constant 180 : i32
      %get3A_1741 = arith.index_cast %get3A_1740 : i32 to index
      %get3A_1742 = arith.index_cast %mul3A_42 : i32 to index
      %get3A_1743 = tpu.vector_load %arg4[%get3A_1741, %get3A_1742] {strides = array<i32>} : memref<208x128xf32, #tpu.memory_space<vmem>>, vector<1x16xf32>,
      %get3A_1744 = vector.shape_cast %get3A_1743 : vector<1x16xf32> to vector<16xf32>
      %get3A_1745 = arith.constant 181 : i32
      %get3A_1746 = arith.index_cast %get3A_1745 : i32 to index
      %get3A_1747 = arith.index_cast %mul3A_42 : i32 to index
      %get3A_1748 = tpu.vector_load %arg4[%get3A_1746, %get3A_1747] {strides = array<i32>} : memref<208x128xf32, #tpu.memory_space<vmem>>, vector<1x16xf32>,
      %get3A_1749 = vector.shape_cast %get3A_1748 : vector<1x16xf32> to vector<16xf32>
      %get3A_1750 = arith.constant 182 : i32
      %get3A_1751 = arith.index_cast %get3A_1750 : i32 to index
      %get3A_1752 = arith.index_cast %mul3A_42 : i32 to index
      %get3A_1753 = tpu.vector_load %arg4[%get3A_1751, %get3A_1752] {strides = array<i32>} : memref<208x128xf32, #tpu.memory_space<vmem>>, vector<1x16xf32>,
      %get3A_1754 = vector.shape_cast %get3A_1753 : vector<1x16xf32> to vector<16xf32>
      %get3A_1755 = arith.constant 183 : i32
      %get3A_1756 = arith.index_cast %get3A_1755 : i32 to index
      %get3A_1757 = arith.index_cast %mul3A_42 : i32 to index
      %get3A_1758 = tpu.vector_load %arg4[%get3A_1756, %get3A_1757] {strides = array<i32>} : memref<208x128xf32, #tpu.memory_space<vmem>>, vector<1x16xf32>,
      %get3A_1759 = vector.shape_cast %get3A_1758 : vector<1x16xf32> to vector<16xf32>
      %get3A_1760 = arith.constant 184 : i32
      %get3A_1761 = arith.index_cast %get3A_1760 : i32 to index
      %get3A_1762 = arith.index_cast %mul3A_42 : i32 to index
      %get3A_1763 = tpu.vector_load %arg4[%get3A_1761, %get3A_1762] {strides = array<i32>} : memref<208x128xf32, #tpu.memory_space<vmem>>, vector<1x16xf32>,
      %get3A_1764 = vector.shape_cast %get3A_1763 : vector<1x16xf32> to vector<16xf32>
      %get3A_1765 = arith.constant 185 : i32
      %get3A_1766 = arith.index_cast %get3A_1765 : i32 to index
      %get3A_1767 = arith.index_cast %mul3A_42 : i32 to index
      %get3A_1768 = tpu.vector_load %arg4[%get3A_1766, %get3A_1767] {strides = array<i32>} : memref<208x128xf32, #tpu.memory_space<vmem>>, vector<1x16xf32>,
      %get3A_1769 = vector.shape_cast %get3A_1768 : vector<1x16xf32> to vector<16xf32>
      %get3A_1770 = arith.constant 186 : i32
      %get3A_1771 = arith.index_cast %get3A_1770 : i32 to index
      %get3A_1772 = arith.index_cast %mul3A_42 : i32 to index
      %get3A_1773 = tpu.vector_load %arg4[%get3A_1771, %get3A_1772] {strides = array<i32>} : memref<208x128xf32, #tpu.memory_space<vmem>>, vector<1x16xf32>,
      %get3A_1774 = vector.shape_cast %get3A_1773 : vector<1x16xf32> to vector<16xf32>
      %get3A_1775 = arith.constant 187 : i32
      %get3A_1776 = arith.index_cast %get3A_1775 : i32 to index
      %get3A_1777 = arith.index_cast %mul3A_42 : i32 to index
      %get3A_1778 = tpu.vector_load %arg4[%get3A_1776, %get3A_1777] {strides = array<i32>} : memref<208x128xf32, #tpu.memory_space<vmem>>, vector<1x16xf32>,
      %get3A_1779 = vector.shape_cast %get3A_1778 : vector<1x16xf32> to vector<16xf32>
      %get3A_1780 = arith.constant 188 : i32
      %get3A_1781 = arith.index_cast %get3A_1780 : i32 to index
      %get3A_1782 = arith.index_cast %mul3A_42 : i32 to index
      %get3A_1783 = tpu.vector_load %arg4[%get3A_1781, %get3A_1782] {strides = array<i32>} : memref<208x128xf32, #tpu.memory_space<vmem>>, vector<1x16xf32>,
      %get3A_1784 = vector.shape_cast %get3A_1783 : vector<1x16xf32> to vector<16xf32>
      %get3A_1785 = arith.constant 189 : i32
      %get3A_1786 = arith.index_cast %get3A_1785 : i32 to index
      %get3A_1787 = arith.index_cast %mul3A_42 : i32 to index
      %get3A_1788 = tpu.vector_load %arg4[%get3A_1786, %get3A_1787] {strides = array<i32>} : memref<208x128xf32, #tpu.memory_space<vmem>>, vector<1x16xf32>,
      %get3A_1789 = vector.shape_cast %get3A_1788 : vector<1x16xf32> to vector<16xf32>
      %get3A_1790 = arith.constant 190 : i32
      %get3A_1791 = arith.index_cast %get3A_1790 : i32 to index
      %get3A_1792 = arith.index_cast %mul3A_42 : i32 to index
      %get3A_1793 = tpu.vector_load %arg4[%get3A_1791, %get3A_1792] {strides = array<i32>} : memref<208x128xf32, #tpu.memory_space<vmem>>, vector<1x16xf32>,
      %get3A_1794 = vector.shape_cast %get3A_1793 : vector<1x16xf32> to vector<16xf32>
      %get3A_1795 = arith.constant 191 : i32
      %get3A_1796 = arith.index_cast %get3A_1795 : i32 to index
      %get3A_1797 = arith.index_cast %mul3A_42 : i32 to index
      %get3A_1798 = tpu.vector_load %arg4[%get3A_1796, %get3A_1797] {strides = array<i32>} : memref<208x128xf32, #tpu.memory_space<vmem>>, vector<1x16xf32>,
      %get3A_1799 = vector.shape_cast %get3A_1798 : vector<1x16xf32> to vector<16xf32>
      %min3A_1800 = arith.minimumf %min3A_1704, %get3A_1799 : vector<16xf32>
      %min3A_1801 = arith.minimumf %max3A_1705, %get3A_1794 : vector<16xf32>
      %min3A_1802 = arith.minimumf %min3A_1706, %get3A_1789 : vector<16xf32>
      %min3A_1803 = arith.minimumf %max3A_1707, %get3A_1784 : vector<16xf32>
      %min3A_1804 = arith.minimumf %min3A_1708, %get3A_1779 : vector<16xf32>
      %min3A_1805 = arith.minimumf %max3A_1709, %get3A_1774 : vector<16xf32>
      %min3A_1806 = arith.minimumf %min3A_1710, %get3A_1769 : vector<16xf32>
      %min3A_1807 = arith.minimumf %max3A_1711, %get3A_1764 : vector<16xf32>
      %min3A_1808 = arith.minimumf %min3A_1712, %get3A_1759 : vector<16xf32>
      %min3A_1809 = arith.minimumf %max3A_1713, %get3A_1754 : vector<16xf32>
      %min3A_1810 = arith.minimumf %min3A_1714, %get3A_1749 : vector<16xf32>
      %min3A_1811 = arith.minimumf %max3A_1715, %get3A_1744 : vector<16xf32>
      %min3A_1812 = arith.minimumf %min3A_1716, %get3A_1739 : vector<16xf32>
      %min3A_1813 = arith.minimumf %max3A_1717, %get3A_1734 : vector<16xf32>
      %min3A_1814 = arith.minimumf %min3A_1718, %get3A_1729 : vector<16xf32>
      %min3A_1815 = arith.minimumf %max3A_1719, %get3A_1724 : vector<16xf32>
      %min3A_1816 = arith.minimumf %min3A_1800, %min3A_1808 : vector<16xf32>
      %max3A_1817 = arith.maximumf %min3A_1800, %min3A_1808 : vector<16xf32>
      %min3A_1818 = arith.minimumf %min3A_1801, %min3A_1809 : vector<16xf32>
      %max3A_1819 = arith.maximumf %min3A_1801, %min3A_1809 : vector<16xf32>
      %min3A_1820 = arith.minimumf %min3A_1802, %min3A_1810 : vector<16xf32>
      %max3A_1821 = arith.maximumf %min3A_1802, %min3A_1810 : vector<16xf32>
      %min3A_1822 = arith.minimumf %min3A_1803, %min3A_1811 : vector<16xf32>
      %max3A_1823 = arith.maximumf %min3A_1803, %min3A_1811 : vector<16xf32>
      %min3A_1824 = arith.minimumf %min3A_1804, %min3A_1812 : vector<16xf32>
      %max3A_1825 = arith.maximumf %min3A_1804, %min3A_1812 : vector<16xf32>
      %min3A_1826 = arith.minimumf %min3A_1805, %min3A_1813 : vector<16xf32>
      %max3A_1827 = arith.maximumf %min3A_1805, %min3A_1813 : vector<16xf32>
      %min3A_1828 = arith.minimumf %min3A_1806, %min3A_1814 : vector<16xf32>
      %max3A_1829 = arith.maximumf %min3A_1806, %min3A_1814 : vector<16xf32>
      %min3A_1830 = arith.minimumf %min3A_1807, %min3A_1815 : vector<16xf32>
      %max3A_1831 = arith.maximumf %min3A_1807, %min3A_1815 : vector<16xf32>
      %min3A_1832 = arith.minimumf %min3A_1816, %min3A_1824 : vector<16xf32>
      %max3A_1833 = arith.maximumf %min3A_1816, %min3A_1824 : vector<16xf32>
      %min3A_1834 = arith.minimumf %min3A_1818, %min3A_1826 : vector<16xf32>
      %max3A_1835 = arith.maximumf %min3A_1818, %min3A_1826 : vector<16xf32>
      %min3A_1836 = arith.minimumf %min3A_1820, %min3A_1828 : vector<16xf32>
      %max3A_1837 = arith.maximumf %min3A_1820, %min3A_1828 : vector<16xf32>
      %min3A_1838 = arith.minimumf %min3A_1822, %min3A_1830 : vector<16xf32>
      %max3A_1839 = arith.maximumf %min3A_1822, %min3A_1830 : vector<16xf32>
      %min3A_1840 = arith.minimumf %max3A_1817, %max3A_1825 : vector<16xf32>
      %max3A_1841 = arith.maximumf %max3A_1817, %max3A_1825 : vector<16xf32>
      %min3A_1842 = arith.minimumf %max3A_1819, %max3A_1827 : vector<16xf32>
      %max3A_1843 = arith.maximumf %max3A_1819, %max3A_1827 : vector<16xf32>
      %min3A_1844 = arith.minimumf %max3A_1821, %max3A_1829 : vector<16xf32>
      %max3A_1845 = arith.maximumf %max3A_1821, %max3A_1829 : vector<16xf32>
      %min3A_1846 = arith.minimumf %max3A_1823, %max3A_1831 : vector<16xf32>
      %max3A_1847 = arith.maximumf %max3A_1823, %max3A_1831 : vector<16xf32>
      %min3A_1848 = arith.minimumf %min3A_1832, %min3A_1836 : vector<16xf32>
      %max3A_1849 = arith.maximumf %min3A_1832, %min3A_1836 : vector<16xf32>
      %min3A_1850 = arith.minimumf %min3A_1834, %min3A_1838 : vector<16xf32>
      %max3A_1851 = arith.maximumf %min3A_1834, %min3A_1838 : vector<16xf32>
      %min3A_1852 = arith.minimumf %max3A_1833, %max3A_1837 : vector<16xf32>
      %max3A_1853 = arith.maximumf %max3A_1833, %max3A_1837 : vector<16xf32>
      %min3A_1854 = arith.minimumf %max3A_1835, %max3A_1839 : vector<16xf32>
      %max3A_1855 = arith.maximumf %max3A_1835, %max3A_1839 : vector<16xf32>
      %min3A_1856 = arith.minimumf %min3A_1840, %min3A_1844 : vector<16xf32>
      %max3A_1857 = arith.maximumf %min3A_1840, %min3A_1844 : vector<16xf32>
      %min3A_1858 = arith.minimumf %min3A_1842, %min3A_1846 : vector<16xf32>
      %max3A_1859 = arith.maximumf %min3A_1842, %min3A_1846 : vector<16xf32>
      %min3A_1860 = arith.minimumf %max3A_1841, %max3A_1845 : vector<16xf32>
      %max3A_1861 = arith.maximumf %max3A_1841, %max3A_1845 : vector<16xf32>
      %min3A_1862 = arith.minimumf %max3A_1843, %max3A_1847 : vector<16xf32>
      %max3A_1863 = arith.maximumf %max3A_1843, %max3A_1847 : vector<16xf32>
      %min3A_1864 = arith.minimumf %min3A_1848, %min3A_1850 : vector<16xf32>
      %max3A_1865 = arith.maximumf %min3A_1848, %min3A_1850 : vector<16xf32>
      %min3A_1866 = arith.minimumf %max3A_1849, %max3A_1851 : vector<16xf32>
      %max3A_1867 = arith.maximumf %max3A_1849, %max3A_1851 : vector<16xf32>
      %min3A_1868 = arith.minimumf %min3A_1852, %min3A_1854 : vector<16xf32>
      %max3A_1869 = arith.maximumf %min3A_1852, %min3A_1854 : vector<16xf32>
      %min3A_1870 = arith.minimumf %max3A_1853, %max3A_1855 : vector<16xf32>
      %max3A_1871 = arith.maximumf %max3A_1853, %max3A_1855 : vector<16xf32>
      %min3A_1872 = arith.minimumf %min3A_1856, %min3A_1858 : vector<16xf32>
      %max3A_1873 = arith.maximumf %min3A_1856, %min3A_1858 : vector<16xf32>
      %min3A_1874 = arith.minimumf %max3A_1857, %max3A_1859 : vector<16xf32>
      %max3A_1875 = arith.maximumf %max3A_1857, %max3A_1859 : vector<16xf32>
      %min3A_1876 = arith.minimumf %min3A_1860, %min3A_1862 : vector<16xf32>
      %max3A_1877 = arith.maximumf %min3A_1860, %min3A_1862 : vector<16xf32>
      %min3A_1878 = arith.minimumf %max3A_1861, %max3A_1863 : vector<16xf32>
      %max3A_1879 = arith.maximumf %max3A_1861, %max3A_1863 : vector<16xf32>
      %get3A_1880 = arith.constant 192 : i32
      %get3A_1881 = arith.index_cast %get3A_1880 : i32 to index
      %get3A_1882 = arith.index_cast %mul3A_42 : i32 to index
      %get3A_1883 = tpu.vector_load %arg4[%get3A_1881, %get3A_1882] {strides = array<i32>} : memref<208x128xf32, #tpu.memory_space<vmem>>, vector<1x16xf32>,
      %get3A_1884 = vector.shape_cast %get3A_1883 : vector<1x16xf32> to vector<16xf32>
      %get3A_1885 = arith.constant 193 : i32
      %get3A_1886 = arith.index_cast %get3A_1885 : i32 to index
      %get3A_1887 = arith.index_cast %mul3A_42 : i32 to index
      %get3A_1888 = tpu.vector_load %arg4[%get3A_1886, %get3A_1887] {strides = array<i32>} : memref<208x128xf32, #tpu.memory_space<vmem>>, vector<1x16xf32>,
      %get3A_1889 = vector.shape_cast %get3A_1888 : vector<1x16xf32> to vector<16xf32>
      %get3A_1890 = arith.constant 194 : i32
      %get3A_1891 = arith.index_cast %get3A_1890 : i32 to index
      %get3A_1892 = arith.index_cast %mul3A_42 : i32 to index
      %get3A_1893 = tpu.vector_load %arg4[%get3A_1891, %get3A_1892] {strides = array<i32>} : memref<208x128xf32, #tpu.memory_space<vmem>>, vector<1x16xf32>,
      %get3A_1894 = vector.shape_cast %get3A_1893 : vector<1x16xf32> to vector<16xf32>
      %get3A_1895 = arith.constant 195 : i32
      %get3A_1896 = arith.index_cast %get3A_1895 : i32 to index
      %get3A_1897 = arith.index_cast %mul3A_42 : i32 to index
      %get3A_1898 = tpu.vector_load %arg4[%get3A_1896, %get3A_1897] {strides = array<i32>} : memref<208x128xf32, #tpu.memory_space<vmem>>, vector<1x16xf32>,
      %get3A_1899 = vector.shape_cast %get3A_1898 : vector<1x16xf32> to vector<16xf32>
      %get3A_1900 = arith.constant 196 : i32
      %get3A_1901 = arith.index_cast %get3A_1900 : i32 to index
      %get3A_1902 = arith.index_cast %mul3A_42 : i32 to index
      %get3A_1903 = tpu.vector_load %arg4[%get3A_1901, %get3A_1902] {strides = array<i32>} : memref<208x128xf32, #tpu.memory_space<vmem>>, vector<1x16xf32>,
      %get3A_1904 = vector.shape_cast %get3A_1903 : vector<1x16xf32> to vector<16xf32>
      %get3A_1905 = arith.constant 197 : i32
      %get3A_1906 = arith.index_cast %get3A_1905 : i32 to index
      %get3A_1907 = arith.index_cast %mul3A_42 : i32 to index
      %get3A_1908 = tpu.vector_load %arg4[%get3A_1906, %get3A_1907] {strides = array<i32>} : memref<208x128xf32, #tpu.memory_space<vmem>>, vector<1x16xf32>,
      %get3A_1909 = vector.shape_cast %get3A_1908 : vector<1x16xf32> to vector<16xf32>
      %get3A_1910 = arith.constant 198 : i32
      %get3A_1911 = arith.index_cast %get3A_1910 : i32 to index
      %get3A_1912 = arith.index_cast %mul3A_42 : i32 to index
      %get3A_1913 = tpu.vector_load %arg4[%get3A_1911, %get3A_1912] {strides = array<i32>} : memref<208x128xf32, #tpu.memory_space<vmem>>, vector<1x16xf32>,
      %get3A_1914 = vector.shape_cast %get3A_1913 : vector<1x16xf32> to vector<16xf32>
      %get3A_1915 = arith.constant 199 : i32
      %get3A_1916 = arith.index_cast %get3A_1915 : i32 to index
      %get3A_1917 = arith.index_cast %mul3A_42 : i32 to index
      %get3A_1918 = tpu.vector_load %arg4[%get3A_1916, %get3A_1917] {strides = array<i32>} : memref<208x128xf32, #tpu.memory_space<vmem>>, vector<1x16xf32>,
      %get3A_1919 = vector.shape_cast %get3A_1918 : vector<1x16xf32> to vector<16xf32>
      %get3A_1920 = arith.constant 200 : i32
      %get3A_1921 = arith.index_cast %get3A_1920 : i32 to index
      %get3A_1922 = arith.index_cast %mul3A_42 : i32 to index
      %get3A_1923 = tpu.vector_load %arg4[%get3A_1921, %get3A_1922] {strides = array<i32>} : memref<208x128xf32, #tpu.memory_space<vmem>>, vector<1x16xf32>,
      %get3A_1924 = vector.shape_cast %get3A_1923 : vector<1x16xf32> to vector<16xf32>
      %get3A_1925 = arith.constant 201 : i32
      %get3A_1926 = arith.index_cast %get3A_1925 : i32 to index
      %get3A_1927 = arith.index_cast %mul3A_42 : i32 to index
      %get3A_1928 = tpu.vector_load %arg4[%get3A_1926, %get3A_1927] {strides = array<i32>} : memref<208x128xf32, #tpu.memory_space<vmem>>, vector<1x16xf32>,
      %get3A_1929 = vector.shape_cast %get3A_1928 : vector<1x16xf32> to vector<16xf32>
      %get3A_1930 = arith.constant 202 : i32
      %get3A_1931 = arith.index_cast %get3A_1930 : i32 to index
      %get3A_1932 = arith.index_cast %mul3A_42 : i32 to index
      %get3A_1933 = tpu.vector_load %arg4[%get3A_1931, %get3A_1932] {strides = array<i32>} : memref<208x128xf32, #tpu.memory_space<vmem>>, vector<1x16xf32>,
      %get3A_1934 = vector.shape_cast %get3A_1933 : vector<1x16xf32> to vector<16xf32>
      %get3A_1935 = arith.constant 203 : i32
      %get3A_1936 = arith.index_cast %get3A_1935 : i32 to index
      %get3A_1937 = arith.index_cast %mul3A_42 : i32 to index
      %get3A_1938 = tpu.vector_load %arg4[%get3A_1936, %get3A_1937] {strides = array<i32>} : memref<208x128xf32, #tpu.memory_space<vmem>>, vector<1x16xf32>,
      %get3A_1939 = vector.shape_cast %get3A_1938 : vector<1x16xf32> to vector<16xf32>
      %get3A_1940 = arith.constant 204 : i32
      %get3A_1941 = arith.index_cast %get3A_1940 : i32 to index
      %get3A_1942 = arith.index_cast %mul3A_42 : i32 to index
      %get3A_1943 = tpu.vector_load %arg4[%get3A_1941, %get3A_1942] {strides = array<i32>} : memref<208x128xf32, #tpu.memory_space<vmem>>, vector<1x16xf32>,
      %get3A_1944 = vector.shape_cast %get3A_1943 : vector<1x16xf32> to vector<16xf32>
      %get3A_1945 = arith.constant 205 : i32
      %get3A_1946 = arith.index_cast %get3A_1945 : i32 to index
      %get3A_1947 = arith.index_cast %mul3A_42 : i32 to index
      %get3A_1948 = tpu.vector_load %arg4[%get3A_1946, %get3A_1947] {strides = array<i32>} : memref<208x128xf32, #tpu.memory_space<vmem>>, vector<1x16xf32>,
      %get3A_1949 = vector.shape_cast %get3A_1948 : vector<1x16xf32> to vector<16xf32>
      %get3A_1950 = arith.constant 206 : i32
      %get3A_1951 = arith.index_cast %get3A_1950 : i32 to index
      %get3A_1952 = arith.index_cast %mul3A_42 : i32 to index
      %get3A_1953 = tpu.vector_load %arg4[%get3A_1951, %get3A_1952] {strides = array<i32>} : memref<208x128xf32, #tpu.memory_space<vmem>>, vector<1x16xf32>,
      %get3A_1954 = vector.shape_cast %get3A_1953 : vector<1x16xf32> to vector<16xf32>
      %get3A_1955 = arith.constant 207 : i32
      %get3A_1956 = arith.index_cast %get3A_1955 : i32 to index
      %get3A_1957 = arith.index_cast %mul3A_42 : i32 to index
      %get3A_1958 = tpu.vector_load %arg4[%get3A_1956, %get3A_1957] {strides = array<i32>} : memref<208x128xf32, #tpu.memory_space<vmem>>, vector<1x16xf32>,
      %get3A_1959 = vector.shape_cast %get3A_1958 : vector<1x16xf32> to vector<16xf32>
      %min3A_1960 = arith.minimumf %min3A_1864, %get3A_1959 : vector<16xf32>
      %min3A_1961 = arith.minimumf %max3A_1865, %get3A_1954 : vector<16xf32>
      %min3A_1962 = arith.minimumf %min3A_1866, %get3A_1949 : vector<16xf32>
      %min3A_1963 = arith.minimumf %max3A_1867, %get3A_1944 : vector<16xf32>
      %min3A_1964 = arith.minimumf %min3A_1868, %get3A_1939 : vector<16xf32>
      %min3A_1965 = arith.minimumf %max3A_1869, %get3A_1934 : vector<16xf32>
      %min3A_1966 = arith.minimumf %min3A_1870, %get3A_1929 : vector<16xf32>
      %min3A_1967 = arith.minimumf %max3A_1871, %get3A_1924 : vector<16xf32>
      %min3A_1968 = arith.minimumf %min3A_1872, %get3A_1919 : vector<16xf32>
      %min3A_1969 = arith.minimumf %max3A_1873, %get3A_1914 : vector<16xf32>
      %min3A_1970 = arith.minimumf %min3A_1874, %get3A_1909 : vector<16xf32>
      %min3A_1971 = arith.minimumf %max3A_1875, %get3A_1904 : vector<16xf32>
      %min3A_1972 = arith.minimumf %min3A_1876, %get3A_1899 : vector<16xf32>
      %min3A_1973 = arith.minimumf %max3A_1877, %get3A_1894 : vector<16xf32>
      %min3A_1974 = arith.minimumf %min3A_1878, %get3A_1889 : vector<16xf32>
      %min3A_1975 = arith.minimumf %max3A_1879, %get3A_1884 : vector<16xf32>
      %min3A_1976 = arith.minimumf %min3A_1960, %min3A_1968 : vector<16xf32>
      %max3A_1977 = arith.maximumf %min3A_1960, %min3A_1968 : vector<16xf32>
      %min3A_1978 = arith.minimumf %min3A_1961, %min3A_1969 : vector<16xf32>
      %max3A_1979 = arith.maximumf %min3A_1961, %min3A_1969 : vector<16xf32>
      %min3A_1980 = arith.minimumf %min3A_1962, %min3A_1970 : vector<16xf32>
      %max3A_1981 = arith.maximumf %min3A_1962, %min3A_1970 : vector<16xf32>
      %min3A_1982 = arith.minimumf %min3A_1963, %min3A_1971 : vector<16xf32>
      %max3A_1983 = arith.maximumf %min3A_1963, %min3A_1971 : vector<16xf32>
      %min3A_1984 = arith.minimumf %min3A_1964, %min3A_1972 : vector<16xf32>
      %max3A_1985 = arith.maximumf %min3A_1964, %min3A_1972 : vector<16xf32>
      %min3A_1986 = arith.minimumf %min3A_1965, %min3A_1973 : vector<16xf32>
      %max3A_1987 = arith.maximumf %min3A_1965, %min3A_1973 : vector<16xf32>
      %min3A_1988 = arith.minimumf %min3A_1966, %min3A_1974 : vector<16xf32>
      %max3A_1989 = arith.maximumf %min3A_1966, %min3A_1974 : vector<16xf32>
      %min3A_1990 = arith.minimumf %min3A_1967, %min3A_1975 : vector<16xf32>
      %max3A_1991 = arith.maximumf %min3A_1967, %min3A_1975 : vector<16xf32>
      %min3A_1992 = arith.minimumf %min3A_1976, %min3A_1984 : vector<16xf32>
      %max3A_1993 = arith.maximumf %min3A_1976, %min3A_1984 : vector<16xf32>
      %min3A_1994 = arith.minimumf %min3A_1978, %min3A_1986 : vector<16xf32>
      %max3A_1995 = arith.maximumf %min3A_1978, %min3A_1986 : vector<16xf32>
      %min3A_1996 = arith.minimumf %min3A_1980, %min3A_1988 : vector<16xf32>
      %max3A_1997 = arith.maximumf %min3A_1980, %min3A_1988 : vector<16xf32>
      %min3A_1998 = arith.minimumf %min3A_1982, %min3A_1990 : vector<16xf32>
      %max3A_1999 = arith.maximumf %min3A_1982, %min3A_1990 : vector<16xf32>
      %min3A_2000 = arith.minimumf %max3A_1977, %max3A_1985 : vector<16xf32>
      %max3A_2001 = arith.maximumf %max3A_1977, %max3A_1985 : vector<16xf32>
      %min3A_2002 = arith.minimumf %max3A_1979, %max3A_1987 : vector<16xf32>
      %max3A_2003 = arith.maximumf %max3A_1979, %max3A_1987 : vector<16xf32>
      %min3A_2004 = arith.minimumf %max3A_1981, %max3A_1989 : vector<16xf32>
      %max3A_2005 = arith.maximumf %max3A_1981, %max3A_1989 : vector<16xf32>
      %min3A_2006 = arith.minimumf %max3A_1983, %max3A_1991 : vector<16xf32>
      %max3A_2007 = arith.maximumf %max3A_1983, %max3A_1991 : vector<16xf32>
      %min3A_2008 = arith.minimumf %min3A_1992, %min3A_1996 : vector<16xf32>
      %max3A_2009 = arith.maximumf %min3A_1992, %min3A_1996 : vector<16xf32>
      %min3A_2010 = arith.minimumf %min3A_1994, %min3A_1998 : vector<16xf32>
      %max3A_2011 = arith.maximumf %min3A_1994, %min3A_1998 : vector<16xf32>
      %min3A_2012 = arith.minimumf %max3A_1993, %max3A_1997 : vector<16xf32>
      %max3A_2013 = arith.maximumf %max3A_1993, %max3A_1997 : vector<16xf32>
      %min3A_2014 = arith.minimumf %max3A_1995, %max3A_1999 : vector<16xf32>
      %max3A_2015 = arith.maximumf %max3A_1995, %max3A_1999 : vector<16xf32>
      %min3A_2016 = arith.minimumf %min3A_2000, %min3A_2004 : vector<16xf32>
      %max3A_2017 = arith.maximumf %min3A_2000, %min3A_2004 : vector<16xf32>
      %min3A_2018 = arith.minimumf %min3A_2002, %min3A_2006 : vector<16xf32>
      %max3A_2019 = arith.maximumf %min3A_2002, %min3A_2006 : vector<16xf32>
      %min3A_2020 = arith.minimumf %max3A_2001, %max3A_2005 : vector<16xf32>
      %max3A_2021 = arith.maximumf %max3A_2001, %max3A_2005 : vector<16xf32>
      %min3A_2022 = arith.minimumf %max3A_2003, %max3A_2007 : vector<16xf32>
      %max3A_2023 = arith.maximumf %max3A_2003, %max3A_2007 : vector<16xf32>
      %min3A_2024 = arith.minimumf %min3A_2008, %min3A_2010 : vector<16xf32>
      %max3A_2025 = arith.maximumf %min3A_2008, %min3A_2010 : vector<16xf32>
      %min3A_2026 = arith.minimumf %max3A_2009, %max3A_2011 : vector<16xf32>
      %max3A_2027 = arith.maximumf %max3A_2009, %max3A_2011 : vector<16xf32>
      %min3A_2028 = arith.minimumf %min3A_2012, %min3A_2014 : vector<16xf32>
      %max3A_2029 = arith.maximumf %min3A_2012, %min3A_2014 : vector<16xf32>
      %min3A_2030 = arith.minimumf %max3A_2013, %max3A_2015 : vector<16xf32>
      %max3A_2031 = arith.maximumf %max3A_2013, %max3A_2015 : vector<16xf32>
      %min3A_2032 = arith.minimumf %min3A_2016, %min3A_2018 : vector<16xf32>
      %max3A_2033 = arith.maximumf %min3A_2016, %min3A_2018 : vector<16xf32>
      %min3A_2034 = arith.minimumf %max3A_2017, %max3A_2019 : vector<16xf32>
      %max3A_2035 = arith.maximumf %max3A_2017, %max3A_2019 : vector<16xf32>
      %min3A_2036 = arith.minimumf %min3A_2020, %min3A_2022 : vector<16xf32>
      %max3A_2037 = arith.maximumf %min3A_2020, %min3A_2022 : vector<16xf32>
      %min3A_2038 = arith.minimumf %max3A_2021, %max3A_2023 : vector<16xf32>
      %max3A_2039 = arith.maximumf %max3A_2021, %max3A_2023 : vector<16xf32>
      %swap3A = arith.index_cast %mul3A_42 : i32 to index
      %swap3A_2040 = tpu.vector_load %arg5[%swap3A] {strides = array<i32>} : memref<128xf32, #tpu.memory_space<vmem>>, vector<16xf32>,
      %swap3A_2041 = vector.shape_cast %swap3A_2040 : vector<16xf32> to vector<16xf32>
      %swap3A_2042 = vector.shape_cast %max3A_2033 : vector<16xf32> to vector<16xf32>
      tpu.vector_store %arg5[%swap3A], %swap3A_2042 {strides = array<i32>} : memref<128xf32, #tpu.memory_space<vmem>>, vector<16xf32>,
    }
    %scan3A_37 = arith.constant 8 : i32
    %mul3A_38 = arith.constant 128 : i32
    %mul3A_39 = arith.muli %add3A, %mul3A_38 : i32
    "tpu.region"() ({
      %run_scoped3A = tpu.sem_alloc : memref<!tpu.dma_semaphore, #tpu.memory_space<semaphore_mem>>
      %dma_start3A = tpu.memref_slice %arg3[%mul3A_39] : memref<4096xf32, #tpu.memory_space<hbm>> -> memref<128xf32, #tpu.memory_space<hbm>>
      %dma_start3A_40 = tpu.memref_slice %arg3[%mul3A_39] : memref<4096xf32, #tpu.memory_space<hbm>> -> memref<128xf32, #tpu.memory_space<hbm>>
      tpu.enqueue_dma source(%arg5 : memref<128xf32, #tpu.memory_space<vmem>>) target(%dma_start3A_40 : memref<128xf32, #tpu.memory_space<hbm>>) target_semaphore(%run_scoped3A : memref<!tpu.dma_semaphore, #tpu.memory_space<semaphore_mem>>)
      %dma_wait3A = tpu.memref_slice %arg3[%mul3A_39] : memref<4096xf32, #tpu.memory_space<hbm>> -> memref<128xf32, #tpu.memory_space<hbm>>
      %dma_wait3A_41 = tpu.memref_slice %arg3[%mul3A_39] : memref<4096xf32, #tpu.memory_space<hbm>> -> memref<128xf32, #tpu.memory_space<hbm>>
      tpu.wait_dma2 semaphore(%run_scoped3A : memref<!tpu.dma_semaphore, #tpu.memory_space<semaphore_mem>>) src(%arg5 : memref<128xf32, #tpu.memory_space<vmem>>) dst(%dma_wait3A_41 : memref<128xf32, #tpu.memory_space<hbm>>)
      tpu.yield
    }) : () -> ()
    return
  }
}

module attributes {stable_mosaic.version = 14 : i64} {
  func.func @_body_a(%arg0: i32, %arg1: i32, %arg2: memref<1024x128xbf16, #tpu.memory_space<vmem>>, %arg3: memref<8192x128xbf16, #tpu.memory_space<vmem>>, %arg4: memref<1x208x1024xf32, #tpu.memory_space<vmem>>) attributes {dimension_semantics = [#tpu.dimension_semantics<parallel>, #tpu.dimension_semantics<arbitrary>], iteration_bounds = array<i64: 4, 13>, scalar_prefetch = 0 : i64, scratch_operands = 0 : i64, tpu.core_type = #tpu.core_type<tc>, window_params = [{transform_indices = @transform_0, window_bounds = array<i64: 1024, 128>}, {transform_indices = @transform_1, window_bounds = array<i64: 8192, 128>}, {transform_indices = @transform_2, window_bounds = array<i64: 1, 208, 1024>}]} {
    %get3A = arith.constant 0 : index
    %get3A_0 = arith.constant 0 : index
    %get3A_1 = vector.load %arg2[%get3A, %get3A_0] : memref<1024x128xbf16, #tpu.memory_space<vmem>>, vector<1024x128xbf16>
    %get3A_2 = arith.constant 0 : index
    %get3A_3 = arith.constant 0 : index
    %get3A_4 = vector.load %arg3[%get3A_2, %get3A_3] : memref<8192x128xbf16, #tpu.memory_space<vmem>>, vector<8192x128xbf16>
    %mul3A = arith.constant -2.000000e+00 : bf16
    %mul3A_5 = vector.broadcast %mul3A : bf16 to vector<1024x128xbf16>
    %mul3A_6 = arith.mulf %get3A_1, %mul3A_5 : vector<1024x128xbf16>
    %dot_general3A = arith.constant dense<0.000000e+00> : vector<8192x1024xf32>
    %dot_general3A_7 = tpu.matmul %get3A_4, %mul3A_6, %dot_general3A {dimension_numbers = #tpu.dot_dimension_numbers<[1], [1], [0], [0], [0, 0, 1, 0], [], []>, transpose_lhs_hint = false} : vector<8192x128xbf16>, vector<1024x128xbf16>, vector<8192x1024xf32> -> vector<8192x1024xf32>
    %convert_element_type3A = arith.extf %get3A_4 : vector<8192x128xbf16> to vector<8192x128xf32>
    %mul3A_8 = arith.mulf %convert_element_type3A, %convert_element_type3A : vector<8192x128xf32>
    %reduce_sum3A = arith.constant dense<0.000000e+00> : vector<8192xf32>
    %reduce_sum3A_9 = vector.multi_reduction <add>, %mul3A_8, %reduce_sum3A [1] : vector<8192x128xf32> to vector<8192xf32>
    %convert_element_type3A_10 = arith.truncf %dot_general3A_7 : vector<8192x1024xf32> to vector<8192x1024xbf16>
    %broadcast_in_dim3A = vector.shape_cast %reduce_sum3A_9 : vector<8192xf32> to vector<8192x1xf32>
    %convert_element_type3A_11 = arith.truncf %broadcast_in_dim3A : vector<8192x1xf32> to vector<8192x1xbf16>
    %add3A = vector.broadcast %convert_element_type3A_11 : vector<8192x1xbf16> to vector<8192x1024xbf16>
    %add3A_12 = arith.addf %convert_element_type3A_10, %add3A : vector<8192x1024xbf16>
    %slice3A = vector.extract_strided_slice %add3A_12 {offsets = [0, 0], sizes = [512, 1024], strides = [1, 1]} : vector<8192x1024xbf16> to vector<512x1024xbf16>
    %slice3A_13 = vector.extract_strided_slice %add3A_12 {offsets = [512, 0], sizes = [512, 1024], strides = [1, 1]} : vector<8192x1024xbf16> to vector<512x1024xbf16>
    %slice3A_14 = vector.extract_strided_slice %add3A_12 {offsets = [1024, 0], sizes = [512, 1024], strides = [1, 1]} : vector<8192x1024xbf16> to vector<512x1024xbf16>
    %slice3A_15 = vector.extract_strided_slice %add3A_12 {offsets = [1536, 0], sizes = [512, 1024], strides = [1, 1]} : vector<8192x1024xbf16> to vector<512x1024xbf16>
    %slice3A_16 = vector.extract_strided_slice %add3A_12 {offsets = [2048, 0], sizes = [512, 1024], strides = [1, 1]} : vector<8192x1024xbf16> to vector<512x1024xbf16>
    %slice3A_17 = vector.extract_strided_slice %add3A_12 {offsets = [2560, 0], sizes = [512, 1024], strides = [1, 1]} : vector<8192x1024xbf16> to vector<512x1024xbf16>
    %slice3A_18 = vector.extract_strided_slice %add3A_12 {offsets = [3072, 0], sizes = [512, 1024], strides = [1, 1]} : vector<8192x1024xbf16> to vector<512x1024xbf16>
    %slice3A_19 = vector.extract_strided_slice %add3A_12 {offsets = [3584, 0], sizes = [512, 1024], strides = [1, 1]} : vector<8192x1024xbf16> to vector<512x1024xbf16>
    %slice3A_20 = vector.extract_strided_slice %add3A_12 {offsets = [4096, 0], sizes = [512, 1024], strides = [1, 1]} : vector<8192x1024xbf16> to vector<512x1024xbf16>
    %slice3A_21 = vector.extract_strided_slice %add3A_12 {offsets = [4608, 0], sizes = [512, 1024], strides = [1, 1]} : vector<8192x1024xbf16> to vector<512x1024xbf16>
    %slice3A_22 = vector.extract_strided_slice %add3A_12 {offsets = [5120, 0], sizes = [512, 1024], strides = [1, 1]} : vector<8192x1024xbf16> to vector<512x1024xbf16>
    %slice3A_23 = vector.extract_strided_slice %add3A_12 {offsets = [5632, 0], sizes = [512, 1024], strides = [1, 1]} : vector<8192x1024xbf16> to vector<512x1024xbf16>
    %slice3A_24 = vector.extract_strided_slice %add3A_12 {offsets = [6144, 0], sizes = [512, 1024], strides = [1, 1]} : vector<8192x1024xbf16> to vector<512x1024xbf16>
    %slice3A_25 = vector.extract_strided_slice %add3A_12 {offsets = [6656, 0], sizes = [512, 1024], strides = [1, 1]} : vector<8192x1024xbf16> to vector<512x1024xbf16>
    %slice3A_26 = vector.extract_strided_slice %add3A_12 {offsets = [7168, 0], sizes = [512, 1024], strides = [1, 1]} : vector<8192x1024xbf16> to vector<512x1024xbf16>
    %slice3A_27 = vector.extract_strided_slice %add3A_12 {offsets = [7680, 0], sizes = [512, 1024], strides = [1, 1]} : vector<8192x1024xbf16> to vector<512x1024xbf16>
    %min3A = arith.minimumf %slice3A, %slice3A_13 : vector<512x1024xbf16>
    %max3A = arith.maximumf %slice3A, %slice3A_13 : vector<512x1024xbf16>
    %min3A_28 = arith.minimumf %slice3A_14, %slice3A_15 : vector<512x1024xbf16>
    %max3A_29 = arith.maximumf %slice3A_14, %slice3A_15 : vector<512x1024xbf16>
    %min3A_30 = arith.minimumf %min3A, %min3A_28 : vector<512x1024xbf16>
    %max3A_31 = arith.maximumf %min3A, %min3A_28 : vector<512x1024xbf16>
    %min3A_32 = arith.minimumf %max3A, %max3A_29 : vector<512x1024xbf16>
    %max3A_33 = arith.maximumf %max3A, %max3A_29 : vector<512x1024xbf16>
    %min3A_34 = arith.minimumf %min3A_32, %max3A_31 : vector<512x1024xbf16>
    %max3A_35 = arith.maximumf %min3A_32, %max3A_31 : vector<512x1024xbf16>
    %min3A_36 = arith.minimumf %slice3A_16, %slice3A_17 : vector<512x1024xbf16>
    %max3A_37 = arith.maximumf %slice3A_16, %slice3A_17 : vector<512x1024xbf16>
    %min3A_38 = arith.minimumf %slice3A_18, %slice3A_19 : vector<512x1024xbf16>
    %max3A_39 = arith.maximumf %slice3A_18, %slice3A_19 : vector<512x1024xbf16>
    %min3A_40 = arith.minimumf %min3A_36, %min3A_38 : vector<512x1024xbf16>
    %max3A_41 = arith.maximumf %min3A_36, %min3A_38 : vector<512x1024xbf16>
    %min3A_42 = arith.minimumf %max3A_37, %max3A_39 : vector<512x1024xbf16>
    %max3A_43 = arith.maximumf %max3A_37, %max3A_39 : vector<512x1024xbf16>
    %min3A_44 = arith.minimumf %min3A_42, %max3A_41 : vector<512x1024xbf16>
    %max3A_45 = arith.maximumf %min3A_42, %max3A_41 : vector<512x1024xbf16>
    %min3A_46 = arith.minimumf %min3A_30, %min3A_40 : vector<512x1024xbf16>
    %max3A_47 = arith.maximumf %min3A_30, %min3A_40 : vector<512x1024xbf16>
    %min3A_48 = arith.minimumf %max3A_35, %max3A_45 : vector<512x1024xbf16>
    %max3A_49 = arith.maximumf %max3A_35, %max3A_45 : vector<512x1024xbf16>
    %min3A_50 = arith.minimumf %min3A_48, %max3A_47 : vector<512x1024xbf16>
    %max3A_51 = arith.maximumf %min3A_48, %max3A_47 : vector<512x1024xbf16>
    %min3A_52 = arith.minimumf %min3A_34, %min3A_44 : vector<512x1024xbf16>
    %max3A_53 = arith.maximumf %min3A_34, %min3A_44 : vector<512x1024xbf16>
    %min3A_54 = arith.minimumf %max3A_33, %max3A_43 : vector<512x1024xbf16>
    %max3A_55 = arith.maximumf %max3A_33, %max3A_43 : vector<512x1024xbf16>
    %min3A_56 = arith.minimumf %min3A_54, %max3A_53 : vector<512x1024xbf16>
    %max3A_57 = arith.maximumf %min3A_54, %max3A_53 : vector<512x1024xbf16>
    %min3A_58 = arith.minimumf %min3A_52, %min3A_50 : vector<512x1024xbf16>
    %max3A_59 = arith.maximumf %min3A_52, %min3A_50 : vector<512x1024xbf16>
    %min3A_60 = arith.minimumf %min3A_56, %max3A_51 : vector<512x1024xbf16>
    %max3A_61 = arith.maximumf %min3A_56, %max3A_51 : vector<512x1024xbf16>
    %min3A_62 = arith.minimumf %max3A_57, %max3A_49 : vector<512x1024xbf16>
    %max3A_63 = arith.maximumf %max3A_57, %max3A_49 : vector<512x1024xbf16>
    %min3A_64 = arith.minimumf %slice3A_20, %slice3A_21 : vector<512x1024xbf16>
    %max3A_65 = arith.maximumf %slice3A_20, %slice3A_21 : vector<512x1024xbf16>
    %min3A_66 = arith.minimumf %slice3A_22, %slice3A_23 : vector<512x1024xbf16>
    %max3A_67 = arith.maximumf %slice3A_22, %slice3A_23 : vector<512x1024xbf16>
    %min3A_68 = arith.minimumf %min3A_64, %min3A_66 : vector<512x1024xbf16>
    %max3A_69 = arith.maximumf %min3A_64, %min3A_66 : vector<512x1024xbf16>
    %min3A_70 = arith.minimumf %max3A_65, %max3A_67 : vector<512x1024xbf16>
    %max3A_71 = arith.maximumf %max3A_65, %max3A_67 : vector<512x1024xbf16>
    %min3A_72 = arith.minimumf %min3A_70, %max3A_69 : vector<512x1024xbf16>
    %max3A_73 = arith.maximumf %min3A_70, %max3A_69 : vector<512x1024xbf16>
    %min3A_74 = arith.minimumf %slice3A_24, %slice3A_25 : vector<512x1024xbf16>
    %max3A_75 = arith.maximumf %slice3A_24, %slice3A_25 : vector<512x1024xbf16>
    %min3A_76 = arith.minimumf %slice3A_26, %slice3A_27 : vector<512x1024xbf16>
    %max3A_77 = arith.maximumf %slice3A_26, %slice3A_27 : vector<512x1024xbf16>
    %min3A_78 = arith.minimumf %min3A_74, %min3A_76 : vector<512x1024xbf16>
    %max3A_79 = arith.maximumf %min3A_74, %min3A_76 : vector<512x1024xbf16>
    %min3A_80 = arith.minimumf %max3A_75, %max3A_77 : vector<512x1024xbf16>
    %max3A_81 = arith.maximumf %max3A_75, %max3A_77 : vector<512x1024xbf16>
    %min3A_82 = arith.minimumf %min3A_80, %max3A_79 : vector<512x1024xbf16>
    %max3A_83 = arith.maximumf %min3A_80, %max3A_79 : vector<512x1024xbf16>
    %min3A_84 = arith.minimumf %min3A_68, %min3A_78 : vector<512x1024xbf16>
    %max3A_85 = arith.maximumf %min3A_68, %min3A_78 : vector<512x1024xbf16>
    %min3A_86 = arith.minimumf %max3A_73, %max3A_83 : vector<512x1024xbf16>
    %max3A_87 = arith.maximumf %max3A_73, %max3A_83 : vector<512x1024xbf16>
    %min3A_88 = arith.minimumf %min3A_86, %max3A_85 : vector<512x1024xbf16>
    %max3A_89 = arith.maximumf %min3A_86, %max3A_85 : vector<512x1024xbf16>
    %min3A_90 = arith.minimumf %min3A_72, %min3A_82 : vector<512x1024xbf16>
    %max3A_91 = arith.maximumf %min3A_72, %min3A_82 : vector<512x1024xbf16>
    %min3A_92 = arith.minimumf %max3A_71, %max3A_81 : vector<512x1024xbf16>
    %max3A_93 = arith.maximumf %max3A_71, %max3A_81 : vector<512x1024xbf16>
    %min3A_94 = arith.minimumf %min3A_92, %max3A_91 : vector<512x1024xbf16>
    %max3A_95 = arith.maximumf %min3A_92, %max3A_91 : vector<512x1024xbf16>
    %min3A_96 = arith.minimumf %min3A_90, %min3A_88 : vector<512x1024xbf16>
    %max3A_97 = arith.maximumf %min3A_90, %min3A_88 : vector<512x1024xbf16>
    %min3A_98 = arith.minimumf %min3A_94, %max3A_89 : vector<512x1024xbf16>
    %max3A_99 = arith.maximumf %min3A_94, %max3A_89 : vector<512x1024xbf16>
    %min3A_100 = arith.minimumf %max3A_95, %max3A_87 : vector<512x1024xbf16>
    %max3A_101 = arith.maximumf %max3A_95, %max3A_87 : vector<512x1024xbf16>
    %min3A_102 = arith.minimumf %min3A_46, %min3A_84 : vector<512x1024xbf16>
    %max3A_103 = arith.maximumf %min3A_46, %min3A_84 : vector<512x1024xbf16>
    %min3A_104 = arith.minimumf %max3A_61, %max3A_99 : vector<512x1024xbf16>
    %max3A_105 = arith.maximumf %max3A_61, %max3A_99 : vector<512x1024xbf16>
    %min3A_106 = arith.minimumf %min3A_104, %max3A_103 : vector<512x1024xbf16>
    %max3A_107 = arith.maximumf %min3A_104, %max3A_103 : vector<512x1024xbf16>
    %min3A_108 = arith.minimumf %max3A_59, %max3A_97 : vector<512x1024xbf16>
    %max3A_109 = arith.maximumf %max3A_59, %max3A_97 : vector<512x1024xbf16>
    %min3A_110 = arith.minimumf %max3A_63, %max3A_101 : vector<512x1024xbf16>
    %max3A_111 = arith.maximumf %max3A_63, %max3A_101 : vector<512x1024xbf16>
    %min3A_112 = arith.minimumf %min3A_110, %max3A_109 : vector<512x1024xbf16>
    %max3A_113 = arith.maximumf %min3A_110, %max3A_109 : vector<512x1024xbf16>
    %min3A_114 = arith.minimumf %min3A_108, %min3A_106 : vector<512x1024xbf16>
    %max3A_115 = arith.maximumf %min3A_108, %min3A_106 : vector<512x1024xbf16>
    %min3A_116 = arith.minimumf %min3A_112, %max3A_107 : vector<512x1024xbf16>
    %max3A_117 = arith.maximumf %min3A_112, %max3A_107 : vector<512x1024xbf16>
    %min3A_118 = arith.minimumf %max3A_113, %max3A_105 : vector<512x1024xbf16>
    %max3A_119 = arith.maximumf %max3A_113, %max3A_105 : vector<512x1024xbf16>
    %min3A_120 = arith.minimumf %min3A_58, %min3A_96 : vector<512x1024xbf16>
    %max3A_121 = arith.maximumf %min3A_58, %min3A_96 : vector<512x1024xbf16>
    %min3A_122 = arith.minimumf %min3A_62, %min3A_100 : vector<512x1024xbf16>
    %max3A_123 = arith.maximumf %min3A_62, %min3A_100 : vector<512x1024xbf16>
    %min3A_124 = arith.minimumf %min3A_122, %max3A_121 : vector<512x1024xbf16>
    %max3A_125 = arith.maximumf %min3A_122, %max3A_121 : vector<512x1024xbf16>
    %min3A_126 = arith.minimumf %min3A_60, %min3A_98 : vector<512x1024xbf16>
    %max3A_127 = arith.maximumf %min3A_60, %min3A_98 : vector<512x1024xbf16>
    %min3A_128 = arith.minimumf %max3A_55, %max3A_93 : vector<512x1024xbf16>
    %max3A_129 = arith.maximumf %max3A_55, %max3A_93 : vector<512x1024xbf16>
    %min3A_130 = arith.minimumf %min3A_128, %max3A_127 : vector<512x1024xbf16>
    %max3A_131 = arith.maximumf %min3A_128, %max3A_127 : vector<512x1024xbf16>
    %min3A_132 = arith.minimumf %min3A_126, %min3A_124 : vector<512x1024xbf16>
    %max3A_133 = arith.maximumf %min3A_126, %min3A_124 : vector<512x1024xbf16>
    %min3A_134 = arith.minimumf %min3A_130, %max3A_125 : vector<512x1024xbf16>
    %max3A_135 = arith.maximumf %min3A_130, %max3A_125 : vector<512x1024xbf16>
    %min3A_136 = arith.minimumf %max3A_131, %max3A_123 : vector<512x1024xbf16>
    %max3A_137 = arith.maximumf %max3A_131, %max3A_123 : vector<512x1024xbf16>
    %min3A_138 = arith.minimumf %min3A_120, %min3A_114 : vector<512x1024xbf16>
    %max3A_139 = arith.maximumf %min3A_120, %min3A_114 : vector<512x1024xbf16>
    %min3A_140 = arith.minimumf %min3A_132, %max3A_115 : vector<512x1024xbf16>
    %max3A_141 = arith.maximumf %min3A_132, %max3A_115 : vector<512x1024xbf16>
    %min3A_142 = arith.minimumf %max3A_133, %min3A_116 : vector<512x1024xbf16>
    %max3A_143 = arith.maximumf %max3A_133, %min3A_116 : vector<512x1024xbf16>
    %min3A_144 = arith.minimumf %min3A_134, %max3A_117 : vector<512x1024xbf16>
    %max3A_145 = arith.maximumf %min3A_134, %max3A_117 : vector<512x1024xbf16>
    %min3A_146 = arith.minimumf %max3A_135, %min3A_118 : vector<512x1024xbf16>
    %max3A_147 = arith.maximumf %max3A_135, %min3A_118 : vector<512x1024xbf16>
    %min3A_148 = arith.minimumf %min3A_136, %max3A_119 : vector<512x1024xbf16>
    %max3A_149 = arith.maximumf %min3A_136, %max3A_119 : vector<512x1024xbf16>
    %min3A_150 = arith.minimumf %max3A_137, %max3A_111 : vector<512x1024xbf16>
    %max3A_151 = arith.maximumf %max3A_137, %max3A_111 : vector<512x1024xbf16>
    %slice3A_152 = vector.extract_strided_slice %min3A_102 {offsets = [0, 0], sizes = [256, 1024], strides = [1, 1]} : vector<512x1024xbf16> to vector<256x1024xbf16>
    %slice3A_153 = vector.extract_strided_slice %min3A_138 {offsets = [0, 0], sizes = [256, 1024], strides = [1, 1]} : vector<512x1024xbf16> to vector<256x1024xbf16>
    %slice3A_154 = vector.extract_strided_slice %max3A_139 {offsets = [0, 0], sizes = [256, 1024], strides = [1, 1]} : vector<512x1024xbf16> to vector<256x1024xbf16>
    %slice3A_155 = vector.extract_strided_slice %min3A_140 {offsets = [0, 0], sizes = [256, 1024], strides = [1, 1]} : vector<512x1024xbf16> to vector<256x1024xbf16>
    %slice3A_156 = vector.extract_strided_slice %max3A_141 {offsets = [0, 0], sizes = [256, 1024], strides = [1, 1]} : vector<512x1024xbf16> to vector<256x1024xbf16>
    %slice3A_157 = vector.extract_strided_slice %min3A_142 {offsets = [0, 0], sizes = [256, 1024], strides = [1, 1]} : vector<512x1024xbf16> to vector<256x1024xbf16>
    %slice3A_158 = vector.extract_strided_slice %max3A_143 {offsets = [0, 0], sizes = [256, 1024], strides = [1, 1]} : vector<512x1024xbf16> to vector<256x1024xbf16>
    %slice3A_159 = vector.extract_strided_slice %min3A_144 {offsets = [0, 0], sizes = [256, 1024], strides = [1, 1]} : vector<512x1024xbf16> to vector<256x1024xbf16>
    %slice3A_160 = vector.extract_strided_slice %max3A_145 {offsets = [0, 0], sizes = [256, 1024], strides = [1, 1]} : vector<512x1024xbf16> to vector<256x1024xbf16>
    %slice3A_161 = vector.extract_strided_slice %min3A_146 {offsets = [0, 0], sizes = [256, 1024], strides = [1, 1]} : vector<512x1024xbf16> to vector<256x1024xbf16>
    %slice3A_162 = vector.extract_strided_slice %max3A_147 {offsets = [0, 0], sizes = [256, 1024], strides = [1, 1]} : vector<512x1024xbf16> to vector<256x1024xbf16>
    %slice3A_163 = vector.extract_strided_slice %min3A_148 {offsets = [0, 0], sizes = [256, 1024], strides = [1, 1]} : vector<512x1024xbf16> to vector<256x1024xbf16>
    %slice3A_164 = vector.extract_strided_slice %max3A_149 {offsets = [0, 0], sizes = [256, 1024], strides = [1, 1]} : vector<512x1024xbf16> to vector<256x1024xbf16>
    %slice3A_165 = vector.extract_strided_slice %min3A_150 {offsets = [0, 0], sizes = [256, 1024], strides = [1, 1]} : vector<512x1024xbf16> to vector<256x1024xbf16>
    %slice3A_166 = vector.extract_strided_slice %max3A_151 {offsets = [0, 0], sizes = [256, 1024], strides = [1, 1]} : vector<512x1024xbf16> to vector<256x1024xbf16>
    %slice3A_167 = vector.extract_strided_slice %max3A_129 {offsets = [0, 0], sizes = [256, 1024], strides = [1, 1]} : vector<512x1024xbf16> to vector<256x1024xbf16>
    %slice3A_168 = vector.extract_strided_slice %min3A_102 {offsets = [256, 0], sizes = [256, 1024], strides = [1, 1]} : vector<512x1024xbf16> to vector<256x1024xbf16>
    %slice3A_169 = vector.extract_strided_slice %min3A_138 {offsets = [256, 0], sizes = [256, 1024], strides = [1, 1]} : vector<512x1024xbf16> to vector<256x1024xbf16>
    %slice3A_170 = vector.extract_strided_slice %max3A_139 {offsets = [256, 0], sizes = [256, 1024], strides = [1, 1]} : vector<512x1024xbf16> to vector<256x1024xbf16>
    %slice3A_171 = vector.extract_strided_slice %min3A_140 {offsets = [256, 0], sizes = [256, 1024], strides = [1, 1]} : vector<512x1024xbf16> to vector<256x1024xbf16>
    %slice3A_172 = vector.extract_strided_slice %max3A_141 {offsets = [256, 0], sizes = [256, 1024], strides = [1, 1]} : vector<512x1024xbf16> to vector<256x1024xbf16>
    %slice3A_173 = vector.extract_strided_slice %min3A_142 {offsets = [256, 0], sizes = [256, 1024], strides = [1, 1]} : vector<512x1024xbf16> to vector<256x1024xbf16>
    %slice3A_174 = vector.extract_strided_slice %max3A_143 {offsets = [256, 0], sizes = [256, 1024], strides = [1, 1]} : vector<512x1024xbf16> to vector<256x1024xbf16>
    %slice3A_175 = vector.extract_strided_slice %min3A_144 {offsets = [256, 0], sizes = [256, 1024], strides = [1, 1]} : vector<512x1024xbf16> to vector<256x1024xbf16>
    %slice3A_176 = vector.extract_strided_slice %max3A_145 {offsets = [256, 0], sizes = [256, 1024], strides = [1, 1]} : vector<512x1024xbf16> to vector<256x1024xbf16>
    %slice3A_177 = vector.extract_strided_slice %min3A_146 {offsets = [256, 0], sizes = [256, 1024], strides = [1, 1]} : vector<512x1024xbf16> to vector<256x1024xbf16>
    %slice3A_178 = vector.extract_strided_slice %max3A_147 {offsets = [256, 0], sizes = [256, 1024], strides = [1, 1]} : vector<512x1024xbf16> to vector<256x1024xbf16>
    %slice3A_179 = vector.extract_strided_slice %min3A_148 {offsets = [256, 0], sizes = [256, 1024], strides = [1, 1]} : vector<512x1024xbf16> to vector<256x1024xbf16>
    %slice3A_180 = vector.extract_strided_slice %max3A_149 {offsets = [256, 0], sizes = [256, 1024], strides = [1, 1]} : vector<512x1024xbf16> to vector<256x1024xbf16>
    %slice3A_181 = vector.extract_strided_slice %min3A_150 {offsets = [256, 0], sizes = [256, 1024], strides = [1, 1]} : vector<512x1024xbf16> to vector<256x1024xbf16>
    %slice3A_182 = vector.extract_strided_slice %max3A_151 {offsets = [256, 0], sizes = [256, 1024], strides = [1, 1]} : vector<512x1024xbf16> to vector<256x1024xbf16>
    %slice3A_183 = vector.extract_strided_slice %max3A_129 {offsets = [256, 0], sizes = [256, 1024], strides = [1, 1]} : vector<512x1024xbf16> to vector<256x1024xbf16>
    %min3A_184 = arith.minimumf %slice3A_152, %slice3A_183 : vector<256x1024xbf16>
    %min3A_185 = arith.minimumf %slice3A_153, %slice3A_182 : vector<256x1024xbf16>
    %min3A_186 = arith.minimumf %slice3A_154, %slice3A_181 : vector<256x1024xbf16>
    %min3A_187 = arith.minimumf %slice3A_155, %slice3A_180 : vector<256x1024xbf16>
    %min3A_188 = arith.minimumf %slice3A_156, %slice3A_179 : vector<256x1024xbf16>
    %min3A_189 = arith.minimumf %slice3A_157, %slice3A_178 : vector<256x1024xbf16>
    %min3A_190 = arith.minimumf %slice3A_158, %slice3A_177 : vector<256x1024xbf16>
    %min3A_191 = arith.minimumf %slice3A_159, %slice3A_176 : vector<256x1024xbf16>
    %min3A_192 = arith.minimumf %slice3A_160, %slice3A_175 : vector<256x1024xbf16>
    %min3A_193 = arith.minimumf %slice3A_161, %slice3A_174 : vector<256x1024xbf16>
    %min3A_194 = arith.minimumf %slice3A_162, %slice3A_173 : vector<256x1024xbf16>
    %min3A_195 = arith.minimumf %slice3A_163, %slice3A_172 : vector<256x1024xbf16>
    %min3A_196 = arith.minimumf %slice3A_164, %slice3A_171 : vector<256x1024xbf16>
    %min3A_197 = arith.minimumf %slice3A_165, %slice3A_170 : vector<256x1024xbf16>
    %min3A_198 = arith.minimumf %slice3A_166, %slice3A_169 : vector<256x1024xbf16>
    %min3A_199 = arith.minimumf %slice3A_167, %slice3A_168 : vector<256x1024xbf16>
    %min3A_200 = arith.minimumf %min3A_184, %min3A_192 : vector<256x1024xbf16>
    %max3A_201 = arith.maximumf %min3A_184, %min3A_192 : vector<256x1024xbf16>
    %min3A_202 = arith.minimumf %min3A_185, %min3A_193 : vector<256x1024xbf16>
    %max3A_203 = arith.maximumf %min3A_185, %min3A_193 : vector<256x1024xbf16>
    %min3A_204 = arith.minimumf %min3A_186, %min3A_194 : vector<256x1024xbf16>
    %max3A_205 = arith.maximumf %min3A_186, %min3A_194 : vector<256x1024xbf16>
    %min3A_206 = arith.minimumf %min3A_187, %min3A_195 : vector<256x1024xbf16>
    %max3A_207 = arith.maximumf %min3A_187, %min3A_195 : vector<256x1024xbf16>
    %min3A_208 = arith.minimumf %min3A_188, %min3A_196 : vector<256x1024xbf16>
    %max3A_209 = arith.maximumf %min3A_188, %min3A_196 : vector<256x1024xbf16>
    %min3A_210 = arith.minimumf %min3A_189, %min3A_197 : vector<256x1024xbf16>
    %max3A_211 = arith.maximumf %min3A_189, %min3A_197 : vector<256x1024xbf16>
    %min3A_212 = arith.minimumf %min3A_190, %min3A_198 : vector<256x1024xbf16>
    %max3A_213 = arith.maximumf %min3A_190, %min3A_198 : vector<256x1024xbf16>
    %min3A_214 = arith.minimumf %min3A_191, %min3A_199 : vector<256x1024xbf16>
    %max3A_215 = arith.maximumf %min3A_191, %min3A_199 : vector<256x1024xbf16>
    %min3A_216 = arith.minimumf %min3A_200, %min3A_208 : vector<256x1024xbf16>
    %max3A_217 = arith.maximumf %min3A_200, %min3A_208 : vector<256x1024xbf16>
    %min3A_218 = arith.minimumf %min3A_202, %min3A_210 : vector<256x1024xbf16>
    %max3A_219 = arith.maximumf %min3A_202, %min3A_210 : vector<256x1024xbf16>
    %min3A_220 = arith.minimumf %min3A_204, %min3A_212 : vector<256x1024xbf16>
    %max3A_221 = arith.maximumf %min3A_204, %min3A_212 : vector<256x1024xbf16>
    %min3A_222 = arith.minimumf %min3A_206, %min3A_214 : vector<256x1024xbf16>
    %max3A_223 = arith.maximumf %min3A_206, %min3A_214 : vector<256x1024xbf16>
    %min3A_224 = arith.minimumf %max3A_201, %max3A_209 : vector<256x1024xbf16>
    %max3A_225 = arith.maximumf %max3A_201, %max3A_209 : vector<256x1024xbf16>
    %min3A_226 = arith.minimumf %max3A_203, %max3A_211 : vector<256x1024xbf16>
    %max3A_227 = arith.maximumf %max3A_203, %max3A_211 : vector<256x1024xbf16>
    %min3A_228 = arith.minimumf %max3A_205, %max3A_213 : vector<256x1024xbf16>
    %max3A_229 = arith.maximumf %max3A_205, %max3A_213 : vector<256x1024xbf16>
    %min3A_230 = arith.minimumf %max3A_207, %max3A_215 : vector<256x1024xbf16>
    %max3A_231 = arith.maximumf %max3A_207, %max3A_215 : vector<256x1024xbf16>
    %min3A_232 = arith.minimumf %min3A_216, %min3A_220 : vector<256x1024xbf16>
    %max3A_233 = arith.maximumf %min3A_216, %min3A_220 : vector<256x1024xbf16>
    %min3A_234 = arith.minimumf %min3A_218, %min3A_222 : vector<256x1024xbf16>
    %max3A_235 = arith.maximumf %min3A_218, %min3A_222 : vector<256x1024xbf16>
    %min3A_236 = arith.minimumf %max3A_217, %max3A_221 : vector<256x1024xbf16>
    %max3A_237 = arith.maximumf %max3A_217, %max3A_221 : vector<256x1024xbf16>
    %min3A_238 = arith.minimumf %max3A_219, %max3A_223 : vector<256x1024xbf16>
    %max3A_239 = arith.maximumf %max3A_219, %max3A_223 : vector<256x1024xbf16>
    %min3A_240 = arith.minimumf %min3A_224, %min3A_228 : vector<256x1024xbf16>
    %max3A_241 = arith.maximumf %min3A_224, %min3A_228 : vector<256x1024xbf16>
    %min3A_242 = arith.minimumf %min3A_226, %min3A_230 : vector<256x1024xbf16>
    %max3A_243 = arith.maximumf %min3A_226, %min3A_230 : vector<256x1024xbf16>
    %min3A_244 = arith.minimumf %max3A_225, %max3A_229 : vector<256x1024xbf16>
    %max3A_245 = arith.maximumf %max3A_225, %max3A_229 : vector<256x1024xbf16>
    %min3A_246 = arith.minimumf %max3A_227, %max3A_231 : vector<256x1024xbf16>
    %max3A_247 = arith.maximumf %max3A_227, %max3A_231 : vector<256x1024xbf16>
    %min3A_248 = arith.minimumf %min3A_232, %min3A_234 : vector<256x1024xbf16>
    %max3A_249 = arith.maximumf %min3A_232, %min3A_234 : vector<256x1024xbf16>
    %min3A_250 = arith.minimumf %max3A_233, %max3A_235 : vector<256x1024xbf16>
    %max3A_251 = arith.maximumf %max3A_233, %max3A_235 : vector<256x1024xbf16>
    %min3A_252 = arith.minimumf %min3A_236, %min3A_238 : vector<256x1024xbf16>
    %max3A_253 = arith.maximumf %min3A_236, %min3A_238 : vector<256x1024xbf16>
    %min3A_254 = arith.minimumf %max3A_237, %max3A_239 : vector<256x1024xbf16>
    %max3A_255 = arith.maximumf %max3A_237, %max3A_239 : vector<256x1024xbf16>
    %min3A_256 = arith.minimumf %min3A_240, %min3A_242 : vector<256x1024xbf16>
    %max3A_257 = arith.maximumf %min3A_240, %min3A_242 : vector<256x1024xbf16>
    %min3A_258 = arith.minimumf %max3A_241, %max3A_243 : vector<256x1024xbf16>
    %max3A_259 = arith.maximumf %max3A_241, %max3A_243 : vector<256x1024xbf16>
    %min3A_260 = arith.minimumf %min3A_244, %min3A_246 : vector<256x1024xbf16>
    %max3A_261 = arith.maximumf %min3A_244, %min3A_246 : vector<256x1024xbf16>
    %min3A_262 = arith.minimumf %max3A_245, %max3A_247 : vector<256x1024xbf16>
    %max3A_263 = arith.maximumf %max3A_245, %max3A_247 : vector<256x1024xbf16>
    %slice3A_264 = vector.extract_strided_slice %min3A_248 {offsets = [0, 0], sizes = [128, 1024], strides = [1, 1]} : vector<256x1024xbf16> to vector<128x1024xbf16>
    %slice3A_265 = vector.extract_strided_slice %max3A_249 {offsets = [0, 0], sizes = [128, 1024], strides = [1, 1]} : vector<256x1024xbf16> to vector<128x1024xbf16>
    %slice3A_266 = vector.extract_strided_slice %min3A_250 {offsets = [0, 0], sizes = [128, 1024], strides = [1, 1]} : vector<256x1024xbf16> to vector<128x1024xbf16>
    %slice3A_267 = vector.extract_strided_slice %max3A_251 {offsets = [0, 0], sizes = [128, 1024], strides = [1, 1]} : vector<256x1024xbf16> to vector<128x1024xbf16>
    %slice3A_268 = vector.extract_strided_slice %min3A_252 {offsets = [0, 0], sizes = [128, 1024], strides = [1, 1]} : vector<256x1024xbf16> to vector<128x1024xbf16>
    %slice3A_269 = vector.extract_strided_slice %max3A_253 {offsets = [0, 0], sizes = [128, 1024], strides = [1, 1]} : vector<256x1024xbf16> to vector<128x1024xbf16>
    %slice3A_270 = vector.extract_strided_slice %min3A_254 {offsets = [0, 0], sizes = [128, 1024], strides = [1, 1]} : vector<256x1024xbf16> to vector<128x1024xbf16>
    %slice3A_271 = vector.extract_strided_slice %max3A_255 {offsets = [0, 0], sizes = [128, 1024], strides = [1, 1]} : vector<256x1024xbf16> to vector<128x1024xbf16>
    %slice3A_272 = vector.extract_strided_slice %min3A_256 {offsets = [0, 0], sizes = [128, 1024], strides = [1, 1]} : vector<256x1024xbf16> to vector<128x1024xbf16>
    %slice3A_273 = vector.extract_strided_slice %max3A_257 {offsets = [0, 0], sizes = [128, 1024], strides = [1, 1]} : vector<256x1024xbf16> to vector<128x1024xbf16>
    %slice3A_274 = vector.extract_strided_slice %min3A_258 {offsets = [0, 0], sizes = [128, 1024], strides = [1, 1]} : vector<256x1024xbf16> to vector<128x1024xbf16>
    %slice3A_275 = vector.extract_strided_slice %max3A_259 {offsets = [0, 0], sizes = [128, 1024], strides = [1, 1]} : vector<256x1024xbf16> to vector<128x1024xbf16>
    %slice3A_276 = vector.extract_strided_slice %min3A_260 {offsets = [0, 0], sizes = [128, 1024], strides = [1, 1]} : vector<256x1024xbf16> to vector<128x1024xbf16>
    %slice3A_277 = vector.extract_strided_slice %max3A_261 {offsets = [0, 0], sizes = [128, 1024], strides = [1, 1]} : vector<256x1024xbf16> to vector<128x1024xbf16>
    %slice3A_278 = vector.extract_strided_slice %min3A_262 {offsets = [0, 0], sizes = [128, 1024], strides = [1, 1]} : vector<256x1024xbf16> to vector<128x1024xbf16>
    %slice3A_279 = vector.extract_strided_slice %max3A_263 {offsets = [0, 0], sizes = [128, 1024], strides = [1, 1]} : vector<256x1024xbf16> to vector<128x1024xbf16>
    %slice3A_280 = vector.extract_strided_slice %min3A_248 {offsets = [128, 0], sizes = [128, 1024], strides = [1, 1]} : vector<256x1024xbf16> to vector<128x1024xbf16>
    %slice3A_281 = vector.extract_strided_slice %max3A_249 {offsets = [128, 0], sizes = [128, 1024], strides = [1, 1]} : vector<256x1024xbf16> to vector<128x1024xbf16>
    %slice3A_282 = vector.extract_strided_slice %min3A_250 {offsets = [128, 0], sizes = [128, 1024], strides = [1, 1]} : vector<256x1024xbf16> to vector<128x1024xbf16>
    %slice3A_283 = vector.extract_strided_slice %max3A_251 {offsets = [128, 0], sizes = [128, 1024], strides = [1, 1]} : vector<256x1024xbf16> to vector<128x1024xbf16>
    %slice3A_284 = vector.extract_strided_slice %min3A_252 {offsets = [128, 0], sizes = [128, 1024], strides = [1, 1]} : vector<256x1024xbf16> to vector<128x1024xbf16>
    %slice3A_285 = vector.extract_strided_slice %max3A_253 {offsets = [128, 0], sizes = [128, 1024], strides = [1, 1]} : vector<256x1024xbf16> to vector<128x1024xbf16>
    %slice3A_286 = vector.extract_strided_slice %min3A_254 {offsets = [128, 0], sizes = [128, 1024], strides = [1, 1]} : vector<256x1024xbf16> to vector<128x1024xbf16>
    %slice3A_287 = vector.extract_strided_slice %max3A_255 {offsets = [128, 0], sizes = [128, 1024], strides = [1, 1]} : vector<256x1024xbf16> to vector<128x1024xbf16>
    %slice3A_288 = vector.extract_strided_slice %min3A_256 {offsets = [128, 0], sizes = [128, 1024], strides = [1, 1]} : vector<256x1024xbf16> to vector<128x1024xbf16>
    %slice3A_289 = vector.extract_strided_slice %max3A_257 {offsets = [128, 0], sizes = [128, 1024], strides = [1, 1]} : vector<256x1024xbf16> to vector<128x1024xbf16>
    %slice3A_290 = vector.extract_strided_slice %min3A_258 {offsets = [128, 0], sizes = [128, 1024], strides = [1, 1]} : vector<256x1024xbf16> to vector<128x1024xbf16>
    %slice3A_291 = vector.extract_strided_slice %max3A_259 {offsets = [128, 0], sizes = [128, 1024], strides = [1, 1]} : vector<256x1024xbf16> to vector<128x1024xbf16>
    %slice3A_292 = vector.extract_strided_slice %min3A_260 {offsets = [128, 0], sizes = [128, 1024], strides = [1, 1]} : vector<256x1024xbf16> to vector<128x1024xbf16>
    %slice3A_293 = vector.extract_strided_slice %max3A_261 {offsets = [128, 0], sizes = [128, 1024], strides = [1, 1]} : vector<256x1024xbf16> to vector<128x1024xbf16>
    %slice3A_294 = vector.extract_strided_slice %min3A_262 {offsets = [128, 0], sizes = [128, 1024], strides = [1, 1]} : vector<256x1024xbf16> to vector<128x1024xbf16>
    %slice3A_295 = vector.extract_strided_slice %max3A_263 {offsets = [128, 0], sizes = [128, 1024], strides = [1, 1]} : vector<256x1024xbf16> to vector<128x1024xbf16>
    %min3A_296 = arith.minimumf %slice3A_264, %slice3A_295 : vector<128x1024xbf16>
    %min3A_297 = arith.minimumf %slice3A_265, %slice3A_294 : vector<128x1024xbf16>
    %min3A_298 = arith.minimumf %slice3A_266, %slice3A_293 : vector<128x1024xbf16>
    %min3A_299 = arith.minimumf %slice3A_267, %slice3A_292 : vector<128x1024xbf16>
    %min3A_300 = arith.minimumf %slice3A_268, %slice3A_291 : vector<128x1024xbf16>
    %min3A_301 = arith.minimumf %slice3A_269, %slice3A_290 : vector<128x1024xbf16>
    %min3A_302 = arith.minimumf %slice3A_270, %slice3A_289 : vector<128x1024xbf16>
    %min3A_303 = arith.minimumf %slice3A_271, %slice3A_288 : vector<128x1024xbf16>
    %min3A_304 = arith.minimumf %slice3A_272, %slice3A_287 : vector<128x1024xbf16>
    %min3A_305 = arith.minimumf %slice3A_273, %slice3A_286 : vector<128x1024xbf16>
    %min3A_306 = arith.minimumf %slice3A_274, %slice3A_285 : vector<128x1024xbf16>
    %min3A_307 = arith.minimumf %slice3A_275, %slice3A_284 : vector<128x1024xbf16>
    %min3A_308 = arith.minimumf %slice3A_276, %slice3A_283 : vector<128x1024xbf16>
    %min3A_309 = arith.minimumf %slice3A_277, %slice3A_282 : vector<128x1024xbf16>
    %min3A_310 = arith.minimumf %slice3A_278, %slice3A_281 : vector<128x1024xbf16>
    %min3A_311 = arith.minimumf %slice3A_279, %slice3A_280 : vector<128x1024xbf16>
    %min3A_312 = arith.minimumf %min3A_296, %min3A_304 : vector<128x1024xbf16>
    %max3A_313 = arith.maximumf %min3A_296, %min3A_304 : vector<128x1024xbf16>
    %min3A_314 = arith.minimumf %min3A_297, %min3A_305 : vector<128x1024xbf16>
    %max3A_315 = arith.maximumf %min3A_297, %min3A_305 : vector<128x1024xbf16>
    %min3A_316 = arith.minimumf %min3A_298, %min3A_306 : vector<128x1024xbf16>
    %max3A_317 = arith.maximumf %min3A_298, %min3A_306 : vector<128x1024xbf16>
    %min3A_318 = arith.minimumf %min3A_299, %min3A_307 : vector<128x1024xbf16>
    %max3A_319 = arith.maximumf %min3A_299, %min3A_307 : vector<128x1024xbf16>
    %min3A_320 = arith.minimumf %min3A_300, %min3A_308 : vector<128x1024xbf16>
    %max3A_321 = arith.maximumf %min3A_300, %min3A_308 : vector<128x1024xbf16>
    %min3A_322 = arith.minimumf %min3A_301, %min3A_309 : vector<128x1024xbf16>
    %max3A_323 = arith.maximumf %min3A_301, %min3A_309 : vector<128x1024xbf16>
    %min3A_324 = arith.minimumf %min3A_302, %min3A_310 : vector<128x1024xbf16>
    %max3A_325 = arith.maximumf %min3A_302, %min3A_310 : vector<128x1024xbf16>
    %min3A_326 = arith.minimumf %min3A_303, %min3A_311 : vector<128x1024xbf16>
    %max3A_327 = arith.maximumf %min3A_303, %min3A_311 : vector<128x1024xbf16>
    %min3A_328 = arith.minimumf %min3A_312, %min3A_320 : vector<128x1024xbf16>
    %max3A_329 = arith.maximumf %min3A_312, %min3A_320 : vector<128x1024xbf16>
    %min3A_330 = arith.minimumf %min3A_314, %min3A_322 : vector<128x1024xbf16>
    %max3A_331 = arith.maximumf %min3A_314, %min3A_322 : vector<128x1024xbf16>
    %min3A_332 = arith.minimumf %min3A_316, %min3A_324 : vector<128x1024xbf16>
    %max3A_333 = arith.maximumf %min3A_316, %min3A_324 : vector<128x1024xbf16>
    %min3A_334 = arith.minimumf %min3A_318, %min3A_326 : vector<128x1024xbf16>
    %max3A_335 = arith.maximumf %min3A_318, %min3A_326 : vector<128x1024xbf16>
    %min3A_336 = arith.minimumf %max3A_313, %max3A_321 : vector<128x1024xbf16>
    %max3A_337 = arith.maximumf %max3A_313, %max3A_321 : vector<128x1024xbf16>
    %min3A_338 = arith.minimumf %max3A_315, %max3A_323 : vector<128x1024xbf16>
    %max3A_339 = arith.maximumf %max3A_315, %max3A_323 : vector<128x1024xbf16>
    %min3A_340 = arith.minimumf %max3A_317, %max3A_325 : vector<128x1024xbf16>
    %max3A_341 = arith.maximumf %max3A_317, %max3A_325 : vector<128x1024xbf16>
    %min3A_342 = arith.minimumf %max3A_319, %max3A_327 : vector<128x1024xbf16>
    %max3A_343 = arith.maximumf %max3A_319, %max3A_327 : vector<128x1024xbf16>
    %min3A_344 = arith.minimumf %min3A_328, %min3A_332 : vector<128x1024xbf16>
    %max3A_345 = arith.maximumf %min3A_328, %min3A_332 : vector<128x1024xbf16>
    %min3A_346 = arith.minimumf %min3A_330, %min3A_334 : vector<128x1024xbf16>
    %max3A_347 = arith.maximumf %min3A_330, %min3A_334 : vector<128x1024xbf16>
    %min3A_348 = arith.minimumf %max3A_329, %max3A_333 : vector<128x1024xbf16>
    %max3A_349 = arith.maximumf %max3A_329, %max3A_333 : vector<128x1024xbf16>
    %min3A_350 = arith.minimumf %max3A_331, %max3A_335 : vector<128x1024xbf16>
    %max3A_351 = arith.maximumf %max3A_331, %max3A_335 : vector<128x1024xbf16>
    %min3A_352 = arith.minimumf %min3A_336, %min3A_340 : vector<128x1024xbf16>
    %max3A_353 = arith.maximumf %min3A_336, %min3A_340 : vector<128x1024xbf16>
    %min3A_354 = arith.minimumf %min3A_338, %min3A_342 : vector<128x1024xbf16>
    %max3A_355 = arith.maximumf %min3A_338, %min3A_342 : vector<128x1024xbf16>
    %min3A_356 = arith.minimumf %max3A_337, %max3A_341 : vector<128x1024xbf16>
    %max3A_357 = arith.maximumf %max3A_337, %max3A_341 : vector<128x1024xbf16>
    %min3A_358 = arith.minimumf %max3A_339, %max3A_343 : vector<128x1024xbf16>
    %max3A_359 = arith.maximumf %max3A_339, %max3A_343 : vector<128x1024xbf16>
    %min3A_360 = arith.minimumf %min3A_344, %min3A_346 : vector<128x1024xbf16>
    %max3A_361 = arith.maximumf %min3A_344, %min3A_346 : vector<128x1024xbf16>
    %min3A_362 = arith.minimumf %max3A_345, %max3A_347 : vector<128x1024xbf16>
    %max3A_363 = arith.maximumf %max3A_345, %max3A_347 : vector<128x1024xbf16>
    %min3A_364 = arith.minimumf %min3A_348, %min3A_350 : vector<128x1024xbf16>
    %max3A_365 = arith.maximumf %min3A_348, %min3A_350 : vector<128x1024xbf16>
    %min3A_366 = arith.minimumf %max3A_349, %max3A_351 : vector<128x1024xbf16>
    %max3A_367 = arith.maximumf %max3A_349, %max3A_351 : vector<128x1024xbf16>
    %min3A_368 = arith.minimumf %min3A_352, %min3A_354 : vector<128x1024xbf16>
    %max3A_369 = arith.maximumf %min3A_352, %min3A_354 : vector<128x1024xbf16>
    %min3A_370 = arith.minimumf %max3A_353, %max3A_355 : vector<128x1024xbf16>
    %max3A_371 = arith.maximumf %max3A_353, %max3A_355 : vector<128x1024xbf16>
    %min3A_372 = arith.minimumf %min3A_356, %min3A_358 : vector<128x1024xbf16>
    %max3A_373 = arith.maximumf %min3A_356, %min3A_358 : vector<128x1024xbf16>
    %min3A_374 = arith.minimumf %max3A_357, %max3A_359 : vector<128x1024xbf16>
    %max3A_375 = arith.maximumf %max3A_357, %max3A_359 : vector<128x1024xbf16>
    %slice3A_376 = vector.extract_strided_slice %min3A_360 {offsets = [0, 0], sizes = [64, 1024], strides = [1, 1]} : vector<128x1024xbf16> to vector<64x1024xbf16>
    %slice3A_377 = vector.extract_strided_slice %max3A_361 {offsets = [0, 0], sizes = [64, 1024], strides = [1, 1]} : vector<128x1024xbf16> to vector<64x1024xbf16>
    %slice3A_378 = vector.extract_strided_slice %min3A_362 {offsets = [0, 0], sizes = [64, 1024], strides = [1, 1]} : vector<128x1024xbf16> to vector<64x1024xbf16>
    %slice3A_379 = vector.extract_strided_slice %max3A_363 {offsets = [0, 0], sizes = [64, 1024], strides = [1, 1]} : vector<128x1024xbf16> to vector<64x1024xbf16>
    %slice3A_380 = vector.extract_strided_slice %min3A_364 {offsets = [0, 0], sizes = [64, 1024], strides = [1, 1]} : vector<128x1024xbf16> to vector<64x1024xbf16>
    %slice3A_381 = vector.extract_strided_slice %max3A_365 {offsets = [0, 0], sizes = [64, 1024], strides = [1, 1]} : vector<128x1024xbf16> to vector<64x1024xbf16>
    %slice3A_382 = vector.extract_strided_slice %min3A_366 {offsets = [0, 0], sizes = [64, 1024], strides = [1, 1]} : vector<128x1024xbf16> to vector<64x1024xbf16>
    %slice3A_383 = vector.extract_strided_slice %max3A_367 {offsets = [0, 0], sizes = [64, 1024], strides = [1, 1]} : vector<128x1024xbf16> to vector<64x1024xbf16>
    %slice3A_384 = vector.extract_strided_slice %min3A_368 {offsets = [0, 0], sizes = [64, 1024], strides = [1, 1]} : vector<128x1024xbf16> to vector<64x1024xbf16>
    %slice3A_385 = vector.extract_strided_slice %max3A_369 {offsets = [0, 0], sizes = [64, 1024], strides = [1, 1]} : vector<128x1024xbf16> to vector<64x1024xbf16>
    %slice3A_386 = vector.extract_strided_slice %min3A_370 {offsets = [0, 0], sizes = [64, 1024], strides = [1, 1]} : vector<128x1024xbf16> to vector<64x1024xbf16>
    %slice3A_387 = vector.extract_strided_slice %max3A_371 {offsets = [0, 0], sizes = [64, 1024], strides = [1, 1]} : vector<128x1024xbf16> to vector<64x1024xbf16>
    %slice3A_388 = vector.extract_strided_slice %min3A_372 {offsets = [0, 0], sizes = [64, 1024], strides = [1, 1]} : vector<128x1024xbf16> to vector<64x1024xbf16>
    %slice3A_389 = vector.extract_strided_slice %max3A_373 {offsets = [0, 0], sizes = [64, 1024], strides = [1, 1]} : vector<128x1024xbf16> to vector<64x1024xbf16>
    %slice3A_390 = vector.extract_strided_slice %min3A_374 {offsets = [0, 0], sizes = [64, 1024], strides = [1, 1]} : vector<128x1024xbf16> to vector<64x1024xbf16>
    %slice3A_391 = vector.extract_strided_slice %max3A_375 {offsets = [0, 0], sizes = [64, 1024], strides = [1, 1]} : vector<128x1024xbf16> to vector<64x1024xbf16>
    %slice3A_392 = vector.extract_strided_slice %min3A_360 {offsets = [64, 0], sizes = [64, 1024], strides = [1, 1]} : vector<128x1024xbf16> to vector<64x1024xbf16>
    %slice3A_393 = vector.extract_strided_slice %max3A_361 {offsets = [64, 0], sizes = [64, 1024], strides = [1, 1]} : vector<128x1024xbf16> to vector<64x1024xbf16>
    %slice3A_394 = vector.extract_strided_slice %min3A_362 {offsets = [64, 0], sizes = [64, 1024], strides = [1, 1]} : vector<128x1024xbf16> to vector<64x1024xbf16>
    %slice3A_395 = vector.extract_strided_slice %max3A_363 {offsets = [64, 0], sizes = [64, 1024], strides = [1, 1]} : vector<128x1024xbf16> to vector<64x1024xbf16>
    %slice3A_396 = vector.extract_strided_slice %min3A_364 {offsets = [64, 0], sizes = [64, 1024], strides = [1, 1]} : vector<128x1024xbf16> to vector<64x1024xbf16>
    %slice3A_397 = vector.extract_strided_slice %max3A_365 {offsets = [64, 0], sizes = [64, 1024], strides = [1, 1]} : vector<128x1024xbf16> to vector<64x1024xbf16>
    %slice3A_398 = vector.extract_strided_slice %min3A_366 {offsets = [64, 0], sizes = [64, 1024], strides = [1, 1]} : vector<128x1024xbf16> to vector<64x1024xbf16>
    %slice3A_399 = vector.extract_strided_slice %max3A_367 {offsets = [64, 0], sizes = [64, 1024], strides = [1, 1]} : vector<128x1024xbf16> to vector<64x1024xbf16>
    %slice3A_400 = vector.extract_strided_slice %min3A_368 {offsets = [64, 0], sizes = [64, 1024], strides = [1, 1]} : vector<128x1024xbf16> to vector<64x1024xbf16>
    %slice3A_401 = vector.extract_strided_slice %max3A_369 {offsets = [64, 0], sizes = [64, 1024], strides = [1, 1]} : vector<128x1024xbf16> to vector<64x1024xbf16>
    %slice3A_402 = vector.extract_strided_slice %min3A_370 {offsets = [64, 0], sizes = [64, 1024], strides = [1, 1]} : vector<128x1024xbf16> to vector<64x1024xbf16>
    %slice3A_403 = vector.extract_strided_slice %max3A_371 {offsets = [64, 0], sizes = [64, 1024], strides = [1, 1]} : vector<128x1024xbf16> to vector<64x1024xbf16>
    %slice3A_404 = vector.extract_strided_slice %min3A_372 {offsets = [64, 0], sizes = [64, 1024], strides = [1, 1]} : vector<128x1024xbf16> to vector<64x1024xbf16>
    %slice3A_405 = vector.extract_strided_slice %max3A_373 {offsets = [64, 0], sizes = [64, 1024], strides = [1, 1]} : vector<128x1024xbf16> to vector<64x1024xbf16>
    %slice3A_406 = vector.extract_strided_slice %min3A_374 {offsets = [64, 0], sizes = [64, 1024], strides = [1, 1]} : vector<128x1024xbf16> to vector<64x1024xbf16>
    %slice3A_407 = vector.extract_strided_slice %max3A_375 {offsets = [64, 0], sizes = [64, 1024], strides = [1, 1]} : vector<128x1024xbf16> to vector<64x1024xbf16>
    %min3A_408 = arith.minimumf %slice3A_376, %slice3A_407 : vector<64x1024xbf16>
    %min3A_409 = arith.minimumf %slice3A_377, %slice3A_406 : vector<64x1024xbf16>
    %min3A_410 = arith.minimumf %slice3A_378, %slice3A_405 : vector<64x1024xbf16>
    %min3A_411 = arith.minimumf %slice3A_379, %slice3A_404 : vector<64x1024xbf16>
    %min3A_412 = arith.minimumf %slice3A_380, %slice3A_403 : vector<64x1024xbf16>
    %min3A_413 = arith.minimumf %slice3A_381, %slice3A_402 : vector<64x1024xbf16>
    %min3A_414 = arith.minimumf %slice3A_382, %slice3A_401 : vector<64x1024xbf16>
    %min3A_415 = arith.minimumf %slice3A_383, %slice3A_400 : vector<64x1024xbf16>
    %min3A_416 = arith.minimumf %slice3A_384, %slice3A_399 : vector<64x1024xbf16>
    %min3A_417 = arith.minimumf %slice3A_385, %slice3A_398 : vector<64x1024xbf16>
    %min3A_418 = arith.minimumf %slice3A_386, %slice3A_397 : vector<64x1024xbf16>
    %min3A_419 = arith.minimumf %slice3A_387, %slice3A_396 : vector<64x1024xbf16>
    %min3A_420 = arith.minimumf %slice3A_388, %slice3A_395 : vector<64x1024xbf16>
    %min3A_421 = arith.minimumf %slice3A_389, %slice3A_394 : vector<64x1024xbf16>
    %min3A_422 = arith.minimumf %slice3A_390, %slice3A_393 : vector<64x1024xbf16>
    %min3A_423 = arith.minimumf %slice3A_391, %slice3A_392 : vector<64x1024xbf16>
    %min3A_424 = arith.minimumf %min3A_408, %min3A_416 : vector<64x1024xbf16>
    %max3A_425 = arith.maximumf %min3A_408, %min3A_416 : vector<64x1024xbf16>
    %min3A_426 = arith.minimumf %min3A_409, %min3A_417 : vector<64x1024xbf16>
    %max3A_427 = arith.maximumf %min3A_409, %min3A_417 : vector<64x1024xbf16>
    %min3A_428 = arith.minimumf %min3A_410, %min3A_418 : vector<64x1024xbf16>
    %max3A_429 = arith.maximumf %min3A_410, %min3A_418 : vector<64x1024xbf16>
    %min3A_430 = arith.minimumf %min3A_411, %min3A_419 : vector<64x1024xbf16>
    %max3A_431 = arith.maximumf %min3A_411, %min3A_419 : vector<64x1024xbf16>
    %min3A_432 = arith.minimumf %min3A_412, %min3A_420 : vector<64x1024xbf16>
    %max3A_433 = arith.maximumf %min3A_412, %min3A_420 : vector<64x1024xbf16>
    %min3A_434 = arith.minimumf %min3A_413, %min3A_421 : vector<64x1024xbf16>
    %max3A_435 = arith.maximumf %min3A_413, %min3A_421 : vector<64x1024xbf16>
    %min3A_436 = arith.minimumf %min3A_414, %min3A_422 : vector<64x1024xbf16>
    %max3A_437 = arith.maximumf %min3A_414, %min3A_422 : vector<64x1024xbf16>
    %min3A_438 = arith.minimumf %min3A_415, %min3A_423 : vector<64x1024xbf16>
    %max3A_439 = arith.maximumf %min3A_415, %min3A_423 : vector<64x1024xbf16>
    %min3A_440 = arith.minimumf %min3A_424, %min3A_432 : vector<64x1024xbf16>
    %max3A_441 = arith.maximumf %min3A_424, %min3A_432 : vector<64x1024xbf16>
    %min3A_442 = arith.minimumf %min3A_426, %min3A_434 : vector<64x1024xbf16>
    %max3A_443 = arith.maximumf %min3A_426, %min3A_434 : vector<64x1024xbf16>
    %min3A_444 = arith.minimumf %min3A_428, %min3A_436 : vector<64x1024xbf16>
    %max3A_445 = arith.maximumf %min3A_428, %min3A_436 : vector<64x1024xbf16>
    %min3A_446 = arith.minimumf %min3A_430, %min3A_438 : vector<64x1024xbf16>
    %max3A_447 = arith.maximumf %min3A_430, %min3A_438 : vector<64x1024xbf16>
    %min3A_448 = arith.minimumf %max3A_425, %max3A_433 : vector<64x1024xbf16>
    %max3A_449 = arith.maximumf %max3A_425, %max3A_433 : vector<64x1024xbf16>
    %min3A_450 = arith.minimumf %max3A_427, %max3A_435 : vector<64x1024xbf16>
    %max3A_451 = arith.maximumf %max3A_427, %max3A_435 : vector<64x1024xbf16>
    %min3A_452 = arith.minimumf %max3A_429, %max3A_437 : vector<64x1024xbf16>
    %max3A_453 = arith.maximumf %max3A_429, %max3A_437 : vector<64x1024xbf16>
    %min3A_454 = arith.minimumf %max3A_431, %max3A_439 : vector<64x1024xbf16>
    %max3A_455 = arith.maximumf %max3A_431, %max3A_439 : vector<64x1024xbf16>
    %min3A_456 = arith.minimumf %min3A_440, %min3A_444 : vector<64x1024xbf16>
    %max3A_457 = arith.maximumf %min3A_440, %min3A_444 : vector<64x1024xbf16>
    %min3A_458 = arith.minimumf %min3A_442, %min3A_446 : vector<64x1024xbf16>
    %max3A_459 = arith.maximumf %min3A_442, %min3A_446 : vector<64x1024xbf16>
    %min3A_460 = arith.minimumf %max3A_441, %max3A_445 : vector<64x1024xbf16>
    %max3A_461 = arith.maximumf %max3A_441, %max3A_445 : vector<64x1024xbf16>
    %min3A_462 = arith.minimumf %max3A_443, %max3A_447 : vector<64x1024xbf16>
    %max3A_463 = arith.maximumf %max3A_443, %max3A_447 : vector<64x1024xbf16>
    %min3A_464 = arith.minimumf %min3A_448, %min3A_452 : vector<64x1024xbf16>
    %max3A_465 = arith.maximumf %min3A_448, %min3A_452 : vector<64x1024xbf16>
    %min3A_466 = arith.minimumf %min3A_450, %min3A_454 : vector<64x1024xbf16>
    %max3A_467 = arith.maximumf %min3A_450, %min3A_454 : vector<64x1024xbf16>
    %min3A_468 = arith.minimumf %max3A_449, %max3A_453 : vector<64x1024xbf16>
    %max3A_469 = arith.maximumf %max3A_449, %max3A_453 : vector<64x1024xbf16>
    %min3A_470 = arith.minimumf %max3A_451, %max3A_455 : vector<64x1024xbf16>
    %max3A_471 = arith.maximumf %max3A_451, %max3A_455 : vector<64x1024xbf16>
    %min3A_472 = arith.minimumf %min3A_456, %min3A_458 : vector<64x1024xbf16>
    %max3A_473 = arith.maximumf %min3A_456, %min3A_458 : vector<64x1024xbf16>
    %min3A_474 = arith.minimumf %max3A_457, %max3A_459 : vector<64x1024xbf16>
    %max3A_475 = arith.maximumf %max3A_457, %max3A_459 : vector<64x1024xbf16>
    %min3A_476 = arith.minimumf %min3A_460, %min3A_462 : vector<64x1024xbf16>
    %max3A_477 = arith.maximumf %min3A_460, %min3A_462 : vector<64x1024xbf16>
    %min3A_478 = arith.minimumf %max3A_461, %max3A_463 : vector<64x1024xbf16>
    %max3A_479 = arith.maximumf %max3A_461, %max3A_463 : vector<64x1024xbf16>
    %min3A_480 = arith.minimumf %min3A_464, %min3A_466 : vector<64x1024xbf16>
    %max3A_481 = arith.maximumf %min3A_464, %min3A_466 : vector<64x1024xbf16>
    %min3A_482 = arith.minimumf %max3A_465, %max3A_467 : vector<64x1024xbf16>
    %max3A_483 = arith.maximumf %max3A_465, %max3A_467 : vector<64x1024xbf16>
    %min3A_484 = arith.minimumf %min3A_468, %min3A_470 : vector<64x1024xbf16>
    %max3A_485 = arith.maximumf %min3A_468, %min3A_470 : vector<64x1024xbf16>
    %min3A_486 = arith.minimumf %max3A_469, %max3A_471 : vector<64x1024xbf16>
    %max3A_487 = arith.maximumf %max3A_469, %max3A_471 : vector<64x1024xbf16>
    %slice3A_488 = vector.extract_strided_slice %min3A_472 {offsets = [0, 0], sizes = [32, 1024], strides = [1, 1]} : vector<64x1024xbf16> to vector<32x1024xbf16>
    %slice3A_489 = vector.extract_strided_slice %max3A_473 {offsets = [0, 0], sizes = [32, 1024], strides = [1, 1]} : vector<64x1024xbf16> to vector<32x1024xbf16>
    %slice3A_490 = vector.extract_strided_slice %min3A_474 {offsets = [0, 0], sizes = [32, 1024], strides = [1, 1]} : vector<64x1024xbf16> to vector<32x1024xbf16>
    %slice3A_491 = vector.extract_strided_slice %max3A_475 {offsets = [0, 0], sizes = [32, 1024], strides = [1, 1]} : vector<64x1024xbf16> to vector<32x1024xbf16>
    %slice3A_492 = vector.extract_strided_slice %min3A_476 {offsets = [0, 0], sizes = [32, 1024], strides = [1, 1]} : vector<64x1024xbf16> to vector<32x1024xbf16>
    %slice3A_493 = vector.extract_strided_slice %max3A_477 {offsets = [0, 0], sizes = [32, 1024], strides = [1, 1]} : vector<64x1024xbf16> to vector<32x1024xbf16>
    %slice3A_494 = vector.extract_strided_slice %min3A_478 {offsets = [0, 0], sizes = [32, 1024], strides = [1, 1]} : vector<64x1024xbf16> to vector<32x1024xbf16>
    %slice3A_495 = vector.extract_strided_slice %max3A_479 {offsets = [0, 0], sizes = [32, 1024], strides = [1, 1]} : vector<64x1024xbf16> to vector<32x1024xbf16>
    %slice3A_496 = vector.extract_strided_slice %min3A_480 {offsets = [0, 0], sizes = [32, 1024], strides = [1, 1]} : vector<64x1024xbf16> to vector<32x1024xbf16>
    %slice3A_497 = vector.extract_strided_slice %max3A_481 {offsets = [0, 0], sizes = [32, 1024], strides = [1, 1]} : vector<64x1024xbf16> to vector<32x1024xbf16>
    %slice3A_498 = vector.extract_strided_slice %min3A_482 {offsets = [0, 0], sizes = [32, 1024], strides = [1, 1]} : vector<64x1024xbf16> to vector<32x1024xbf16>
    %slice3A_499 = vector.extract_strided_slice %max3A_483 {offsets = [0, 0], sizes = [32, 1024], strides = [1, 1]} : vector<64x1024xbf16> to vector<32x1024xbf16>
    %slice3A_500 = vector.extract_strided_slice %min3A_484 {offsets = [0, 0], sizes = [32, 1024], strides = [1, 1]} : vector<64x1024xbf16> to vector<32x1024xbf16>
    %slice3A_501 = vector.extract_strided_slice %max3A_485 {offsets = [0, 0], sizes = [32, 1024], strides = [1, 1]} : vector<64x1024xbf16> to vector<32x1024xbf16>
    %slice3A_502 = vector.extract_strided_slice %min3A_486 {offsets = [0, 0], sizes = [32, 1024], strides = [1, 1]} : vector<64x1024xbf16> to vector<32x1024xbf16>
    %slice3A_503 = vector.extract_strided_slice %max3A_487 {offsets = [0, 0], sizes = [32, 1024], strides = [1, 1]} : vector<64x1024xbf16> to vector<32x1024xbf16>
    %slice3A_504 = vector.extract_strided_slice %min3A_472 {offsets = [32, 0], sizes = [32, 1024], strides = [1, 1]} : vector<64x1024xbf16> to vector<32x1024xbf16>
    %slice3A_505 = vector.extract_strided_slice %max3A_473 {offsets = [32, 0], sizes = [32, 1024], strides = [1, 1]} : vector<64x1024xbf16> to vector<32x1024xbf16>
    %slice3A_506 = vector.extract_strided_slice %min3A_474 {offsets = [32, 0], sizes = [32, 1024], strides = [1, 1]} : vector<64x1024xbf16> to vector<32x1024xbf16>
    %slice3A_507 = vector.extract_strided_slice %max3A_475 {offsets = [32, 0], sizes = [32, 1024], strides = [1, 1]} : vector<64x1024xbf16> to vector<32x1024xbf16>
    %slice3A_508 = vector.extract_strided_slice %min3A_476 {offsets = [32, 0], sizes = [32, 1024], strides = [1, 1]} : vector<64x1024xbf16> to vector<32x1024xbf16>
    %slice3A_509 = vector.extract_strided_slice %max3A_477 {offsets = [32, 0], sizes = [32, 1024], strides = [1, 1]} : vector<64x1024xbf16> to vector<32x1024xbf16>
    %slice3A_510 = vector.extract_strided_slice %min3A_478 {offsets = [32, 0], sizes = [32, 1024], strides = [1, 1]} : vector<64x1024xbf16> to vector<32x1024xbf16>
    %slice3A_511 = vector.extract_strided_slice %max3A_479 {offsets = [32, 0], sizes = [32, 1024], strides = [1, 1]} : vector<64x1024xbf16> to vector<32x1024xbf16>
    %slice3A_512 = vector.extract_strided_slice %min3A_480 {offsets = [32, 0], sizes = [32, 1024], strides = [1, 1]} : vector<64x1024xbf16> to vector<32x1024xbf16>
    %slice3A_513 = vector.extract_strided_slice %max3A_481 {offsets = [32, 0], sizes = [32, 1024], strides = [1, 1]} : vector<64x1024xbf16> to vector<32x1024xbf16>
    %slice3A_514 = vector.extract_strided_slice %min3A_482 {offsets = [32, 0], sizes = [32, 1024], strides = [1, 1]} : vector<64x1024xbf16> to vector<32x1024xbf16>
    %slice3A_515 = vector.extract_strided_slice %max3A_483 {offsets = [32, 0], sizes = [32, 1024], strides = [1, 1]} : vector<64x1024xbf16> to vector<32x1024xbf16>
    %slice3A_516 = vector.extract_strided_slice %min3A_484 {offsets = [32, 0], sizes = [32, 1024], strides = [1, 1]} : vector<64x1024xbf16> to vector<32x1024xbf16>
    %slice3A_517 = vector.extract_strided_slice %max3A_485 {offsets = [32, 0], sizes = [32, 1024], strides = [1, 1]} : vector<64x1024xbf16> to vector<32x1024xbf16>
    %slice3A_518 = vector.extract_strided_slice %min3A_486 {offsets = [32, 0], sizes = [32, 1024], strides = [1, 1]} : vector<64x1024xbf16> to vector<32x1024xbf16>
    %slice3A_519 = vector.extract_strided_slice %max3A_487 {offsets = [32, 0], sizes = [32, 1024], strides = [1, 1]} : vector<64x1024xbf16> to vector<32x1024xbf16>
    %min3A_520 = arith.minimumf %slice3A_488, %slice3A_519 : vector<32x1024xbf16>
    %min3A_521 = arith.minimumf %slice3A_489, %slice3A_518 : vector<32x1024xbf16>
    %min3A_522 = arith.minimumf %slice3A_490, %slice3A_517 : vector<32x1024xbf16>
    %min3A_523 = arith.minimumf %slice3A_491, %slice3A_516 : vector<32x1024xbf16>
    %min3A_524 = arith.minimumf %slice3A_492, %slice3A_515 : vector<32x1024xbf16>
    %min3A_525 = arith.minimumf %slice3A_493, %slice3A_514 : vector<32x1024xbf16>
    %min3A_526 = arith.minimumf %slice3A_494, %slice3A_513 : vector<32x1024xbf16>
    %min3A_527 = arith.minimumf %slice3A_495, %slice3A_512 : vector<32x1024xbf16>
    %min3A_528 = arith.minimumf %slice3A_496, %slice3A_511 : vector<32x1024xbf16>
    %min3A_529 = arith.minimumf %slice3A_497, %slice3A_510 : vector<32x1024xbf16>
    %min3A_530 = arith.minimumf %slice3A_498, %slice3A_509 : vector<32x1024xbf16>
    %min3A_531 = arith.minimumf %slice3A_499, %slice3A_508 : vector<32x1024xbf16>
    %min3A_532 = arith.minimumf %slice3A_500, %slice3A_507 : vector<32x1024xbf16>
    %min3A_533 = arith.minimumf %slice3A_501, %slice3A_506 : vector<32x1024xbf16>
    %min3A_534 = arith.minimumf %slice3A_502, %slice3A_505 : vector<32x1024xbf16>
    %min3A_535 = arith.minimumf %slice3A_503, %slice3A_504 : vector<32x1024xbf16>
    %min3A_536 = arith.minimumf %min3A_520, %min3A_528 : vector<32x1024xbf16>
    %max3A_537 = arith.maximumf %min3A_520, %min3A_528 : vector<32x1024xbf16>
    %min3A_538 = arith.minimumf %min3A_521, %min3A_529 : vector<32x1024xbf16>
    %max3A_539 = arith.maximumf %min3A_521, %min3A_529 : vector<32x1024xbf16>
    %min3A_540 = arith.minimumf %min3A_522, %min3A_530 : vector<32x1024xbf16>
    %max3A_541 = arith.maximumf %min3A_522, %min3A_530 : vector<32x1024xbf16>
    %min3A_542 = arith.minimumf %min3A_523, %min3A_531 : vector<32x1024xbf16>
    %max3A_543 = arith.maximumf %min3A_523, %min3A_531 : vector<32x1024xbf16>
    %min3A_544 = arith.minimumf %min3A_524, %min3A_532 : vector<32x1024xbf16>
    %max3A_545 = arith.maximumf %min3A_524, %min3A_532 : vector<32x1024xbf16>
    %min3A_546 = arith.minimumf %min3A_525, %min3A_533 : vector<32x1024xbf16>
    %max3A_547 = arith.maximumf %min3A_525, %min3A_533 : vector<32x1024xbf16>
    %min3A_548 = arith.minimumf %min3A_526, %min3A_534 : vector<32x1024xbf16>
    %max3A_549 = arith.maximumf %min3A_526, %min3A_534 : vector<32x1024xbf16>
    %min3A_550 = arith.minimumf %min3A_527, %min3A_535 : vector<32x1024xbf16>
    %max3A_551 = arith.maximumf %min3A_527, %min3A_535 : vector<32x1024xbf16>
    %min3A_552 = arith.minimumf %min3A_536, %min3A_544 : vector<32x1024xbf16>
    %max3A_553 = arith.maximumf %min3A_536, %min3A_544 : vector<32x1024xbf16>
    %min3A_554 = arith.minimumf %min3A_538, %min3A_546 : vector<32x1024xbf16>
    %max3A_555 = arith.maximumf %min3A_538, %min3A_546 : vector<32x1024xbf16>
    %min3A_556 = arith.minimumf %min3A_540, %min3A_548 : vector<32x1024xbf16>
    %max3A_557 = arith.maximumf %min3A_540, %min3A_548 : vector<32x1024xbf16>
    %min3A_558 = arith.minimumf %min3A_542, %min3A_550 : vector<32x1024xbf16>
    %max3A_559 = arith.maximumf %min3A_542, %min3A_550 : vector<32x1024xbf16>
    %min3A_560 = arith.minimumf %max3A_537, %max3A_545 : vector<32x1024xbf16>
    %max3A_561 = arith.maximumf %max3A_537, %max3A_545 : vector<32x1024xbf16>
    %min3A_562 = arith.minimumf %max3A_539, %max3A_547 : vector<32x1024xbf16>
    %max3A_563 = arith.maximumf %max3A_539, %max3A_547 : vector<32x1024xbf16>
    %min3A_564 = arith.minimumf %max3A_541, %max3A_549 : vector<32x1024xbf16>
    %max3A_565 = arith.maximumf %max3A_541, %max3A_549 : vector<32x1024xbf16>
    %min3A_566 = arith.minimumf %max3A_543, %max3A_551 : vector<32x1024xbf16>
    %max3A_567 = arith.maximumf %max3A_543, %max3A_551 : vector<32x1024xbf16>
    %min3A_568 = arith.minimumf %min3A_552, %min3A_556 : vector<32x1024xbf16>
    %max3A_569 = arith.maximumf %min3A_552, %min3A_556 : vector<32x1024xbf16>
    %min3A_570 = arith.minimumf %min3A_554, %min3A_558 : vector<32x1024xbf16>
    %max3A_571 = arith.maximumf %min3A_554, %min3A_558 : vector<32x1024xbf16>
    %min3A_572 = arith.minimumf %max3A_553, %max3A_557 : vector<32x1024xbf16>
    %max3A_573 = arith.maximumf %max3A_553, %max3A_557 : vector<32x1024xbf16>
    %min3A_574 = arith.minimumf %max3A_555, %max3A_559 : vector<32x1024xbf16>
    %max3A_575 = arith.maximumf %max3A_555, %max3A_559 : vector<32x1024xbf16>
    %min3A_576 = arith.minimumf %min3A_560, %min3A_564 : vector<32x1024xbf16>
    %max3A_577 = arith.maximumf %min3A_560, %min3A_564 : vector<32x1024xbf16>
    %min3A_578 = arith.minimumf %min3A_562, %min3A_566 : vector<32x1024xbf16>
    %max3A_579 = arith.maximumf %min3A_562, %min3A_566 : vector<32x1024xbf16>
    %min3A_580 = arith.minimumf %max3A_561, %max3A_565 : vector<32x1024xbf16>
    %max3A_581 = arith.maximumf %max3A_561, %max3A_565 : vector<32x1024xbf16>
    %min3A_582 = arith.minimumf %max3A_563, %max3A_567 : vector<32x1024xbf16>
    %max3A_583 = arith.maximumf %max3A_563, %max3A_567 : vector<32x1024xbf16>
    %min3A_584 = arith.minimumf %min3A_568, %min3A_570 : vector<32x1024xbf16>
    %max3A_585 = arith.maximumf %min3A_568, %min3A_570 : vector<32x1024xbf16>
    %min3A_586 = arith.minimumf %max3A_569, %max3A_571 : vector<32x1024xbf16>
    %max3A_587 = arith.maximumf %max3A_569, %max3A_571 : vector<32x1024xbf16>
    %min3A_588 = arith.minimumf %min3A_572, %min3A_574 : vector<32x1024xbf16>
    %max3A_589 = arith.maximumf %min3A_572, %min3A_574 : vector<32x1024xbf16>
    %min3A_590 = arith.minimumf %max3A_573, %max3A_575 : vector<32x1024xbf16>
    %max3A_591 = arith.maximumf %max3A_573, %max3A_575 : vector<32x1024xbf16>
    %min3A_592 = arith.minimumf %min3A_576, %min3A_578 : vector<32x1024xbf16>
    %max3A_593 = arith.maximumf %min3A_576, %min3A_578 : vector<32x1024xbf16>
    %min3A_594 = arith.minimumf %max3A_577, %max3A_579 : vector<32x1024xbf16>
    %max3A_595 = arith.maximumf %max3A_577, %max3A_579 : vector<32x1024xbf16>
    %min3A_596 = arith.minimumf %min3A_580, %min3A_582 : vector<32x1024xbf16>
    %max3A_597 = arith.maximumf %min3A_580, %min3A_582 : vector<32x1024xbf16>
    %min3A_598 = arith.minimumf %max3A_581, %max3A_583 : vector<32x1024xbf16>
    %max3A_599 = arith.maximumf %max3A_581, %max3A_583 : vector<32x1024xbf16>
    %slice3A_600 = vector.extract_strided_slice %min3A_584 {offsets = [0, 0], sizes = [16, 1024], strides = [1, 1]} : vector<32x1024xbf16> to vector<16x1024xbf16>
    %slice3A_601 = vector.extract_strided_slice %max3A_585 {offsets = [0, 0], sizes = [16, 1024], strides = [1, 1]} : vector<32x1024xbf16> to vector<16x1024xbf16>
    %slice3A_602 = vector.extract_strided_slice %min3A_586 {offsets = [0, 0], sizes = [16, 1024], strides = [1, 1]} : vector<32x1024xbf16> to vector<16x1024xbf16>
    %slice3A_603 = vector.extract_strided_slice %max3A_587 {offsets = [0, 0], sizes = [16, 1024], strides = [1, 1]} : vector<32x1024xbf16> to vector<16x1024xbf16>
    %slice3A_604 = vector.extract_strided_slice %min3A_588 {offsets = [0, 0], sizes = [16, 1024], strides = [1, 1]} : vector<32x1024xbf16> to vector<16x1024xbf16>
    %slice3A_605 = vector.extract_strided_slice %max3A_589 {offsets = [0, 0], sizes = [16, 1024], strides = [1, 1]} : vector<32x1024xbf16> to vector<16x1024xbf16>
    %slice3A_606 = vector.extract_strided_slice %min3A_590 {offsets = [0, 0], sizes = [16, 1024], strides = [1, 1]} : vector<32x1024xbf16> to vector<16x1024xbf16>
    %slice3A_607 = vector.extract_strided_slice %max3A_591 {offsets = [0, 0], sizes = [16, 1024], strides = [1, 1]} : vector<32x1024xbf16> to vector<16x1024xbf16>
    %slice3A_608 = vector.extract_strided_slice %min3A_592 {offsets = [0, 0], sizes = [16, 1024], strides = [1, 1]} : vector<32x1024xbf16> to vector<16x1024xbf16>
    %slice3A_609 = vector.extract_strided_slice %max3A_593 {offsets = [0, 0], sizes = [16, 1024], strides = [1, 1]} : vector<32x1024xbf16> to vector<16x1024xbf16>
    %slice3A_610 = vector.extract_strided_slice %min3A_594 {offsets = [0, 0], sizes = [16, 1024], strides = [1, 1]} : vector<32x1024xbf16> to vector<16x1024xbf16>
    %slice3A_611 = vector.extract_strided_slice %max3A_595 {offsets = [0, 0], sizes = [16, 1024], strides = [1, 1]} : vector<32x1024xbf16> to vector<16x1024xbf16>
    %slice3A_612 = vector.extract_strided_slice %min3A_596 {offsets = [0, 0], sizes = [16, 1024], strides = [1, 1]} : vector<32x1024xbf16> to vector<16x1024xbf16>
    %slice3A_613 = vector.extract_strided_slice %max3A_597 {offsets = [0, 0], sizes = [16, 1024], strides = [1, 1]} : vector<32x1024xbf16> to vector<16x1024xbf16>
    %slice3A_614 = vector.extract_strided_slice %min3A_598 {offsets = [0, 0], sizes = [16, 1024], strides = [1, 1]} : vector<32x1024xbf16> to vector<16x1024xbf16>
    %slice3A_615 = vector.extract_strided_slice %max3A_599 {offsets = [0, 0], sizes = [16, 1024], strides = [1, 1]} : vector<32x1024xbf16> to vector<16x1024xbf16>
    %slice3A_616 = vector.extract_strided_slice %min3A_584 {offsets = [16, 0], sizes = [16, 1024], strides = [1, 1]} : vector<32x1024xbf16> to vector<16x1024xbf16>
    %slice3A_617 = vector.extract_strided_slice %max3A_585 {offsets = [16, 0], sizes = [16, 1024], strides = [1, 1]} : vector<32x1024xbf16> to vector<16x1024xbf16>
    %slice3A_618 = vector.extract_strided_slice %min3A_586 {offsets = [16, 0], sizes = [16, 1024], strides = [1, 1]} : vector<32x1024xbf16> to vector<16x1024xbf16>
    %slice3A_619 = vector.extract_strided_slice %max3A_587 {offsets = [16, 0], sizes = [16, 1024], strides = [1, 1]} : vector<32x1024xbf16> to vector<16x1024xbf16>
    %slice3A_620 = vector.extract_strided_slice %min3A_588 {offsets = [16, 0], sizes = [16, 1024], strides = [1, 1]} : vector<32x1024xbf16> to vector<16x1024xbf16>
    %slice3A_621 = vector.extract_strided_slice %max3A_589 {offsets = [16, 0], sizes = [16, 1024], strides = [1, 1]} : vector<32x1024xbf16> to vector<16x1024xbf16>
    %slice3A_622 = vector.extract_strided_slice %min3A_590 {offsets = [16, 0], sizes = [16, 1024], strides = [1, 1]} : vector<32x1024xbf16> to vector<16x1024xbf16>
    %slice3A_623 = vector.extract_strided_slice %max3A_591 {offsets = [16, 0], sizes = [16, 1024], strides = [1, 1]} : vector<32x1024xbf16> to vector<16x1024xbf16>
    %slice3A_624 = vector.extract_strided_slice %min3A_592 {offsets = [16, 0], sizes = [16, 1024], strides = [1, 1]} : vector<32x1024xbf16> to vector<16x1024xbf16>
    %slice3A_625 = vector.extract_strided_slice %max3A_593 {offsets = [16, 0], sizes = [16, 1024], strides = [1, 1]} : vector<32x1024xbf16> to vector<16x1024xbf16>
    %slice3A_626 = vector.extract_strided_slice %min3A_594 {offsets = [16, 0], sizes = [16, 1024], strides = [1, 1]} : vector<32x1024xbf16> to vector<16x1024xbf16>
    %slice3A_627 = vector.extract_strided_slice %max3A_595 {offsets = [16, 0], sizes = [16, 1024], strides = [1, 1]} : vector<32x1024xbf16> to vector<16x1024xbf16>
    %slice3A_628 = vector.extract_strided_slice %min3A_596 {offsets = [16, 0], sizes = [16, 1024], strides = [1, 1]} : vector<32x1024xbf16> to vector<16x1024xbf16>
    %slice3A_629 = vector.extract_strided_slice %max3A_597 {offsets = [16, 0], sizes = [16, 1024], strides = [1, 1]} : vector<32x1024xbf16> to vector<16x1024xbf16>
    %slice3A_630 = vector.extract_strided_slice %min3A_598 {offsets = [16, 0], sizes = [16, 1024], strides = [1, 1]} : vector<32x1024xbf16> to vector<16x1024xbf16>
    %slice3A_631 = vector.extract_strided_slice %max3A_599 {offsets = [16, 0], sizes = [16, 1024], strides = [1, 1]} : vector<32x1024xbf16> to vector<16x1024xbf16>
    %min3A_632 = arith.minimumf %slice3A_600, %slice3A_631 : vector<16x1024xbf16>
    %min3A_633 = arith.minimumf %slice3A_601, %slice3A_630 : vector<16x1024xbf16>
    %min3A_634 = arith.minimumf %slice3A_602, %slice3A_629 : vector<16x1024xbf16>
    %min3A_635 = arith.minimumf %slice3A_603, %slice3A_628 : vector<16x1024xbf16>
    %min3A_636 = arith.minimumf %slice3A_604, %slice3A_627 : vector<16x1024xbf16>
    %min3A_637 = arith.minimumf %slice3A_605, %slice3A_626 : vector<16x1024xbf16>
    %min3A_638 = arith.minimumf %slice3A_606, %slice3A_625 : vector<16x1024xbf16>
    %min3A_639 = arith.minimumf %slice3A_607, %slice3A_624 : vector<16x1024xbf16>
    %min3A_640 = arith.minimumf %slice3A_608, %slice3A_623 : vector<16x1024xbf16>
    %min3A_641 = arith.minimumf %slice3A_609, %slice3A_622 : vector<16x1024xbf16>
    %min3A_642 = arith.minimumf %slice3A_610, %slice3A_621 : vector<16x1024xbf16>
    %min3A_643 = arith.minimumf %slice3A_611, %slice3A_620 : vector<16x1024xbf16>
    %min3A_644 = arith.minimumf %slice3A_612, %slice3A_619 : vector<16x1024xbf16>
    %min3A_645 = arith.minimumf %slice3A_613, %slice3A_618 : vector<16x1024xbf16>
    %min3A_646 = arith.minimumf %slice3A_614, %slice3A_617 : vector<16x1024xbf16>
    %min3A_647 = arith.minimumf %slice3A_615, %slice3A_616 : vector<16x1024xbf16>
    %min3A_648 = arith.minimumf %min3A_632, %min3A_640 : vector<16x1024xbf16>
    %max3A_649 = arith.maximumf %min3A_632, %min3A_640 : vector<16x1024xbf16>
    %min3A_650 = arith.minimumf %min3A_633, %min3A_641 : vector<16x1024xbf16>
    %max3A_651 = arith.maximumf %min3A_633, %min3A_641 : vector<16x1024xbf16>
    %min3A_652 = arith.minimumf %min3A_634, %min3A_642 : vector<16x1024xbf16>
    %max3A_653 = arith.maximumf %min3A_634, %min3A_642 : vector<16x1024xbf16>
    %min3A_654 = arith.minimumf %min3A_635, %min3A_643 : vector<16x1024xbf16>
    %max3A_655 = arith.maximumf %min3A_635, %min3A_643 : vector<16x1024xbf16>
    %min3A_656 = arith.minimumf %min3A_636, %min3A_644 : vector<16x1024xbf16>
    %max3A_657 = arith.maximumf %min3A_636, %min3A_644 : vector<16x1024xbf16>
    %min3A_658 = arith.minimumf %min3A_637, %min3A_645 : vector<16x1024xbf16>
    %max3A_659 = arith.maximumf %min3A_637, %min3A_645 : vector<16x1024xbf16>
    %min3A_660 = arith.minimumf %min3A_638, %min3A_646 : vector<16x1024xbf16>
    %max3A_661 = arith.maximumf %min3A_638, %min3A_646 : vector<16x1024xbf16>
    %min3A_662 = arith.minimumf %min3A_639, %min3A_647 : vector<16x1024xbf16>
    %max3A_663 = arith.maximumf %min3A_639, %min3A_647 : vector<16x1024xbf16>
    %min3A_664 = arith.minimumf %min3A_648, %min3A_656 : vector<16x1024xbf16>
    %max3A_665 = arith.maximumf %min3A_648, %min3A_656 : vector<16x1024xbf16>
    %min3A_666 = arith.minimumf %min3A_650, %min3A_658 : vector<16x1024xbf16>
    %max3A_667 = arith.maximumf %min3A_650, %min3A_658 : vector<16x1024xbf16>
    %min3A_668 = arith.minimumf %min3A_652, %min3A_660 : vector<16x1024xbf16>
    %max3A_669 = arith.maximumf %min3A_652, %min3A_660 : vector<16x1024xbf16>
    %min3A_670 = arith.minimumf %min3A_654, %min3A_662 : vector<16x1024xbf16>
    %max3A_671 = arith.maximumf %min3A_654, %min3A_662 : vector<16x1024xbf16>
    %min3A_672 = arith.minimumf %max3A_649, %max3A_657 : vector<16x1024xbf16>
    %max3A_673 = arith.maximumf %max3A_649, %max3A_657 : vector<16x1024xbf16>
    %min3A_674 = arith.minimumf %max3A_651, %max3A_659 : vector<16x1024xbf16>
    %max3A_675 = arith.maximumf %max3A_651, %max3A_659 : vector<16x1024xbf16>
    %min3A_676 = arith.minimumf %max3A_653, %max3A_661 : vector<16x1024xbf16>
    %max3A_677 = arith.maximumf %max3A_653, %max3A_661 : vector<16x1024xbf16>
    %min3A_678 = arith.minimumf %max3A_655, %max3A_663 : vector<16x1024xbf16>
    %max3A_679 = arith.maximumf %max3A_655, %max3A_663 : vector<16x1024xbf16>
    %min3A_680 = arith.minimumf %min3A_664, %min3A_668 : vector<16x1024xbf16>
    %max3A_681 = arith.maximumf %min3A_664, %min3A_668 : vector<16x1024xbf16>
    %min3A_682 = arith.minimumf %min3A_666, %min3A_670 : vector<16x1024xbf16>
    %max3A_683 = arith.maximumf %min3A_666, %min3A_670 : vector<16x1024xbf16>
    %min3A_684 = arith.minimumf %max3A_665, %max3A_669 : vector<16x1024xbf16>
    %max3A_685 = arith.maximumf %max3A_665, %max3A_669 : vector<16x1024xbf16>
    %min3A_686 = arith.minimumf %max3A_667, %max3A_671 : vector<16x1024xbf16>
    %max3A_687 = arith.maximumf %max3A_667, %max3A_671 : vector<16x1024xbf16>
    %min3A_688 = arith.minimumf %min3A_672, %min3A_676 : vector<16x1024xbf16>
    %max3A_689 = arith.maximumf %min3A_672, %min3A_676 : vector<16x1024xbf16>
    %min3A_690 = arith.minimumf %min3A_674, %min3A_678 : vector<16x1024xbf16>
    %max3A_691 = arith.maximumf %min3A_674, %min3A_678 : vector<16x1024xbf16>
    %min3A_692 = arith.minimumf %max3A_673, %max3A_677 : vector<16x1024xbf16>
    %max3A_693 = arith.maximumf %max3A_673, %max3A_677 : vector<16x1024xbf16>
    %min3A_694 = arith.minimumf %max3A_675, %max3A_679 : vector<16x1024xbf16>
    %max3A_695 = arith.maximumf %max3A_675, %max3A_679 : vector<16x1024xbf16>
    %min3A_696 = arith.minimumf %min3A_680, %min3A_682 : vector<16x1024xbf16>
    %max3A_697 = arith.maximumf %min3A_680, %min3A_682 : vector<16x1024xbf16>
    %min3A_698 = arith.minimumf %max3A_681, %max3A_683 : vector<16x1024xbf16>
    %max3A_699 = arith.maximumf %max3A_681, %max3A_683 : vector<16x1024xbf16>
    %min3A_700 = arith.minimumf %min3A_684, %min3A_686 : vector<16x1024xbf16>
    %max3A_701 = arith.maximumf %min3A_684, %min3A_686 : vector<16x1024xbf16>
    %min3A_702 = arith.minimumf %max3A_685, %max3A_687 : vector<16x1024xbf16>
    %max3A_703 = arith.maximumf %max3A_685, %max3A_687 : vector<16x1024xbf16>
    %min3A_704 = arith.minimumf %min3A_688, %min3A_690 : vector<16x1024xbf16>
    %max3A_705 = arith.maximumf %min3A_688, %min3A_690 : vector<16x1024xbf16>
    %min3A_706 = arith.minimumf %max3A_689, %max3A_691 : vector<16x1024xbf16>
    %max3A_707 = arith.maximumf %max3A_689, %max3A_691 : vector<16x1024xbf16>
    %min3A_708 = arith.minimumf %min3A_692, %min3A_694 : vector<16x1024xbf16>
    %max3A_709 = arith.maximumf %min3A_692, %min3A_694 : vector<16x1024xbf16>
    %min3A_710 = arith.minimumf %max3A_693, %max3A_695 : vector<16x1024xbf16>
    %max3A_711 = arith.maximumf %max3A_693, %max3A_695 : vector<16x1024xbf16>
    %slice3A_712 = vector.extract_strided_slice %min3A_696 {offsets = [0, 0], sizes = [8, 1024], strides = [1, 1]} : vector<16x1024xbf16> to vector<8x1024xbf16>
    %slice3A_713 = vector.extract_strided_slice %max3A_697 {offsets = [0, 0], sizes = [8, 1024], strides = [1, 1]} : vector<16x1024xbf16> to vector<8x1024xbf16>
    %slice3A_714 = vector.extract_strided_slice %min3A_698 {offsets = [0, 0], sizes = [8, 1024], strides = [1, 1]} : vector<16x1024xbf16> to vector<8x1024xbf16>
    %slice3A_715 = vector.extract_strided_slice %max3A_699 {offsets = [0, 0], sizes = [8, 1024], strides = [1, 1]} : vector<16x1024xbf16> to vector<8x1024xbf16>
    %slice3A_716 = vector.extract_strided_slice %min3A_700 {offsets = [0, 0], sizes = [8, 1024], strides = [1, 1]} : vector<16x1024xbf16> to vector<8x1024xbf16>
    %slice3A_717 = vector.extract_strided_slice %max3A_701 {offsets = [0, 0], sizes = [8, 1024], strides = [1, 1]} : vector<16x1024xbf16> to vector<8x1024xbf16>
    %slice3A_718 = vector.extract_strided_slice %min3A_702 {offsets = [0, 0], sizes = [8, 1024], strides = [1, 1]} : vector<16x1024xbf16> to vector<8x1024xbf16>
    %slice3A_719 = vector.extract_strided_slice %max3A_703 {offsets = [0, 0], sizes = [8, 1024], strides = [1, 1]} : vector<16x1024xbf16> to vector<8x1024xbf16>
    %slice3A_720 = vector.extract_strided_slice %min3A_704 {offsets = [0, 0], sizes = [8, 1024], strides = [1, 1]} : vector<16x1024xbf16> to vector<8x1024xbf16>
    %slice3A_721 = vector.extract_strided_slice %max3A_705 {offsets = [0, 0], sizes = [8, 1024], strides = [1, 1]} : vector<16x1024xbf16> to vector<8x1024xbf16>
    %slice3A_722 = vector.extract_strided_slice %min3A_706 {offsets = [0, 0], sizes = [8, 1024], strides = [1, 1]} : vector<16x1024xbf16> to vector<8x1024xbf16>
    %slice3A_723 = vector.extract_strided_slice %max3A_707 {offsets = [0, 0], sizes = [8, 1024], strides = [1, 1]} : vector<16x1024xbf16> to vector<8x1024xbf16>
    %slice3A_724 = vector.extract_strided_slice %min3A_708 {offsets = [0, 0], sizes = [8, 1024], strides = [1, 1]} : vector<16x1024xbf16> to vector<8x1024xbf16>
    %slice3A_725 = vector.extract_strided_slice %max3A_709 {offsets = [0, 0], sizes = [8, 1024], strides = [1, 1]} : vector<16x1024xbf16> to vector<8x1024xbf16>
    %slice3A_726 = vector.extract_strided_slice %min3A_710 {offsets = [0, 0], sizes = [8, 1024], strides = [1, 1]} : vector<16x1024xbf16> to vector<8x1024xbf16>
    %slice3A_727 = vector.extract_strided_slice %max3A_711 {offsets = [0, 0], sizes = [8, 1024], strides = [1, 1]} : vector<16x1024xbf16> to vector<8x1024xbf16>
    %slice3A_728 = vector.extract_strided_slice %min3A_696 {offsets = [8, 0], sizes = [8, 1024], strides = [1, 1]} : vector<16x1024xbf16> to vector<8x1024xbf16>
    %slice3A_729 = vector.extract_strided_slice %max3A_697 {offsets = [8, 0], sizes = [8, 1024], strides = [1, 1]} : vector<16x1024xbf16> to vector<8x1024xbf16>
    %slice3A_730 = vector.extract_strided_slice %min3A_698 {offsets = [8, 0], sizes = [8, 1024], strides = [1, 1]} : vector<16x1024xbf16> to vector<8x1024xbf16>
    %slice3A_731 = vector.extract_strided_slice %max3A_699 {offsets = [8, 0], sizes = [8, 1024], strides = [1, 1]} : vector<16x1024xbf16> to vector<8x1024xbf16>
    %slice3A_732 = vector.extract_strided_slice %min3A_700 {offsets = [8, 0], sizes = [8, 1024], strides = [1, 1]} : vector<16x1024xbf16> to vector<8x1024xbf16>
    %slice3A_733 = vector.extract_strided_slice %max3A_701 {offsets = [8, 0], sizes = [8, 1024], strides = [1, 1]} : vector<16x1024xbf16> to vector<8x1024xbf16>
    %slice3A_734 = vector.extract_strided_slice %min3A_702 {offsets = [8, 0], sizes = [8, 1024], strides = [1, 1]} : vector<16x1024xbf16> to vector<8x1024xbf16>
    %slice3A_735 = vector.extract_strided_slice %max3A_703 {offsets = [8, 0], sizes = [8, 1024], strides = [1, 1]} : vector<16x1024xbf16> to vector<8x1024xbf16>
    %slice3A_736 = vector.extract_strided_slice %min3A_704 {offsets = [8, 0], sizes = [8, 1024], strides = [1, 1]} : vector<16x1024xbf16> to vector<8x1024xbf16>
    %slice3A_737 = vector.extract_strided_slice %max3A_705 {offsets = [8, 0], sizes = [8, 1024], strides = [1, 1]} : vector<16x1024xbf16> to vector<8x1024xbf16>
    %slice3A_738 = vector.extract_strided_slice %min3A_706 {offsets = [8, 0], sizes = [8, 1024], strides = [1, 1]} : vector<16x1024xbf16> to vector<8x1024xbf16>
    %slice3A_739 = vector.extract_strided_slice %max3A_707 {offsets = [8, 0], sizes = [8, 1024], strides = [1, 1]} : vector<16x1024xbf16> to vector<8x1024xbf16>
    %slice3A_740 = vector.extract_strided_slice %min3A_708 {offsets = [8, 0], sizes = [8, 1024], strides = [1, 1]} : vector<16x1024xbf16> to vector<8x1024xbf16>
    %slice3A_741 = vector.extract_strided_slice %max3A_709 {offsets = [8, 0], sizes = [8, 1024], strides = [1, 1]} : vector<16x1024xbf16> to vector<8x1024xbf16>
    %slice3A_742 = vector.extract_strided_slice %min3A_710 {offsets = [8, 0], sizes = [8, 1024], strides = [1, 1]} : vector<16x1024xbf16> to vector<8x1024xbf16>
    %slice3A_743 = vector.extract_strided_slice %max3A_711 {offsets = [8, 0], sizes = [8, 1024], strides = [1, 1]} : vector<16x1024xbf16> to vector<8x1024xbf16>
    %min3A_744 = arith.minimumf %slice3A_712, %slice3A_743 : vector<8x1024xbf16>
    %min3A_745 = arith.minimumf %slice3A_713, %slice3A_742 : vector<8x1024xbf16>
    %min3A_746 = arith.minimumf %slice3A_714, %slice3A_741 : vector<8x1024xbf16>
    %min3A_747 = arith.minimumf %slice3A_715, %slice3A_740 : vector<8x1024xbf16>
    %min3A_748 = arith.minimumf %slice3A_716, %slice3A_739 : vector<8x1024xbf16>
    %min3A_749 = arith.minimumf %slice3A_717, %slice3A_738 : vector<8x1024xbf16>
    %min3A_750 = arith.minimumf %slice3A_718, %slice3A_737 : vector<8x1024xbf16>
    %min3A_751 = arith.minimumf %slice3A_719, %slice3A_736 : vector<8x1024xbf16>
    %min3A_752 = arith.minimumf %slice3A_720, %slice3A_735 : vector<8x1024xbf16>
    %min3A_753 = arith.minimumf %slice3A_721, %slice3A_734 : vector<8x1024xbf16>
    %min3A_754 = arith.minimumf %slice3A_722, %slice3A_733 : vector<8x1024xbf16>
    %min3A_755 = arith.minimumf %slice3A_723, %slice3A_732 : vector<8x1024xbf16>
    %min3A_756 = arith.minimumf %slice3A_724, %slice3A_731 : vector<8x1024xbf16>
    %min3A_757 = arith.minimumf %slice3A_725, %slice3A_730 : vector<8x1024xbf16>
    %min3A_758 = arith.minimumf %slice3A_726, %slice3A_729 : vector<8x1024xbf16>
    %min3A_759 = arith.minimumf %slice3A_727, %slice3A_728 : vector<8x1024xbf16>
    %min3A_760 = arith.minimumf %min3A_744, %min3A_752 : vector<8x1024xbf16>
    %max3A_761 = arith.maximumf %min3A_744, %min3A_752 : vector<8x1024xbf16>
    %min3A_762 = arith.minimumf %min3A_745, %min3A_753 : vector<8x1024xbf16>
    %max3A_763 = arith.maximumf %min3A_745, %min3A_753 : vector<8x1024xbf16>
    %min3A_764 = arith.minimumf %min3A_746, %min3A_754 : vector<8x1024xbf16>
    %max3A_765 = arith.maximumf %min3A_746, %min3A_754 : vector<8x1024xbf16>
    %min3A_766 = arith.minimumf %min3A_747, %min3A_755 : vector<8x1024xbf16>
    %max3A_767 = arith.maximumf %min3A_747, %min3A_755 : vector<8x1024xbf16>
    %min3A_768 = arith.minimumf %min3A_748, %min3A_756 : vector<8x1024xbf16>
    %max3A_769 = arith.maximumf %min3A_748, %min3A_756 : vector<8x1024xbf16>
    %min3A_770 = arith.minimumf %min3A_749, %min3A_757 : vector<8x1024xbf16>
    %max3A_771 = arith.maximumf %min3A_749, %min3A_757 : vector<8x1024xbf16>
    %min3A_772 = arith.minimumf %min3A_750, %min3A_758 : vector<8x1024xbf16>
    %max3A_773 = arith.maximumf %min3A_750, %min3A_758 : vector<8x1024xbf16>
    %min3A_774 = arith.minimumf %min3A_751, %min3A_759 : vector<8x1024xbf16>
    %max3A_775 = arith.maximumf %min3A_751, %min3A_759 : vector<8x1024xbf16>
    %min3A_776 = arith.minimumf %min3A_760, %min3A_768 : vector<8x1024xbf16>
    %max3A_777 = arith.maximumf %min3A_760, %min3A_768 : vector<8x1024xbf16>
    %min3A_778 = arith.minimumf %min3A_762, %min3A_770 : vector<8x1024xbf16>
    %max3A_779 = arith.maximumf %min3A_762, %min3A_770 : vector<8x1024xbf16>
    %min3A_780 = arith.minimumf %min3A_764, %min3A_772 : vector<8x1024xbf16>
    %max3A_781 = arith.maximumf %min3A_764, %min3A_772 : vector<8x1024xbf16>
    %min3A_782 = arith.minimumf %min3A_766, %min3A_774 : vector<8x1024xbf16>
    %max3A_783 = arith.maximumf %min3A_766, %min3A_774 : vector<8x1024xbf16>
    %min3A_784 = arith.minimumf %max3A_761, %max3A_769 : vector<8x1024xbf16>
    %max3A_785 = arith.maximumf %max3A_761, %max3A_769 : vector<8x1024xbf16>
    %min3A_786 = arith.minimumf %max3A_763, %max3A_771 : vector<8x1024xbf16>
    %max3A_787 = arith.maximumf %max3A_763, %max3A_771 : vector<8x1024xbf16>
    %min3A_788 = arith.minimumf %max3A_765, %max3A_773 : vector<8x1024xbf16>
    %max3A_789 = arith.maximumf %max3A_765, %max3A_773 : vector<8x1024xbf16>
    %min3A_790 = arith.minimumf %max3A_767, %max3A_775 : vector<8x1024xbf16>
    %max3A_791 = arith.maximumf %max3A_767, %max3A_775 : vector<8x1024xbf16>
    %min3A_792 = arith.minimumf %min3A_776, %min3A_780 : vector<8x1024xbf16>
    %max3A_793 = arith.maximumf %min3A_776, %min3A_780 : vector<8x1024xbf16>
    %min3A_794 = arith.minimumf %min3A_778, %min3A_782 : vector<8x1024xbf16>
    %max3A_795 = arith.maximumf %min3A_778, %min3A_782 : vector<8x1024xbf16>
    %min3A_796 = arith.minimumf %max3A_777, %max3A_781 : vector<8x1024xbf16>
    %max3A_797 = arith.maximumf %max3A_777, %max3A_781 : vector<8x1024xbf16>
    %min3A_798 = arith.minimumf %max3A_779, %max3A_783 : vector<8x1024xbf16>
    %max3A_799 = arith.maximumf %max3A_779, %max3A_783 : vector<8x1024xbf16>
    %min3A_800 = arith.minimumf %min3A_784, %min3A_788 : vector<8x1024xbf16>
    %max3A_801 = arith.maximumf %min3A_784, %min3A_788 : vector<8x1024xbf16>
    %min3A_802 = arith.minimumf %min3A_786, %min3A_790 : vector<8x1024xbf16>
    %max3A_803 = arith.maximumf %min3A_786, %min3A_790 : vector<8x1024xbf16>
    %min3A_804 = arith.minimumf %max3A_785, %max3A_789 : vector<8x1024xbf16>
    %max3A_805 = arith.maximumf %max3A_785, %max3A_789 : vector<8x1024xbf16>
    %min3A_806 = arith.minimumf %max3A_787, %max3A_791 : vector<8x1024xbf16>
    %max3A_807 = arith.maximumf %max3A_787, %max3A_791 : vector<8x1024xbf16>
    %min3A_808 = arith.minimumf %min3A_792, %min3A_794 : vector<8x1024xbf16>
    %max3A_809 = arith.maximumf %min3A_792, %min3A_794 : vector<8x1024xbf16>
    %min3A_810 = arith.minimumf %max3A_793, %max3A_795 : vector<8x1024xbf16>
    %max3A_811 = arith.maximumf %max3A_793, %max3A_795 : vector<8x1024xbf16>
    %min3A_812 = arith.minimumf %min3A_796, %min3A_798 : vector<8x1024xbf16>
    %max3A_813 = arith.maximumf %min3A_796, %min3A_798 : vector<8x1024xbf16>
    %min3A_814 = arith.minimumf %max3A_797, %max3A_799 : vector<8x1024xbf16>
    %max3A_815 = arith.maximumf %max3A_797, %max3A_799 : vector<8x1024xbf16>
    %min3A_816 = arith.minimumf %min3A_800, %min3A_802 : vector<8x1024xbf16>
    %max3A_817 = arith.maximumf %min3A_800, %min3A_802 : vector<8x1024xbf16>
    %min3A_818 = arith.minimumf %max3A_801, %max3A_803 : vector<8x1024xbf16>
    %max3A_819 = arith.maximumf %max3A_801, %max3A_803 : vector<8x1024xbf16>
    %min3A_820 = arith.minimumf %min3A_804, %min3A_806 : vector<8x1024xbf16>
    %max3A_821 = arith.maximumf %min3A_804, %min3A_806 : vector<8x1024xbf16>
    %min3A_822 = arith.minimumf %max3A_805, %max3A_807 : vector<8x1024xbf16>
    %max3A_823 = arith.maximumf %max3A_805, %max3A_807 : vector<8x1024xbf16>
    %slice3A_824 = vector.extract_strided_slice %min3A_808 {offsets = [0, 0], sizes = [4, 1024], strides = [1, 1]} : vector<8x1024xbf16> to vector<4x1024xbf16>
    %slice3A_825 = vector.extract_strided_slice %max3A_809 {offsets = [0, 0], sizes = [4, 1024], strides = [1, 1]} : vector<8x1024xbf16> to vector<4x1024xbf16>
    %slice3A_826 = vector.extract_strided_slice %min3A_810 {offsets = [0, 0], sizes = [4, 1024], strides = [1, 1]} : vector<8x1024xbf16> to vector<4x1024xbf16>
    %slice3A_827 = vector.extract_strided_slice %max3A_811 {offsets = [0, 0], sizes = [4, 1024], strides = [1, 1]} : vector<8x1024xbf16> to vector<4x1024xbf16>
    %slice3A_828 = vector.extract_strided_slice %min3A_812 {offsets = [0, 0], sizes = [4, 1024], strides = [1, 1]} : vector<8x1024xbf16> to vector<4x1024xbf16>
    %slice3A_829 = vector.extract_strided_slice %max3A_813 {offsets = [0, 0], sizes = [4, 1024], strides = [1, 1]} : vector<8x1024xbf16> to vector<4x1024xbf16>
    %slice3A_830 = vector.extract_strided_slice %min3A_814 {offsets = [0, 0], sizes = [4, 1024], strides = [1, 1]} : vector<8x1024xbf16> to vector<4x1024xbf16>
    %slice3A_831 = vector.extract_strided_slice %max3A_815 {offsets = [0, 0], sizes = [4, 1024], strides = [1, 1]} : vector<8x1024xbf16> to vector<4x1024xbf16>
    %slice3A_832 = vector.extract_strided_slice %min3A_816 {offsets = [0, 0], sizes = [4, 1024], strides = [1, 1]} : vector<8x1024xbf16> to vector<4x1024xbf16>
    %slice3A_833 = vector.extract_strided_slice %max3A_817 {offsets = [0, 0], sizes = [4, 1024], strides = [1, 1]} : vector<8x1024xbf16> to vector<4x1024xbf16>
    %slice3A_834 = vector.extract_strided_slice %min3A_818 {offsets = [0, 0], sizes = [4, 1024], strides = [1, 1]} : vector<8x1024xbf16> to vector<4x1024xbf16>
    %slice3A_835 = vector.extract_strided_slice %max3A_819 {offsets = [0, 0], sizes = [4, 1024], strides = [1, 1]} : vector<8x1024xbf16> to vector<4x1024xbf16>
    %slice3A_836 = vector.extract_strided_slice %min3A_820 {offsets = [0, 0], sizes = [4, 1024], strides = [1, 1]} : vector<8x1024xbf16> to vector<4x1024xbf16>
    %slice3A_837 = vector.extract_strided_slice %max3A_821 {offsets = [0, 0], sizes = [4, 1024], strides = [1, 1]} : vector<8x1024xbf16> to vector<4x1024xbf16>
    %slice3A_838 = vector.extract_strided_slice %min3A_822 {offsets = [0, 0], sizes = [4, 1024], strides = [1, 1]} : vector<8x1024xbf16> to vector<4x1024xbf16>
    %slice3A_839 = vector.extract_strided_slice %max3A_823 {offsets = [0, 0], sizes = [4, 1024], strides = [1, 1]} : vector<8x1024xbf16> to vector<4x1024xbf16>
    %slice3A_840 = vector.extract_strided_slice %min3A_808 {offsets = [4, 0], sizes = [4, 1024], strides = [1, 1]} : vector<8x1024xbf16> to vector<4x1024xbf16>
    %slice3A_841 = vector.extract_strided_slice %max3A_809 {offsets = [4, 0], sizes = [4, 1024], strides = [1, 1]} : vector<8x1024xbf16> to vector<4x1024xbf16>
    %slice3A_842 = vector.extract_strided_slice %min3A_810 {offsets = [4, 0], sizes = [4, 1024], strides = [1, 1]} : vector<8x1024xbf16> to vector<4x1024xbf16>
    %slice3A_843 = vector.extract_strided_slice %max3A_811 {offsets = [4, 0], sizes = [4, 1024], strides = [1, 1]} : vector<8x1024xbf16> to vector<4x1024xbf16>
    %slice3A_844 = vector.extract_strided_slice %min3A_812 {offsets = [4, 0], sizes = [4, 1024], strides = [1, 1]} : vector<8x1024xbf16> to vector<4x1024xbf16>
    %slice3A_845 = vector.extract_strided_slice %max3A_813 {offsets = [4, 0], sizes = [4, 1024], strides = [1, 1]} : vector<8x1024xbf16> to vector<4x1024xbf16>
    %slice3A_846 = vector.extract_strided_slice %min3A_814 {offsets = [4, 0], sizes = [4, 1024], strides = [1, 1]} : vector<8x1024xbf16> to vector<4x1024xbf16>
    %slice3A_847 = vector.extract_strided_slice %max3A_815 {offsets = [4, 0], sizes = [4, 1024], strides = [1, 1]} : vector<8x1024xbf16> to vector<4x1024xbf16>
    %slice3A_848 = vector.extract_strided_slice %min3A_816 {offsets = [4, 0], sizes = [4, 1024], strides = [1, 1]} : vector<8x1024xbf16> to vector<4x1024xbf16>
    %slice3A_849 = vector.extract_strided_slice %max3A_817 {offsets = [4, 0], sizes = [4, 1024], strides = [1, 1]} : vector<8x1024xbf16> to vector<4x1024xbf16>
    %slice3A_850 = vector.extract_strided_slice %min3A_818 {offsets = [4, 0], sizes = [4, 1024], strides = [1, 1]} : vector<8x1024xbf16> to vector<4x1024xbf16>
    %slice3A_851 = vector.extract_strided_slice %max3A_819 {offsets = [4, 0], sizes = [4, 1024], strides = [1, 1]} : vector<8x1024xbf16> to vector<4x1024xbf16>
    %slice3A_852 = vector.extract_strided_slice %min3A_820 {offsets = [4, 0], sizes = [4, 1024], strides = [1, 1]} : vector<8x1024xbf16> to vector<4x1024xbf16>
    %slice3A_853 = vector.extract_strided_slice %max3A_821 {offsets = [4, 0], sizes = [4, 1024], strides = [1, 1]} : vector<8x1024xbf16> to vector<4x1024xbf16>
    %slice3A_854 = vector.extract_strided_slice %min3A_822 {offsets = [4, 0], sizes = [4, 1024], strides = [1, 1]} : vector<8x1024xbf16> to vector<4x1024xbf16>
    %slice3A_855 = vector.extract_strided_slice %max3A_823 {offsets = [4, 0], sizes = [4, 1024], strides = [1, 1]} : vector<8x1024xbf16> to vector<4x1024xbf16>
    %min3A_856 = arith.minimumf %slice3A_824, %slice3A_855 : vector<4x1024xbf16>
    %min3A_857 = arith.minimumf %slice3A_825, %slice3A_854 : vector<4x1024xbf16>
    %min3A_858 = arith.minimumf %slice3A_826, %slice3A_853 : vector<4x1024xbf16>
    %min3A_859 = arith.minimumf %slice3A_827, %slice3A_852 : vector<4x1024xbf16>
    %min3A_860 = arith.minimumf %slice3A_828, %slice3A_851 : vector<4x1024xbf16>
    %min3A_861 = arith.minimumf %slice3A_829, %slice3A_850 : vector<4x1024xbf16>
    %min3A_862 = arith.minimumf %slice3A_830, %slice3A_849 : vector<4x1024xbf16>
    %min3A_863 = arith.minimumf %slice3A_831, %slice3A_848 : vector<4x1024xbf16>
    %min3A_864 = arith.minimumf %slice3A_832, %slice3A_847 : vector<4x1024xbf16>
    %min3A_865 = arith.minimumf %slice3A_833, %slice3A_846 : vector<4x1024xbf16>
    %min3A_866 = arith.minimumf %slice3A_834, %slice3A_845 : vector<4x1024xbf16>
    %min3A_867 = arith.minimumf %slice3A_835, %slice3A_844 : vector<4x1024xbf16>
    %min3A_868 = arith.minimumf %slice3A_836, %slice3A_843 : vector<4x1024xbf16>
    %min3A_869 = arith.minimumf %slice3A_837, %slice3A_842 : vector<4x1024xbf16>
    %min3A_870 = arith.minimumf %slice3A_838, %slice3A_841 : vector<4x1024xbf16>
    %min3A_871 = arith.minimumf %slice3A_839, %slice3A_840 : vector<4x1024xbf16>
    %min3A_872 = arith.minimumf %min3A_856, %min3A_864 : vector<4x1024xbf16>
    %max3A_873 = arith.maximumf %min3A_856, %min3A_864 : vector<4x1024xbf16>
    %min3A_874 = arith.minimumf %min3A_857, %min3A_865 : vector<4x1024xbf16>
    %max3A_875 = arith.maximumf %min3A_857, %min3A_865 : vector<4x1024xbf16>
    %min3A_876 = arith.minimumf %min3A_858, %min3A_866 : vector<4x1024xbf16>
    %max3A_877 = arith.maximumf %min3A_858, %min3A_866 : vector<4x1024xbf16>
    %min3A_878 = arith.minimumf %min3A_859, %min3A_867 : vector<4x1024xbf16>
    %max3A_879 = arith.maximumf %min3A_859, %min3A_867 : vector<4x1024xbf16>
    %min3A_880 = arith.minimumf %min3A_860, %min3A_868 : vector<4x1024xbf16>
    %max3A_881 = arith.maximumf %min3A_860, %min3A_868 : vector<4x1024xbf16>
    %min3A_882 = arith.minimumf %min3A_861, %min3A_869 : vector<4x1024xbf16>
    %max3A_883 = arith.maximumf %min3A_861, %min3A_869 : vector<4x1024xbf16>
    %min3A_884 = arith.minimumf %min3A_862, %min3A_870 : vector<4x1024xbf16>
    %max3A_885 = arith.maximumf %min3A_862, %min3A_870 : vector<4x1024xbf16>
    %min3A_886 = arith.minimumf %min3A_863, %min3A_871 : vector<4x1024xbf16>
    %max3A_887 = arith.maximumf %min3A_863, %min3A_871 : vector<4x1024xbf16>
    %min3A_888 = arith.minimumf %min3A_872, %min3A_880 : vector<4x1024xbf16>
    %max3A_889 = arith.maximumf %min3A_872, %min3A_880 : vector<4x1024xbf16>
    %min3A_890 = arith.minimumf %min3A_874, %min3A_882 : vector<4x1024xbf16>
    %max3A_891 = arith.maximumf %min3A_874, %min3A_882 : vector<4x1024xbf16>
    %min3A_892 = arith.minimumf %min3A_876, %min3A_884 : vector<4x1024xbf16>
    %max3A_893 = arith.maximumf %min3A_876, %min3A_884 : vector<4x1024xbf16>
    %min3A_894 = arith.minimumf %min3A_878, %min3A_886 : vector<4x1024xbf16>
    %max3A_895 = arith.maximumf %min3A_878, %min3A_886 : vector<4x1024xbf16>
    %min3A_896 = arith.minimumf %max3A_873, %max3A_881 : vector<4x1024xbf16>
    %max3A_897 = arith.maximumf %max3A_873, %max3A_881 : vector<4x1024xbf16>
    %min3A_898 = arith.minimumf %max3A_875, %max3A_883 : vector<4x1024xbf16>
    %max3A_899 = arith.maximumf %max3A_875, %max3A_883 : vector<4x1024xbf16>
    %min3A_900 = arith.minimumf %max3A_877, %max3A_885 : vector<4x1024xbf16>
    %max3A_901 = arith.maximumf %max3A_877, %max3A_885 : vector<4x1024xbf16>
    %min3A_902 = arith.minimumf %max3A_879, %max3A_887 : vector<4x1024xbf16>
    %max3A_903 = arith.maximumf %max3A_879, %max3A_887 : vector<4x1024xbf16>
    %min3A_904 = arith.minimumf %min3A_888, %min3A_892 : vector<4x1024xbf16>
    %max3A_905 = arith.maximumf %min3A_888, %min3A_892 : vector<4x1024xbf16>
    %min3A_906 = arith.minimumf %min3A_890, %min3A_894 : vector<4x1024xbf16>
    %max3A_907 = arith.maximumf %min3A_890, %min3A_894 : vector<4x1024xbf16>
    %min3A_908 = arith.minimumf %max3A_889, %max3A_893 : vector<4x1024xbf16>
    %max3A_909 = arith.maximumf %max3A_889, %max3A_893 : vector<4x1024xbf16>
    %min3A_910 = arith.minimumf %max3A_891, %max3A_895 : vector<4x1024xbf16>
    %max3A_911 = arith.maximumf %max3A_891, %max3A_895 : vector<4x1024xbf16>
    %min3A_912 = arith.minimumf %min3A_896, %min3A_900 : vector<4x1024xbf16>
    %max3A_913 = arith.maximumf %min3A_896, %min3A_900 : vector<4x1024xbf16>
    %min3A_914 = arith.minimumf %min3A_898, %min3A_902 : vector<4x1024xbf16>
    %max3A_915 = arith.maximumf %min3A_898, %min3A_902 : vector<4x1024xbf16>
    %min3A_916 = arith.minimumf %max3A_897, %max3A_901 : vector<4x1024xbf16>
    %max3A_917 = arith.maximumf %max3A_897, %max3A_901 : vector<4x1024xbf16>
    %min3A_918 = arith.minimumf %max3A_899, %max3A_903 : vector<4x1024xbf16>
    %max3A_919 = arith.maximumf %max3A_899, %max3A_903 : vector<4x1024xbf16>
    %min3A_920 = arith.minimumf %min3A_904, %min3A_906 : vector<4x1024xbf16>
    %max3A_921 = arith.maximumf %min3A_904, %min3A_906 : vector<4x1024xbf16>
    %min3A_922 = arith.minimumf %max3A_905, %max3A_907 : vector<4x1024xbf16>
    %max3A_923 = arith.maximumf %max3A_905, %max3A_907 : vector<4x1024xbf16>
    %min3A_924 = arith.minimumf %min3A_908, %min3A_910 : vector<4x1024xbf16>
    %max3A_925 = arith.maximumf %min3A_908, %min3A_910 : vector<4x1024xbf16>
    %min3A_926 = arith.minimumf %max3A_909, %max3A_911 : vector<4x1024xbf16>
    %max3A_927 = arith.maximumf %max3A_909, %max3A_911 : vector<4x1024xbf16>
    %min3A_928 = arith.minimumf %min3A_912, %min3A_914 : vector<4x1024xbf16>
    %max3A_929 = arith.maximumf %min3A_912, %min3A_914 : vector<4x1024xbf16>
    %min3A_930 = arith.minimumf %max3A_913, %max3A_915 : vector<4x1024xbf16>
    %max3A_931 = arith.maximumf %max3A_913, %max3A_915 : vector<4x1024xbf16>
    %min3A_932 = arith.minimumf %min3A_916, %min3A_918 : vector<4x1024xbf16>
    %max3A_933 = arith.maximumf %min3A_916, %min3A_918 : vector<4x1024xbf16>
    %min3A_934 = arith.minimumf %max3A_917, %max3A_919 : vector<4x1024xbf16>
    %max3A_935 = arith.maximumf %max3A_917, %max3A_919 : vector<4x1024xbf16>
    %slice3A_936 = vector.extract_strided_slice %min3A_920 {offsets = [0, 0], sizes = [2, 1024], strides = [1, 1]} : vector<4x1024xbf16> to vector<2x1024xbf16>
    %slice3A_937 = vector.extract_strided_slice %max3A_921 {offsets = [0, 0], sizes = [2, 1024], strides = [1, 1]} : vector<4x1024xbf16> to vector<2x1024xbf16>
    %slice3A_938 = vector.extract_strided_slice %min3A_922 {offsets = [0, 0], sizes = [2, 1024], strides = [1, 1]} : vector<4x1024xbf16> to vector<2x1024xbf16>
    %slice3A_939 = vector.extract_strided_slice %max3A_923 {offsets = [0, 0], sizes = [2, 1024], strides = [1, 1]} : vector<4x1024xbf16> to vector<2x1024xbf16>
    %slice3A_940 = vector.extract_strided_slice %min3A_924 {offsets = [0, 0], sizes = [2, 1024], strides = [1, 1]} : vector<4x1024xbf16> to vector<2x1024xbf16>
    %slice3A_941 = vector.extract_strided_slice %max3A_925 {offsets = [0, 0], sizes = [2, 1024], strides = [1, 1]} : vector<4x1024xbf16> to vector<2x1024xbf16>
    %slice3A_942 = vector.extract_strided_slice %min3A_926 {offsets = [0, 0], sizes = [2, 1024], strides = [1, 1]} : vector<4x1024xbf16> to vector<2x1024xbf16>
    %slice3A_943 = vector.extract_strided_slice %max3A_927 {offsets = [0, 0], sizes = [2, 1024], strides = [1, 1]} : vector<4x1024xbf16> to vector<2x1024xbf16>
    %slice3A_944 = vector.extract_strided_slice %min3A_928 {offsets = [0, 0], sizes = [2, 1024], strides = [1, 1]} : vector<4x1024xbf16> to vector<2x1024xbf16>
    %slice3A_945 = vector.extract_strided_slice %max3A_929 {offsets = [0, 0], sizes = [2, 1024], strides = [1, 1]} : vector<4x1024xbf16> to vector<2x1024xbf16>
    %slice3A_946 = vector.extract_strided_slice %min3A_930 {offsets = [0, 0], sizes = [2, 1024], strides = [1, 1]} : vector<4x1024xbf16> to vector<2x1024xbf16>
    %slice3A_947 = vector.extract_strided_slice %max3A_931 {offsets = [0, 0], sizes = [2, 1024], strides = [1, 1]} : vector<4x1024xbf16> to vector<2x1024xbf16>
    %slice3A_948 = vector.extract_strided_slice %min3A_932 {offsets = [0, 0], sizes = [2, 1024], strides = [1, 1]} : vector<4x1024xbf16> to vector<2x1024xbf16>
    %slice3A_949 = vector.extract_strided_slice %max3A_933 {offsets = [0, 0], sizes = [2, 1024], strides = [1, 1]} : vector<4x1024xbf16> to vector<2x1024xbf16>
    %slice3A_950 = vector.extract_strided_slice %min3A_934 {offsets = [0, 0], sizes = [2, 1024], strides = [1, 1]} : vector<4x1024xbf16> to vector<2x1024xbf16>
    %slice3A_951 = vector.extract_strided_slice %max3A_935 {offsets = [0, 0], sizes = [2, 1024], strides = [1, 1]} : vector<4x1024xbf16> to vector<2x1024xbf16>
    %slice3A_952 = vector.extract_strided_slice %min3A_920 {offsets = [2, 0], sizes = [2, 1024], strides = [1, 1]} : vector<4x1024xbf16> to vector<2x1024xbf16>
    %slice3A_953 = vector.extract_strided_slice %max3A_921 {offsets = [2, 0], sizes = [2, 1024], strides = [1, 1]} : vector<4x1024xbf16> to vector<2x1024xbf16>
    %slice3A_954 = vector.extract_strided_slice %min3A_922 {offsets = [2, 0], sizes = [2, 1024], strides = [1, 1]} : vector<4x1024xbf16> to vector<2x1024xbf16>
    %slice3A_955 = vector.extract_strided_slice %max3A_923 {offsets = [2, 0], sizes = [2, 1024], strides = [1, 1]} : vector<4x1024xbf16> to vector<2x1024xbf16>
    %slice3A_956 = vector.extract_strided_slice %min3A_924 {offsets = [2, 0], sizes = [2, 1024], strides = [1, 1]} : vector<4x1024xbf16> to vector<2x1024xbf16>
    %slice3A_957 = vector.extract_strided_slice %max3A_925 {offsets = [2, 0], sizes = [2, 1024], strides = [1, 1]} : vector<4x1024xbf16> to vector<2x1024xbf16>
    %slice3A_958 = vector.extract_strided_slice %min3A_926 {offsets = [2, 0], sizes = [2, 1024], strides = [1, 1]} : vector<4x1024xbf16> to vector<2x1024xbf16>
    %slice3A_959 = vector.extract_strided_slice %max3A_927 {offsets = [2, 0], sizes = [2, 1024], strides = [1, 1]} : vector<4x1024xbf16> to vector<2x1024xbf16>
    %slice3A_960 = vector.extract_strided_slice %min3A_928 {offsets = [2, 0], sizes = [2, 1024], strides = [1, 1]} : vector<4x1024xbf16> to vector<2x1024xbf16>
    %slice3A_961 = vector.extract_strided_slice %max3A_929 {offsets = [2, 0], sizes = [2, 1024], strides = [1, 1]} : vector<4x1024xbf16> to vector<2x1024xbf16>
    %slice3A_962 = vector.extract_strided_slice %min3A_930 {offsets = [2, 0], sizes = [2, 1024], strides = [1, 1]} : vector<4x1024xbf16> to vector<2x1024xbf16>
    %slice3A_963 = vector.extract_strided_slice %max3A_931 {offsets = [2, 0], sizes = [2, 1024], strides = [1, 1]} : vector<4x1024xbf16> to vector<2x1024xbf16>
    %slice3A_964 = vector.extract_strided_slice %min3A_932 {offsets = [2, 0], sizes = [2, 1024], strides = [1, 1]} : vector<4x1024xbf16> to vector<2x1024xbf16>
    %slice3A_965 = vector.extract_strided_slice %max3A_933 {offsets = [2, 0], sizes = [2, 1024], strides = [1, 1]} : vector<4x1024xbf16> to vector<2x1024xbf16>
    %slice3A_966 = vector.extract_strided_slice %min3A_934 {offsets = [2, 0], sizes = [2, 1024], strides = [1, 1]} : vector<4x1024xbf16> to vector<2x1024xbf16>
    %slice3A_967 = vector.extract_strided_slice %max3A_935 {offsets = [2, 0], sizes = [2, 1024], strides = [1, 1]} : vector<4x1024xbf16> to vector<2x1024xbf16>
    %min3A_968 = arith.minimumf %slice3A_936, %slice3A_967 : vector<2x1024xbf16>
    %min3A_969 = arith.minimumf %slice3A_937, %slice3A_966 : vector<2x1024xbf16>
    %min3A_970 = arith.minimumf %slice3A_938, %slice3A_965 : vector<2x1024xbf16>
    %min3A_971 = arith.minimumf %slice3A_939, %slice3A_964 : vector<2x1024xbf16>
    %min3A_972 = arith.minimumf %slice3A_940, %slice3A_963 : vector<2x1024xbf16>
    %min3A_973 = arith.minimumf %slice3A_941, %slice3A_962 : vector<2x1024xbf16>
    %min3A_974 = arith.minimumf %slice3A_942, %slice3A_961 : vector<2x1024xbf16>
    %min3A_975 = arith.minimumf %slice3A_943, %slice3A_960 : vector<2x1024xbf16>
    %min3A_976 = arith.minimumf %slice3A_944, %slice3A_959 : vector<2x1024xbf16>
    %min3A_977 = arith.minimumf %slice3A_945, %slice3A_958 : vector<2x1024xbf16>
    %min3A_978 = arith.minimumf %slice3A_946, %slice3A_957 : vector<2x1024xbf16>
    %min3A_979 = arith.minimumf %slice3A_947, %slice3A_956 : vector<2x1024xbf16>
    %min3A_980 = arith.minimumf %slice3A_948, %slice3A_955 : vector<2x1024xbf16>
    %min3A_981 = arith.minimumf %slice3A_949, %slice3A_954 : vector<2x1024xbf16>
    %min3A_982 = arith.minimumf %slice3A_950, %slice3A_953 : vector<2x1024xbf16>
    %min3A_983 = arith.minimumf %slice3A_951, %slice3A_952 : vector<2x1024xbf16>
    %min3A_984 = arith.minimumf %min3A_968, %min3A_976 : vector<2x1024xbf16>
    %max3A_985 = arith.maximumf %min3A_968, %min3A_976 : vector<2x1024xbf16>
    %min3A_986 = arith.minimumf %min3A_969, %min3A_977 : vector<2x1024xbf16>
    %max3A_987 = arith.maximumf %min3A_969, %min3A_977 : vector<2x1024xbf16>
    %min3A_988 = arith.minimumf %min3A_970, %min3A_978 : vector<2x1024xbf16>
    %max3A_989 = arith.maximumf %min3A_970, %min3A_978 : vector<2x1024xbf16>
    %min3A_990 = arith.minimumf %min3A_971, %min3A_979 : vector<2x1024xbf16>
    %max3A_991 = arith.maximumf %min3A_971, %min3A_979 : vector<2x1024xbf16>
    %min3A_992 = arith.minimumf %min3A_972, %min3A_980 : vector<2x1024xbf16>
    %max3A_993 = arith.maximumf %min3A_972, %min3A_980 : vector<2x1024xbf16>
    %min3A_994 = arith.minimumf %min3A_973, %min3A_981 : vector<2x1024xbf16>
    %max3A_995 = arith.maximumf %min3A_973, %min3A_981 : vector<2x1024xbf16>
    %min3A_996 = arith.minimumf %min3A_974, %min3A_982 : vector<2x1024xbf16>
    %max3A_997 = arith.maximumf %min3A_974, %min3A_982 : vector<2x1024xbf16>
    %min3A_998 = arith.minimumf %min3A_975, %min3A_983 : vector<2x1024xbf16>
    %max3A_999 = arith.maximumf %min3A_975, %min3A_983 : vector<2x1024xbf16>
    %min3A_1000 = arith.minimumf %min3A_984, %min3A_992 : vector<2x1024xbf16>
    %max3A_1001 = arith.maximumf %min3A_984, %min3A_992 : vector<2x1024xbf16>
    %min3A_1002 = arith.minimumf %min3A_986, %min3A_994 : vector<2x1024xbf16>
    %max3A_1003 = arith.maximumf %min3A_986, %min3A_994 : vector<2x1024xbf16>
    %min3A_1004 = arith.minimumf %min3A_988, %min3A_996 : vector<2x1024xbf16>
    %max3A_1005 = arith.maximumf %min3A_988, %min3A_996 : vector<2x1024xbf16>
    %min3A_1006 = arith.minimumf %min3A_990, %min3A_998 : vector<2x1024xbf16>
    %max3A_1007 = arith.maximumf %min3A_990, %min3A_998 : vector<2x1024xbf16>
    %min3A_1008 = arith.minimumf %max3A_985, %max3A_993 : vector<2x1024xbf16>
    %max3A_1009 = arith.maximumf %max3A_985, %max3A_993 : vector<2x1024xbf16>
    %min3A_1010 = arith.minimumf %max3A_987, %max3A_995 : vector<2x1024xbf16>
    %max3A_1011 = arith.maximumf %max3A_987, %max3A_995 : vector<2x1024xbf16>
    %min3A_1012 = arith.minimumf %max3A_989, %max3A_997 : vector<2x1024xbf16>
    %max3A_1013 = arith.maximumf %max3A_989, %max3A_997 : vector<2x1024xbf16>
    %min3A_1014 = arith.minimumf %max3A_991, %max3A_999 : vector<2x1024xbf16>
    %max3A_1015 = arith.maximumf %max3A_991, %max3A_999 : vector<2x1024xbf16>
    %min3A_1016 = arith.minimumf %min3A_1000, %min3A_1004 : vector<2x1024xbf16>
    %max3A_1017 = arith.maximumf %min3A_1000, %min3A_1004 : vector<2x1024xbf16>
    %min3A_1018 = arith.minimumf %min3A_1002, %min3A_1006 : vector<2x1024xbf16>
    %max3A_1019 = arith.maximumf %min3A_1002, %min3A_1006 : vector<2x1024xbf16>
    %min3A_1020 = arith.minimumf %max3A_1001, %max3A_1005 : vector<2x1024xbf16>
    %max3A_1021 = arith.maximumf %max3A_1001, %max3A_1005 : vector<2x1024xbf16>
    %min3A_1022 = arith.minimumf %max3A_1003, %max3A_1007 : vector<2x1024xbf16>
    %max3A_1023 = arith.maximumf %max3A_1003, %max3A_1007 : vector<2x1024xbf16>
    %min3A_1024 = arith.minimumf %min3A_1008, %min3A_1012 : vector<2x1024xbf16>
    %max3A_1025 = arith.maximumf %min3A_1008, %min3A_1012 : vector<2x1024xbf16>
    %min3A_1026 = arith.minimumf %min3A_1010, %min3A_1014 : vector<2x1024xbf16>
    %max3A_1027 = arith.maximumf %min3A_1010, %min3A_1014 : vector<2x1024xbf16>
    %min3A_1028 = arith.minimumf %max3A_1009, %max3A_1013 : vector<2x1024xbf16>
    %max3A_1029 = arith.maximumf %max3A_1009, %max3A_1013 : vector<2x1024xbf16>
    %min3A_1030 = arith.minimumf %max3A_1011, %max3A_1015 : vector<2x1024xbf16>
    %max3A_1031 = arith.maximumf %max3A_1011, %max3A_1015 : vector<2x1024xbf16>
    %min3A_1032 = arith.minimumf %min3A_1016, %min3A_1018 : vector<2x1024xbf16>
    %max3A_1033 = arith.maximumf %min3A_1016, %min3A_1018 : vector<2x1024xbf16>
    %min3A_1034 = arith.minimumf %max3A_1017, %max3A_1019 : vector<2x1024xbf16>
    %max3A_1035 = arith.maximumf %max3A_1017, %max3A_1019 : vector<2x1024xbf16>
    %min3A_1036 = arith.minimumf %min3A_1020, %min3A_1022 : vector<2x1024xbf16>
    %max3A_1037 = arith.maximumf %min3A_1020, %min3A_1022 : vector<2x1024xbf16>
    %min3A_1038 = arith.minimumf %max3A_1021, %max3A_1023 : vector<2x1024xbf16>
    %max3A_1039 = arith.maximumf %max3A_1021, %max3A_1023 : vector<2x1024xbf16>
    %min3A_1040 = arith.minimumf %min3A_1024, %min3A_1026 : vector<2x1024xbf16>
    %max3A_1041 = arith.maximumf %min3A_1024, %min3A_1026 : vector<2x1024xbf16>
    %min3A_1042 = arith.minimumf %max3A_1025, %max3A_1027 : vector<2x1024xbf16>
    %max3A_1043 = arith.maximumf %max3A_1025, %max3A_1027 : vector<2x1024xbf16>
    %min3A_1044 = arith.minimumf %min3A_1028, %min3A_1030 : vector<2x1024xbf16>
    %max3A_1045 = arith.maximumf %min3A_1028, %min3A_1030 : vector<2x1024xbf16>
    %min3A_1046 = arith.minimumf %max3A_1029, %max3A_1031 : vector<2x1024xbf16>
    %max3A_1047 = arith.maximumf %max3A_1029, %max3A_1031 : vector<2x1024xbf16>
    %slice3A_1048 = vector.extract_strided_slice %min3A_1032 {offsets = [0, 0], sizes = [1, 1024], strides = [1, 1]} : vector<2x1024xbf16> to vector<1x1024xbf16>
    %slice3A_1049 = vector.extract_strided_slice %max3A_1033 {offsets = [0, 0], sizes = [1, 1024], strides = [1, 1]} : vector<2x1024xbf16> to vector<1x1024xbf16>
    %slice3A_1050 = vector.extract_strided_slice %min3A_1034 {offsets = [0, 0], sizes = [1, 1024], strides = [1, 1]} : vector<2x1024xbf16> to vector<1x1024xbf16>
    %slice3A_1051 = vector.extract_strided_slice %max3A_1035 {offsets = [0, 0], sizes = [1, 1024], strides = [1, 1]} : vector<2x1024xbf16> to vector<1x1024xbf16>
    %slice3A_1052 = vector.extract_strided_slice %min3A_1036 {offsets = [0, 0], sizes = [1, 1024], strides = [1, 1]} : vector<2x1024xbf16> to vector<1x1024xbf16>
    %slice3A_1053 = vector.extract_strided_slice %max3A_1037 {offsets = [0, 0], sizes = [1, 1024], strides = [1, 1]} : vector<2x1024xbf16> to vector<1x1024xbf16>
    %slice3A_1054 = vector.extract_strided_slice %min3A_1038 {offsets = [0, 0], sizes = [1, 1024], strides = [1, 1]} : vector<2x1024xbf16> to vector<1x1024xbf16>
    %slice3A_1055 = vector.extract_strided_slice %max3A_1039 {offsets = [0, 0], sizes = [1, 1024], strides = [1, 1]} : vector<2x1024xbf16> to vector<1x1024xbf16>
    %slice3A_1056 = vector.extract_strided_slice %min3A_1040 {offsets = [0, 0], sizes = [1, 1024], strides = [1, 1]} : vector<2x1024xbf16> to vector<1x1024xbf16>
    %slice3A_1057 = vector.extract_strided_slice %max3A_1041 {offsets = [0, 0], sizes = [1, 1024], strides = [1, 1]} : vector<2x1024xbf16> to vector<1x1024xbf16>
    %slice3A_1058 = vector.extract_strided_slice %min3A_1042 {offsets = [0, 0], sizes = [1, 1024], strides = [1, 1]} : vector<2x1024xbf16> to vector<1x1024xbf16>
    %slice3A_1059 = vector.extract_strided_slice %max3A_1043 {offsets = [0, 0], sizes = [1, 1024], strides = [1, 1]} : vector<2x1024xbf16> to vector<1x1024xbf16>
    %slice3A_1060 = vector.extract_strided_slice %min3A_1044 {offsets = [0, 0], sizes = [1, 1024], strides = [1, 1]} : vector<2x1024xbf16> to vector<1x1024xbf16>
    %slice3A_1061 = vector.extract_strided_slice %max3A_1045 {offsets = [0, 0], sizes = [1, 1024], strides = [1, 1]} : vector<2x1024xbf16> to vector<1x1024xbf16>
    %slice3A_1062 = vector.extract_strided_slice %min3A_1046 {offsets = [0, 0], sizes = [1, 1024], strides = [1, 1]} : vector<2x1024xbf16> to vector<1x1024xbf16>
    %slice3A_1063 = vector.extract_strided_slice %max3A_1047 {offsets = [0, 0], sizes = [1, 1024], strides = [1, 1]} : vector<2x1024xbf16> to vector<1x1024xbf16>
    %slice3A_1064 = vector.extract_strided_slice %min3A_1032 {offsets = [1, 0], sizes = [1, 1024], strides = [1, 1]} : vector<2x1024xbf16> to vector<1x1024xbf16>
    %slice3A_1065 = vector.extract_strided_slice %max3A_1033 {offsets = [1, 0], sizes = [1, 1024], strides = [1, 1]} : vector<2x1024xbf16> to vector<1x1024xbf16>
    %slice3A_1066 = vector.extract_strided_slice %min3A_1034 {offsets = [1, 0], sizes = [1, 1024], strides = [1, 1]} : vector<2x1024xbf16> to vector<1x1024xbf16>
    %slice3A_1067 = vector.extract_strided_slice %max3A_1035 {offsets = [1, 0], sizes = [1, 1024], strides = [1, 1]} : vector<2x1024xbf16> to vector<1x1024xbf16>
    %slice3A_1068 = vector.extract_strided_slice %min3A_1036 {offsets = [1, 0], sizes = [1, 1024], strides = [1, 1]} : vector<2x1024xbf16> to vector<1x1024xbf16>
    %slice3A_1069 = vector.extract_strided_slice %max3A_1037 {offsets = [1, 0], sizes = [1, 1024], strides = [1, 1]} : vector<2x1024xbf16> to vector<1x1024xbf16>
    %slice3A_1070 = vector.extract_strided_slice %min3A_1038 {offsets = [1, 0], sizes = [1, 1024], strides = [1, 1]} : vector<2x1024xbf16> to vector<1x1024xbf16>
    %slice3A_1071 = vector.extract_strided_slice %max3A_1039 {offsets = [1, 0], sizes = [1, 1024], strides = [1, 1]} : vector<2x1024xbf16> to vector<1x1024xbf16>
    %slice3A_1072 = vector.extract_strided_slice %min3A_1040 {offsets = [1, 0], sizes = [1, 1024], strides = [1, 1]} : vector<2x1024xbf16> to vector<1x1024xbf16>
    %slice3A_1073 = vector.extract_strided_slice %max3A_1041 {offsets = [1, 0], sizes = [1, 1024], strides = [1, 1]} : vector<2x1024xbf16> to vector<1x1024xbf16>
    %slice3A_1074 = vector.extract_strided_slice %min3A_1042 {offsets = [1, 0], sizes = [1, 1024], strides = [1, 1]} : vector<2x1024xbf16> to vector<1x1024xbf16>
    %slice3A_1075 = vector.extract_strided_slice %max3A_1043 {offsets = [1, 0], sizes = [1, 1024], strides = [1, 1]} : vector<2x1024xbf16> to vector<1x1024xbf16>
    %slice3A_1076 = vector.extract_strided_slice %min3A_1044 {offsets = [1, 0], sizes = [1, 1024], strides = [1, 1]} : vector<2x1024xbf16> to vector<1x1024xbf16>
    %slice3A_1077 = vector.extract_strided_slice %max3A_1045 {offsets = [1, 0], sizes = [1, 1024], strides = [1, 1]} : vector<2x1024xbf16> to vector<1x1024xbf16>
    %slice3A_1078 = vector.extract_strided_slice %min3A_1046 {offsets = [1, 0], sizes = [1, 1024], strides = [1, 1]} : vector<2x1024xbf16> to vector<1x1024xbf16>
    %slice3A_1079 = vector.extract_strided_slice %max3A_1047 {offsets = [1, 0], sizes = [1, 1024], strides = [1, 1]} : vector<2x1024xbf16> to vector<1x1024xbf16>
    %min3A_1080 = arith.minimumf %slice3A_1048, %slice3A_1079 : vector<1x1024xbf16>
    %min3A_1081 = arith.minimumf %slice3A_1049, %slice3A_1078 : vector<1x1024xbf16>
    %min3A_1082 = arith.minimumf %slice3A_1050, %slice3A_1077 : vector<1x1024xbf16>
    %min3A_1083 = arith.minimumf %slice3A_1051, %slice3A_1076 : vector<1x1024xbf16>
    %min3A_1084 = arith.minimumf %slice3A_1052, %slice3A_1075 : vector<1x1024xbf16>
    %min3A_1085 = arith.minimumf %slice3A_1053, %slice3A_1074 : vector<1x1024xbf16>
    %min3A_1086 = arith.minimumf %slice3A_1054, %slice3A_1073 : vector<1x1024xbf16>
    %min3A_1087 = arith.minimumf %slice3A_1055, %slice3A_1072 : vector<1x1024xbf16>
    %min3A_1088 = arith.minimumf %slice3A_1056, %slice3A_1071 : vector<1x1024xbf16>
    %min3A_1089 = arith.minimumf %slice3A_1057, %slice3A_1070 : vector<1x1024xbf16>
    %min3A_1090 = arith.minimumf %slice3A_1058, %slice3A_1069 : vector<1x1024xbf16>
    %min3A_1091 = arith.minimumf %slice3A_1059, %slice3A_1068 : vector<1x1024xbf16>
    %min3A_1092 = arith.minimumf %slice3A_1060, %slice3A_1067 : vector<1x1024xbf16>
    %min3A_1093 = arith.minimumf %slice3A_1061, %slice3A_1066 : vector<1x1024xbf16>
    %min3A_1094 = arith.minimumf %slice3A_1062, %slice3A_1065 : vector<1x1024xbf16>
    %min3A_1095 = arith.minimumf %slice3A_1063, %slice3A_1064 : vector<1x1024xbf16>
    %min3A_1096 = arith.minimumf %min3A_1080, %min3A_1088 : vector<1x1024xbf16>
    %max3A_1097 = arith.maximumf %min3A_1080, %min3A_1088 : vector<1x1024xbf16>
    %min3A_1098 = arith.minimumf %min3A_1081, %min3A_1089 : vector<1x1024xbf16>
    %max3A_1099 = arith.maximumf %min3A_1081, %min3A_1089 : vector<1x1024xbf16>
    %min3A_1100 = arith.minimumf %min3A_1082, %min3A_1090 : vector<1x1024xbf16>
    %max3A_1101 = arith.maximumf %min3A_1082, %min3A_1090 : vector<1x1024xbf16>
    %min3A_1102 = arith.minimumf %min3A_1083, %min3A_1091 : vector<1x1024xbf16>
    %max3A_1103 = arith.maximumf %min3A_1083, %min3A_1091 : vector<1x1024xbf16>
    %min3A_1104 = arith.minimumf %min3A_1084, %min3A_1092 : vector<1x1024xbf16>
    %max3A_1105 = arith.maximumf %min3A_1084, %min3A_1092 : vector<1x1024xbf16>
    %min3A_1106 = arith.minimumf %min3A_1085, %min3A_1093 : vector<1x1024xbf16>
    %max3A_1107 = arith.maximumf %min3A_1085, %min3A_1093 : vector<1x1024xbf16>
    %min3A_1108 = arith.minimumf %min3A_1086, %min3A_1094 : vector<1x1024xbf16>
    %max3A_1109 = arith.maximumf %min3A_1086, %min3A_1094 : vector<1x1024xbf16>
    %min3A_1110 = arith.minimumf %min3A_1087, %min3A_1095 : vector<1x1024xbf16>
    %max3A_1111 = arith.maximumf %min3A_1087, %min3A_1095 : vector<1x1024xbf16>
    %min3A_1112 = arith.minimumf %min3A_1096, %min3A_1104 : vector<1x1024xbf16>
    %max3A_1113 = arith.maximumf %min3A_1096, %min3A_1104 : vector<1x1024xbf16>
    %min3A_1114 = arith.minimumf %min3A_1098, %min3A_1106 : vector<1x1024xbf16>
    %max3A_1115 = arith.maximumf %min3A_1098, %min3A_1106 : vector<1x1024xbf16>
    %min3A_1116 = arith.minimumf %min3A_1100, %min3A_1108 : vector<1x1024xbf16>
    %max3A_1117 = arith.maximumf %min3A_1100, %min3A_1108 : vector<1x1024xbf16>
    %min3A_1118 = arith.minimumf %min3A_1102, %min3A_1110 : vector<1x1024xbf16>
    %max3A_1119 = arith.maximumf %min3A_1102, %min3A_1110 : vector<1x1024xbf16>
    %min3A_1120 = arith.minimumf %max3A_1097, %max3A_1105 : vector<1x1024xbf16>
    %max3A_1121 = arith.maximumf %max3A_1097, %max3A_1105 : vector<1x1024xbf16>
    %min3A_1122 = arith.minimumf %max3A_1099, %max3A_1107 : vector<1x1024xbf16>
    %max3A_1123 = arith.maximumf %max3A_1099, %max3A_1107 : vector<1x1024xbf16>
    %min3A_1124 = arith.minimumf %max3A_1101, %max3A_1109 : vector<1x1024xbf16>
    %max3A_1125 = arith.maximumf %max3A_1101, %max3A_1109 : vector<1x1024xbf16>
    %min3A_1126 = arith.minimumf %max3A_1103, %max3A_1111 : vector<1x1024xbf16>
    %max3A_1127 = arith.maximumf %max3A_1103, %max3A_1111 : vector<1x1024xbf16>
    %min3A_1128 = arith.minimumf %min3A_1112, %min3A_1116 : vector<1x1024xbf16>
    %max3A_1129 = arith.maximumf %min3A_1112, %min3A_1116 : vector<1x1024xbf16>
    %min3A_1130 = arith.minimumf %min3A_1114, %min3A_1118 : vector<1x1024xbf16>
    %max3A_1131 = arith.maximumf %min3A_1114, %min3A_1118 : vector<1x1024xbf16>
    %min3A_1132 = arith.minimumf %max3A_1113, %max3A_1117 : vector<1x1024xbf16>
    %max3A_1133 = arith.maximumf %max3A_1113, %max3A_1117 : vector<1x1024xbf16>
    %min3A_1134 = arith.minimumf %max3A_1115, %max3A_1119 : vector<1x1024xbf16>
    %max3A_1135 = arith.maximumf %max3A_1115, %max3A_1119 : vector<1x1024xbf16>
    %min3A_1136 = arith.minimumf %min3A_1120, %min3A_1124 : vector<1x1024xbf16>
    %max3A_1137 = arith.maximumf %min3A_1120, %min3A_1124 : vector<1x1024xbf16>
    %min3A_1138 = arith.minimumf %min3A_1122, %min3A_1126 : vector<1x1024xbf16>
    %max3A_1139 = arith.maximumf %min3A_1122, %min3A_1126 : vector<1x1024xbf16>
    %min3A_1140 = arith.minimumf %max3A_1121, %max3A_1125 : vector<1x1024xbf16>
    %max3A_1141 = arith.maximumf %max3A_1121, %max3A_1125 : vector<1x1024xbf16>
    %min3A_1142 = arith.minimumf %max3A_1123, %max3A_1127 : vector<1x1024xbf16>
    %max3A_1143 = arith.maximumf %max3A_1123, %max3A_1127 : vector<1x1024xbf16>
    %min3A_1144 = arith.minimumf %min3A_1128, %min3A_1130 : vector<1x1024xbf16>
    %max3A_1145 = arith.maximumf %min3A_1128, %min3A_1130 : vector<1x1024xbf16>
    %min3A_1146 = arith.minimumf %max3A_1129, %max3A_1131 : vector<1x1024xbf16>
    %max3A_1147 = arith.maximumf %max3A_1129, %max3A_1131 : vector<1x1024xbf16>
    %min3A_1148 = arith.minimumf %min3A_1132, %min3A_1134 : vector<1x1024xbf16>
    %max3A_1149 = arith.maximumf %min3A_1132, %min3A_1134 : vector<1x1024xbf16>
    %min3A_1150 = arith.minimumf %max3A_1133, %max3A_1135 : vector<1x1024xbf16>
    %max3A_1151 = arith.maximumf %max3A_1133, %max3A_1135 : vector<1x1024xbf16>
    %min3A_1152 = arith.minimumf %min3A_1136, %min3A_1138 : vector<1x1024xbf16>
    %max3A_1153 = arith.maximumf %min3A_1136, %min3A_1138 : vector<1x1024xbf16>
    %min3A_1154 = arith.minimumf %max3A_1137, %max3A_1139 : vector<1x1024xbf16>
    %max3A_1155 = arith.maximumf %max3A_1137, %max3A_1139 : vector<1x1024xbf16>
    %min3A_1156 = arith.minimumf %min3A_1140, %min3A_1142 : vector<1x1024xbf16>
    %max3A_1157 = arith.maximumf %min3A_1140, %min3A_1142 : vector<1x1024xbf16>
    %min3A_1158 = arith.minimumf %max3A_1141, %max3A_1143 : vector<1x1024xbf16>
    %max3A_1159 = arith.maximumf %max3A_1141, %max3A_1143 : vector<1x1024xbf16>
    %convert_element_type3A_1160 = arith.extf %get3A_1 : vector<1024x128xbf16> to vector<1024x128xf32>
    %mul3A_1161 = arith.mulf %convert_element_type3A_1160, %convert_element_type3A_1160 : vector<1024x128xf32>
    %reduce_sum3A_1162 = arith.constant dense<0.000000e+00> : vector<1024xf32>
    %reduce_sum3A_1163 = vector.multi_reduction <add>, %mul3A_1161, %reduce_sum3A_1162 [1] : vector<1024x128xf32> to vector<1024xf32>
    %broadcast_in_dim3A_1164 = vector.shape_cast %reduce_sum3A_1163 : vector<1024xf32> to vector<1x1024xf32>
    %concatenate3A = tpu.concatenate %min3A_1144, %max3A_1145, %min3A_1146, %max3A_1147, %min3A_1148, %max3A_1149, %min3A_1150, %max3A_1151, %min3A_1152, %max3A_1153, %min3A_1154, %max3A_1155, %min3A_1156, %max3A_1157, %min3A_1158, %max3A_1159 in 0 : vector<1x1024xbf16>, vector<1x1024xbf16>, vector<1x1024xbf16>, vector<1x1024xbf16>, vector<1x1024xbf16>, vector<1x1024xbf16>, vector<1x1024xbf16>, vector<1x1024xbf16>, vector<1x1024xbf16>, vector<1x1024xbf16>, vector<1x1024xbf16>, vector<1x1024xbf16>, vector<1x1024xbf16>, vector<1x1024xbf16>, vector<1x1024xbf16>, vector<1x1024xbf16> -> vector<16x1024xbf16>
    %convert_element_type3A_1165 = arith.extf %concatenate3A : vector<16x1024xbf16> to vector<16x1024xf32>
    %add3A_1166 = vector.broadcast %broadcast_in_dim3A_1164 : vector<1x1024xf32> to vector<16x1024xf32>
    %add3A_1167 = arith.addf %convert_element_type3A_1165, %add3A_1166 : vector<16x1024xf32>
    %max3A_1168 = arith.constant 0.000000e+00 : f32
    %max3A_1169 = vector.broadcast %max3A_1168 : f32 to vector<16x1024xf32>
    %max3A_1170 = arith.maximumf %add3A_1167, %max3A_1169 : vector<16x1024xf32>
    %sqrt3A = math.sqrt %max3A_1170 : vector<16x1024xf32>
    %mul3A_1171 = arith.constant 16 : i32
    %mul3A_1172 = arith.muli %arg1, %mul3A_1171 : i32
    %swap3A = arith.constant 0 : index
    %swap3A_1173 = arith.index_cast %mul3A_1172 : i32 to index
    %swap3A_1174 = arith.constant 0 : index
    %swap3A_1175 = vector.load %arg4[%swap3A, %swap3A_1173, %swap3A_1174] : memref<1x208x1024xf32, #tpu.memory_space<vmem>>, vector<1x16x1024xf32>
    %swap3A_1176 = vector.shape_cast %swap3A_1175 : vector<1x16x1024xf32> to vector<16x1024xf32>
    %swap3A_1177 = vector.shape_cast %sqrt3A : vector<16x1024xf32> to vector<1x16x1024xf32>
    tpu.vector_store %arg4[%swap3A, %swap3A_1173, %swap3A_1174], %swap3A_1177 {strides = array<i32>} : memref<1x208x1024xf32, #tpu.memory_space<vmem>>, vector<1x16x1024xf32>,
    return
  }
  func.func @transform_0(%arg0: i32, %arg1: i32) -> (i32, i32) {
    %c0_i32 = arith.constant 0 : i32
    %c0_i32_0 = arith.constant 0 : i32
    return %arg0, %c0_i32 : i32, i32
  }
  func.func @transform_1(%arg0: i32, %arg1: i32) -> (i32, i32) {
    %c0_i32 = arith.constant 0 : i32
    %c0_i32_0 = arith.constant 0 : i32
    return %arg1, %c0_i32 : i32, i32
  }
  func.func @transform_2(%arg0: i32, %arg1: i32) -> (i32, i32, i32) {
    %c0_i32 = arith.constant 0 : i32
    %c0_i32_0 = arith.constant 0 : i32
    %c0_i32_1 = arith.constant 0 : i32
    return %arg0, %c0_i32, %c0_i32_0 : i32, i32, i32
  }
}

</mosaic_0001>

<sc_bundles>
// kernel: kernel.4.cloned.1.call-start
scs
__scs_entry_jumppad:
0x0: {  	(pc) =	sbr.rel $0x88, $3  }
0x1: {  	(tag) =	ssettag $0x0;
	lr =	simm.s32 $0x1  }
0x2: {  	[smem:$0x3F9F] =	sst lr;
	_ =	strace $0xD0000000  }
0x3: {  	_ = 	snop  }
0x4: {  	_ = 	snop  }
0x5: {  	_ = 	snop  }
0x6: {  	_ = 	snop  }
0x7: {  	_ = 	snop  }
__scs_overlays_trampoline_lowered:
0x8: {  	[smem:$0x3FAE] =	sst s0  }
0x9: {  	[smem:$0x3FAF] =	sst s1  }
0xa: {  	[smem:$0x3FB0] =	sst s2  }
0xb: {  	[smem:$0x3FB1] =	sst s3  }
0xc: {  	[smem:$0x3FB2] =	sst s4  }
0xd: {  	[smem:$0x3FB3] =	sst s5  }
0xe: {  	[smem:$0x3FB4] =	sst s6  }
0xf: {  	[smem:$0x3FB5] =	sst s7  }
0x10: {  	[smem:$0x3FB6] =	sst s8  }
0x11: {  	[smem:$0x3FB7] =	sst s9;
	s0 =	simm.s32 @!p0 $0x0  }
0x12: {  	s1 =	sld [smem:$0x3F9D];
	s0 =	simm.s32 @p0 $0x1  }
0x13: {  	[smem:$0x3FB8] =	sst s0;
	s0 =	simm.s32 @!p1 $0x0  }
0x14: {  	s2 =	sld [smem:$0x3F9C];
	s0 =	simm.s32 @p1 $0x1  }
0x15: {  	[smem:$0x3FB9] =	sst s0;
	s0 =	simm.s32 @!p2 $0x0  }
0x16: {  	s3 =	sld [smem:$0x3FDB];
	s0 =	simm.s32 @p2 $0x1  }
0x17: {  	s4 =	simm.s32 $0x1BF5;
	[smem:$0x3FBB] =	sst s0  }
0x18: {  	s0 =	sld [smem:$0x3F9E];
	_ =	swait.ge [sflag:s4], $0x0  }
0x19: {  	s7 =	sld [smem:$0x3F9F]  }
0x1a: {  	s8 =	sadd.s32 $0xFFFFE003, lr  }
0x1b: {  	s9 =	sadd.s32 $0xFFFFFEF7, lr;
	s5 =	simm.s32 $0xFFFFFFFF;
	p2 =	slt.u32 s8, $0xFFFFF086  }
0x1c: {  	p1 =	slt.u32 s9, $0xF7A;
	s5 =	simm.s32 @!p2 $0x0  }
0x1d: {  	s5 =	simm.s32 @p1 $0x1;
	p0 =	seq.s32 s7, s2  }
0x1e: {  	s7 =	smul.u32 @!p0 $0xF7A, s2;
	p2 =	seq.s32 @!p0 s5, $0x0  }
0x1f: {  	s9 =	smul.u32 $0xF7A, s1;
	s8 =	simm.s32 @!p0 $0x1BF5;
	p2 =	por !p2, p0  }
0x20: {  	[sflag:s8] =	ssyncset.s32 @!p0 $0xFFFFF086;
	s6 =	sadd.s32 @!p0 s3, s7;
	s7 =	simm.s32 @!p0 $0x108  }
0x21: {  	s3 =	sadd.s32 s3, s9;
	s6 =	sadd.s32 @!p0 $0x88, s6;
	s7 =	simm.s32 @p2 $0x1082  }
0x22: {  	[simem:s7], [sflag:s8] =	dma.local @!p0 [hbm:s6], $0xF7A  }
0x23: {  	s9 =	sor.u32 $0xD0000000, s2;
	s6 =	simm.s32 $0x108;
	_ =	swait.ge @!p0 [sflag:s8], $0x0  }
0x24: {  	s3 =	sadd.s32 $0x88, s3;
	s6 =	simm.s32 @!p1 $0x1082;
	[sflag:s4] =	ssyncset.s32 $0xFFFFF086  }
0x25: {  	[simem:s6], [sflag:s4] =	dma.local [hbm:s3], $0xF7A  }
0x26: {  	[smem:$0x3F9F] =	sst s1;
	(tag) =	ssettag s2;
	_ =	strace s9  }
0x27: {  	s1 =	sld [smem:$0x3FAF]  }
0x28: {  	s2 =	sld [smem:$0x3FB0]  }
0x29: {  	s4 =	sld [smem:$0x3FB2]  }
0x2a: {  	p0 =	seq.s32 s5, $0x0;
	s5 =	sld [smem:$0x3FB3]  }
0x2b: {  	s6 =	sld [smem:$0x3FB4]  }
0x2c: {  	s7 =	sld [smem:$0x3FB5]  }
0x2d: {  	s3 =	simm.s32 $0x108;
	s8 =	sld [smem:$0x3FB6]  }
0x2e: {  	s3 =	simm.s32 @!p0 $0x1082;
	s9 =	sld [smem:$0x3FB7]  }
0x2f: {  	lr =	sadd.s32 s0, s3;
	s0 =	sld [smem:$0x3FAE]  }
0x30: {  	s3 =	sld [smem:$0x3FB1]  }
0x31: {  	[smem:$0x3FBA] =	sst s10  }
0x32: {  	s10 =	sld [smem:$0x3FB8];
	_ =	sdelay $0x3  }
0x33: {  	p0 =	seq.s32 s10, $0x1;
	s10 =	sld [smem:$0x3FBA];
	_ =	sdelay $0x3  }
0x34: {  	[smem:$0x3FBA] =	sst s10  }
0x35: {  	s10 =	sld [smem:$0x3FB9];
	_ =	sdelay $0x3  }
0x36: {  	p1 =	seq.s32 s10, $0x1;
	s10 =	sld [smem:$0x3FBA];
	_ =	sdelay $0x3  }
0x37: {  	[smem:$0x3FBA] =	sst s10  }
0x38: {  	s10 =	sld [smem:$0x3FBB]  }
0x39: {  	_ = 	snop;
	(pc) =	sbr.ind lr, $3  }
0x3a: {  	_ = 	snop  }
0x3b: {  	_ = 	snop  }
0x3c: {  	p2 =	seq.s32 s10, $0x1;
	s10 =	sld [smem:$0x3FBA]  }
0x3d: {  	_ =	shalt  }
0x3e: {  	_ =	shalt  }
0x3f: {  	_ =	shalt  }
0x40: {  	_ =	shalt  }
0x41: {  	_ =	shalt  }
0x42: {  	_ =	shalt  }
0x43: {  	_ =	shalt  }
0x44: {  	_ =	shalt  }
0x45: {  	_ =	shalt  }
0x46: {  	_ =	shalt  }
0x47: {  	_ =	shalt  }
0x48: {  	_ =	shalt  }
0x49: {  	_ =	shalt  }
0x4a: {  	_ =	shalt  }
0x4b: {  	_ =	shalt  }
0x4c: {  	_ =	shalt  }
0x4d: {  	_ =	shalt  }
0x4e: {  	_ =	shalt  }
0x4f: {  	_ =	shalt  }
0x50: {  	_ =	shalt  }
0x51: {  	_ =	shalt  }
0x52: {  	_ =	shalt  }
0x53: {  	_ =	shalt  }
0x54: {  	_ =	shalt  }
0x55: {  	_ =	shalt  }
0x56: {  	_ =	shalt  }
0x57: {  	_ =	shalt  }
0x58: {  	_ =	shalt  }
0x59: {  	_ =	shalt  }
0x5a: {  	_ =	shalt  }
0x5b: {  	_ =	shalt  }
0x5c: {  	_ =	shalt  }
0x5d: {  	_ =	shalt  }
0x5e: {  	_ =	shalt  }
0x5f: {  	_ =	shalt  }
0x60: {  	_ =	shalt  }
0x61: {  	_ =	shalt  }
0x62: {  	_ =	shalt  }
0x63: {  	_ =	shalt  }
0x64: {  	_ =	shalt  }
0x65: {  	_ =	shalt  }
0x66: {  	_ =	shalt  }
0x67: {  	_ =	shalt  }
0x68: {  	_ =	shalt  }
0x69: {  	_ =	shalt  }
0x6a: {  	_ =	shalt  }
0x6b: {  	_ =	shalt  }
0x6c: {  	_ =	shalt  }
0x6d: {  	_ =	shalt  }
0x6e: {  	_ =	shalt  }
0x6f: {  	_ =	shalt  }
0x70: {  	_ =	shalt  }
0x71: {  	_ =	shalt  }
0x72: {  	_ =	shalt  }
0x73: {  	_ =	shalt  }
0x74: {  	_ =	shalt  }
0x75: {  	_ =	shalt  }
0x76: {  	_ =	shalt  }
0x77: {  	_ =	shalt  }
0x78: {  	_ =	shalt  }
0x79: {  	_ =	shalt  }
0x7a: {  	_ =	shalt  }
0x7b: {  	_ =	shalt  }
0x7c: {  	_ =	shalt  }
0x7d: {  	_ =	shalt  }
0x7e: {  	_ =	shalt  }
0x7f: {  	_ =	shalt  }
0x80: {  	_ =	shalt  }
0x81: {  	_ =	shalt  }
0x82: {  	_ =	shalt  }
0x83: {  	_ =	shalt  }
0x84: {  	_ =	shalt  }
0x85: {  	_ =	shalt  }
0x86: {  	_ =	shalt  }
0x87: {  	_ =	shalt  }
.Lfunc_end0:
.L_simem_size_0:
called_computation_lowered:
.L_overlay_start_0:
0x88: {  	s2 =	sld [smem:$0x3FD9]  }
0x89: {  	s3 =	sld [smem:$0x3FFE];
	_ =	sdelay $0x1  }
0x8a: {  	s1 =	srdreg.scid  }
0x8b: {  	s0 =	sand.u32 $0x1, s1  }
0x8c: {  	s17 =	sshll.u32 s0, $0xA;
	s2 =	sadd.s32 s3, s2  }
0x8d: {  	s2 =	sadd.s32 s2, s17  }
0x8e: {  	[smem:$0x3FC6] =	sst s2  }
0x8f: {  	_ = 	snop  }
0x90: {  	s2 =	sld [smem:$0x3FD0];
	(tm) =	ssettm $0x1  }
0x91: {  	s18 =	sld [smem:$0x3FFB];
	_ =	sdelay $0x3  }
0x92: {  	_ =	strace s18  }
0x93: {  	s3 =	sld [smem:$0x3FFC];
	_ =	sdelay $0x3  }
0x94: {  	_ =	strace s3  }
0x95: {  	s3 =	sld [smem:$0x3FFD];
	_ =	sdelay $0x3  }
0x96: {  	_ =	strace s3  }
0x97: {  	_ =	strace $0x8FFFFFFF  }
0x98: {  	s19 =	sld [smem:$0x3FDB];
	_ =	sdelay $0x1  }
0x99: {  	s4 =	simm.s32 $_scs_section_size  }
0x9a: {  	s5 =	simm.s32 $_size__tile_overlayer_lowered;
	s6 =	simm.s32 $_tile_overlayer_lowered  }
0x9b: {  	s22 =	simm.s32 $0x1BFF;
	s21 =	sshll.u32 s6, $0x1;
	s3 =	sadd.s32 s4, s19  }
0x9c: {  	s7 =	simm.s32 $0x0;
	s20 =	sshll.u32 s5, $0x1;
	s5 =	sadd.s32 s21, s3  }
0x9d: {  	[timem:s7], [sflag:s22] =	dma.local [hbm:s5], s20  }
0x9e: {  	_ =	swait.ge [sflag:s22], s20  }
0x9f: {  	s4 =	ssub.s32 $0x0, s20;
	[sflag:s22] =	ssyncset.done $0x0  }
0xa0: {  	[sflag:s22] =	ssyncadd.s32 s4;
	_ =	sdelay $0x1  }
0xa1: {  	s23 =	simm.s32 $0x1B8B  }
0xa2: {  	_ =	swait.ge [sflag:s23], $0x1  }
0xa3: {  	[sflag:s23] =	ssyncset.done $0x0  }
0xa4: {  	s25 =	simm.s32 $0x1B8E;
	s24 =	sld [smem:$0x3FFE];
	[sflag:s23] =	ssyncadd.s32 $0xFFFFFFFF  }
0xa5: {  	s26 =	simm.s32 $execute0_lowered;
	[smem:$0x3FD2] =	sst s25  }
0xa6: {  	s5 =	sshll.u32 s26, $0x1;
	_ =	strace $0x80000046;
	[dreg:$0x1] =	wrdreg $0xFFFFFFFF  }
0xa7: {  	s28 =	simm.s32 $_size_execute0_lowered;
	s3 =	sadd.s32 s3, s5;
	[dreg:$0x0] =	wrdreg $0x0  }
0xa8: {  	s5 =	sshll.u32 s28, $0x1;
	[dreg:$0x2] =	wrdreg s3  }
0xa9: {  	[dreg:$0x3] =	wrdreg s5  }
0xaa: {  	[dreg:$0x4] =	wrdreg $0xC0  }
0xab: {  	_ =	task [dreg:s7], $0x5FFFF  }
0xac: {  	[dreg:$0x1] =	wrdreg $0xFFFFFFFF  }
0xad: {  	[dreg:$0x0] =	wrdreg $0x60  }
0xae: {  	[dreg:$0x2] =	wrdreg s24  }
0xaf: {  	[dreg:$0x3] =	wrdreg s2  }
0xb0: {  	[dreg:$0x4] =	wrdreg $0x9  }
0xb1: {  	_ =	task.clear_ibuf [dreg:s7], $0x5FFFF;
	_ =	strace $0x90000046  }
0xb2: {  	s29 =	simm.s32 $0x9;
	_ =	strace $0x80000048  }
0xb3: {  	_ =	swait.ge [sflag:s29], $0x1  }
0xb4: {  	[sflag:s29] =	ssyncadd.s32 $0xFFFFFFFF  }
0xb5: {  	_ =	strace $0x90000048  }
0xb6: {  	_ =	sfence  }
0xb7: {  	s30 =	sld [smem:$0x0];
	_ =	sdelay $0x2  }
0xb8: {  	s31 =	sshll.u32 s1, $0xD;
	s1 =	sshrl.u32 s1, $0x2  }
0xb9: {  	s3 =	sand.u32 $0x4000, s31;
	s1 =	sadd.s32 s1, s30  }
0xba: {  	s0 =	sor.u32 s3, s0;
	s1 =	sshll.u32 s1, $0x11  }
0xbb: {  	s0 =	sor.u32 s1, s0  }
0xbc: {  	s0 =	sadd.s32 $0x8F2B, s0  }
0xbd: {  	[sflag:s0] =	ssyncadd.remote.s32 $0x1  }
0xbe: {  	_ =	sfence.sel $0xFFFF  }
0xbf: {  	[dreg:$0x0] =	wrdreg $0xFFFFFFFF;
	(pc) =	sbr.abs _section_cstart, $3  }
0xc0: {  	[dreg:$0x1] =	wrdreg $0xFFFFFFFF  }
0xc1: {  	_ =	task.clear_ibuf [dreg:s7], $0x2FFFF;
	_ =	strace $0x9FFFFFFF  }
0xc2: {  	(tm) =	ssettm $0x7FFFFFFF  }
0xc3: {  	_ =	shalt  }
tec
execute0_lowered:
.L_overlay_start_1:
0x0: {  	(tag) =	ssettag $0x1  }
0x1: {  	s1 =	srdreg.scid  }
0x2: {  	s0 =	stileid.u32;
	s4 =	rddreg [dreg:$0x0]  }
0x3: {  	s6 =	rddreg [dreg:$0x1];
	s3 =	sand.u32 $0x1, s1;
	s29 =	sshll.u32 s0, $0x1  }
0x4: {  	s2 =	simm.s32 $0x0;
	s30 =	sshrl.u32 s0, $0x2;
	s5 =	sor.u32 s3, s29  }
0x5: {  	s9 =	simm.s32 $0x6800;
	s7 =	smul.u32 $0x34000, s30;
	s8 =	sshll.u32 s5, $0xA  }
0x6: {  	s10 =	simm.s32 $0x0;
	s1 =	rddreg [dreg:$0x2];
	s8 =	sand.u32 $0x1C00, s8  }
0x7: {  	[smem:$0x7FF] =	sst s2;
	s3 =	ssub.s32 $0x2, s3;
	s7 =	sor.u32 s7, s8  }
0x8: {  	_ =	strace $0x80000047;
	s31 =	sshrl.u32 s3, $0x1;
	s7 =	sshrl.u32 s7, $0x3  }
0x9: {  	s5 =	sshll.u32 s5, $0x4;
	s8 =	simm.s32 $0x1;
	s4 =	sadd.s32 s7, s4  }
0xa: {  	s7 =	ssub.s32 s3, s31;
	s3 =	sadd.s32 $0x400, s4;
	s4 =	sadd.s32 s6, s5  }
0xb: {  	s5 =	smax.u32 s7, $0x1;
	s6 =	simm.s32 $0x400;
	s7 =	simm.s32 $0x2000  }
.LBB2_1:
0xc: {  	[tilespmem:s2], [sflag:$0x1] =	stream.strided.gather [hbm4b:s3+s6], $0x6800, s7, s6, $0x38;
	[tilespmem:$0x6880] =	vst v63  }
0xd: {  	_ =	swait.ge [sflag:s8], $0x6800  }
0xe: {  	[sflag:s8] =	ssyncset.done $0x0  }
0xf: {  	s11 =	simm.s32 $0x0;
	[sflag:s8] =	ssyncadd.s32 $0xFFFF9800  }
.LBB2_2:
0x10: {  	s12 =	sshll.u32 s11, $0x4  }
0x11: {  	v0 =	vld [tilespmem:s12+$0x0]  }
0x12: {  	v1 =	vld [tilespmem:s12+$0x80]  }
0x13: {  	v2 =	vld [tilespmem:s12+$0x100]  }
0x14: {  	v3 =	vld [tilespmem:s12+$0x180]  }
0x15: {  	v4 =	vld [tilespmem:s12+$0x200]  }
0x16: {  	v5 =	vld [tilespmem:s12+$0x280]  }
0x17: {  	v6 =	vld [tilespmem:s12+$0x300]  }
0x18: {  	v7 =	vld [tilespmem:s12+$0x380]  }
0x19: {  	v8 =	vld [tilespmem:s12+$0x400]  }
0x1a: {  	v9 =	vld [tilespmem:s12+$0x480]  }
0x1b: {  	v10 =	vld [tilespmem:s12+$0x500]  }
0x1c: {  	v11 =	vld [tilespmem:s12+$0x580]  }
0x1d: {  	v12 =	vld [tilespmem:s12+$0x600]  }
0x1e: {  	v13 =	vld [tilespmem:s12+$0x680]  }
0x1f: {  	v14 =	vld [tilespmem:s12+$0x700]  }
0x20: {  	v15 =	vld [tilespmem:s12+$0x780]  }
0x21: {  	v16 =	vld [tilespmem:s12+$0x800]  }
0x22: {  	v17 =	vld [tilespmem:s12+$0x900]  }
0x23: {  	v18 =	vld [tilespmem:s12+$0x980]  }
0x24: {  	v19 =	vld [tilespmem:s12+$0xA80]  }
0x25: {  	v20 =	vld [tilespmem:s12+$0xB00]  }
0x26: {  	v21 =	vld [tilespmem:s12+$0xC00]  }
0x27: {  	v22 =	vld [tilespmem:s12+$0xC80]  }
0x28: {  	v23 =	vld [tilespmem:s12+$0xD80]  }
0x29: {  	v24 =	vld [tilespmem:s12+$0xE00]  }
0x2a: {  	v25 =	vld [tilespmem:s12+$0xF00]  }
0x2b: {  	v26 =	vld [tilespmem:s12+$0xF80]  }
0x2c: {  	v27 =	vld [tilespmem:s12+$0xE80]  }
0x2d: {  	v28 =	vld [tilespmem:s12+$0xD00]  }
0x2e: {  	v29 =	vld [tilespmem:s12+$0xB80]  }
0x2f: {  	v30 =	vld [tilespmem:s12+$0xA00]  }
0x30: {  	v31 =	vld [tilespmem:s12+$0x880];
	v0 =	vmin.f32 v0, v26;
	v1 =	vmin.f32 v1, v25  }
0x31: {  	v2 =	vmin.f32 v2, v27;
	v3 =	vmin.f32 v3, v24;
	v4 =	vmin.f32 v4, v23  }
0x32: {  	v5 =	vmin.f32 v5, v28;
	v6 =	vmin.f32 v6, v22;
	v7 =	vmin.f32 v7, v21  }
0x33: {  	v8 =	vmin.f32 v8, v29;
	v9 =	vmin.f32 v9, v20;
	v10 =	vmin.f32 v10, v19  }
0x34: {  	v11 =	vmin.f32 v11, v30;
	v12 =	vmin.f32 v12, v18;
	v13 =	vmin.f32 v13, v17  }
0x35: {  	v14 =	vmin.f32 v14, v31;
	v15 =	vmin.f32 v15, v16;
	v28 =	vmin.f32 v0, v8  }
0x36: {  	v0 =	vmax.f32 v0, v8;
	v29 =	vmin.f32 v1, v9;
	v1 =	vmax.f32 v1, v9  }
0x37: {  	v30 =	vmin.f32 v2, v10;
	v2 =	vmax.f32 v2, v10;
	v31 =	vmin.f32 v3, v11  }
0x38: {  	v3 =	vmax.f32 v3, v11;
	v32 =	vmin.f32 v4, v12;
	v4 =	vmax.f32 v4, v12  }
0x39: {  	v33 =	vmin.f32 v5, v13;
	v5 =	vmax.f32 v5, v13;
	v34 =	vmin.f32 v6, v14  }
0x3a: {  	v6 =	vmax.f32 v6, v14;
	v35 =	vmin.f32 v7, v15;
	v7 =	vmax.f32 v7, v15  }
0x3b: {  	v36 =	vmin.f32 v28, v32;
	v11 =	vmax.f32 v28, v32;
	v37 =	vmin.f32 v29, v33  }
0x3c: {  	v8 =	vmax.f32 v29, v33;
	v38 =	vmin.f32 v30, v34;
	v9 =	vmax.f32 v30, v34  }
0x3d: {  	v39 =	vmin.f32 v31, v35;
	v10 =	vmax.f32 v31, v35;
	v40 =	vmin.f32 v0, v4  }
0x3e: {  	v45 =	vld [tilespmem:s12+$0x1380];
	v0 =	vmax.f32 v0, v4;
	v41 =	vmin.f32 v1, v5;
	v1 =	vmax.f32 v1, v5  }
0x3f: {  	v48 =	vld [tilespmem:s12+$0x1400];
	v42 =	vmin.f32 v2, v6;
	v2 =	vmax.f32 v2, v6;
	v43 =	vmin.f32 v3, v7  }
0x40: {  	v50 =	vld [tilespmem:s12+$0x1500];
	v3 =	vmax.f32 v3, v7;
	v44 =	vmin.f32 v36, v38;
	v12 =	vmax.f32 v36, v38  }
0x41: {  	v53 =	vld [tilespmem:s12+$0x1580];
	v46 =	vmin.f32 v37, v39;
	v16 =	vmax.f32 v37, v39;
	v47 =	vmin.f32 v11, v9  }
0x42: {  	v55 =	vld [tilespmem:s12+$0x1680];
	v9 =	vmax.f32 v11, v9;
	v49 =	vmin.f32 v8, v10;
	v8 =	vmax.f32 v8, v10  }
0x43: {  	v58 =	vld [tilespmem:s12+$0x1700];
	v51 =	vmin.f32 v40, v42;
	v14 =	vmax.f32 v40, v42;
	v52 =	vmin.f32 v41, v43  }
0x44: {  	v60 =	vld [tilespmem:s12+$0x1780];
	v4 =	vmax.f32 v41, v43;
	v54 =	vmin.f32 v0, v2;
	v0 =	vmax.f32 v0, v2  }
0x45: {  	v63 =	vld [tilespmem:s12+$0x1600];
	v56 =	vmin.f32 v1, v3;
	v1 =	vmax.f32 v1, v3;
	v57 =	vmin.f32 v44, v46  }
0x46: {  	v18 =	vld [tilespmem:s12+$0x1100];
	v7 =	vmax.f32 v44, v46;
	v59 =	vmin.f32 v12, v16;
	v12 =	vmax.f32 v12, v16  }
0x47: {  	v20 =	vld [tilespmem:s12+$0x1280];
	v61 =	vmin.f32 v47, v49;
	v11 =	vmax.f32 v47, v49;
	v62 =	vmin.f32 v9, v8  }
0x48: {  	v13 =	vld [tilespmem:s12+$0x1080];
	v8 =	vmax.f32 v9, v8;
	v33 =	vmin.f32 v51, v52;
	v19 =	vmax.f32 v51, v52  }
0x49: {  	v5 =	vld [tilespmem:s12+$0x1200];
	v35 =	vmin.f32 v14, v4;
	v4 =	vmax.f32 v14, v4;
	v36 =	vmin.f32 v54, v56  }
0x4a: {  	v34 =	vld [tilespmem:s12+$0x1480];
	v6 =	vmax.f32 v54, v56;
	v38 =	vmin.f32 v0, v1;
	v0 =	vmax.f32 v0, v1  }
0x4b: {  	v37 =	vld [tilespmem:s12+$0x1300];
	v3 =	vmin.f32 v57, v60;
	v7 =	vmin.f32 v7, v58;
	v2 =	vmin.f32 v59, v55  }
0x4c: {  	v39 =	vld [tilespmem:s12+$0x1180];
	v12 =	vmin.f32 v12, v63;
	v41 =	vmin.f32 v61, v53;
	v10 =	vmin.f32 v11, v50  }
0x4d: {  	v40 =	vld [tilespmem:s12+$0x1000];
	v8 =	vmin.f32 v8, v48;
	v9 =	vmin.f32 v33, v45;
	v44 =	vmin.f32 v35, v20  }
0x4e: {  	v45 =	vmin.f32 v6, v18;
	v46 =	vmin.f32 v38, v13;
	v47 =	vmin.f32 v3, v9  }
0x4f: {  	v3 =	vmax.f32 v3, v9;
	v49 =	vmin.f32 v2, v44;
	v2 =	vmax.f32 v2, v44  }
0x50: {  	v52 =	vmin.f32 v10, v45;
	v42 =	vmin.f32 v62, v34;
	v4 =	vmin.f32 v4, v5  }
0x51: {  	v5 =	vmax.f32 v10, v45;
	v43 =	vmin.f32 v19, v37;
	v1 =	vmin.f32 v36, v39  }
0x52: {  	v0 =	vmin.f32 v0, v40;
	v50 =	vmin.f32 v12, v4;
	v4 =	vmax.f32 v12, v4  }
0x53: {  	v53 =	vmin.f32 v42, v46;
	v6 =	vmax.f32 v42, v46;
	v48 =	vmin.f32 v7, v43  }
0x54: {  	v7 =	vmax.f32 v7, v43;
	v51 =	vmin.f32 v41, v1;
	v1 =	vmax.f32 v41, v1  }
0x55: {  	v54 =	vmin.f32 v8, v0;
	v0 =	vmax.f32 v8, v0;
	v57 =	vmin.f32 v49, v53  }
0x56: {  	v10 =	vmax.f32 v49, v53;
	v61 =	vmin.f32 v2, v6;
	v2 =	vmax.f32 v2, v6  }
0x57: {  	v55 =	vmin.f32 v47, v51;
	v12 =	vmax.f32 v47, v51;
	v56 =	vmin.f32 v48, v52  }
0x58: {  	v9 =	vmax.f32 v48, v52;
	v58 =	vmin.f32 v50, v54;
	v11 =	vmax.f32 v50, v54  }
0x59: {  	v16 =	vld [tilespmem:s12+$0x1800];
	v59 =	vmin.f32 v3, v1;
	v1 =	vmax.f32 v3, v1;
	v60 =	vmin.f32 v7, v5  }
0x5a: {  	v18 =	vld [tilespmem:s12+$0x1880];
	v5 =	vmax.f32 v7, v5;
	v62 =	vmin.f32 v4, v0;
	v0 =	vmax.f32 v4, v0  }
0x5b: {  	v20 =	vld [tilespmem:s12+$0x1A00];
	v31 =	vmin.f32 v55, v57;
	v8 =	vmax.f32 v55, v57;
	v32 =	vmin.f32 v56, v58  }
0x5c: {  	v63 =	vld [tilespmem:s12+$0x1B00];
	v13 =	vmax.f32 v56, v58;
	v34 =	vmin.f32 v12, v10;
	v10 =	vmax.f32 v12, v10  }
0x5d: {  	v33 =	vld [tilespmem:s12+$0x1B80];
	v36 =	vmin.f32 v9, v11;
	v9 =	vmax.f32 v9, v11;
	v37 =	vmin.f32 v59, v61  }
0x5e: {  	v35 =	vld [tilespmem:s12+$0x1C80];
	v7 =	vmax.f32 v59, v61;
	v39 =	vmin.f32 v60, v62;
	v6 =	vmax.f32 v60, v62  }
0x5f: {  	v38 =	vld [tilespmem:s12+$0x1D00];
	v41 =	vmin.f32 v1, v2;
	v1 =	vmax.f32 v1, v2;
	v42 =	vmin.f32 v5, v0  }
0x60: {  	v45 =	vld [tilespmem:s12+$0x1F80];
	v0 =	vmax.f32 v5, v0;
	v44 =	vmin.f32 v31, v32;
	v17 =	vmax.f32 v31, v32  }
0x61: {  	v40 =	vld [tilespmem:s12+$0x1E00];
	v46 =	vmin.f32 v8, v13;
	v8 =	vmax.f32 v8, v13;
	v47 =	vmin.f32 v34, v36  }
0x62: {  	v43 =	vld [tilespmem:s12+$0x1E80];
	v14 =	vmax.f32 v34, v36;
	v49 =	vmin.f32 v10, v9;
	v9 =	vmax.f32 v10, v9  }
0x63: {  	v53 =	vld [tilespmem:s12+$0x1C00];
	v51 =	vmin.f32 v37, v39;
	v11 =	vmax.f32 v37, v39;
	v52 =	vmin.f32 v7, v6  }
0x64: {  	v3 =	vld [tilespmem:s12+$0x1980];
	v6 =	vmax.f32 v7, v6;
	v54 =	vmin.f32 v41, v42;
	v2 =	vmax.f32 v41, v42  }
0x65: {  	v48 =	vld [tilespmem:s12+$0x1F00];
	v56 =	vmin.f32 v1, v0;
	v0 =	vmax.f32 v1, v0;
	v5 =	vmin.f32 v44, v45  }
0x66: {  	v50 =	vld [tilespmem:s12+$0x1D80];
	v8 =	vmin.f32 v8, v40;
	v59 =	vmin.f32 v14, v38;
	v12 =	vmin.f32 v49, v35  }
0x67: {  	v55 =	vld [tilespmem:s12+$0x1A80];
	v60 =	vmin.f32 v51, v33;
	v4 =	vmin.f32 v11, v63;
	v6 =	vmin.f32 v6, v20  }
0x68: {  	v57 =	vld [tilespmem:s12+$0x1900];
	v62 =	vmin.f32 v56, v18;
	v0 =	vmin.f32 v0, v16;
	v58 =	vmin.f32 v46, v43  }
0x69: {  	v9 =	vmin.f32 v9, v53;
	v63 =	vmin.f32 v5, v60;
	v5 =	vmax.f32 v5, v60  }
0x6a: {  	v21 =	vmin.f32 v8, v6;
	v6 =	vmax.f32 v8, v6;
	v24 =	vmin.f32 v12, v62  }
0x6b: {  	v17 =	vmin.f32 v17, v48;
	v10 =	vmin.f32 v47, v50;
	v3 =	vmin.f32 v54, v3  }
0x6c: {  	v25 =	vmin.f32 v9, v0;
	v0 =	vmax.f32 v9, v0;
	v61 =	vmin.f32 v52, v55  }
0x6d: {  	v1 =	vmin.f32 v2, v57;
	v20 =	vmin.f32 v17, v4;
	v4 =	vmax.f32 v17, v4  }
0x6e: {  	v22 =	vmin.f32 v10, v3;
	v3 =	vmax.f32 v10, v3;
	v2 =	vmax.f32 v12, v62  }
0x6f: {  	v29 =	vmin.f32 v21, v25;
	v12 =	vmax.f32 v21, v25;
	v34 =	vmin.f32 v6, v0  }
0x70: {  	v0 =	vmax.f32 v6, v0;
	v15 =	vmin.f32 v58, v61;
	v11 =	vmax.f32 v58, v61  }
0x71: {  	v19 =	vld [tilespmem:s12+$0x2180];
	v23 =	vmin.f32 v59, v1;
	v1 =	vmax.f32 v59, v1;
	v26 =	vmin.f32 v63, v22  }
0x72: {  	v36 =	vld [tilespmem:s12+$0x2300];
	v7 =	vmax.f32 v63, v22;
	v30 =	vmin.f32 v5, v3;
	v3 =	vmax.f32 v5, v3  }
0x73: {  	v41 =	vld [tilespmem:s12+$0x2480];
	v27 =	vmin.f32 v20, v23;
	v10 =	vmax.f32 v20, v23;
	v28 =	vmin.f32 v15, v24  }
0x74: {  	v16 =	vld [tilespmem:s12+$0x2100];
	v13 =	vmax.f32 v15, v24;
	v31 =	vmin.f32 v4, v1;
	v1 =	vmax.f32 v4, v1  }
0x75: {  	v33 =	vld [tilespmem:s12+$0x2280];
	v32 =	vmin.f32 v11, v2;
	v2 =	vmax.f32 v11, v2;
	v35 =	vmin.f32 v26, v28  }
0x76: {  	v38 =	vld [tilespmem:s12+$0x2400];
	v9 =	vmax.f32 v26, v28;
	v37 =	vmin.f32 v27, v29;
	v8 =	vmax.f32 v27, v29  }
0x77: {  	v51 =	vld [tilespmem:s12+$0x2780];
	v39 =	vmin.f32 v7, v13;
	v7 =	vmax.f32 v7, v13;
	v40 =	vmin.f32 v10, v12  }
0x78: {  	v56 =	vld [tilespmem:s12+$0x2500];
	v10 =	vmax.f32 v10, v12;
	v42 =	vmin.f32 v30, v32;
	v4 =	vmax.f32 v30, v32  }
0x79: {  	v43 =	vld [tilespmem:s12+$0x2580];
	v44 =	vmin.f32 v31, v34;
	v5 =	vmax.f32 v31, v34;
	v45 =	vmin.f32 v3, v2  }
0x7a: {  	v46 =	vld [tilespmem:s12+$0x2600];
	v2 =	vmax.f32 v3, v2;
	v47 =	vmin.f32 v1, v0;
	v0 =	vmax.f32 v1, v0  }
0x7b: {  	v48 =	vld [tilespmem:s12+$0x2700];
	v49 =	vmin.f32 v35, v37;
	v6 =	vmax.f32 v35, v37;
	v50 =	vmin.f32 v9, v8  }
0x7c: {  	v53 =	vld [tilespmem:s12+$0x2680];
	v8 =	vmax.f32 v9, v8;
	v52 =	vmin.f32 v39, v40;
	v13 =	vmax.f32 v39, v40  }
0x7d: {  	v17 =	vld [tilespmem:s12+$0x2000];
	v54 =	vmin.f32 v7, v10;
	v7 =	vmax.f32 v7, v10;
	v55 =	vmin.f32 v42, v44  }
0x7e: {  	v62 =	vld [tilespmem:s12+$0x2080];
	v12 =	vmax.f32 v42, v44;
	v57 =	vmin.f32 v4, v5;
	v4 =	vmax.f32 v4, v5  }
0x7f: {  	v58 =	vld [tilespmem:s12+$0x2380];
	v59 =	vmin.f32 v45, v47;
	v3 =	vmax.f32 v45, v47;
	v60 =	vmin.f32 v2, v0  }
0x80: {  	v61 =	vld [tilespmem:s12+$0x2200];
	v0 =	vmax.f32 v2, v0;
	v26 =	vmin.f32 v49, v51;
	v1 =	vmin.f32 v6, v48  }
0x81: {  	v63 =	vmin.f32 v50, v53;
	v8 =	vmin.f32 v8, v46;
	v9 =	vmin.f32 v52, v43  }
0x82: {  	v13 =	vmin.f32 v13, v56;
	v22 =	vmin.f32 v54, v41;
	v7 =	vmin.f32 v7, v38  }
0x83: {  	v23 =	vmin.f32 v12, v36;
	v11 =	vmin.f32 v57, v33;
	v24 =	vmin.f32 v59, v19  }
0x84: {  	v3 =	vmin.f32 v3, v16;
	v2 =	vmin.f32 v60, v62;
	v0 =	vmin.f32 v0, v17  }
0x85: {  	v5 =	vmin.f32 v55, v58;
	v4 =	vmin.f32 v4, v61;
	v27 =	vmin.f32 v63, v11  }
0x86: {  	v6 =	vmax.f32 v63, v11;
	v29 =	vmin.f32 v9, v24;
	v9 =	vmax.f32 v9, v24  }
0x87: {  	v30 =	vmin.f32 v13, v3;
	v3 =	vmax.f32 v13, v3;
	v31 =	vmin.f32 v22, v2  }
0x88: {  	v2 =	vmax.f32 v22, v2;
	v32 =	vmin.f32 v7, v0;
	v0 =	vmax.f32 v7, v0  }
0x89: {  	v25 =	vmin.f32 v26, v5;
	v5 =	vmax.f32 v26, v5;
	v26 =	vmin.f32 v1, v23  }
0x8a: {  	v1 =	vmax.f32 v1, v23;
	v28 =	vmin.f32 v8, v4;
	v4 =	vmax.f32 v8, v4  }
0x8b: {  	v35 =	vmin.f32 v27, v31;
	v10 =	vmax.f32 v27, v31;
	v39 =	vmin.f32 v6, v2  }
0x8c: {  	v2 =	vmax.f32 v6, v2;
	v33 =	vmin.f32 v25, v29;
	v8 =	vmax.f32 v25, v29  }
0x8d: {  	v34 =	vmin.f32 v26, v30;
	v12 =	vmax.f32 v26, v30;
	v36 =	vmin.f32 v28, v32  }
0x8e: {  	v18 =	vld [tilespmem:s12+$0x2900];
	v11 =	vmax.f32 v28, v32;
	v37 =	vmin.f32 v5, v9;
	v5 =	vmax.f32 v5, v9  }
0x8f: {  	v20 =	vld [tilespmem:s12+$0x2A80];
	v38 =	vmin.f32 v1, v3;
	v1 =	vmax.f32 v1, v3;
	v40 =	vmin.f32 v4, v0  }
0x90: {  	v42 =	vld [tilespmem:s12+$0x2B80];
	v0 =	vmax.f32 v4, v0;
	v41 =	vmin.f32 v33, v35;
	v7 =	vmax.f32 v33, v35  }
0x91: {  	v45 =	vld [tilespmem:s12+$0x2C00];
	v43 =	vmin.f32 v34, v36;
	v15 =	vmax.f32 v34, v36;
	v44 =	vmin.f32 v8, v10  }
0x92: {  	v47 =	vld [tilespmem:s12+$0x2D00];
	v8 =	vmax.f32 v8, v10;
	v46 =	vmin.f32 v12, v11;
	v11 =	vmax.f32 v12, v11  }
0x93: {  	v50 =	vld [tilespmem:s12+$0x2D80];
	v48 =	vmin.f32 v37, v39;
	v14 =	vmax.f32 v37, v39;
	v49 =	vmin.f32 v38, v40  }
0x94: {  	v52 =	vld [tilespmem:s12+$0x2E80];
	v6 =	vmax.f32 v38, v40;
	v51 =	vmin.f32 v5, v2;
	v2 =	vmax.f32 v5, v2  }
0x95: {  	v57 =	vld [tilespmem:s12+$0x2F80];
	v53 =	vmin.f32 v1, v0;
	v0 =	vmax.f32 v1, v0;
	v54 =	vmin.f32 v41, v43  }
0x96: {  	v55 =	vld [tilespmem:s12+$0x2F00];
	v4 =	vmax.f32 v41, v43;
	v56 =	vmin.f32 v7, v15;
	v7 =	vmax.f32 v7, v15  }
0x97: {  	v60 =	vld [tilespmem:s12+$0x2E00];
	v58 =	vmin.f32 v44, v46;
	v10 =	vmax.f32 v44, v46;
	v59 =	vmin.f32 v8, v11  }
0x98: {  	v62 =	vld [tilespmem:s12+$0x2C80];
	v8 =	vmax.f32 v8, v11;
	v61 =	vmin.f32 v48, v49;
	v19 =	vmax.f32 v48, v49  }
0x99: {  	v13 =	vld [tilespmem:s12+$0x2880];
	v63 =	vmin.f32 v14, v6;
	v6 =	vmax.f32 v14, v6;
	v33 =	vmin.f32 v51, v53  }
0x9a: {  	v9 =	vmax.f32 v51, v53;
	v35 =	vmin.f32 v2, v0;
	v0 =	vmax.f32 v2, v0  }
0x9b: {  	v1 =	vmin.f32 v54, v57;
	v4 =	vmin.f32 v4, v55;
	v5 =	vmin.f32 v56, v52  }
0x9c: {  	v3 =	vld [tilespmem:s12+$0x2A00];
	v7 =	vmin.f32 v7, v60;
	v38 =	vmin.f32 v58, v50;
	v10 =	vmin.f32 v10, v47  }
0x9d: {  	v34 =	vld [tilespmem:s12+$0x2B00];
	v39 =	vmin.f32 v59, v62;
	v8 =	vmin.f32 v8, v45;
	v11 =	vmin.f32 v61, v42  }
0x9e: {  	v36 =	vld [tilespmem:s12+$0x2980];
	v41 =	vmin.f32 v63, v20;
	v42 =	vmin.f32 v9, v18;
	v43 =	vmin.f32 v35, v13  }
0x9f: {  	v37 =	vld [tilespmem:s12+$0x2800];
	v44 =	vmin.f32 v1, v11;
	v1 =	vmax.f32 v1, v11;
	v46 =	vmin.f32 v5, v41  }
0xa0: {  	v5 =	vmax.f32 v5, v41;
	v49 =	vmin.f32 v10, v42;
	v50 =	vmin.f32 v39, v43  }
0xa1: {  	v9 =	vmax.f32 v39, v43;
	v3 =	vmin.f32 v6, v3;
	v6 =	vmax.f32 v10, v42  }
0xa2: {  	v54 =	vmin.f32 v46, v50;
	v10 =	vmax.f32 v46, v50;
	v58 =	vmin.f32 v5, v9  }
0xa3: {  	v5 =	vmax.f32 v5, v9;
	v40 =	vmin.f32 v19, v34;
	v2 =	vmin.f32 v33, v36  }
0xa4: {  	v0 =	vmin.f32 v0, v37;
	v47 =	vmin.f32 v7, v3;
	v3 =	vmax.f32 v7, v3  }
0xa5: {  	v45 =	vmin.f32 v4, v40;
	v4 =	vmax.f32 v4, v40;
	v48 =	vmin.f32 v38, v2  }
0xa6: {  	v2 =	vmax.f32 v38, v2;
	v51 =	vmin.f32 v8, v0;
	v0 =	vmax.f32 v8, v0  }
0xa7: {  	v15 =	vld [tilespmem:s12+$0x3000];
	v52 =	vmin.f32 v44, v48;
	v7 =	vmax.f32 v44, v48;
	v53 =	vmin.f32 v45, v49  }
0xa8: {  	v18 =	vld [tilespmem:s12+$0x3080];
	v11 =	vmax.f32 v45, v49;
	v55 =	vmin.f32 v47, v51;
	v12 =	vmax.f32 v47, v51  }
0xa9: {  	v20 =	vld [tilespmem:s12+$0x3200];
	v56 =	vmin.f32 v1, v2;
	v1 =	vmax.f32 v1, v2;
	v57 =	vmin.f32 v4, v6  }
0xaa: {  	v60 =	vld [tilespmem:s12+$0x3300];
	v4 =	vmax.f32 v4, v6;
	v59 =	vmin.f32 v3, v0;
	v0 =	vmax.f32 v3, v0  }
0xab: {  	v63 =	vld [tilespmem:s12+$0x3380];
	v61 =	vmin.f32 v52, v54;
	v8 =	vmax.f32 v52, v54;
	v62 =	vmin.f32 v53, v55  }
0xac: {  	v39 =	vld [tilespmem:s12+$0x3600];
	v13 =	vmax.f32 v53, v55;
	v33 =	vmin.f32 v7, v10;
	v7 =	vmax.f32 v7, v10  }
0xad: {  	v42 =	vld [tilespmem:s12+$0x3680];
	v35 =	vmin.f32 v11, v12;
	v11 =	vmax.f32 v11, v12;
	v36 =	vmin.f32 v56, v58  }
0xae: {  	v34 =	vld [tilespmem:s12+$0x3480];
	v6 =	vmax.f32 v56, v58;
	v38 =	vmin.f32 v57, v59;
	v9 =	vmax.f32 v57, v59  }
0xaf: {  	v37 =	vld [tilespmem:s12+$0x3500];
	v40 =	vmin.f32 v1, v5;
	v1 =	vmax.f32 v1, v5;
	v41 =	vmin.f32 v4, v0  }
0xb0: {  	v2 =	vld [tilespmem:s12+$0x3180];
	v0 =	vmax.f32 v4, v0;
	v43 =	vmin.f32 v61, v62;
	v17 =	vmax.f32 v61, v62  }
0xb1: {  	v44 =	vld [tilespmem:s12+$0x3780];
	v45 =	vmin.f32 v8, v13;
	v8 =	vmax.f32 v8, v13;
	v46 =	vmin.f32 v33, v35  }
0xb2: {  	v47 =	vld [tilespmem:s12+$0x3700];
	v14 =	vmax.f32 v33, v35;
	v48 =	vmin.f32 v7, v11;
	v7 =	vmax.f32 v7, v11  }
0xb3: {  	v49 =	vld [tilespmem:s12+$0x3580];
	v50 =	vmin.f32 v36, v38;
	v12 =	vmax.f32 v36, v38;
	v51 =	vmin.f32 v6, v9  }
0xb4: {  	v52 =	vld [tilespmem:s12+$0x3400];
	v6 =	vmax.f32 v6, v9;
	v53 =	vmin.f32 v40, v41;
	v5 =	vmax.f32 v40, v41  }
0xb5: {  	v54 =	vld [tilespmem:s12+$0x3280];
	v55 =	vmin.f32 v1, v0;
	v0 =	vmax.f32 v1, v0;
	v57 =	vmin.f32 v45, v42  }
0xb6: {  	v56 =	vld [tilespmem:s12+$0x3100];
	v8 =	vmin.f32 v8, v39;
	v58 =	vmin.f32 v14, v37;
	v10 =	vmin.f32 v48, v34  }
0xb7: {  	v59 =	vmin.f32 v50, v63;
	v3 =	vmin.f32 v12, v60;
	v6 =	vmin.f32 v6, v20  }
0xb8: {  	v61 =	vmin.f32 v55, v18;
	v0 =	vmin.f32 v0, v15;
	v21 =	vmin.f32 v8, v6  }
0xb9: {  	v6 =	vmax.f32 v8, v6;
	v24 =	vmin.f32 v10, v61;
	v4 =	vmin.f32 v43, v44  }
0xba: {  	v17 =	vmin.f32 v17, v47;
	v11 =	vmin.f32 v46, v49;
	v2 =	vmin.f32 v53, v2  }
0xbb: {  	v7 =	vmin.f32 v7, v52;
	v60 =	vmin.f32 v51, v54;
	v1 =	vmin.f32 v5, v56  }
0xbc: {  	v62 =	vmin.f32 v4, v59;
	v4 =	vmax.f32 v4, v59;
	v63 =	vmin.f32 v17, v3  }
0xbd: {  	v3 =	vmax.f32 v17, v3;
	v22 =	vmin.f32 v11, v2;
	v2 =	vmax.f32 v11, v2  }
0xbe: {  	v5 =	vmax.f32 v10, v61;
	v20 =	vmin.f32 v57, v60;
	v12 =	vmax.f32 v57, v60  }
0xbf: {  	v23 =	vmin.f32 v58, v1;
	v1 =	vmax.f32 v58, v1;
	v25 =	vmin.f32 v7, v0  }
0xc0: {  	v0 =	vmax.f32 v7, v0;
	v26 =	vmin.f32 v62, v22;
	v8 =	vmax.f32 v62, v22  }
0xc1: {  	v30 =	vmin.f32 v4, v2;
	v2 =	vmax.f32 v4, v2;
	v27 =	vmin.f32 v63, v23  }
0xc2: {  	v16 =	vld [tilespmem:s12+$0x3900];
	v11 =	vmax.f32 v63, v23;
	v28 =	vmin.f32 v20, v24;
	v13 =	vmax.f32 v20, v24  }
0xc3: {  	v19 =	vld [tilespmem:s12+$0x3980];
	v29 =	vmin.f32 v21, v25;
	v10 =	vmax.f32 v21, v25;
	v31 =	vmin.f32 v3, v1  }
0xc4: {  	v35 =	vld [tilespmem:s12+$0x3B00];
	v1 =	vmax.f32 v3, v1;
	v32 =	vmin.f32 v12, v5;
	v5 =	vmax.f32 v12, v5  }
0xc5: {  	v40 =	vld [tilespmem:s12+$0x3C80];
	v33 =	vmin.f32 v6, v0;
	v0 =	vmax.f32 v6, v0;
	v34 =	vmin.f32 v26, v28  }
0xc6: {  	v37 =	vld [tilespmem:s12+$0x3C00];
	v7 =	vmax.f32 v26, v28;
	v36 =	vmin.f32 v27, v29;
	v9 =	vmax.f32 v27, v29  }
0xc7: {  	v42 =	vld [tilespmem:s12+$0x3D80];
	v38 =	vmin.f32 v8, v13;
	v8 =	vmax.f32 v8, v13;
	v39 =	vmin.f32 v11, v10  }
0xc8: {  	v45 =	vld [tilespmem:s12+$0x3E00];
	v10 =	vmax.f32 v11, v10;
	v41 =	vmin.f32 v30, v32;
	v3 =	vmax.f32 v30, v32  }
0xc9: {  	v50 =	vld [tilespmem:s12+$0x3F80];
	v43 =	vmin.f32 v31, v33;
	v4 =	vmax.f32 v31, v33;
	v44 =	vmin.f32 v2, v5  }
0xca: {  	v55 =	vld [tilespmem:s12+$0x3D00];
	v2 =	vmax.f32 v2, v5;
	v46 =	vmin.f32 v1, v0;
	v0 =	vmax.f32 v1, v0  }
0xcb: {  	v47 =	vld [tilespmem:s12+$0x3F00];
	v48 =	vmin.f32 v34, v36;
	v6 =	vmax.f32 v34, v36;
	v49 =	vmin.f32 v7, v9  }
0xcc: {  	v52 =	vld [tilespmem:s12+$0x3E80];
	v7 =	vmax.f32 v7, v9;
	v51 =	vmin.f32 v38, v39;
	v13 =	vmax.f32 v38, v39  }
0xcd: {  	v17 =	vld [tilespmem:s12+$0x3800];
	v53 =	vmin.f32 v8, v10;
	v8 =	vmax.f32 v8, v10;
	v54 =	vmin.f32 v41, v43  }
0xce: {  	v61 =	vld [tilespmem:s12+$0x3880];
	v11 =	vmax.f32 v41, v43;
	v56 =	vmin.f32 v3, v4;
	v3 =	vmax.f32 v3, v4  }
0xcf: {  	v57 =	vld [tilespmem:s12+$0x3B80];
	v58 =	vmin.f32 v44, v46;
	v5 =	vmax.f32 v44, v46;
	v59 =	vmin.f32 v2, v0  }
0xd0: {  	v60 =	vld [tilespmem:s12+$0x3A00];
	v0 =	vmax.f32 v2, v0;
	v26 =	vmin.f32 v48, v50;
	v1 =	vmin.f32 v6, v47  }
0xd1: {  	v62 =	vmin.f32 v49, v52;
	v7 =	vmin.f32 v7, v45;
	v9 =	vmin.f32 v51, v42  }
0xd2: {  	v13 =	vmin.f32 v13, v55;
	v63 =	vmin.f32 v53, v40;
	v8 =	vmin.f32 v8, v37  }
0xd3: {  	v12 =	vld [tilespmem:s12+$0x3A80];
	v22 =	vmin.f32 v11, v35;
	v24 =	vmin.f32 v58, v19;
	v5 =	vmin.f32 v5, v16  }
0xd4: {  	v2 =	vmin.f32 v59, v61;
	v0 =	vmin.f32 v0, v17;
	v4 =	vmin.f32 v54, v57  }
0xd5: {  	v3 =	vmin.f32 v3, v60;
	v29 =	vmin.f32 v9, v24;
	v9 =	vmax.f32 v9, v24  }
0xd6: {  	v30 =	vmin.f32 v13, v5;
	v5 =	vmax.f32 v13, v5;
	v31 =	vmin.f32 v63, v2  }
0xd7: {  	v2 =	vmax.f32 v63, v2;
	v32 =	vmin.f32 v8, v0;
	v0 =	vmax.f32 v8, v0  }
0xd8: {  	v23 =	vmin.f32 v56, v12;
	v25 =	vmin.f32 v26, v4;
	v4 =	vmax.f32 v26, v4  }
0xd9: {  	v26 =	vmin.f32 v1, v22;
	v1 =	vmax.f32 v1, v22;
	v28 =	vmin.f32 v7, v3  }
0xda: {  	v3 =	vmax.f32 v7, v3;
	v27 =	vmin.f32 v62, v23;
	v6 =	vmax.f32 v62, v23  }
0xdb: {  	v33 =	vmin.f32 v25, v29;
	v7 =	vmax.f32 v25, v29;
	v34 =	vmin.f32 v26, v30  }
0xdc: {  	v12 =	vmax.f32 v26, v30;
	v36 =	vmin.f32 v28, v32;
	v11 =	vmax.f32 v28, v32  }
0xdd: {  	v37 =	vmin.f32 v4, v9;
	v4 =	vmax.f32 v4, v9;
	v38 =	vmin.f32 v1, v5  }
0xde: {  	v18 =	vld [tilespmem:s12+$0x4100];
	v1 =	vmax.f32 v1, v5;
	v40 =	vmin.f32 v3, v0;
	v0 =	vmax.f32 v3, v0  }
0xdf: {  	v20 =	vld [tilespmem:s12+$0x4280];
	v35 =	vmin.f32 v27, v31;
	v10 =	vmax.f32 v27, v31;
	v39 =	vmin.f32 v6, v2  }
0xe0: {  	v42 =	vld [tilespmem:s12+$0x4380];
	v2 =	vmax.f32 v6, v2;
	v43 =	vmin.f32 v34, v36;
	v15 =	vmax.f32 v34, v36  }
0xe1: {  	v45 =	vld [tilespmem:s12+$0x4400];
	v46 =	vmin.f32 v12, v11;
	v11 =	vmax.f32 v12, v11;
	v49 =	vmin.f32 v38, v40  }
0xe2: {  	v47 =	vld [tilespmem:s12+$0x4500];
	v6 =	vmax.f32 v38, v40;
	v53 =	vmin.f32 v1, v0;
	v0 =	vmax.f32 v1, v0  }
0xe3: {  	v50 =	vld [tilespmem:s12+$0x4580];
	v41 =	vmin.f32 v33, v35;
	v8 =	vmax.f32 v33, v35;
	v44 =	vmin.f32 v7, v10  }
0xe4: {  	v52 =	vld [tilespmem:s12+$0x4680];
	v7 =	vmax.f32 v7, v10;
	v48 =	vmin.f32 v37, v39;
	v14 =	vmax.f32 v37, v39  }
0xe5: {  	v55 =	vld [tilespmem:s12+$0x4700];
	v51 =	vmin.f32 v4, v2;
	v2 =	vmax.f32 v4, v2;
	v54 =	vmin.f32 v41, v43  }
0xe6: {  	v57 =	vld [tilespmem:s12+$0x4780];
	v3 =	vmax.f32 v41, v43;
	v56 =	vmin.f32 v8, v15;
	v8 =	vmax.f32 v8, v15  }
0xe7: {  	v60 =	vld [tilespmem:s12+$0x4600];
	v58 =	vmin.f32 v44, v46;
	v10 =	vmax.f32 v44, v46;
	v59 =	vmin.f32 v7, v11  }
0xe8: {  	v13 =	vld [tilespmem:s12+$0x4080];
	v7 =	vmax.f32 v7, v11;
	v61 =	vmin.f32 v48, v49;
	v19 =	vmax.f32 v48, v49  }
0xe9: {  	v62 =	vld [tilespmem:s12+$0x4480];
	v63 =	vmin.f32 v14, v6;
	v6 =	vmax.f32 v14, v6;
	v33 =	vmin.f32 v51, v53  }
0xea: {  	v5 =	vld [tilespmem:s12+$0x4200];
	v9 =	vmax.f32 v51, v53;
	v35 =	vmin.f32 v2, v0;
	v0 =	vmax.f32 v2, v0  }
0xeb: {  	v34 =	vld [tilespmem:s12+$0x4300];
	v1 =	vmin.f32 v54, v57;
	v3 =	vmin.f32 v3, v55;
	v4 =	vmin.f32 v56, v52  }
0xec: {  	v36 =	vld [tilespmem:s12+$0x4180];
	v8 =	vmin.f32 v8, v60;
	v38 =	vmin.f32 v58, v50;
	v10 =	vmin.f32 v10, v47  }
0xed: {  	v7 =	vmin.f32 v7, v45;
	v11 =	vmin.f32 v61, v42;
	v41 =	vmin.f32 v63, v20  }
0xee: {  	v37 =	vld [tilespmem:s12+$0x4000];
	v42 =	vmin.f32 v9, v18;
	v43 =	vmin.f32 v35, v13;
	v39 =	vmin.f32 v59, v62  }
0xef: {  	v5 =	vmin.f32 v6, v5;
	v44 =	vmin.f32 v1, v11;
	v1 =	vmax.f32 v1, v11  }
0xf0: {  	v46 =	vmin.f32 v4, v41;
	v4 =	vmax.f32 v4, v41;
	v49 =	vmin.f32 v10, v42  }
0xf1: {  	v6 =	vmax.f32 v10, v42;
	v40 =	vmin.f32 v19, v34;
	v2 =	vmin.f32 v33, v36  }
0xf2: {  	v47 =	vmin.f32 v8, v5;
	v5 =	vmax.f32 v8, v5;
	v50 =	vmin.f32 v39, v43  }
0xf3: {  	v9 =	vmax.f32 v39, v43;
	v0 =	vmin.f32 v0, v37;
	v45 =	vmin.f32 v3, v40  }
0xf4: {  	v3 =	vmax.f32 v3, v40;
	v48 =	vmin.f32 v38, v2;
	v2 =	vmax.f32 v38, v2  }
0xf5: {  	v54 =	vmin.f32 v46, v50;
	v10 =	vmax.f32 v46, v50;
	v58 =	vmin.f32 v4, v9  }
0xf6: {  	v4 =	vmax.f32 v4, v9;
	v51 =	vmin.f32 v7, v0;
	v0 =	vmax.f32 v7, v0  }
0xf7: {  	v15 =	vld [tilespmem:s12+$0x4800];
	v52 =	vmin.f32 v44, v48;
	v8 =	vmax.f32 v44, v48;
	v53 =	vmin.f32 v45, v49  }
0xf8: {  	v18 =	vld [tilespmem:s12+$0x4880];
	v11 =	vmax.f32 v45, v49;
	v56 =	vmin.f32 v1, v2;
	v1 =	vmax.f32 v1, v2  }
0xf9: {  	v20 =	vld [tilespmem:s12+$0x4A00];
	v57 =	vmin.f32 v3, v6;
	v3 =	vmax.f32 v3, v6;
	v55 =	vmin.f32 v47, v51  }
0xfa: {  	v60 =	vld [tilespmem:s12+$0x4B00];
	v12 =	vmax.f32 v47, v51;
	v59 =	vmin.f32 v5, v0;
	v0 =	vmax.f32 v5, v0  }
0xfb: {  	v63 =	vld [tilespmem:s12+$0x4B80];
	v61 =	vmin.f32 v52, v54;
	v7 =	vmax.f32 v52, v54;
	v33 =	vmin.f32 v8, v10  }
0xfc: {  	v42 =	vld [tilespmem:s12+$0x4E80];
	v8 =	vmax.f32 v8, v10;
	v36 =	vmin.f32 v56, v58;
	v6 =	vmax.f32 v56, v58  }
0xfd: {  	v34 =	vld [tilespmem:s12+$0x4C80];
	v40 =	vmin.f32 v1, v4;
	v1 =	vmax.f32 v1, v4;
	v62 =	vmin.f32 v53, v55  }
0xfe: {  	v39 =	vld [tilespmem:s12+$0x4E00];
	v13 =	vmax.f32 v53, v55;
	v35 =	vmin.f32 v11, v12;
	v11 =	vmax.f32 v11, v12  }
0xff: {  	v37 =	vld [tilespmem:s12+$0x4D00];
	v38 =	vmin.f32 v57, v59;
	v9 =	vmax.f32 v57, v59;
	v41 =	vmin.f32 v3, v0  }
0x100: {  	v2 =	vld [tilespmem:s12+$0x4980];
	v0 =	vmax.f32 v3, v0;
	v43 =	vmin.f32 v61, v62;
	v17 =	vmax.f32 v61, v62  }
0x101: {  	v44 =	vld [tilespmem:s12+$0x4F80];
	v45 =	vmin.f32 v7, v13;
	v7 =	vmax.f32 v7, v13;
	v46 =	vmin.f32 v33, v35  }
0x102: {  	v49 =	vld [tilespmem:s12+$0x4D80];
	v14 =	vmax.f32 v33, v35;
	v48 =	vmin.f32 v8, v11;
	v8 =	vmax.f32 v8, v11  }
0x103: {  	v47 =	vld [tilespmem:s12+$0x4F00];
	v50 =	vmin.f32 v36, v38;
	v12 =	vmax.f32 v36, v38;
	v51 =	vmin.f32 v6, v9  }
0x104: {  	v52 =	vld [tilespmem:s12+$0x4C00];
	v6 =	vmax.f32 v6, v9;
	v53 =	vmin.f32 v40, v41;
	v4 =	vmax.f32 v40, v41  }
0x105: {  	v54 =	vld [tilespmem:s12+$0x4A80];
	v55 =	vmin.f32 v1, v0;
	v0 =	vmax.f32 v1, v0;
	v57 =	vmin.f32 v45, v42  }
0x106: {  	v56 =	vld [tilespmem:s12+$0x4900];
	v7 =	vmin.f32 v7, v39;
	v58 =	vmin.f32 v14, v37;
	v10 =	vmin.f32 v48, v34  }
0x107: {  	v59 =	vmin.f32 v50, v63;
	v5 =	vmin.f32 v12, v60;
	v6 =	vmin.f32 v6, v20  }
0x108: {  	v61 =	vmin.f32 v55, v18;
	v0 =	vmin.f32 v0, v15;
	v3 =	vmin.f32 v43, v44  }
0x109: {  	v11 =	vmin.f32 v46, v49;
	v2 =	vmin.f32 v53, v2;
	v21 =	vmin.f32 v7, v6  }
0x10a: {  	v6 =	vmax.f32 v7, v6;
	v24 =	vmin.f32 v10, v61;
	v17 =	vmin.f32 v17, v47  }
0x10b: {  	v8 =	vmin.f32 v8, v52;
	v60 =	vmin.f32 v51, v54;
	v1 =	vmin.f32 v4, v56  }
0x10c: {  	v62 =	vmin.f32 v3, v59;
	v3 =	vmax.f32 v3, v59;
	v22 =	vmin.f32 v11, v2  }
0x10d: {  	v2 =	vmax.f32 v11, v2;
	v4 =	vmax.f32 v10, v61;
	v63 =	vmin.f32 v17, v5  }
0x10e: {  	v5 =	vmax.f32 v17, v5;
	v20 =	vmin.f32 v57, v60;
	v12 =	vmax.f32 v57, v60  }
0x10f: {  	v23 =	vmin.f32 v58, v1;
	v1 =	vmax.f32 v58, v1;
	v25 =	vmin.f32 v8, v0  }
0x110: {  	v0 =	vmax.f32 v8, v0;
	v26 =	vmin.f32 v62, v22;
	v7 =	vmax.f32 v62, v22  }
0x111: {  	v30 =	vmin.f32 v3, v2;
	v2 =	vmax.f32 v3, v2;
	v27 =	vmin.f32 v63, v23  }
0x112: {  	v16 =	vld [tilespmem:s12+$0x5100];
	v11 =	vmax.f32 v63, v23;
	v28 =	vmin.f32 v20, v24;
	v13 =	vmax.f32 v20, v24  }
0x113: {  	v19 =	vld [tilespmem:s12+$0x5180];
	v29 =	vmin.f32 v21, v25;
	v10 =	vmax.f32 v21, v25;
	v31 =	vmin.f32 v5, v1  }
0x114: {  	v35 =	vld [tilespmem:s12+$0x5300];
	v1 =	vmax.f32 v5, v1;
	v32 =	vmin.f32 v12, v4;
	v4 =	vmax.f32 v12, v4  }
0x115: {  	v40 =	vld [tilespmem:s12+$0x5480];
	v33 =	vmin.f32 v6, v0;
	v0 =	vmax.f32 v6, v0;
	v34 =	vmin.f32 v26, v28  }
0x116: {  	v37 =	vld [tilespmem:s12+$0x5400];
	v8 =	vmax.f32 v26, v28;
	v36 =	vmin.f32 v27, v29;
	v9 =	vmax.f32 v27, v29  }
0x117: {  	v42 =	vld [tilespmem:s12+$0x5580];
	v38 =	vmin.f32 v7, v13;
	v7 =	vmax.f32 v7, v13;
	v39 =	vmin.f32 v11, v10  }
0x118: {  	v45 =	vld [tilespmem:s12+$0x5600];
	v10 =	vmax.f32 v11, v10;
	v41 =	vmin.f32 v30, v32;
	v5 =	vmax.f32 v30, v32  }
0x119: {  	v50 =	vld [tilespmem:s12+$0x5780];
	v43 =	vmin.f32 v31, v33;
	v3 =	vmax.f32 v31, v33;
	v44 =	vmin.f32 v2, v4  }
0x11a: {  	v55 =	vld [tilespmem:s12+$0x5500];
	v2 =	vmax.f32 v2, v4;
	v46 =	vmin.f32 v1, v0;
	v0 =	vmax.f32 v1, v0  }
0x11b: {  	v47 =	vld [tilespmem:s12+$0x5700];
	v48 =	vmin.f32 v34, v36;
	v6 =	vmax.f32 v34, v36;
	v49 =	vmin.f32 v8, v9  }
0x11c: {  	v52 =	vld [tilespmem:s12+$0x5680];
	v8 =	vmax.f32 v8, v9;
	v51 =	vmin.f32 v38, v39;
	v13 =	vmax.f32 v38, v39  }
0x11d: {  	v61 =	vld [tilespmem:s12+$0x5080];
	v53 =	vmin.f32 v7, v10;
	v7 =	vmax.f32 v7, v10;
	v54 =	vmin.f32 v41, v43  }
0x11e: {  	v57 =	vld [tilespmem:s12+$0x5380];
	v11 =	vmax.f32 v41, v43;
	v56 =	vmin.f32 v5, v3;
	v3 =	vmax.f32 v5, v3  }
0x11f: {  	v60 =	vld [tilespmem:s12+$0x5200];
	v58 =	vmin.f32 v44, v46;
	v4 =	vmax.f32 v44, v46;
	v59 =	vmin.f32 v2, v0  }
0x120: {  	v17 =	vld [tilespmem:s12+$0x5000];
	v0 =	vmax.f32 v2, v0;
	v26 =	vmin.f32 v48, v50;
	v1 =	vmin.f32 v6, v47  }
0x121: {  	v62 =	vmin.f32 v49, v52;
	v8 =	vmin.f32 v8, v45;
	v9 =	vmin.f32 v51, v42  }
0x122: {  	v12 =	vld [tilespmem:s12+$0x5280];
	v13 =	vmin.f32 v13, v55;
	v63 =	vmin.f32 v53, v40;
	v7 =	vmin.f32 v7, v37  }
0x123: {  	v22 =	vmin.f32 v11, v35;
	v24 =	vmin.f32 v58, v19;
	v4 =	vmin.f32 v4, v16  }
0x124: {  	v2 =	vmin.f32 v59, v61;
	v5 =	vmin.f32 v54, v57;
	v3 =	vmin.f32 v3, v60  }
0x125: {  	v0 =	vmin.f32 v0, v17;
	v29 =	vmin.f32 v9, v24;
	v9 =	vmax.f32 v9, v24  }
0x126: {  	v30 =	vmin.f32 v13, v4;
	v4 =	vmax.f32 v13, v4;
	v31 =	vmin.f32 v63, v2  }
0x127: {  	v2 =	vmax.f32 v63, v2;
	v23 =	vmin.f32 v56, v12;
	v25 =	vmin.f32 v26, v5  }
0x128: {  	v5 =	vmax.f32 v26, v5;
	v26 =	vmin.f32 v1, v22;
	v1 =	vmax.f32 v1, v22  }
0x129: {  	v28 =	vmin.f32 v8, v3;
	v3 =	vmax.f32 v8, v3;
	v32 =	vmin.f32 v7, v0  }
0x12a: {  	v0 =	vmax.f32 v7, v0;
	v27 =	vmin.f32 v62, v23;
	v6 =	vmax.f32 v62, v23  }
0x12b: {  	v33 =	vmin.f32 v25, v29;
	v8 =	vmax.f32 v25, v29;
	v34 =	vmin.f32 v26, v30  }
0x12c: {  	v12 =	vmax.f32 v26, v30;
	v36 =	vmin.f32 v28, v32;
	v11 =	vmax.f32 v28, v32  }
0x12d: {  	v37 =	vmin.f32 v5, v9;
	v5 =	vmax.f32 v5, v9;
	v38 =	vmin.f32 v1, v4  }
0x12e: {  	v18 =	vld [tilespmem:s12+$0x5900];
	v1 =	vmax.f32 v1, v4;
	v40 =	vmin.f32 v3, v0;
	v0 =	vmax.f32 v3, v0  }
0x12f: {  	v20 =	vld [tilespmem:s12+$0x5A80];
	v35 =	vmin.f32 v27, v31;
	v10 =	vmax.f32 v27, v31;
	v39 =	vmin.f32 v6, v2  }
0x130: {  	v42 =	vld [tilespmem:s12+$0x5B80];
	v2 =	vmax.f32 v6, v2;
	v43 =	vmin.f32 v34, v36;
	v15 =	vmax.f32 v34, v36  }
0x131: {  	v45 =	vld [tilespmem:s12+$0x5C00];
	v46 =	vmin.f32 v12, v11;
	v11 =	vmax.f32 v12, v11;
	v49 =	vmin.f32 v38, v40  }
0x132: {  	v47 =	vld [tilespmem:s12+$0x5D00];
	v6 =	vmax.f32 v38, v40;
	v53 =	vmin.f32 v1, v0;
	v0 =	vmax.f32 v1, v0  }
0x133: {  	v50 =	vld [tilespmem:s12+$0x5D80];
	v41 =	vmin.f32 v33, v35;
	v7 =	vmax.f32 v33, v35;
	v44 =	vmin.f32 v8, v10  }
0x134: {  	v52 =	vld [tilespmem:s12+$0x5E80];
	v8 =	vmax.f32 v8, v10;
	v48 =	vmin.f32 v37, v39;
	v14 =	vmax.f32 v37, v39  }
0x135: {  	v55 =	vld [tilespmem:s12+$0x5F00];
	v51 =	vmin.f32 v5, v2;
	v2 =	vmax.f32 v5, v2;
	v54 =	vmin.f32 v41, v43  }
0x136: {  	v57 =	vld [tilespmem:s12+$0x5F80];
	v3 =	vmax.f32 v41, v43;
	v56 =	vmin.f32 v7, v15;
	v7 =	vmax.f32 v7, v15  }
0x137: {  	v60 =	vld [tilespmem:s12+$0x5E00];
	v58 =	vmin.f32 v44, v46;
	v10 =	vmax.f32 v44, v46;
	v59 =	vmin.f32 v8, v11  }
0x138: {  	v13 =	vld [tilespmem:s12+$0x5880];
	v8 =	vmax.f32 v8, v11;
	v61 =	vmin.f32 v48, v49;
	v19 =	vmax.f32 v48, v49  }
0x139: {  	v62 =	vld [tilespmem:s12+$0x5C80];
	v63 =	vmin.f32 v14, v6;
	v6 =	vmax.f32 v14, v6;
	v33 =	vmin.f32 v51, v53  }
0x13a: {  	v4 =	vld [tilespmem:s12+$0x5A00];
	v9 =	vmax.f32 v51, v53;
	v35 =	vmin.f32 v2, v0;
	v0 =	vmax.f32 v2, v0  }
0x13b: {  	v34 =	vld [tilespmem:s12+$0x5B00];
	v1 =	vmin.f32 v54, v57;
	v3 =	vmin.f32 v3, v55;
	v5 =	vmin.f32 v56, v52  }
0x13c: {  	v36 =	vld [tilespmem:s12+$0x5980];
	v7 =	vmin.f32 v7, v60;
	v38 =	vmin.f32 v58, v50;
	v10 =	vmin.f32 v10, v47  }
0x13d: {  	v8 =	vmin.f32 v8, v45;
	v11 =	vmin.f32 v61, v42;
	v41 =	vmin.f32 v63, v20  }
0x13e: {  	v37 =	vld [tilespmem:s12+$0x5800];
	v42 =	vmin.f32 v9, v18;
	v43 =	vmin.f32 v35, v13;
	v39 =	vmin.f32 v59, v62  }
0x13f: {  	v4 =	vmin.f32 v6, v4;
	v44 =	vmin.f32 v1, v11;
	v1 =	vmax.f32 v1, v11  }
0x140: {  	v46 =	vmin.f32 v5, v41;
	v5 =	vmax.f32 v5, v41;
	v49 =	vmin.f32 v10, v42  }
0x141: {  	v6 =	vmax.f32 v10, v42;
	v40 =	vmin.f32 v19, v34;
	v2 =	vmin.f32 v33, v36  }
0x142: {  	v47 =	vmin.f32 v7, v4;
	v4 =	vmax.f32 v7, v4;
	v50 =	vmin.f32 v39, v43  }
0x143: {  	v9 =	vmax.f32 v39, v43;
	v0 =	vmin.f32 v0, v37;
	v45 =	vmin.f32 v3, v40  }
0x144: {  	v3 =	vmax.f32 v3, v40;
	v48 =	vmin.f32 v38, v2;
	v2 =	vmax.f32 v38, v2  }
0x145: {  	v54 =	vmin.f32 v46, v50;
	v10 =	vmax.f32 v46, v50;
	v58 =	vmin.f32 v5, v9  }
0x146: {  	v5 =	vmax.f32 v5, v9;
	v51 =	vmin.f32 v8, v0;
	v0 =	vmax.f32 v8, v0  }
0x147: {  	v15 =	vld [tilespmem:s12+$0x6000];
	v52 =	vmin.f32 v44, v48;
	v7 =	vmax.f32 v44, v48;
	v53 =	vmin.f32 v45, v49  }
0x148: {  	v18 =	vld [tilespmem:s12+$0x6080];
	v11 =	vmax.f32 v45, v49;
	v56 =	vmin.f32 v1, v2;
	v1 =	vmax.f32 v1, v2  }
0x149: {  	v20 =	vld [tilespmem:s12+$0x6200];
	v57 =	vmin.f32 v3, v6;
	v3 =	vmax.f32 v3, v6;
	v55 =	vmin.f32 v47, v51  }
0x14a: {  	v60 =	vld [tilespmem:s12+$0x6300];
	v12 =	vmax.f32 v47, v51;
	v59 =	vmin.f32 v4, v0;
	v0 =	vmax.f32 v4, v0  }
0x14b: {  	v63 =	vld [tilespmem:s12+$0x6380];
	v61 =	vmin.f32 v52, v54;
	v8 =	vmax.f32 v52, v54;
	v33 =	vmin.f32 v7, v10  }
0x14c: {  	v42 =	vld [tilespmem:s12+$0x6680];
	v7 =	vmax.f32 v7, v10;
	v36 =	vmin.f32 v56, v58;
	v6 =	vmax.f32 v56, v58  }
0x14d: {  	v34 =	vld [tilespmem:s12+$0x6480];
	v40 =	vmin.f32 v1, v5;
	v1 =	vmax.f32 v1, v5;
	v62 =	vmin.f32 v53, v55  }
0x14e: {  	v39 =	vld [tilespmem:s12+$0x6600];
	v13 =	vmax.f32 v53, v55;
	v35 =	vmin.f32 v11, v12;
	v11 =	vmax.f32 v11, v12  }
0x14f: {  	v37 =	vld [tilespmem:s12+$0x6500];
	v38 =	vmin.f32 v57, v59;
	v9 =	vmax.f32 v57, v59;
	v41 =	vmin.f32 v3, v0  }
0x150: {  	v2 =	vld [tilespmem:s12+$0x6180];
	v0 =	vmax.f32 v3, v0;
	v43 =	vmin.f32 v61, v62;
	v17 =	vmax.f32 v61, v62  }
0x151: {  	v44 =	vld [tilespmem:s12+$0x6780];
	v45 =	vmin.f32 v8, v13;
	v8 =	vmax.f32 v8, v13;
	v46 =	vmin.f32 v33, v35  }
0x152: {  	v49 =	vld [tilespmem:s12+$0x6580];
	v14 =	vmax.f32 v33, v35;
	v48 =	vmin.f32 v7, v11;
	v7 =	vmax.f32 v7, v11  }
0x153: {  	v47 =	vld [tilespmem:s12+$0x6700];
	v50 =	vmin.f32 v36, v38;
	v12 =	vmax.f32 v36, v38;
	v51 =	vmin.f32 v6, v9  }
0x154: {  	v52 =	vld [tilespmem:s12+$0x6400];
	v6 =	vmax.f32 v6, v9;
	v53 =	vmin.f32 v40, v41;
	v5 =	vmax.f32 v40, v41  }
0x155: {  	v54 =	vld [tilespmem:s12+$0x6280];
	v55 =	vmin.f32 v1, v0;
	v0 =	vmax.f32 v1, v0;
	v57 =	vmin.f32 v45, v42  }
0x156: {  	v56 =	vld [tilespmem:s12+$0x6100];
	v8 =	vmin.f32 v8, v39;
	v58 =	vmin.f32 v14, v37;
	v10 =	vmin.f32 v48, v34  }
0x157: {  	v59 =	vmin.f32 v50, v63;
	v4 =	vmin.f32 v12, v60;
	v6 =	vmin.f32 v6, v20  }
0x158: {  	v61 =	vmin.f32 v55, v18;
	v0 =	vmin.f32 v0, v15;
	v3 =	vmin.f32 v43, v44  }
0x159: {  	v11 =	vmin.f32 v46, v49;
	v2 =	vmin.f32 v53, v2;
	v6 =	vmax.f32 v8, v6  }
0x15a: {  	v17 =	vmin.f32 v17, v47;
	v7 =	vmin.f32 v7, v52;
	v60 =	vmin.f32 v51, v54  }
0x15b: {  	v1 =	vmin.f32 v5, v56;
	v3 =	vmax.f32 v3, v59;
	v2 =	vmax.f32 v11, v2  }
0x15c: {  	p0 =	sne.s32 s11, $0x7;
	v5 =	vmax.f32 v10, v61;
	v4 =	vmax.f32 v17, v4;
	v62 =	vmax.f32 v57, v60  }
.Ltmp0:
0x15d: {  	v1 =	vmax.f32 v58, v1;
	v0 =	vmax.f32 v7, v0;
	v2 =	vmin.f32 v3, v2;
	(pc) =	sbr.rel @p0 .LBB2_2-.Ltmp0, $4  }
0x15e: {  	v1 =	vmin.f32 v4, v1;
	v63 =	vmin.f32 v62, v5;
	v0 =	vmin.f32 v6, v0  }
0x15f: {  	v2 =	vmin.f32 v2, v63;
	v0 =	vmin.f32 v1, v0  }
0x160: {  	v0 =	vmax.f32 v2, v0  }
0x161: {  	s11 =	sadd.s32 $0x1, s11;
	[tilespmem:s12+$0x6800] =	vst v0  }
0x162: {  	s10 =	sadd.s32 $0x1, s10  }
0x163: {  	p0 =	sne.s32 s10, s5  }
.Ltmp1:
0x164: {  	_ = 	snop;
	(pc) =	sbr.rel @p0 .LBB2_1-.Ltmp1, $4  }
0x165: {  	[hbm4b:s4+s2] =	stream.linear.scatter [tilespmem:s9], [sflag:$0x1], $0x80, $0x38;
	[tilespmem:$0x6880] =	vst v63  }
0x166: {  	_ =	swait.ge [sflag:s8], $0x80  }
0x167: {  	[sflag:s8] =	ssyncset.done $0x0  }
0x168: {  	[sflag:s8] =	ssyncadd.s32 $0xFFFFFF80  }
0x169: {  	_ =	sfence.sel $0x180000  }
0x16a: {  	[bflag:$0x0] =	sbarrier.arrive $0xFFFF  }
0x16b: {  	p0 =	sne.s32 s0, $0x0;
	_ =	strace $0x90000047  }
0x16c: {  	s0 =	sadd.s32 @!p0 $0x100000, s1;
	[bflag:$0x2] =	sbarrier.arrive $0xFFFF  }
0x16d: {  	[sflag:s0] =	ssyncadd.tile.s32 @!p0 $0x1;
	_ =	shalt  }
.Lfunc_end2:
_tile_overlayer_lowered:
.L_overlay_start_2:
0x16e: {  	(tag) =	ssettag $0x2  }
0x16f: {  	s0 =	rddreg [dreg:$0x0];
	s2 =	stileid.u32  }
0x170: {  	s1 =	rddreg [dreg:$0x1];
	p0 =	sne.s32 s2, $0x0  }
0x171: {  	s3 =	rddreg [dreg:$0x2];
	[bflag:$0x3] =	sbarrier.arrive $0xFFFF;
	s2 =	simm.s32 @!p0 $0x1C01  }
0x172: {  	[timem:s3], [sflag:s2] =	dma.local @!p0 [hbm:s0], s1  }
0x173: {  	s0 =	simm.s32 @!p0 $0x1  }
0x174: {  	_ =	swait.ge @!p0 [sflag:s0], s1  }
0x175: {  	s1 =	ssub.s32 @!p0 $0x0, s1;
	[sflag:s0] =	ssyncset.done @!p0 $0x0  }
0x176: {  	[sflag:s0] =	ssyncadd.s32 @!p0 s1  }
0x177: {  	[bflag:$0x3] =	sbarrier.arrive $0xFFFF  }
0x178: {  	_ =	shalt  }

</sc_bundles>
